<compile_context>
chip_gen: v7x
topology: tpu7x:2x2x1
jax: 0.10.2.dev20260603
libtpu: 0.0.44.dev20260713+nightly
codegen_flags: <defaults>
</compile_context>

<pallas_src>
import functools

import jax
import jax.numpy as jnp
from jax import lax
from jax.experimental import pallas as pl
from jax.experimental.pallas import tpu as pltpu
from jax.experimental.pallas import tpu_sc as plsc

N = 20000
G = 128
NC = 2
NS = 16
L = 16
NW = NC * NS
CHUNK = 640
NPAD = NW * CHUNK
NGROUP = CHUNK // L
GL = G * L
UNROLL = 2
UNROLL2 = 4
POS_THR = 0.5
NEG_THR = 0.4

_mesh = plsc.VectorSubcoreMesh(core_axis_name="c", subcore_axis_name="s")

_GDN = lax.GatherDimensionNumbers(
    offset_dims=(), collapsed_slice_dims=(0,), start_index_map=(0,))


def _shuf(x, idx):
    return lax.gather(x, idx[:, None], _GDN, (1,),
                      mode=lax.GatherScatterMode.PROMISE_IN_BOUNDS)


_f32 = jnp.float32
_i32 = jnp.int32


TAIL = N - (NW - 1) * CHUNK


@functools.partial(
    pl.kernel,
    out_type=[
        jax.ShapeDtypeStruct((N,), _f32),
        jax.ShapeDtypeStruct((NPAD,), _i32),
        jax.ShapeDtypeStruct((NW * G,), _f32),
        jax.ShapeDtypeStruct((NW, NGROUP, GL), _f32),
    ],
    mesh=_mesh,
    scratch_types=[
        pltpu.VMEM((CHUNK,), _f32),
        pltpu.VMEM((CHUNK,), _f32),
        pltpu.VMEM((CHUNK,), _f32),
        pltpu.VMEM((CHUNK,), _f32),
        pltpu.VMEM((G * 8 + L,), _f32),
        pltpu.VMEM((GL,), _f32),
        pltpu.VMEM((GL,), _f32),
        pltpu.VMEM((GL,), _f32),
        pltpu.VMEM((GL,), _f32),
        pltpu.VMEM((GL,), _f32),
        pltpu.VMEM((GL,), _f32),
        pltpu.VMEM((GL,), _f32),
        pltpu.VMEM((GL,), _f32),
        pltpu.VMEM((GL,), _f32),
        pltpu.VMEM((GL,), _f32),
        pltpu.VMEM((CHUNK,), _f32),
        pltpu.VMEM((CHUNK,), _i32),
        pltpu.VMEM((G,), _f32),
        pltpu.SemaphoreType.DMA,
        pltpu.SemaphoreType.DMA,
        pltpu.SemaphoreType.DMA,
        pltpu.SemaphoreType.DMA,
    ],
)
def _phase1(ax1_h, ay1_h, ax2_h, ay2_h, gt_h,
            rowmax_h, argmax_h, colpart_h, ovmat_h,
            sax1, say1, sax2, say2, stgt, sgx1, sgy1, sgx2, sgy2, sga,
            sov0, sov1, sov2, sov3, scol, srm, sam, scolred,
            sem0, sem1, sem2, sem3):
    cid = lax.axis_index("c")
    sid = lax.axis_index("s")
    w = sid * NC + cid
    base = w * CHUNK
    last = NW - 1

    pltpu.make_async_copy(gt_h, stgt.at[pl.ds(0, G * 8)], sem1).start()
    srcs = (ax1_h, ay1_h, ax2_h, ay2_h)
    dsts = (sax1, say1, sax2, say2)

    @pl.when(w < last)
    def _load_full():
        for src, dst in zip(srcs, dsts):
            pltpu.make_async_copy(src.at[pl.ds(base, CHUNK)], dst,
                                  sem0).start()
        for src, dst in zip(srcs, dsts):
            pltpu.make_async_copy(src.at[pl.ds(base, CHUNK)], dst,
                                  sem0).wait()

    @pl.when(w == last)
    def _load_tail():
        for src, dst in zip(srcs, dsts):
            pltpu.make_async_copy(src.at[pl.ds(base, TAIL)],
                                  dst.at[pl.ds(0, TAIL)], sem0).start()
        zv = jnp.zeros((L,), _f32)

        def zfill(i, _):
            o = TAIL + i * L
            sax1[pl.ds(o, L)] = zv
            say1[pl.ds(o, L)] = zv
            sax2[pl.ds(o, L)] = zv
            say2[pl.ds(o, L)] = zv
            return 0
        lax.fori_loop(0, (CHUNK - TAIL) // L, zfill, 0)
        for src, dst in zip(srcs, dsts):
            pltpu.make_async_copy(src.at[pl.ds(base, TAIL)],
                                  dst.at[pl.ds(0, TAIL)], sem0).wait()

    pltpu.make_async_copy(gt_h, stgt.at[pl.ds(0, G * 8)], sem1).wait()

    def init_j(j, _):
        jb = j * L
        v = stgt[pl.ds(j * 8, L)]
        gx1 = _shuf(v, jnp.full((L,), 0, _i32))
        gy1 = _shuf(v, jnp.full((L,), 1, _i32))
        gx2 = _shuf(v, jnp.full((L,), 2, _i32))
        gy2 = _shuf(v, jnp.full((L,), 3, _i32))
        sgx1[pl.ds(jb, L)] = gx1
        sgy1[pl.ds(jb, L)] = gy1
        sgx2[pl.ds(jb, L)] = gx2
        sgy2[pl.ds(jb, L)] = gy2
        sga[pl.ds(jb, L)] = (gx2 - gx1) * (gy2 - gy1)
        scol[pl.ds(jb, L)] = jnp.full((L,), -1.0, _f32)
        return 0
    lax.fori_loop(0, G, init_j, 0)

    def one_pair(g0, bufA, bufB):
        gbA = g0 * L
        gbB = gbA + L
        aA = [sax1[pl.ds(gbA, L)], say1[pl.ds(gbA, L)],
              sax2[pl.ds(gbA, L)], say2[pl.ds(gbA, L)]]
        aB = [sax1[pl.ds(gbB, L)], say1[pl.ds(gbB, L)],
              sax2[pl.ds(gbB, L)], say2[pl.ds(gbB, L)]]
        arA = (aA[2] - aA[0]) * (aA[3] - aA[1])
        arB = (aB[2] - aB[0]) * (aB[3] - aB[1])

        def iou_of(a, ar, gx1, gy1, gx2, gy2, ga):
            ltx = jnp.maximum(a[0], gx1)
            lty = jnp.maximum(a[1], gy1)
            rbx = jnp.minimum(a[2], gx2)
            rby = jnp.minimum(a[3], gy2)
            iw = jnp.maximum(rbx - ltx, 0.0)
            ih = jnp.maximum(rby - lty, 0.0)
            inter = iw * ih
            union = ar + ga - inter
            return inter / union

        def j_body(u, carry):
            rmA, amA, rmB, amB = carry
            j0 = u * UNROLL
            iA, iB = [], []
            for k in range(UNROLL):
                j = j0 + k
                jb = j * L
                gx1 = sgx1[pl.ds(jb, L)]
                gy1 = sgy1[pl.ds(jb, L)]
                gx2 = sgx2[pl.ds(jb, L)]
                gy2 = sgy2[pl.ds(jb, L)]
                ga = sga[pl.ds(jb, L)]
                vA = iou_of(aA, arA, gx1, gy1, gx2, gy2, ga)
                vB = iou_of(aB, arB, gx1, gy1, gx2, gy2, ga)
                bufA[pl.ds(jb, L)] = vA
                bufB[pl.ds(jb, L)] = vB
                scol[pl.ds(jb, L)] = jnp.maximum(
                    scol[pl.ds(jb, L)], jnp.maximum(vA, vB))
                iA.append(vA)
                iB.append(vB)
            def tree(vals):
                ms = list(vals)
                as_ = [j0 + k for k in range(UNROLL)]
                while len(ms) > 1:
                    nm, na = [], []
                    for p in range(0, len(ms), 2):
                        nm.append(jnp.maximum(ms[p], ms[p + 1]))
                        na.append(jnp.where(ms[p + 1] > ms[p],
                                            as_[p + 1], as_[p]))
                    ms, as_ = nm, na
                return ms[0], as_[0]

            mA, aselA = tree(iA)
            amA = jnp.where(mA > rmA, aselA, amA)
            rmA = jnp.maximum(rmA, mA)
            mB, aselB = tree(iB)
            amB = jnp.where(mB > rmB, aselB, amB)
            rmB = jnp.maximum(rmB, mB)
            return rmA, amA, rmB, amB

        z = jnp.full((L,), -1.0, _f32)
        zi = jnp.zeros((L,), _i32)
        rmA, amA, rmB, amB = lax.fori_loop(
            0, G // UNROLL, j_body, (z, zi, z, zi))
        srm[pl.ds(gbA, L)] = rmA
        sam[pl.ds(gbA, L)] = amA
        srm[pl.ds(gbB, L)] = rmB
        sam[pl.ds(gbB, L)] = amB

    halves = ((0, sov0, sem0, sov1, sem1), (1, sov2, sem2, sov3, sem3))

    def dgroup(q, _):
        for half, bA, sA, bB, sB in halves:
            g0 = (q * 2 + half) * 2

            @pl.when(q > 0)
            def _wait():
                pltpu.make_async_copy(bA, ovmat_h.at[w, g0 - 4], sA).wait()
                pltpu.make_async_copy(bB, ovmat_h.at[w, g0 - 3], sB).wait()

            one_pair(g0, bA, bB)
            pltpu.make_async_copy(bA, ovmat_h.at[w, g0], sA).start()
            pltpu.make_async_copy(bB, ovmat_h.at[w, g0 + 1], sB).start()
        return 0
    lax.fori_loop(0, NGROUP // 4, dgroup, 0)
    for i, (b, s) in enumerate(((sov0, sem0), (sov1, sem1),
                                (sov2, sem2), (sov3, sem3))):
        pltpu.make_async_copy(b, ovmat_h.at[w, NGROUP - 4 + i], s).wait()

    @pl.when(w < last)
    def _store_full():
        pltpu.make_async_copy(srm, rowmax_h.at[pl.ds(base, CHUNK)],
                              sem0).start()

    @pl.when(w == last)
    def _store_tail():
        pltpu.make_async_copy(srm.at[pl.ds(0, TAIL)],
                              rowmax_h.at[pl.ds(base, TAIL)], sem0).start()

    pltpu.make_async_copy(sam, argmax_h.at[pl.ds(w * CHUNK, CHUNK)],
                          sem1).start()

    lane = lax.iota(_i32, L)

    def red_outer(jv, _):
        def red_inner(jl, acc):
            m = scol[pl.ds((jv * L + jl) * L, L)]
            for sh in (8, 4, 2, 1):
                m = jnp.maximum(m, _shuf(m, lane ^ sh))
            return jnp.where(lane == jl, m, acc)
        acc = lax.fori_loop(0, L, red_inner, jnp.full((L,), -1.0, _f32))
        scolred[pl.ds(jv * L, L)] = acc
        return 0
    lax.fori_loop(0, G // L, red_outer, 0)

    pltpu.sync_copy(scolred, colpart_h.at[pl.ds(w * G, G)])

    @pl.when(w < last)
    def _drain_full():
        pltpu.make_async_copy(srm, rowmax_h.at[pl.ds(base, CHUNK)],
                              sem0).wait()

    @pl.when(w == last)
    def _drain_tail():
        pltpu.make_async_copy(srm.at[pl.ds(0, TAIL)],
                              rowmax_h.at[pl.ds(base, TAIL)], sem0).wait()

    pltpu.make_async_copy(sam, argmax_h.at[pl.ds(w * CHUNK, CHUNK)],
                          sem1).wait()


@functools.partial(
    pl.kernel,
    out_type=[
        jax.ShapeDtypeStruct((N,), _i32),
        jax.ShapeDtypeStruct((N,), _i32),
    ],
    mesh=_mesh,
    scratch_types=[
        pltpu.VMEM((GL,), _f32),
        pltpu.VMEM((GL,), _f32),
        pltpu.VMEM((GL,), _f32),
        pltpu.VMEM((GL,), _f32),
        pltpu.VMEM((CHUNK,), _f32),
        pltpu.VMEM((CHUNK,), _i32),
        pltpu.VMEM((NW * G,), _f32),
        pltpu.VMEM((GL,), _f32),
        pltpu.VMEM((G,), _i32),
        pltpu.VMEM((CHUNK,), _i32),
        pltpu.VMEM((CHUNK,), _i32),
        pltpu.SemaphoreType.DMA,
        pltpu.SemaphoreType.DMA,
        pltpu.SemaphoreType.DMA,
        pltpu.SemaphoreType.DMA,
        pltpu.SemaphoreType.DMA,
    ],
)
def _phase2(rowmax_h, argmax_h, colpart_h, ovmat_h, glab_h,
            assigned_h, labels_h,
            sov0, sov1, sov2, sov3, srm, sam, scp, scolb, slab, sasg, slabo,
            sem0, sem1, sem2, sem3, sem4):
    cid = lax.axis_index("c")
    sid = lax.axis_index("s")
    w = sid * NC + cid
    base = w * CHUNK

    last = NW - 1
    for i, (b, s) in enumerate(((sov0, sem0), (sov1, sem1),
                                (sov2, sem2), (sov3, sem3))):
        pltpu.make_async_copy(ovmat_h.at[w, i], b, s).start()

    pltpu.make_async_copy(argmax_h.at[pl.ds(w * CHUNK, CHUNK)], sam,
                          sem4).start()
    pltpu.make_async_copy(colpart_h, scp, sem4).start()
    pltpu.make_async_copy(glab_h, slab, sem4).start()

    @pl.when(w < last)
    def _load_full():
        pltpu.make_async_copy(rowmax_h.at[pl.ds(base, CHUNK)], srm,
                              sem4).start()
        pltpu.make_async_copy(rowmax_h.at[pl.ds(base, CHUNK)], srm,
                              sem4).wait()

    @pl.when(w == last)
    def _load_tail():
        pltpu.make_async_copy(rowmax_h.at[pl.ds(base, TAIL)],
                              srm.at[pl.ds(0, TAIL)], sem4).start()
        pltpu.make_async_copy(rowmax_h.at[pl.ds(base, TAIL)],
                              srm.at[pl.ds(0, TAIL)], sem4).wait()

    pltpu.make_async_copy(argmax_h.at[pl.ds(w * CHUNK, CHUNK)], sam,
                          sem4).wait()
    pltpu.make_async_copy(colpart_h, scp, sem4).wait()
    pltpu.make_async_copy(glab_h, slab, sem4).wait()

    for jv in range(G // L):
        acc = scp[pl.ds(jv * L, L)]
        for wi in range(1, NW):
            acc = jnp.maximum(acc, scp[pl.ds(wi * G + jv * L, L)])
        for jl in range(L):
            scolb[pl.ds((jv * L + jl) * L, L)] = _shuf(
                acc, jnp.full((L,), jl, _i32))

    labv = [slab[pl.ds(v * L, L)] for v in range(G // L)]

    def finish_group(g, lastj):
        gb = g * L
        rm = srm[pl.ds(gb, L)]
        am = sam[pl.ds(gb, L)]
        asg = jnp.where(rm > POS_THR, am + 1,
                        jnp.where(rm < NEG_THR, 0, -1))
        asg = jnp.where(lastj >= 0, lastj + 1, asg)
        safe = jnp.clip(asg - 1, 0, G - 1)
        lo = safe & (L - 1)
        hi = safe >> 4
        lbl = _shuf(labv[0], lo)
        for v in range(1, G // L):
            lbl = jnp.where(hi == v, _shuf(labv[v], lo), lbl)
        sasg[pl.ds(gb, L)] = asg
        slabo[pl.ds(gb, L)] = jnp.where(asg > 0, lbl, -1)

    def one_pair(g0, bufA, bufB):
        def j_body(u, carry):
            lastA, lastB = carry
            j0 = u * UNROLL2
            cA = jnp.full((L,), -1, _i32)
            cB = jnp.full((L,), -1, _i32)
            for k in range(UNROLL2):
                j = j0 + k
                jb = j * L
                cb = scolb[pl.ds(jb, L)]
                cA = jnp.where(bufA[pl.ds(jb, L)] == cb, j, cA)
                cB = jnp.where(bufB[pl.ds(jb, L)] == cb, j, cB)
            lastA = jnp.where(cA >= 0, cA, lastA)
            lastB = jnp.where(cB >= 0, cB, lastB)
            return lastA, lastB

        zi = jnp.full((L,), -1, _i32)
        lastA, lastB = lax.fori_loop(0, G // UNROLL2, j_body, (zi, zi))
        finish_group(g0, lastA)
        finish_group(g0 + 1, lastB)

    halves = ((0, sov0, sem0, sov1, sem1), (1, sov2, sem2, sov3, sem3))

    def dgroup(q, _):
        for half, bA, sA, bB, sB in halves:
            g0 = (q * 2 + half) * 2
            pltpu.make_async_copy(ovmat_h.at[w, g0], bA, sA).wait()
            pltpu.make_async_copy(ovmat_h.at[w, g0 + 1], bB, sB).wait()
            one_pair(g0, bA, bB)

            @pl.when(q < NGROUP // 4 - 1)
            def _prefetch():
                pltpu.make_async_copy(ovmat_h.at[w, g0 + 4], bA, sA).start()
                pltpu.make_async_copy(ovmat_h.at[w, g0 + 5], bB, sB).start()
        return 0
    lax.fori_loop(0, NGROUP // 4, dgroup, 0)

    @pl.when(w < last)
    def _store_full():
        pltpu.make_async_copy(sasg, assigned_h.at[pl.ds(base, CHUNK)],
                              sem4).start()
        pltpu.make_async_copy(slabo, labels_h.at[pl.ds(base, CHUNK)],
                              sem4).start()
        pltpu.make_async_copy(sasg, assigned_h.at[pl.ds(base, CHUNK)],
                              sem4).wait()
        pltpu.make_async_copy(slabo, labels_h.at[pl.ds(base, CHUNK)],
                              sem4).wait()

    @pl.when(w == last)
    def _store_tail():
        pltpu.make_async_copy(sasg.at[pl.ds(0, TAIL)],
                              assigned_h.at[pl.ds(base, TAIL)], sem4).start()
        pltpu.make_async_copy(slabo.at[pl.ds(0, TAIL)],
                              labels_h.at[pl.ds(base, TAIL)], sem4).start()
        pltpu.make_async_copy(sasg.at[pl.ds(0, TAIL)],
                              assigned_h.at[pl.ds(base, TAIL)], sem4).wait()
        pltpu.make_async_copy(slabo.at[pl.ds(0, TAIL)],
                              labels_h.at[pl.ds(base, TAIL)], sem4).wait()


def kernel(bboxes, targets, num_level_bboxes):
    del num_level_bboxes
    ax1, ay1, ax2, ay2 = (bboxes[:, k] for k in range(4))
    gtpad = jnp.pad(targets, ((0, 0), (0, 8 - targets.shape[1]))).reshape(-1)
    glab = targets[:, 4].astype(_i32)

    rowmax, argmax, colpart, ovmat = _phase1(ax1, ay1, ax2, ay2, gtpad)
    assigned, labels = _phase2(rowmax, argmax, colpart, ovmat, glab)
    return assigned, rowmax, labels

# --- scband reference (transcript-rebuilt; emitter-appended) ---
"""Pipeline reference for scband-max-iou-assigner-9174050144499 (READ-ONLY COPY).

The authoritative reference and input builder live on the scoring server;
editing this copy changes nothing except your own understanding.
"""

import jax, jax.numpy as jnp
import numpy as np

POS_IOU_THR = 0.5
NEG_IOU_THR = 0.4
NUM_ANCHORS = 20000
NUM_GT = 128
NUM_CLASSES = 80


def iou_xyxy(b1, b2):
    # b1: [N,4], b2: [G,4] in xyxy -> [N,G] IoU
    area1 = (b1[:, 2] - b1[:, 0]) * (b1[:, 3] - b1[:, 1])
    area2 = (b2[:, 2] - b2[:, 0]) * (b2[:, 3] - b2[:, 1])
    lt = jnp.maximum(b1[:, None, :2], b2[None, :, :2])
    rb = jnp.minimum(b1[:, None, 2:], b2[None, :, 2:])
    wh = jnp.clip(rb - lt, 0.0)
    inter = wh[..., 0] * wh[..., 1]
    union = area1[:, None] + area2[None, :] - inter
    return inter / jnp.maximum(union, 1e-9)


def setup_inputs(seed: int = 0) -> dict:
    key = jax.random.key(seed)
    k1, k2, k3, k4, k5 = jax.random.split(key, 5)
    # anchors: valid xyxy boxes in a 1024x1024 image
    xy = jax.random.uniform(k1, (NUM_ANCHORS, 2), jnp.float32, 0.0, 900.0)
    wh = jax.random.uniform(k2, (NUM_ANCHORS, 2), jnp.float32, 8.0, 120.0)
    bboxes = jnp.concatenate([xy, xy + wh], axis=1)
    # ground truth boxes + labels (all valid, label != -1)
    gxy = jax.random.uniform(k3, (NUM_GT, 2), jnp.float32, 0.0, 900.0)
    gwh = jax.random.uniform(k4, (NUM_GT, 2), jnp.float32, 16.0, 120.0)
    glabel = jax.random.randint(k5, (NUM_GT, 1), 0, NUM_CLASSES).astype(jnp.float32)
    targets = jnp.concatenate([gxy, gxy + gwh, glabel], axis=1)
    return {"bboxes": bboxes, "targets": targets, "num_level_bboxes": NUM_ANCHORS}


def reference(bboxes, targets, num_level_bboxes):
    valid = targets[:, 4] != -1
    target = targets
    gt_bboxes = target[:, :4]
    gt_labels = target[:, 4]
    num_gt = target.shape[0]
    num_bboxes = bboxes.shape[0]

    overlaps = iou_xyxy(bboxes, gt_bboxes)  # [N, G]
    overlaps = jnp.where(valid[None, :], overlaps, -1.0)
    max_overlaps = overlaps.max(axis=1)
    argmax_overlaps = overlaps.argmax(axis=1)
    max_gt_overlaps = overlaps.max(axis=0)

    neg_mask = max_overlaps < NEG_IOU_THR
    pos_mask = max_overlaps > POS_IOU_THR

    assigned = jnp.full((num_bboxes,), -1, dtype=jnp.int32)
    assigned = assigned + jnp.asarray(num_level_bboxes, jnp.int32) * 0
    assigned = jnp.where(pos_mask, argmax_overlaps.astype(jnp.int32) + 1, assigned)
    assigned = jnp.where(neg_mask, 0, assigned)

    # force-assign each gt's best anchor(s); torch loop over j means the LAST
    # matching j wins for an anchor matching several gts
    match = overlaps == max_gt_overlaps[None, :]  # [N, G]
    any_match = match.any(axis=1)
    last_j = (num_gt - 1) - jnp.argmax(match[:, ::-1], axis=1)
    assigned = jnp.where(any_match, last_j.astype(jnp.int32) + 1, assigned)

    safe_idx = jnp.clip(assigned - 1, 0, num_gt - 1)
    assigned_labels = jnp.where(assigned > 0, gt_labels[safe_idx].astype(jnp.int32), -1)

    return (assigned, max_overlaps, assigned_labels)

if __name__ == "__main__":
    import jax
    _d = setup_inputs()
    print(jax.jit(kernel)(*tuple(_d.values())))

</pallas_src>

<mosaic_0001>
#map = affine_map<(d0, d1) -> (0)>
#map1 = affine_map<(d0, d1) -> (0, 0, 0)>
module attributes {stable_mosaic.version = 14 : i64} {
  func.func @_phase1(%arg0: i32, %arg1: i32, %arg2: memref<20000xf32, #tpu.memory_space<hbm>>, %arg3: memref<20000xf32, #tpu.memory_space<hbm>>, %arg4: memref<20000xf32, #tpu.memory_space<hbm>>, %arg5: memref<20000xf32, #tpu.memory_space<hbm>>, %arg6: memref<1024xf32, #tpu.memory_space<hbm>>, %arg7: memref<20000xf32, #tpu.memory_space<hbm>>, %arg8: memref<20480xi32, #tpu.memory_space<hbm>>, %arg9: memref<4096xf32, #tpu.memory_space<hbm>>, %arg10: memref<32x40x2048xf32, #tpu.memory_space<hbm>>, %arg11: memref<640xf32, #tpu.memory_space<vmem>>, %arg12: memref<640xf32, #tpu.memory_space<vmem>>, %arg13: memref<640xf32, #tpu.memory_space<vmem>>, %arg14: memref<640xf32, #tpu.memory_space<vmem>>, %arg15: memref<1040xf32, #tpu.memory_space<vmem>>, %arg16: memref<2048xf32, #tpu.memory_space<vmem>>, %arg17: memref<2048xf32, #tpu.memory_space<vmem>>, %arg18: memref<2048xf32, #tpu.memory_space<vmem>>, %arg19: memref<2048xf32, #tpu.memory_space<vmem>>, %arg20: memref<2048xf32, #tpu.memory_space<vmem>>, %arg21: memref<2048xf32, #tpu.memory_space<vmem>>, %arg22: memref<2048xf32, #tpu.memory_space<vmem>>, %arg23: memref<2048xf32, #tpu.memory_space<vmem>>, %arg24: memref<2048xf32, #tpu.memory_space<vmem>>, %arg25: memref<2048xf32, #tpu.memory_space<vmem>>, %arg26: memref<640xf32, #tpu.memory_space<vmem>>, %arg27: memref<640xi32, #tpu.memory_space<vmem>>, %arg28: memref<128xf32, #tpu.memory_space<vmem>>, %arg29: memref<!tpu.dma_semaphore, #tpu.memory_space<semaphore_mem>>, %arg30: memref<!tpu.dma_semaphore, #tpu.memory_space<semaphore_mem>>, %arg31: memref<!tpu.dma_semaphore, #tpu.memory_space<semaphore_mem>>, %arg32: memref<!tpu.dma_semaphore, #tpu.memory_space<semaphore_mem>>) attributes {dimension_semantics = [#tpu.dimension_semantics<core_parallel>, #tpu.dimension_semantics<subcore_parallel>], iteration_bounds = array<i64: 2, 16>, scalar_prefetch = 0 : i64, scratch_operands = 22 : i64, tpu.core_type = #tpu.core_type<sc_vector_subcore>, window_params = [{transform_indices = #map}, {transform_indices = #map}, {transform_indices = #map}, {transform_indices = #map}, {transform_indices = #map}, {transform_indices = #map}, {transform_indices = #map}, {transform_indices = #map}, {transform_indices = #map1}]} {
    %mul3A = arith.constant 2 : i32
    %mul3A_0 = arith.muli %arg1, %mul3A : i32
    %add3A = arith.addi %mul3A_0, %arg0 : i32
    %mul3A_1 = arith.constant 640 : i32
    %mul3A_2 = arith.muli %add3A, %mul3A_1 : i32
    %dma_start3A = arith.constant 0 : i32
    %dma_start3A_3 = tpu.memref_slice %arg15[%dma_start3A] : memref<1040xf32, #tpu.memory_space<vmem>> -> memref<1024xf32, #tpu.memory_space<vmem>>
    %dma_start3A_4 = arith.constant 0 : i32
    %dma_start3A_5 = tpu.memref_slice %arg15[%dma_start3A_4] : memref<1040xf32, #tpu.memory_space<vmem>> -> memref<1024xf32, #tpu.memory_space<vmem>>
    tpu.enqueue_dma source(%arg6 : memref<1024xf32, #tpu.memory_space<hbm>>) target(%dma_start3A_5 : memref<1024xf32, #tpu.memory_space<vmem>>) target_semaphore(%arg30 : memref<!tpu.dma_semaphore, #tpu.memory_space<semaphore_mem>>)
    %lt3A = arith.constant 31 : i32
    %lt3A_6 = arith.cmpi slt, %add3A, %lt3A : i32
    %convert_element_type3A = arith.extui %lt3A_6 : i1 to i32
    %cond3A = arith.constant 0 : i32
    %cond3A_7 = arith.cmpi ne, %convert_element_type3A, %cond3A : i32
    scf.if %cond3A_7 {
      %dma_start3A_93 = tpu.memref_slice %arg2[%mul3A_2] : memref<20000xf32, #tpu.memory_space<hbm>> -> memref<640xf32, #tpu.memory_space<hbm>>
      %dma_start3A_94 = tpu.memref_slice %arg2[%mul3A_2] : memref<20000xf32, #tpu.memory_space<hbm>> -> memref<640xf32, #tpu.memory_space<hbm>>
      tpu.enqueue_dma source(%dma_start3A_94 : memref<640xf32, #tpu.memory_space<hbm>>) target(%arg11 : memref<640xf32, #tpu.memory_space<vmem>>) target_semaphore(%arg29 : memref<!tpu.dma_semaphore, #tpu.memory_space<semaphore_mem>>)
      %dma_start3A_95 = tpu.memref_slice %arg3[%mul3A_2] : memref<20000xf32, #tpu.memory_space<hbm>> -> memref<640xf32, #tpu.memory_space<hbm>>
      %dma_start3A_96 = tpu.memref_slice %arg3[%mul3A_2] : memref<20000xf32, #tpu.memory_space<hbm>> -> memref<640xf32, #tpu.memory_space<hbm>>
      tpu.enqueue_dma source(%dma_start3A_96 : memref<640xf32, #tpu.memory_space<hbm>>) target(%arg12 : memref<640xf32, #tpu.memory_space<vmem>>) target_semaphore(%arg29 : memref<!tpu.dma_semaphore, #tpu.memory_space<semaphore_mem>>)
      %dma_start3A_97 = tpu.memref_slice %arg4[%mul3A_2] : memref<20000xf32, #tpu.memory_space<hbm>> -> memref<640xf32, #tpu.memory_space<hbm>>
      %dma_start3A_98 = tpu.memref_slice %arg4[%mul3A_2] : memref<20000xf32, #tpu.memory_space<hbm>> -> memref<640xf32, #tpu.memory_space<hbm>>
      tpu.enqueue_dma source(%dma_start3A_98 : memref<640xf32, #tpu.memory_space<hbm>>) target(%arg13 : memref<640xf32, #tpu.memory_space<vmem>>) target_semaphore(%arg29 : memref<!tpu.dma_semaphore, #tpu.memory_space<semaphore_mem>>)
      %dma_start3A_99 = tpu.memref_slice %arg5[%mul3A_2] : memref<20000xf32, #tpu.memory_space<hbm>> -> memref<640xf32, #tpu.memory_space<hbm>>
      %dma_start3A_100 = tpu.memref_slice %arg5[%mul3A_2] : memref<20000xf32, #tpu.memory_space<hbm>> -> memref<640xf32, #tpu.memory_space<hbm>>
      tpu.enqueue_dma source(%dma_start3A_100 : memref<640xf32, #tpu.memory_space<hbm>>) target(%arg14 : memref<640xf32, #tpu.memory_space<vmem>>) target_semaphore(%arg29 : memref<!tpu.dma_semaphore, #tpu.memory_space<semaphore_mem>>)
      %dma_wait3A_101 = tpu.memref_slice %arg2[%mul3A_2] : memref<20000xf32, #tpu.memory_space<hbm>> -> memref<640xf32, #tpu.memory_space<hbm>>
      %dma_wait3A_102 = tpu.memref_slice %arg2[%mul3A_2] : memref<20000xf32, #tpu.memory_space<hbm>> -> memref<640xf32, #tpu.memory_space<hbm>>
      tpu.wait_dma2 semaphore(%arg29 : memref<!tpu.dma_semaphore, #tpu.memory_space<semaphore_mem>>) src(%dma_wait3A_102 : memref<640xf32, #tpu.memory_space<hbm>>) dst(%arg11 : memref<640xf32, #tpu.memory_space<vmem>>)
      %dma_wait3A_103 = tpu.memref_slice %arg3[%mul3A_2] : memref<20000xf32, #tpu.memory_space<hbm>> -> memref<640xf32, #tpu.memory_space<hbm>>
      %dma_wait3A_104 = tpu.memref_slice %arg3[%mul3A_2] : memref<20000xf32, #tpu.memory_space<hbm>> -> memref<640xf32, #tpu.memory_space<hbm>>
      tpu.wait_dma2 semaphore(%arg29 : memref<!tpu.dma_semaphore, #tpu.memory_space<semaphore_mem>>) src(%dma_wait3A_104 : memref<640xf32, #tpu.memory_space<hbm>>) dst(%arg12 : memref<640xf32, #tpu.memory_space<vmem>>)
      %dma_wait3A_105 = tpu.memref_slice %arg4[%mul3A_2] : memref<20000xf32, #tpu.memory_space<hbm>> -> memref<640xf32, #tpu.memory_space<hbm>>
      %dma_wait3A_106 = tpu.memref_slice %arg4[%mul3A_2] : memref<20000xf32, #tpu.memory_space<hbm>> -> memref<640xf32, #tpu.memory_space<hbm>>
      tpu.wait_dma2 semaphore(%arg29 : memref<!tpu.dma_semaphore, #tpu.memory_space<semaphore_mem>>) src(%dma_wait3A_106 : memref<640xf32, #tpu.memory_space<hbm>>) dst(%arg13 : memref<640xf32, #tpu.memory_space<vmem>>)
      %dma_wait3A_107 = tpu.memref_slice %arg5[%mul3A_2] : memref<20000xf32, #tpu.memory_space<hbm>> -> memref<640xf32, #tpu.memory_space<hbm>>
      %dma_wait3A_108 = tpu.memref_slice %arg5[%mul3A_2] : memref<20000xf32, #tpu.memory_space<hbm>> -> memref<640xf32, #tpu.memory_space<hbm>>
      tpu.wait_dma2 semaphore(%arg29 : memref<!tpu.dma_semaphore, #tpu.memory_space<semaphore_mem>>) src(%dma_wait3A_108 : memref<640xf32, #tpu.memory_space<hbm>>) dst(%arg14 : memref<640xf32, #tpu.memory_space<vmem>>)
    } else {
    }
    %eq3A = arith.constant 31 : i32
    %eq3A_8 = arith.cmpi eq, %add3A, %eq3A : i32
    %convert_element_type3A_9 = arith.extui %eq3A_8 : i1 to i32
    %cond3A_10 = arith.constant 0 : i32
    %cond3A_11 = arith.cmpi ne, %convert_element_type3A_9, %cond3A_10 : i32
    scf.if %cond3A_11 {
      %dma_start3A_93 = arith.constant 0 : i32
      %dma_start3A_94 = tpu.memref_slice %arg11[%dma_start3A_93] : memref<640xf32, #tpu.memory_space<vmem>> -> memref<160xf32, #tpu.memory_space<vmem>>
      %dma_start3A_95 = tpu.memref_slice %arg2[%mul3A_2] : memref<20000xf32, #tpu.memory_space<hbm>> -> memref<160xf32, #tpu.memory_space<hbm>>
      %dma_start3A_96 = arith.constant 0 : i32
      %dma_start3A_97 = tpu.memref_slice %arg11[%dma_start3A_96] : memref<640xf32, #tpu.memory_space<vmem>> -> memref<160xf32, #tpu.memory_space<vmem>>
      %dma_start3A_98 = tpu.memref_slice %arg2[%mul3A_2] : memref<20000xf32, #tpu.memory_space<hbm>> -> memref<160xf32, #tpu.memory_space<hbm>>
      tpu.enqueue_dma source(%dma_start3A_98 : memref<160xf32, #tpu.memory_space<hbm>>) target(%dma_start3A_97 : memref<160xf32, #tpu.memory_space<vmem>>) target_semaphore(%arg29 : memref<!tpu.dma_semaphore, #tpu.memory_space<semaphore_mem>>)
      %dma_start3A_99 = arith.constant 0 : i32
      %dma_start3A_100 = tpu.memref_slice %arg12[%dma_start3A_99] : memref<640xf32, #tpu.memory_space<vmem>> -> memref<160xf32, #tpu.memory_space<vmem>>
      %dma_start3A_101 = tpu.memref_slice %arg3[%mul3A_2] : memref<20000xf32, #tpu.memory_space<hbm>> -> memref<160xf32, #tpu.memory_space<hbm>>
      %dma_start3A_102 = arith.constant 0 : i32
      %dma_start3A_103 = tpu.memref_slice %arg12[%dma_start3A_102] : memref<640xf32, #tpu.memory_space<vmem>> -> memref<160xf32, #tpu.memory_space<vmem>>
      %dma_start3A_104 = tpu.memref_slice %arg3[%mul3A_2] : memref<20000xf32, #tpu.memory_space<hbm>> -> memref<160xf32, #tpu.memory_space<hbm>>
      tpu.enqueue_dma source(%dma_start3A_104 : memref<160xf32, #tpu.memory_space<hbm>>) target(%dma_start3A_103 : memref<160xf32, #tpu.memory_space<vmem>>) target_semaphore(%arg29 : memref<!tpu.dma_semaphore, #tpu.memory_space<semaphore_mem>>)
      %dma_start3A_105 = arith.constant 0 : i32
      %dma_start3A_106 = tpu.memref_slice %arg13[%dma_start3A_105] : memref<640xf32, #tpu.memory_space<vmem>> -> memref<160xf32, #tpu.memory_space<vmem>>
      %dma_start3A_107 = tpu.memref_slice %arg4[%mul3A_2] : memref<20000xf32, #tpu.memory_space<hbm>> -> memref<160xf32, #tpu.memory_space<hbm>>
      %dma_start3A_108 = arith.constant 0 : i32
      %dma_start3A_109 = tpu.memref_slice %arg13[%dma_start3A_108] : memref<640xf32, #tpu.memory_space<vmem>> -> memref<160xf32, #tpu.memory_space<vmem>>
      %dma_start3A_110 = tpu.memref_slice %arg4[%mul3A_2] : memref<20000xf32, #tpu.memory_space<hbm>> -> memref<160xf32, #tpu.memory_space<hbm>>
      tpu.enqueue_dma source(%dma_start3A_110 : memref<160xf32, #tpu.memory_space<hbm>>) target(%dma_start3A_109 : memref<160xf32, #tpu.memory_space<vmem>>) target_semaphore(%arg29 : memref<!tpu.dma_semaphore, #tpu.memory_space<semaphore_mem>>)
      %dma_start3A_111 = arith.constant 0 : i32
      %dma_start3A_112 = tpu.memref_slice %arg14[%dma_start3A_111] : memref<640xf32, #tpu.memory_space<vmem>> -> memref<160xf32, #tpu.memory_space<vmem>>
      %dma_start3A_113 = tpu.memref_slice %arg5[%mul3A_2] : memref<20000xf32, #tpu.memory_space<hbm>> -> memref<160xf32, #tpu.memory_space<hbm>>
      %dma_start3A_114 = arith.constant 0 : i32
      %dma_start3A_115 = tpu.memref_slice %arg14[%dma_start3A_114] : memref<640xf32, #tpu.memory_space<vmem>> -> memref<160xf32, #tpu.memory_space<vmem>>
      %dma_start3A_116 = tpu.memref_slice %arg5[%mul3A_2] : memref<20000xf32, #tpu.memory_space<hbm>> -> memref<160xf32, #tpu.memory_space<hbm>>
      tpu.enqueue_dma source(%dma_start3A_116 : memref<160xf32, #tpu.memory_space<hbm>>) target(%dma_start3A_115 : memref<160xf32, #tpu.memory_space<vmem>>) target_semaphore(%arg29 : memref<!tpu.dma_semaphore, #tpu.memory_space<semaphore_mem>>)
      %broadcast_in_dim3A = arith.constant 0.000000e+00 : f32
      %broadcast_in_dim3A_117 = vector.broadcast %broadcast_in_dim3A : f32 to vector<16xf32>
      %scan3A_118 = arith.constant 0 : i32
      %scan3A_119 = arith.constant 0 : i32
      %scan3A_120 = arith.constant 30 : i32
      %scan3A_121 = arith.addi %scan3A_119, %scan3A_120 : i32
      %scan3A_122 = arith.constant 1 : i32
      %scan3A_123 = scf.for %scan3A_149 = %scan3A_119 to %scan3A_121 step %scan3A_122 iter_args(%scan3A_150 = %scan3A_118) -> (i32)  : i32 {
        %mul3A_151 = arith.constant 16 : i32
        %mul3A_152 = arith.muli %scan3A_149, %mul3A_151 : i32
        %add3A_153 = arith.constant 160 : i32
        %add3A_154 = arith.addi %add3A_153, %mul3A_152 : i32
        %swap3A = arith.index_cast %add3A_154 : i32 to index
        %swap3A_155 = tpu.vector_load %arg11[%swap3A] {strides = array<i32>} : memref<640xf32, #tpu.memory_space<vmem>>, vector<16xf32>,
        %swap3A_156 = vector.shape_cast %swap3A_155 : vector<16xf32> to vector<16xf32>
        %swap3A_157 = vector.shape_cast %broadcast_in_dim3A_117 : vector<16xf32> to vector<16xf32>
        tpu.vector_store %arg11[%swap3A], %swap3A_157 {strides = array<i32>} : memref<640xf32, #tpu.memory_space<vmem>>, vector<16xf32>,
        %swap3A_158 = arith.index_cast %add3A_154 : i32 to index
        %swap3A_159 = tpu.vector_load %arg12[%swap3A_158] {strides = array<i32>} : memref<640xf32, #tpu.memory_space<vmem>>, vector<16xf32>,
        %swap3A_160 = vector.shape_cast %swap3A_159 : vector<16xf32> to vector<16xf32>
        %swap3A_161 = vector.shape_cast %broadcast_in_dim3A_117 : vector<16xf32> to vector<16xf32>
        tpu.vector_store %arg12[%swap3A_158], %swap3A_161 {strides = array<i32>} : memref<640xf32, #tpu.memory_space<vmem>>, vector<16xf32>,
        %swap3A_162 = arith.index_cast %add3A_154 : i32 to index
        %swap3A_163 = tpu.vector_load %arg13[%swap3A_162] {strides = array<i32>} : memref<640xf32, #tpu.memory_space<vmem>>, vector<16xf32>,
        %swap3A_164 = vector.shape_cast %swap3A_163 : vector<16xf32> to vector<16xf32>
        %swap3A_165 = vector.shape_cast %broadcast_in_dim3A_117 : vector<16xf32> to vector<16xf32>
        tpu.vector_store %arg13[%swap3A_162], %swap3A_165 {strides = array<i32>} : memref<640xf32, #tpu.memory_space<vmem>>, vector<16xf32>,
        %swap3A_166 = arith.index_cast %add3A_154 : i32 to index
        %swap3A_167 = tpu.vector_load %arg14[%swap3A_166] {strides = array<i32>} : memref<640xf32, #tpu.memory_space<vmem>>, vector<16xf32>,
        %swap3A_168 = vector.shape_cast %swap3A_167 : vector<16xf32> to vector<16xf32>
        %swap3A_169 = vector.shape_cast %broadcast_in_dim3A_117 : vector<16xf32> to vector<16xf32>
        tpu.vector_store %arg14[%swap3A_166], %swap3A_169 {strides = array<i32>} : memref<640xf32, #tpu.memory_space<vmem>>, vector<16xf32>,
        %scan3A_170 = arith.constant 0 : i32
        scf.yield %scan3A_170 : i32
      }
      %scan3A_124 = arith.constant 30 : i32
      %dma_wait3A_125 = arith.constant 0 : i32
      %dma_wait3A_126 = tpu.memref_slice %arg11[%dma_wait3A_125] : memref<640xf32, #tpu.memory_space<vmem>> -> memref<160xf32, #tpu.memory_space<vmem>>
      %dma_wait3A_127 = tpu.memref_slice %arg2[%mul3A_2] : memref<20000xf32, #tpu.memory_space<hbm>> -> memref<160xf32, #tpu.memory_space<hbm>>
      %dma_wait3A_128 = arith.constant 0 : i32
      %dma_wait3A_129 = tpu.memref_slice %arg11[%dma_wait3A_128] : memref<640xf32, #tpu.memory_space<vmem>> -> memref<160xf32, #tpu.memory_space<vmem>>
      %dma_wait3A_130 = tpu.memref_slice %arg2[%mul3A_2] : memref<20000xf32, #tpu.memory_space<hbm>> -> memref<160xf32, #tpu.memory_space<hbm>>
      tpu.wait_dma2 semaphore(%arg29 : memref<!tpu.dma_semaphore, #tpu.memory_space<semaphore_mem>>) src(%dma_wait3A_130 : memref<160xf32, #tpu.memory_space<hbm>>) dst(%dma_wait3A_129 : memref<160xf32, #tpu.memory_space<vmem>>)
      %dma_wait3A_131 = arith.constant 0 : i32
      %dma_wait3A_132 = tpu.memref_slice %arg12[%dma_wait3A_131] : memref<640xf32, #tpu.memory_space<vmem>> -> memref<160xf32, #tpu.memory_space<vmem>>
      %dma_wait3A_133 = tpu.memref_slice %arg3[%mul3A_2] : memref<20000xf32, #tpu.memory_space<hbm>> -> memref<160xf32, #tpu.memory_space<hbm>>
      %dma_wait3A_134 = arith.constant 0 : i32
      %dma_wait3A_135 = tpu.memref_slice %arg12[%dma_wait3A_134] : memref<640xf32, #tpu.memory_space<vmem>> -> memref<160xf32, #tpu.memory_space<vmem>>
      %dma_wait3A_136 = tpu.memref_slice %arg3[%mul3A_2] : memref<20000xf32, #tpu.memory_space<hbm>> -> memref<160xf32, #tpu.memory_space<hbm>>
      tpu.wait_dma2 semaphore(%arg29 : memref<!tpu.dma_semaphore, #tpu.memory_space<semaphore_mem>>) src(%dma_wait3A_136 : memref<160xf32, #tpu.memory_space<hbm>>) dst(%dma_wait3A_135 : memref<160xf32, #tpu.memory_space<vmem>>)
      %dma_wait3A_137 = arith.constant 0 : i32
      %dma_wait3A_138 = tpu.memref_slice %arg13[%dma_wait3A_137] : memref<640xf32, #tpu.memory_space<vmem>> -> memref<160xf32, #tpu.memory_space<vmem>>
      %dma_wait3A_139 = tpu.memref_slice %arg4[%mul3A_2] : memref<20000xf32, #tpu.memory_space<hbm>> -> memref<160xf32, #tpu.memory_space<hbm>>
      %dma_wait3A_140 = arith.constant 0 : i32
      %dma_wait3A_141 = tpu.memref_slice %arg13[%dma_wait3A_140] : memref<640xf32, #tpu.memory_space<vmem>> -> memref<160xf32, #tpu.memory_space<vmem>>
      %dma_wait3A_142 = tpu.memref_slice %arg4[%mul3A_2] : memref<20000xf32, #tpu.memory_space<hbm>> -> memref<160xf32, #tpu.memory_space<hbm>>
      tpu.wait_dma2 semaphore(%arg29 : memref<!tpu.dma_semaphore, #tpu.memory_space<semaphore_mem>>) src(%dma_wait3A_142 : memref<160xf32, #tpu.memory_space<hbm>>) dst(%dma_wait3A_141 : memref<160xf32, #tpu.memory_space<vmem>>)
      %dma_wait3A_143 = arith.constant 0 : i32
      %dma_wait3A_144 = tpu.memref_slice %arg14[%dma_wait3A_143] : memref<640xf32, #tpu.memory_space<vmem>> -> memref<160xf32, #tpu.memory_space<vmem>>
      %dma_wait3A_145 = tpu.memref_slice %arg5[%mul3A_2] : memref<20000xf32, #tpu.memory_space<hbm>> -> memref<160xf32, #tpu.memory_space<hbm>>
      %dma_wait3A_146 = arith.constant 0 : i32
      %dma_wait3A_147 = tpu.memref_slice %arg14[%dma_wait3A_146] : memref<640xf32, #tpu.memory_space<vmem>> -> memref<160xf32, #tpu.memory_space<vmem>>
      %dma_wait3A_148 = tpu.memref_slice %arg5[%mul3A_2] : memref<20000xf32, #tpu.memory_space<hbm>> -> memref<160xf32, #tpu.memory_space<hbm>>
      tpu.wait_dma2 semaphore(%arg29 : memref<!tpu.dma_semaphore, #tpu.memory_space<semaphore_mem>>) src(%dma_wait3A_148 : memref<160xf32, #tpu.memory_space<hbm>>) dst(%dma_wait3A_147 : memref<160xf32, #tpu.memory_space<vmem>>)
    } else {
    }
    %dma_wait3A = arith.constant 0 : i32
    %dma_wait3A_12 = tpu.memref_slice %arg15[%dma_wait3A] : memref<1040xf32, #tpu.memory_space<vmem>> -> memref<1024xf32, #tpu.memory_space<vmem>>
    %dma_wait3A_13 = arith.constant 0 : i32
    %dma_wait3A_14 = tpu.memref_slice %arg15[%dma_wait3A_13] : memref<1040xf32, #tpu.memory_space<vmem>> -> memref<1024xf32, #tpu.memory_space<vmem>>
    tpu.wait_dma2 semaphore(%arg30 : memref<!tpu.dma_semaphore, #tpu.memory_space<semaphore_mem>>) src(%arg6 : memref<1024xf32, #tpu.memory_space<hbm>>) dst(%dma_wait3A_14 : memref<1024xf32, #tpu.memory_space<vmem>>)
    %scan3A = arith.constant 0 : i32
    %scan3A_15 = arith.constant 0 : i32
    %scan3A_16 = arith.constant 128 : i32
    %scan3A_17 = arith.addi %scan3A_15, %scan3A_16 : i32
    %scan3A_18 = arith.constant 1 : i32
    %scan3A_19 = scf.for %scan3A_93 = %scan3A_15 to %scan3A_17 step %scan3A_18 iter_args(%scan3A_94 = %scan3A) -> (i32)  : i32 {
      %mul3A_95 = arith.constant 16 : i32
      %mul3A_96 = arith.muli %scan3A_93, %mul3A_95 : i32
      %mul3A_97 = arith.constant 8 : i32
      %mul3A_98 = arith.muli %scan3A_93, %mul3A_97 : i32
      %get3A = arith.index_cast %mul3A_98 : i32 to index
      %get3A_99 = tpu.vector_load %arg15[%get3A] {strides = array<i32>} : memref<1040xf32, #tpu.memory_space<vmem>>, vector<16xf32>,
      %get3A_100 = vector.shape_cast %get3A_99 : vector<16xf32> to vector<16xf32>
      %broadcast_in_dim3A = arith.constant 0 : i32
      %broadcast_in_dim3A_101 = vector.broadcast %broadcast_in_dim3A : i32 to vector<16xi32>
      %broadcast_in_dim3A_102 = vector.shape_cast %broadcast_in_dim3A_101 : vector<16xi32> to vector<16x1xi32>
      %gather3A = vector.shape_cast %broadcast_in_dim3A_102 : vector<16x1xi32> to vector<16xi32>
      %gather3A_103 = tpu.dynamic_gather %get3A_100[%gather3A] in [0] : vector<16xf32>, vector<16xi32> -> vector<16xf32>
      %broadcast_in_dim3A_104 = arith.constant 1 : i32
      %broadcast_in_dim3A_105 = vector.broadcast %broadcast_in_dim3A_104 : i32 to vector<16xi32>
      %broadcast_in_dim3A_106 = vector.shape_cast %broadcast_in_dim3A_105 : vector<16xi32> to vector<16x1xi32>
      %gather3A_107 = vector.shape_cast %broadcast_in_dim3A_106 : vector<16x1xi32> to vector<16xi32>
      %gather3A_108 = tpu.dynamic_gather %get3A_100[%gather3A_107] in [0] : vector<16xf32>, vector<16xi32> -> vector<16xf32>
      %broadcast_in_dim3A_109 = arith.constant 2 : i32
      %broadcast_in_dim3A_110 = vector.broadcast %broadcast_in_dim3A_109 : i32 to vector<16xi32>
      %broadcast_in_dim3A_111 = vector.shape_cast %broadcast_in_dim3A_110 : vector<16xi32> to vector<16x1xi32>
      %gather3A_112 = vector.shape_cast %broadcast_in_dim3A_111 : vector<16x1xi32> to vector<16xi32>
      %gather3A_113 = tpu.dynamic_gather %get3A_100[%gather3A_112] in [0] : vector<16xf32>, vector<16xi32> -> vector<16xf32>
      %broadcast_in_dim3A_114 = arith.constant 3 : i32
      %broadcast_in_dim3A_115 = vector.broadcast %broadcast_in_dim3A_114 : i32 to vector<16xi32>
      %broadcast_in_dim3A_116 = vector.shape_cast %broadcast_in_dim3A_115 : vector<16xi32> to vector<16x1xi32>
      %gather3A_117 = vector.shape_cast %broadcast_in_dim3A_116 : vector<16x1xi32> to vector<16xi32>
      %gather3A_118 = tpu.dynamic_gather %get3A_100[%gather3A_117] in [0] : vector<16xf32>, vector<16xi32> -> vector<16xf32>
      %swap3A = arith.index_cast %mul3A_96 : i32 to index
      %swap3A_119 = tpu.vector_load %arg16[%swap3A] {strides = array<i32>} : memref<2048xf32, #tpu.memory_space<vmem>>, vector<16xf32>,
      %swap3A_120 = vector.shape_cast %swap3A_119 : vector<16xf32> to vector<16xf32>
      %swap3A_121 = vector.shape_cast %gather3A_103 : vector<16xf32> to vector<16xf32>
      tpu.vector_store %arg16[%swap3A], %swap3A_121 {strides = array<i32>} : memref<2048xf32, #tpu.memory_space<vmem>>, vector<16xf32>,
      %swap3A_122 = arith.index_cast %mul3A_96 : i32 to index
      %swap3A_123 = tpu.vector_load %arg17[%swap3A_122] {strides = array<i32>} : memref<2048xf32, #tpu.memory_space<vmem>>, vector<16xf32>,
      %swap3A_124 = vector.shape_cast %swap3A_123 : vector<16xf32> to vector<16xf32>
      %swap3A_125 = vector.shape_cast %gather3A_108 : vector<16xf32> to vector<16xf32>
      tpu.vector_store %arg17[%swap3A_122], %swap3A_125 {strides = array<i32>} : memref<2048xf32, #tpu.memory_space<vmem>>, vector<16xf32>,
      %swap3A_126 = arith.index_cast %mul3A_96 : i32 to index
      %swap3A_127 = tpu.vector_load %arg18[%swap3A_126] {strides = array<i32>} : memref<2048xf32, #tpu.memory_space<vmem>>, vector<16xf32>,
      %swap3A_128 = vector.shape_cast %swap3A_127 : vector<16xf32> to vector<16xf32>
      %swap3A_129 = vector.shape_cast %gather3A_113 : vector<16xf32> to vector<16xf32>
      tpu.vector_store %arg18[%swap3A_126], %swap3A_129 {strides = array<i32>} : memref<2048xf32, #tpu.memory_space<vmem>>, vector<16xf32>,
      %swap3A_130 = arith.index_cast %mul3A_96 : i32 to index
      %swap3A_131 = tpu.vector_load %arg19[%swap3A_130] {strides = array<i32>} : memref<2048xf32, #tpu.memory_space<vmem>>, vector<16xf32>,
      %swap3A_132 = vector.shape_cast %swap3A_131 : vector<16xf32> to vector<16xf32>
      %swap3A_133 = vector.shape_cast %gather3A_118 : vector<16xf32> to vector<16xf32>
      tpu.vector_store %arg19[%swap3A_130], %swap3A_133 {strides = array<i32>} : memref<2048xf32, #tpu.memory_space<vmem>>, vector<16xf32>,
      %sub3A = arith.subf %gather3A_113, %gather3A_103 : vector<16xf32>
      %sub3A_134 = arith.subf %gather3A_118, %gather3A_108 : vector<16xf32>
      %mul3A_135 = arith.mulf %sub3A, %sub3A_134 : vector<16xf32>
      %swap3A_136 = arith.index_cast %mul3A_96 : i32 to index
      %swap3A_137 = tpu.vector_load %arg20[%swap3A_136] {strides = array<i32>} : memref<2048xf32, #tpu.memory_space<vmem>>, vector<16xf32>,
      %swap3A_138 = vector.shape_cast %swap3A_137 : vector<16xf32> to vector<16xf32>
      %swap3A_139 = vector.shape_cast %mul3A_135 : vector<16xf32> to vector<16xf32>
      tpu.vector_store %arg20[%swap3A_136], %swap3A_139 {strides = array<i32>} : memref<2048xf32, #tpu.memory_space<vmem>>, vector<16xf32>,
      %broadcast_in_dim3A_140 = arith.constant -1.000000e+00 : f32
      %broadcast_in_dim3A_141 = vector.broadcast %broadcast_in_dim3A_140 : f32 to vector<16xf32>
      %swap3A_142 = arith.index_cast %mul3A_96 : i32 to index
      %swap3A_143 = tpu.vector_load %arg25[%swap3A_142] {strides = array<i32>} : memref<2048xf32, #tpu.memory_space<vmem>>, vector<16xf32>,
      %swap3A_144 = vector.shape_cast %swap3A_143 : vector<16xf32> to vector<16xf32>
      %swap3A_145 = vector.shape_cast %broadcast_in_dim3A_141 : vector<16xf32> to vector<16xf32>
      tpu.vector_store %arg25[%swap3A_142], %swap3A_145 {strides = array<i32>} : memref<2048xf32, #tpu.memory_space<vmem>>, vector<16xf32>,
      %scan3A_146 = arith.constant 0 : i32
      scf.yield %scan3A_146 : i32
    }
    %scan3A_20 = arith.constant 128 : i32
    %scan3A_21 = arith.constant 0 : i32
    %scan3A_22 = arith.constant 0 : i32
    %scan3A_23 = arith.constant 10 : i32
    %scan3A_24 = arith.addi %scan3A_22, %scan3A_23 : i32
    %scan3A_25 = arith.constant 1 : i32
    %scan3A_26 = scf.for %scan3A_93 = %scan3A_22 to %scan3A_24 step %scan3A_25 iter_args(%scan3A_94 = %scan3A_21) -> (i32)  : i32 {
      %mul3A_95 = arith.constant 2 : i32
      %mul3A_96 = arith.muli %scan3A_93, %mul3A_95 : i32
      %add3A_97 = arith.constant 0 : i32
      %add3A_98 = arith.addi %mul3A_96, %add3A_97 : i32
      %mul3A_99 = arith.constant 2 : i32
      %mul3A_100 = arith.muli %add3A_98, %mul3A_99 : i32
      %gt3A = arith.constant 0 : i32
      %gt3A_101 = arith.cmpi sgt, %scan3A_93, %gt3A : i32
      %convert_element_type3A_102 = arith.extui %gt3A_101 : i1 to i32
      %cond3A_103 = arith.constant 0 : i32
      %cond3A_104 = arith.cmpi ne, %convert_element_type3A_102, %cond3A_103 : i32
      scf.if %cond3A_104 {
        %sub3A_261 = arith.constant 4 : i32
        %sub3A_262 = arith.subi %mul3A_100, %sub3A_261 : i32
        %dma_wait3A_263 = arith.constant 0 : i32
        %dma_wait3A_264 = tpu.memref_slice %arg10[%add3A, %sub3A_262, %dma_wait3A_263] : memref<32x40x2048xf32, #tpu.memory_space<hbm>> -> memref<1x1x2048xf32, #tpu.memory_space<hbm>>
        %dma_wait3A_265 = tpu.memref_squeeze %dma_wait3A_264 : memref<1x1x2048xf32, #tpu.memory_space<hbm>> -> memref<2048xf32, #tpu.memory_space<hbm>>
        %dma_wait3A_266 = arith.constant 0 : i32
        %dma_wait3A_267 = tpu.memref_slice %arg10[%add3A, %sub3A_262, %dma_wait3A_266] : memref<32x40x2048xf32, #tpu.memory_space<hbm>> -> memref<1x1x2048xf32, #tpu.memory_space<hbm>>
        %dma_wait3A_268 = tpu.memref_squeeze %dma_wait3A_267 : memref<1x1x2048xf32, #tpu.memory_space<hbm>> -> memref<2048xf32, #tpu.memory_space<hbm>>
        tpu.wait_dma2 semaphore(%arg29 : memref<!tpu.dma_semaphore, #tpu.memory_space<semaphore_mem>>) src(%arg21 : memref<2048xf32, #tpu.memory_space<vmem>>) dst(%dma_wait3A_268 : memref<2048xf32, #tpu.memory_space<hbm>>)
        %sub3A_269 = arith.constant 3 : i32
        %sub3A_270 = arith.subi %mul3A_100, %sub3A_269 : i32
        %dma_wait3A_271 = arith.constant 0 : i32
        %dma_wait3A_272 = tpu.memref_slice %arg10[%add3A, %sub3A_270, %dma_wait3A_271] : memref<32x40x2048xf32, #tpu.memory_space<hbm>> -> memref<1x1x2048xf32, #tpu.memory_space<hbm>>
        %dma_wait3A_273 = tpu.memref_squeeze %dma_wait3A_272 : memref<1x1x2048xf32, #tpu.memory_space<hbm>> -> memref<2048xf32, #tpu.memory_space<hbm>>
        %dma_wait3A_274 = arith.constant 0 : i32
        %dma_wait3A_275 = tpu.memref_slice %arg10[%add3A, %sub3A_270, %dma_wait3A_274] : memref<32x40x2048xf32, #tpu.memory_space<hbm>> -> memref<1x1x2048xf32, #tpu.memory_space<hbm>>
        %dma_wait3A_276 = tpu.memref_squeeze %dma_wait3A_275 : memref<1x1x2048xf32, #tpu.memory_space<hbm>> -> memref<2048xf32, #tpu.memory_space<hbm>>
        tpu.wait_dma2 semaphore(%arg30 : memref<!tpu.dma_semaphore, #tpu.memory_space<semaphore_mem>>) src(%arg22 : memref<2048xf32, #tpu.memory_space<vmem>>) dst(%dma_wait3A_276 : memref<2048xf32, #tpu.memory_space<hbm>>)
      } else {
      }
      %mul3A_105 = arith.constant 16 : i32
      %mul3A_106 = arith.muli %mul3A_100, %mul3A_105 : i32
      %add3A_107 = arith.constant 16 : i32
      %add3A_108 = arith.addi %mul3A_106, %add3A_107 : i32
      %get3A = arith.index_cast %mul3A_106 : i32 to index
      %get3A_109 = tpu.vector_load %arg11[%get3A] {strides = array<i32>} : memref<640xf32, #tpu.memory_space<vmem>>, vector<16xf32>,
      %get3A_110 = vector.shape_cast %get3A_109 : vector<16xf32> to vector<16xf32>
      %get3A_111 = arith.index_cast %mul3A_106 : i32 to index
      %get3A_112 = tpu.vector_load %arg12[%get3A_111] {strides = array<i32>} : memref<640xf32, #tpu.memory_space<vmem>>, vector<16xf32>,
      %get3A_113 = vector.shape_cast %get3A_112 : vector<16xf32> to vector<16xf32>
      %get3A_114 = arith.index_cast %mul3A_106 : i32 to index
      %get3A_115 = tpu.vector_load %arg13[%get3A_114] {strides = array<i32>} : memref<640xf32, #tpu.memory_space<vmem>>, vector<16xf32>,
      %get3A_116 = vector.shape_cast %get3A_115 : vector<16xf32> to vector<16xf32>
      %get3A_117 = arith.index_cast %mul3A_106 : i32 to index
      %get3A_118 = tpu.vector_load %arg14[%get3A_117] {strides = array<i32>} : memref<640xf32, #tpu.memory_space<vmem>>, vector<16xf32>,
      %get3A_119 = vector.shape_cast %get3A_118 : vector<16xf32> to vector<16xf32>
      %get3A_120 = arith.index_cast %add3A_108 : i32 to index
      %get3A_121 = tpu.vector_load %arg11[%get3A_120] {strides = array<i32>} : memref<640xf32, #tpu.memory_space<vmem>>, vector<16xf32>,
      %get3A_122 = vector.shape_cast %get3A_121 : vector<16xf32> to vector<16xf32>
      %get3A_123 = arith.index_cast %add3A_108 : i32 to index
      %get3A_124 = tpu.vector_load %arg12[%get3A_123] {strides = array<i32>} : memref<640xf32, #tpu.memory_space<vmem>>, vector<16xf32>,
      %get3A_125 = vector.shape_cast %get3A_124 : vector<16xf32> to vector<16xf32>
      %get3A_126 = arith.index_cast %add3A_108 : i32 to index
      %get3A_127 = tpu.vector_load %arg13[%get3A_126] {strides = array<i32>} : memref<640xf32, #tpu.memory_space<vmem>>, vector<16xf32>,
      %get3A_128 = vector.shape_cast %get3A_127 : vector<16xf32> to vector<16xf32>
      %get3A_129 = arith.index_cast %add3A_108 : i32 to index
      %get3A_130 = tpu.vector_load %arg14[%get3A_129] {strides = array<i32>} : memref<640xf32, #tpu.memory_space<vmem>>, vector<16xf32>,
      %get3A_131 = vector.shape_cast %get3A_130 : vector<16xf32> to vector<16xf32>
      %sub3A = arith.subf %get3A_116, %get3A_110 : vector<16xf32>
      %sub3A_132 = arith.subf %get3A_119, %get3A_113 : vector<16xf32>
      %mul3A_133 = arith.mulf %sub3A, %sub3A_132 : vector<16xf32>
      %sub3A_134 = arith.subf %get3A_128, %get3A_122 : vector<16xf32>
      %sub3A_135 = arith.subf %get3A_131, %get3A_125 : vector<16xf32>
      %mul3A_136 = arith.mulf %sub3A_134, %sub3A_135 : vector<16xf32>
      %broadcast_in_dim3A = arith.constant -1.000000e+00 : f32
      %broadcast_in_dim3A_137 = vector.broadcast %broadcast_in_dim3A : f32 to vector<16xf32>
      %broadcast_in_dim3A_138 = arith.constant 0 : i32
      %broadcast_in_dim3A_139 = vector.broadcast %broadcast_in_dim3A_138 : i32 to vector<16xi32>
      %scan3A_140 = arith.constant 0 : i32
      %scan3A_141 = arith.constant 64 : i32
      %scan3A_142 = arith.addi %scan3A_140, %scan3A_141 : i32
      %scan3A_143 = arith.constant 1 : i32
      %scan3A_144:4 = scf.for %scan3A_261 = %scan3A_140 to %scan3A_142 step %scan3A_143 iter_args(%scan3A_262 = %broadcast_in_dim3A_137, %scan3A_263 = %broadcast_in_dim3A_139, %scan3A_264 = %broadcast_in_dim3A_137, %scan3A_265 = %broadcast_in_dim3A_139) -> (vector<16xf32>, vector<16xi32>, vector<16xf32>, vector<16xi32>)  : i32 {
        %mul3A_266 = arith.constant 2 : i32
        %mul3A_267 = arith.muli %scan3A_261, %mul3A_266 : i32
        %add3A_268 = arith.constant 0 : i32
        %add3A_269 = arith.addi %mul3A_267, %add3A_268 : i32
        %mul3A_270 = arith.constant 16 : i32
        %mul3A_271 = arith.muli %add3A_269, %mul3A_270 : i32
        %get3A_272 = arith.index_cast %mul3A_271 : i32 to index
        %get3A_273 = tpu.vector_load %arg16[%get3A_272] {strides = array<i32>} : memref<2048xf32, #tpu.memory_space<vmem>>, vector<16xf32>,
        %get3A_274 = vector.shape_cast %get3A_273 : vector<16xf32> to vector<16xf32>
        %get3A_275 = arith.index_cast %mul3A_271 : i32 to index
        %get3A_276 = tpu.vector_load %arg17[%get3A_275] {strides = array<i32>} : memref<2048xf32, #tpu.memory_space<vmem>>, vector<16xf32>,
        %get3A_277 = vector.shape_cast %get3A_276 : vector<16xf32> to vector<16xf32>
        %get3A_278 = arith.index_cast %mul3A_271 : i32 to index
        %get3A_279 = tpu.vector_load %arg18[%get3A_278] {strides = array<i32>} : memref<2048xf32, #tpu.memory_space<vmem>>, vector<16xf32>,
        %get3A_280 = vector.shape_cast %get3A_279 : vector<16xf32> to vector<16xf32>
        %get3A_281 = arith.index_cast %mul3A_271 : i32 to index
        %get3A_282 = tpu.vector_load %arg19[%get3A_281] {strides = array<i32>} : memref<2048xf32, #tpu.memory_space<vmem>>, vector<16xf32>,
        %get3A_283 = vector.shape_cast %get3A_282 : vector<16xf32> to vector<16xf32>
        %get3A_284 = arith.index_cast %mul3A_271 : i32 to index
        %get3A_285 = tpu.vector_load %arg20[%get3A_284] {strides = array<i32>} : memref<2048xf32, #tpu.memory_space<vmem>>, vector<16xf32>,
        %get3A_286 = vector.shape_cast %get3A_285 : vector<16xf32> to vector<16xf32>
        %max3A = arith.maximumf %get3A_110, %get3A_274 : vector<16xf32>
        %max3A_287 = arith.maximumf %get3A_113, %get3A_277 : vector<16xf32>
        %min3A = arith.minimumf %get3A_116, %get3A_280 : vector<16xf32>
        %min3A_288 = arith.minimumf %get3A_119, %get3A_283 : vector<16xf32>
        %sub3A_289 = arith.subf %min3A, %max3A : vector<16xf32>
        %max3A_290 = arith.constant 0.000000e+00 : f32
        %max3A_291 = vector.broadcast %max3A_290 : f32 to vector<16xf32>
        %max3A_292 = arith.maximumf %sub3A_289, %max3A_291 : vector<16xf32>
        %sub3A_293 = arith.subf %min3A_288, %max3A_287 : vector<16xf32>
        %max3A_294 = arith.constant 0.000000e+00 : f32
        %max3A_295 = vector.broadcast %max3A_294 : f32 to vector<16xf32>
        %max3A_296 = arith.maximumf %sub3A_293, %max3A_295 : vector<16xf32>
        %mul3A_297 = arith.mulf %max3A_292, %max3A_296 : vector<16xf32>
        %add3A_298 = arith.addf %mul3A_133, %get3A_286 : vector<16xf32>
        %sub3A_299 = arith.subf %add3A_298, %mul3A_297 : vector<16xf32>
        %div3A = arith.divf %mul3A_297, %sub3A_299 : vector<16xf32>
        %max3A_300 = arith.maximumf %get3A_122, %get3A_274 : vector<16xf32>
        %max3A_301 = arith.maximumf %get3A_125, %get3A_277 : vector<16xf32>
        %min3A_302 = arith.minimumf %get3A_128, %get3A_280 : vector<16xf32>
        %min3A_303 = arith.minimumf %get3A_131, %get3A_283 : vector<16xf32>
        %sub3A_304 = arith.subf %min3A_302, %max3A_300 : vector<16xf32>
        %max3A_305 = arith.constant 0.000000e+00 : f32
        %max3A_306 = vector.broadcast %max3A_305 : f32 to vector<16xf32>
        %max3A_307 = arith.maximumf %sub3A_304, %max3A_306 : vector<16xf32>
        %sub3A_308 = arith.subf %min3A_303, %max3A_301 : vector<16xf32>
        %max3A_309 = arith.constant 0.000000e+00 : f32
        %max3A_310 = vector.broadcast %max3A_309 : f32 to vector<16xf32>
        %max3A_311 = arith.maximumf %sub3A_308, %max3A_310 : vector<16xf32>
        %mul3A_312 = arith.mulf %max3A_307, %max3A_311 : vector<16xf32>
        %add3A_313 = arith.addf %mul3A_136, %get3A_286 : vector<16xf32>
        %sub3A_314 = arith.subf %add3A_313, %mul3A_312 : vector<16xf32>
        %div3A_315 = arith.divf %mul3A_312, %sub3A_314 : vector<16xf32>
        %swap3A_316 = arith.index_cast %mul3A_271 : i32 to index
        %swap3A_317 = tpu.vector_load %arg21[%swap3A_316] {strides = array<i32>} : memref<2048xf32, #tpu.memory_space<vmem>>, vector<16xf32>,
        %swap3A_318 = vector.shape_cast %swap3A_317 : vector<16xf32> to vector<16xf32>
        %swap3A_319 = vector.shape_cast %div3A : vector<16xf32> to vector<16xf32>
        tpu.vector_store %arg21[%swap3A_316], %swap3A_319 {strides = array<i32>} : memref<2048xf32, #tpu.memory_space<vmem>>, vector<16xf32>,
        %swap3A_320 = arith.index_cast %mul3A_271 : i32 to index
        %swap3A_321 = tpu.vector_load %arg22[%swap3A_320] {strides = array<i32>} : memref<2048xf32, #tpu.memory_space<vmem>>, vector<16xf32>,
        %swap3A_322 = vector.shape_cast %swap3A_321 : vector<16xf32> to vector<16xf32>
        %swap3A_323 = vector.shape_cast %div3A_315 : vector<16xf32> to vector<16xf32>
        tpu.vector_store %arg22[%swap3A_320], %swap3A_323 {strides = array<i32>} : memref<2048xf32, #tpu.memory_space<vmem>>, vector<16xf32>,
        %get3A_324 = arith.index_cast %mul3A_271 : i32 to index
        %get3A_325 = tpu.vector_load %arg25[%get3A_324] {strides = array<i32>} : memref<2048xf32, #tpu.memory_space<vmem>>, vector<16xf32>,
        %get3A_326 = vector.shape_cast %get3A_325 : vector<16xf32> to vector<16xf32>
        %max3A_327 = arith.maximumf %div3A, %div3A_315 : vector<16xf32>
        %max3A_328 = arith.maximumf %get3A_326, %max3A_327 : vector<16xf32>
        %swap3A_329 = arith.index_cast %mul3A_271 : i32 to index
        %swap3A_330 = tpu.vector_load %arg25[%swap3A_329] {strides = array<i32>} : memref<2048xf32, #tpu.memory_space<vmem>>, vector<16xf32>,
        %swap3A_331 = vector.shape_cast %swap3A_330 : vector<16xf32> to vector<16xf32>
        %swap3A_332 = vector.shape_cast %max3A_328 : vector<16xf32> to vector<16xf32>
        tpu.vector_store %arg25[%swap3A_329], %swap3A_332 {strides = array<i32>} : memref<2048xf32, #tpu.memory_space<vmem>>, vector<16xf32>,
        %add3A_333 = arith.constant 1 : i32
        %add3A_334 = arith.addi %mul3A_267, %add3A_333 : i32
        %mul3A_335 = arith.constant 16 : i32
        %mul3A_336 = arith.muli %add3A_334, %mul3A_335 : i32
        %get3A_337 = arith.index_cast %mul3A_336 : i32 to index
        %get3A_338 = tpu.vector_load %arg16[%get3A_337] {strides = array<i32>} : memref<2048xf32, #tpu.memory_space<vmem>>, vector<16xf32>,
        %get3A_339 = vector.shape_cast %get3A_338 : vector<16xf32> to vector<16xf32>
        %get3A_340 = arith.index_cast %mul3A_336 : i32 to index
        %get3A_341 = tpu.vector_load %arg17[%get3A_340] {strides = array<i32>} : memref<2048xf32, #tpu.memory_space<vmem>>, vector<16xf32>,
        %get3A_342 = vector.shape_cast %get3A_341 : vector<16xf32> to vector<16xf32>
        %get3A_343 = arith.index_cast %mul3A_336 : i32 to index
        %get3A_344 = tpu.vector_load %arg18[%get3A_343] {strides = array<i32>} : memref<2048xf32, #tpu.memory_space<vmem>>, vector<16xf32>,
        %get3A_345 = vector.shape_cast %get3A_344 : vector<16xf32> to vector<16xf32>
        %get3A_346 = arith.index_cast %mul3A_336 : i32 to index
        %get3A_347 = tpu.vector_load %arg19[%get3A_346] {strides = array<i32>} : memref<2048xf32, #tpu.memory_space<vmem>>, vector<16xf32>,
        %get3A_348 = vector.shape_cast %get3A_347 : vector<16xf32> to vector<16xf32>
        %get3A_349 = arith.index_cast %mul3A_336 : i32 to index
        %get3A_350 = tpu.vector_load %arg20[%get3A_349] {strides = array<i32>} : memref<2048xf32, #tpu.memory_space<vmem>>, vector<16xf32>,
        %get3A_351 = vector.shape_cast %get3A_350 : vector<16xf32> to vector<16xf32>
        %max3A_352 = arith.maximumf %get3A_110, %get3A_339 : vector<16xf32>
        %max3A_353 = arith.maximumf %get3A_113, %get3A_342 : vector<16xf32>
        %min3A_354 = arith.minimumf %get3A_116, %get3A_345 : vector<16xf32>
        %min3A_355 = arith.minimumf %get3A_119, %get3A_348 : vector<16xf32>
        %sub3A_356 = arith.subf %min3A_354, %max3A_352 : vector<16xf32>
        %max3A_357 = arith.constant 0.000000e+00 : f32
        %max3A_358 = vector.broadcast %max3A_357 : f32 to vector<16xf32>
        %max3A_359 = arith.maximumf %sub3A_356, %max3A_358 : vector<16xf32>
        %sub3A_360 = arith.subf %min3A_355, %max3A_353 : vector<16xf32>
        %max3A_361 = arith.constant 0.000000e+00 : f32
        %max3A_362 = vector.broadcast %max3A_361 : f32 to vector<16xf32>
        %max3A_363 = arith.maximumf %sub3A_360, %max3A_362 : vector<16xf32>
        %mul3A_364 = arith.mulf %max3A_359, %max3A_363 : vector<16xf32>
        %add3A_365 = arith.addf %mul3A_133, %get3A_351 : vector<16xf32>
        %sub3A_366 = arith.subf %add3A_365, %mul3A_364 : vector<16xf32>
        %div3A_367 = arith.divf %mul3A_364, %sub3A_366 : vector<16xf32>
        %max3A_368 = arith.maximumf %get3A_122, %get3A_339 : vector<16xf32>
        %max3A_369 = arith.maximumf %get3A_125, %get3A_342 : vector<16xf32>
        %min3A_370 = arith.minimumf %get3A_128, %get3A_345 : vector<16xf32>
        %min3A_371 = arith.minimumf %get3A_131, %get3A_348 : vector<16xf32>
        %sub3A_372 = arith.subf %min3A_370, %max3A_368 : vector<16xf32>
        %max3A_373 = arith.constant 0.000000e+00 : f32
        %max3A_374 = vector.broadcast %max3A_373 : f32 to vector<16xf32>
        %max3A_375 = arith.maximumf %sub3A_372, %max3A_374 : vector<16xf32>
        %sub3A_376 = arith.subf %min3A_371, %max3A_369 : vector<16xf32>
        %max3A_377 = arith.constant 0.000000e+00 : f32
        %max3A_378 = vector.broadcast %max3A_377 : f32 to vector<16xf32>
        %max3A_379 = arith.maximumf %sub3A_376, %max3A_378 : vector<16xf32>
        %mul3A_380 = arith.mulf %max3A_375, %max3A_379 : vector<16xf32>
        %add3A_381 = arith.addf %mul3A_136, %get3A_351 : vector<16xf32>
        %sub3A_382 = arith.subf %add3A_381, %mul3A_380 : vector<16xf32>
        %div3A_383 = arith.divf %mul3A_380, %sub3A_382 : vector<16xf32>
        %swap3A_384 = arith.index_cast %mul3A_336 : i32 to index
        %swap3A_385 = tpu.vector_load %arg21[%swap3A_384] {strides = array<i32>} : memref<2048xf32, #tpu.memory_space<vmem>>, vector<16xf32>,
        %swap3A_386 = vector.shape_cast %swap3A_385 : vector<16xf32> to vector<16xf32>
        %swap3A_387 = vector.shape_cast %div3A_367 : vector<16xf32> to vector<16xf32>
        tpu.vector_store %arg21[%swap3A_384], %swap3A_387 {strides = array<i32>} : memref<2048xf32, #tpu.memory_space<vmem>>, vector<16xf32>,
        %swap3A_388 = arith.index_cast %mul3A_336 : i32 to index
        %swap3A_389 = tpu.vector_load %arg22[%swap3A_388] {strides = array<i32>} : memref<2048xf32, #tpu.memory_space<vmem>>, vector<16xf32>,
        %swap3A_390 = vector.shape_cast %swap3A_389 : vector<16xf32> to vector<16xf32>
        %swap3A_391 = vector.shape_cast %div3A_383 : vector<16xf32> to vector<16xf32>
        tpu.vector_store %arg22[%swap3A_388], %swap3A_391 {strides = array<i32>} : memref<2048xf32, #tpu.memory_space<vmem>>, vector<16xf32>,
        %get3A_392 = arith.index_cast %mul3A_336 : i32 to index
        %get3A_393 = tpu.vector_load %arg25[%get3A_392] {strides = array<i32>} : memref<2048xf32, #tpu.memory_space<vmem>>, vector<16xf32>,
        %get3A_394 = vector.shape_cast %get3A_393 : vector<16xf32> to vector<16xf32>
        %max3A_395 = arith.maximumf %div3A_367, %div3A_383 : vector<16xf32>
        %max3A_396 = arith.maximumf %get3A_394, %max3A_395 : vector<16xf32>
        %swap3A_397 = arith.index_cast %mul3A_336 : i32 to index
        %swap3A_398 = tpu.vector_load %arg25[%swap3A_397] {strides = array<i32>} : memref<2048xf32, #tpu.memory_space<vmem>>, vector<16xf32>,
        %swap3A_399 = vector.shape_cast %swap3A_398 : vector<16xf32> to vector<16xf32>
        %swap3A_400 = vector.shape_cast %max3A_396 : vector<16xf32> to vector<16xf32>
        tpu.vector_store %arg25[%swap3A_397], %swap3A_400 {strides = array<i32>} : memref<2048xf32, #tpu.memory_space<vmem>>, vector<16xf32>,
        %add3A_401 = arith.constant 0 : i32
        %add3A_402 = arith.addi %mul3A_267, %add3A_401 : i32
        %add3A_403 = arith.constant 1 : i32
        %add3A_404 = arith.addi %mul3A_267, %add3A_403 : i32
        %max3A_405 = arith.maximumf %div3A, %div3A_367 : vector<16xf32>
        %gt3A_406 = arith.cmpf ogt, %div3A_367, %div3A : vector<16xf32>
        %broadcast_in_dim3A_407 = vector.broadcast %add3A_404 : i32 to vector<16xi32>
        %broadcast_in_dim3A_408 = vector.broadcast %add3A_402 : i32 to vector<16xi32>
        %select_n3A = arith.select %gt3A_406, %broadcast_in_dim3A_407, %broadcast_in_dim3A_408 : vector<16xi1>, vector<16xi32>
        %gt3A_409 = arith.cmpf ogt, %max3A_405, %scan3A_262 : vector<16xf32>
        %select_n3A_410 = arith.select %gt3A_409, %select_n3A, %scan3A_263 : vector<16xi1>, vector<16xi32>
        %max3A_411 = arith.maximumf %scan3A_262, %max3A_405 : vector<16xf32>
        %add3A_412 = arith.constant 0 : i32
        %add3A_413 = arith.addi %mul3A_267, %add3A_412 : i32
        %add3A_414 = arith.constant 1 : i32
        %add3A_415 = arith.addi %mul3A_267, %add3A_414 : i32
        %max3A_416 = arith.maximumf %div3A_315, %div3A_383 : vector<16xf32>
        %gt3A_417 = arith.cmpf ogt, %div3A_383, %div3A_315 : vector<16xf32>
        %broadcast_in_dim3A_418 = vector.broadcast %add3A_415 : i32 to vector<16xi32>
        %broadcast_in_dim3A_419 = vector.broadcast %add3A_413 : i32 to vector<16xi32>
        %select_n3A_420 = arith.select %gt3A_417, %broadcast_in_dim3A_418, %broadcast_in_dim3A_419 : vector<16xi1>, vector<16xi32>
        %gt3A_421 = arith.cmpf ogt, %max3A_416, %scan3A_264 : vector<16xf32>
        %select_n3A_422 = arith.select %gt3A_421, %select_n3A_420, %scan3A_265 : vector<16xi1>, vector<16xi32>
        %max3A_423 = arith.maximumf %scan3A_264, %max3A_416 : vector<16xf32>
        scf.yield %max3A_411, %select_n3A_410, %max3A_423, %select_n3A_422 : vector<16xf32>, vector<16xi32>, vector<16xf32>, vector<16xi32>
      }
      %scan3A_145 = arith.constant 64 : i32
      %swap3A = arith.index_cast %mul3A_106 : i32 to index
      %swap3A_146 = tpu.vector_load %arg26[%swap3A] {strides = array<i32>} : memref<640xf32, #tpu.memory_space<vmem>>, vector<16xf32>,
      %swap3A_147 = vector.shape_cast %swap3A_146 : vector<16xf32> to vector<16xf32>
      %swap3A_148 = vector.shape_cast %scan3A_144#0 : vector<16xf32> to vector<16xf32>
      tpu.vector_store %arg26[%swap3A], %swap3A_148 {strides = array<i32>} : memref<640xf32, #tpu.memory_space<vmem>>, vector<16xf32>,
      %swap3A_149 = arith.index_cast %mul3A_106 : i32 to index
      %swap3A_150 = tpu.vector_load %arg27[%swap3A_149] {strides = array<i32>} : memref<640xi32, #tpu.memory_space<vmem>>, vector<16xi32>,
      %swap3A_151 = vector.shape_cast %swap3A_150 : vector<16xi32> to vector<16xi32>
      %swap3A_152 = vector.shape_cast %scan3A_144#1 : vector<16xi32> to vector<16xi32>
      tpu.vector_store %arg27[%swap3A_149], %swap3A_152 {strides = array<i32>} : memref<640xi32, #tpu.memory_space<vmem>>, vector<16xi32>,
      %swap3A_153 = arith.index_cast %add3A_108 : i32 to index
      %swap3A_154 = tpu.vector_load %arg26[%swap3A_153] {strides = array<i32>} : memref<640xf32, #tpu.memory_space<vmem>>, vector<16xf32>,
      %swap3A_155 = vector.shape_cast %swap3A_154 : vector<16xf32> to vector<16xf32>
      %swap3A_156 = vector.shape_cast %scan3A_144#2 : vector<16xf32> to vector<16xf32>
      tpu.vector_store %arg26[%swap3A_153], %swap3A_156 {strides = array<i32>} : memref<640xf32, #tpu.memory_space<vmem>>, vector<16xf32>,
      %swap3A_157 = arith.index_cast %add3A_108 : i32 to index
      %swap3A_158 = tpu.vector_load %arg27[%swap3A_157] {strides = array<i32>} : memref<640xi32, #tpu.memory_space<vmem>>, vector<16xi32>,
      %swap3A_159 = vector.shape_cast %swap3A_158 : vector<16xi32> to vector<16xi32>
      %swap3A_160 = vector.shape_cast %scan3A_144#3 : vector<16xi32> to vector<16xi32>
      tpu.vector_store %arg27[%swap3A_157], %swap3A_160 {strides = array<i32>} : memref<640xi32, #tpu.memory_space<vmem>>, vector<16xi32>,
      %dma_start3A_161 = arith.constant 0 : i32
      %dma_start3A_162 = tpu.memref_slice %arg10[%add3A, %mul3A_100, %dma_start3A_161] : memref<32x40x2048xf32, #tpu.memory_space<hbm>> -> memref<1x1x2048xf32, #tpu.memory_space<hbm>>
      %dma_start3A_163 = tpu.memref_squeeze %dma_start3A_162 : memref<1x1x2048xf32, #tpu.memory_space<hbm>> -> memref<2048xf32, #tpu.memory_space<hbm>>
      %dma_start3A_164 = arith.constant 0 : i32
      %dma_start3A_165 = tpu.memref_slice %arg10[%add3A, %mul3A_100, %dma_start3A_164] : memref<32x40x2048xf32, #tpu.memory_space<hbm>> -> memref<1x1x2048xf32, #tpu.memory_space<hbm>>
      %dma_start3A_166 = tpu.memref_squeeze %dma_start3A_165 : memref<1x1x2048xf32, #tpu.memory_space<hbm>> -> memref<2048xf32, #tpu.memory_space<hbm>>
      tpu.enqueue_dma source(%arg21 : memref<2048xf32, #tpu.memory_space<vmem>>) target(%dma_start3A_166 : memref<2048xf32, #tpu.memory_space<hbm>>) target_semaphore(%arg29 : memref<!tpu.dma_semaphore, #tpu.memory_space<semaphore_mem>>)
      %add3A_167 = arith.constant 1 : i32
      %add3A_168 = arith.addi %mul3A_100, %add3A_167 : i32
      %dma_start3A_169 = arith.constant 0 : i32
      %dma_start3A_170 = tpu.memref_slice %arg10[%add3A, %add3A_168, %dma_start3A_169] : memref<32x40x2048xf32, #tpu.memory_space<hbm>> -> memref<1x1x2048xf32, #tpu.memory_space<hbm>>
      %dma_start3A_171 = tpu.memref_squeeze %dma_start3A_170 : memref<1x1x2048xf32, #tpu.memory_space<hbm>> -> memref<2048xf32, #tpu.memory_space<hbm>>
      %dma_start3A_172 = arith.constant 0 : i32
      %dma_start3A_173 = tpu.memref_slice %arg10[%add3A, %add3A_168, %dma_start3A_172] : memref<32x40x2048xf32, #tpu.memory_space<hbm>> -> memref<1x1x2048xf32, #tpu.memory_space<hbm>>
      %dma_start3A_174 = tpu.memref_squeeze %dma_start3A_173 : memref<1x1x2048xf32, #tpu.memory_space<hbm>> -> memref<2048xf32, #tpu.memory_space<hbm>>
      tpu.enqueue_dma source(%arg22 : memref<2048xf32, #tpu.memory_space<vmem>>) target(%dma_start3A_174 : memref<2048xf32, #tpu.memory_space<hbm>>) target_semaphore(%arg30 : memref<!tpu.dma_semaphore, #tpu.memory_space<semaphore_mem>>)
      %mul3A_175 = arith.constant 2 : i32
      %mul3A_176 = arith.muli %scan3A_93, %mul3A_175 : i32
      %add3A_177 = arith.constant 1 : i32
      %add3A_178 = arith.addi %mul3A_176, %add3A_177 : i32
      %mul3A_179 = arith.constant 2 : i32
      %mul3A_180 = arith.muli %add3A_178, %mul3A_179 : i32
      %gt3A_181 = arith.constant 0 : i32
      %gt3A_182 = arith.cmpi sgt, %scan3A_93, %gt3A_181 : i32
      %convert_element_type3A_183 = arith.extui %gt3A_182 : i1 to i32
      %cond3A_184 = arith.constant 0 : i32
      %cond3A_185 = arith.cmpi ne, %convert_element_type3A_183, %cond3A_184 : i32
      scf.if %cond3A_185 {
        %sub3A_261 = arith.constant 4 : i32
        %sub3A_262 = arith.subi %mul3A_180, %sub3A_261 : i32
        %dma_wait3A_263 = arith.constant 0 : i32
        %dma_wait3A_264 = tpu.memref_slice %arg10[%add3A, %sub3A_262, %dma_wait3A_263] : memref<32x40x2048xf32, #tpu.memory_space<hbm>> -> memref<1x1x2048xf32, #tpu.memory_space<hbm>>
        %dma_wait3A_265 = tpu.memref_squeeze %dma_wait3A_264 : memref<1x1x2048xf32, #tpu.memory_space<hbm>> -> memref<2048xf32, #tpu.memory_space<hbm>>
        %dma_wait3A_266 = arith.constant 0 : i32
        %dma_wait3A_267 = tpu.memref_slice %arg10[%add3A, %sub3A_262, %dma_wait3A_266] : memref<32x40x2048xf32, #tpu.memory_space<hbm>> -> memref<1x1x2048xf32, #tpu.memory_space<hbm>>
        %dma_wait3A_268 = tpu.memref_squeeze %dma_wait3A_267 : memref<1x1x2048xf32, #tpu.memory_space<hbm>> -> memref<2048xf32, #tpu.memory_space<hbm>>
        tpu.wait_dma2 semaphore(%arg31 : memref<!tpu.dma_semaphore, #tpu.memory_space<semaphore_mem>>) src(%arg23 : memref<2048xf32, #tpu.memory_space<vmem>>) dst(%dma_wait3A_268 : memref<2048xf32, #tpu.memory_space<hbm>>)
        %sub3A_269 = arith.constant 3 : i32
        %sub3A_270 = arith.subi %mul3A_180, %sub3A_269 : i32
        %dma_wait3A_271 = arith.constant 0 : i32
        %dma_wait3A_272 = tpu.memref_slice %arg10[%add3A, %sub3A_270, %dma_wait3A_271] : memref<32x40x2048xf32, #tpu.memory_space<hbm>> -> memref<1x1x2048xf32, #tpu.memory_space<hbm>>
        %dma_wait3A_273 = tpu.memref_squeeze %dma_wait3A_272 : memref<1x1x2048xf32, #tpu.memory_space<hbm>> -> memref<2048xf32, #tpu.memory_space<hbm>>
        %dma_wait3A_274 = arith.constant 0 : i32
        %dma_wait3A_275 = tpu.memref_slice %arg10[%add3A, %sub3A_270, %dma_wait3A_274] : memref<32x40x2048xf32, #tpu.memory_space<hbm>> -> memref<1x1x2048xf32, #tpu.memory_space<hbm>>
        %dma_wait3A_276 = tpu.memref_squeeze %dma_wait3A_275 : memref<1x1x2048xf32, #tpu.memory_space<hbm>> -> memref<2048xf32, #tpu.memory_space<hbm>>
        tpu.wait_dma2 semaphore(%arg32 : memref<!tpu.dma_semaphore, #tpu.memory_space<semaphore_mem>>) src(%arg24 : memref<2048xf32, #tpu.memory_space<vmem>>) dst(%dma_wait3A_276 : memref<2048xf32, #tpu.memory_space<hbm>>)
      } else {
      }
      %mul3A_186 = arith.constant 16 : i32
      %mul3A_187 = arith.muli %mul3A_180, %mul3A_186 : i32
      %add3A_188 = arith.constant 16 : i32
      %add3A_189 = arith.addi %mul3A_187, %add3A_188 : i32
      %get3A_190 = arith.index_cast %mul3A_187 : i32 to index
      %get3A_191 = tpu.vector_load %arg11[%get3A_190] {strides = array<i32>} : memref<640xf32, #tpu.memory_space<vmem>>, vector<16xf32>,
      %get3A_192 = vector.shape_cast %get3A_191 : vector<16xf32> to vector<16xf32>
      %get3A_193 = arith.index_cast %mul3A_187 : i32 to index
      %get3A_194 = tpu.vector_load %arg12[%get3A_193] {strides = array<i32>} : memref<640xf32, #tpu.memory_space<vmem>>, vector<16xf32>,
      %get3A_195 = vector.shape_cast %get3A_194 : vector<16xf32> to vector<16xf32>
      %get3A_196 = arith.index_cast %mul3A_187 : i32 to index
      %get3A_197 = tpu.vector_load %arg13[%get3A_196] {strides = array<i32>} : memref<640xf32, #tpu.memory_space<vmem>>, vector<16xf32>,
      %get3A_198 = vector.shape_cast %get3A_197 : vector<16xf32> to vector<16xf32>
      %get3A_199 = arith.index_cast %mul3A_187 : i32 to index
      %get3A_200 = tpu.vector_load %arg14[%get3A_199] {strides = array<i32>} : memref<640xf32, #tpu.memory_space<vmem>>, vector<16xf32>,
      %get3A_201 = vector.shape_cast %get3A_200 : vector<16xf32> to vector<16xf32>
      %get3A_202 = arith.index_cast %add3A_189 : i32 to index
      %get3A_203 = tpu.vector_load %arg11[%get3A_202] {strides = array<i32>} : memref<640xf32, #tpu.memory_space<vmem>>, vector<16xf32>,
      %get3A_204 = vector.shape_cast %get3A_203 : vector<16xf32> to vector<16xf32>
      %get3A_205 = arith.index_cast %add3A_189 : i32 to index
      %get3A_206 = tpu.vector_load %arg12[%get3A_205] {strides = array<i32>} : memref<640xf32, #tpu.memory_space<vmem>>, vector<16xf32>,
      %get3A_207 = vector.shape_cast %get3A_206 : vector<16xf32> to vector<16xf32>
      %get3A_208 = arith.index_cast %add3A_189 : i32 to index
      %get3A_209 = tpu.vector_load %arg13[%get3A_208] {strides = array<i32>} : memref<640xf32, #tpu.memory_space<vmem>>, vector<16xf32>,
      %get3A_210 = vector.shape_cast %get3A_209 : vector<16xf32> to vector<16xf32>
      %get3A_211 = arith.index_cast %add3A_189 : i32 to index
      %get3A_212 = tpu.vector_load %arg14[%get3A_211] {strides = array<i32>} : memref<640xf32, #tpu.memory_space<vmem>>, vector<16xf32>,
      %get3A_213 = vector.shape_cast %get3A_212 : vector<16xf32> to vector<16xf32>
      %sub3A_214 = arith.subf %get3A_198, %get3A_192 : vector<16xf32>
      %sub3A_215 = arith.subf %get3A_201, %get3A_195 : vector<16xf32>
      %mul3A_216 = arith.mulf %sub3A_214, %sub3A_215 : vector<16xf32>
      %sub3A_217 = arith.subf %get3A_210, %get3A_204 : vector<16xf32>
      %sub3A_218 = arith.subf %get3A_213, %get3A_207 : vector<16xf32>
      %mul3A_219 = arith.mulf %sub3A_217, %sub3A_218 : vector<16xf32>
      %broadcast_in_dim3A_220 = arith.constant -1.000000e+00 : f32
      %broadcast_in_dim3A_221 = vector.broadcast %broadcast_in_dim3A_220 : f32 to vector<16xf32>
      %broadcast_in_dim3A_222 = arith.constant 0 : i32
      %broadcast_in_dim3A_223 = vector.broadcast %broadcast_in_dim3A_222 : i32 to vector<16xi32>
      %scan3A_224 = arith.constant 0 : i32
      %scan3A_225 = arith.constant 64 : i32
      %scan3A_226 = arith.addi %scan3A_224, %scan3A_225 : i32
      %scan3A_227 = arith.constant 1 : i32
      %scan3A_228:4 = scf.for %scan3A_261 = %scan3A_224 to %scan3A_226 step %scan3A_227 iter_args(%scan3A_262 = %broadcast_in_dim3A_221, %scan3A_263 = %broadcast_in_dim3A_223, %scan3A_264 = %broadcast_in_dim3A_221, %scan3A_265 = %broadcast_in_dim3A_223) -> (vector<16xf32>, vector<16xi32>, vector<16xf32>, vector<16xi32>)  : i32 {
        %mul3A_266 = arith.constant 2 : i32
        %mul3A_267 = arith.muli %scan3A_261, %mul3A_266 : i32
        %add3A_268 = arith.constant 0 : i32
        %add3A_269 = arith.addi %mul3A_267, %add3A_268 : i32
        %mul3A_270 = arith.constant 16 : i32
        %mul3A_271 = arith.muli %add3A_269, %mul3A_270 : i32
        %get3A_272 = arith.index_cast %mul3A_271 : i32 to index
        %get3A_273 = tpu.vector_load %arg16[%get3A_272] {strides = array<i32>} : memref<2048xf32, #tpu.memory_space<vmem>>, vector<16xf32>,
        %get3A_274 = vector.shape_cast %get3A_273 : vector<16xf32> to vector<16xf32>
        %get3A_275 = arith.index_cast %mul3A_271 : i32 to index
        %get3A_276 = tpu.vector_load %arg17[%get3A_275] {strides = array<i32>} : memref<2048xf32, #tpu.memory_space<vmem>>, vector<16xf32>,
        %get3A_277 = vector.shape_cast %get3A_276 : vector<16xf32> to vector<16xf32>
        %get3A_278 = arith.index_cast %mul3A_271 : i32 to index
        %get3A_279 = tpu.vector_load %arg18[%get3A_278] {strides = array<i32>} : memref<2048xf32, #tpu.memory_space<vmem>>, vector<16xf32>,
        %get3A_280 = vector.shape_cast %get3A_279 : vector<16xf32> to vector<16xf32>
        %get3A_281 = arith.index_cast %mul3A_271 : i32 to index
        %get3A_282 = tpu.vector_load %arg19[%get3A_281] {strides = array<i32>} : memref<2048xf32, #tpu.memory_space<vmem>>, vector<16xf32>,
        %get3A_283 = vector.shape_cast %get3A_282 : vector<16xf32> to vector<16xf32>
        %get3A_284 = arith.index_cast %mul3A_271 : i32 to index
        %get3A_285 = tpu.vector_load %arg20[%get3A_284] {strides = array<i32>} : memref<2048xf32, #tpu.memory_space<vmem>>, vector<16xf32>,
        %get3A_286 = vector.shape_cast %get3A_285 : vector<16xf32> to vector<16xf32>
        %max3A = arith.maximumf %get3A_192, %get3A_274 : vector<16xf32>
        %max3A_287 = arith.maximumf %get3A_195, %get3A_277 : vector<16xf32>
        %min3A = arith.minimumf %get3A_198, %get3A_280 : vector<16xf32>
        %min3A_288 = arith.minimumf %get3A_201, %get3A_283 : vector<16xf32>
        %sub3A_289 = arith.subf %min3A, %max3A : vector<16xf32>
        %max3A_290 = arith.constant 0.000000e+00 : f32
        %max3A_291 = vector.broadcast %max3A_290 : f32 to vector<16xf32>
        %max3A_292 = arith.maximumf %sub3A_289, %max3A_291 : vector<16xf32>
        %sub3A_293 = arith.subf %min3A_288, %max3A_287 : vector<16xf32>
        %max3A_294 = arith.constant 0.000000e+00 : f32
        %max3A_295 = vector.broadcast %max3A_294 : f32 to vector<16xf32>
        %max3A_296 = arith.maximumf %sub3A_293, %max3A_295 : vector<16xf32>
        %mul3A_297 = arith.mulf %max3A_292, %max3A_296 : vector<16xf32>
        %add3A_298 = arith.addf %mul3A_216, %get3A_286 : vector<16xf32>
        %sub3A_299 = arith.subf %add3A_298, %mul3A_297 : vector<16xf32>
        %div3A = arith.divf %mul3A_297, %sub3A_299 : vector<16xf32>
        %max3A_300 = arith.maximumf %get3A_204, %get3A_274 : vector<16xf32>
        %max3A_301 = arith.maximumf %get3A_207, %get3A_277 : vector<16xf32>
        %min3A_302 = arith.minimumf %get3A_210, %get3A_280 : vector<16xf32>
        %min3A_303 = arith.minimumf %get3A_213, %get3A_283 : vector<16xf32>
        %sub3A_304 = arith.subf %min3A_302, %max3A_300 : vector<16xf32>
        %max3A_305 = arith.constant 0.000000e+00 : f32
        %max3A_306 = vector.broadcast %max3A_305 : f32 to vector<16xf32>
        %max3A_307 = arith.maximumf %sub3A_304, %max3A_306 : vector<16xf32>
        %sub3A_308 = arith.subf %min3A_303, %max3A_301 : vector<16xf32>
        %max3A_309 = arith.constant 0.000000e+00 : f32
        %max3A_310 = vector.broadcast %max3A_309 : f32 to vector<16xf32>
        %max3A_311 = arith.maximumf %sub3A_308, %max3A_310 : vector<16xf32>
        %mul3A_312 = arith.mulf %max3A_307, %max3A_311 : vector<16xf32>
        %add3A_313 = arith.addf %mul3A_219, %get3A_286 : vector<16xf32>
        %sub3A_314 = arith.subf %add3A_313, %mul3A_312 : vector<16xf32>
        %div3A_315 = arith.divf %mul3A_312, %sub3A_314 : vector<16xf32>
        %swap3A_316 = arith.index_cast %mul3A_271 : i32 to index
        %swap3A_317 = tpu.vector_load %arg23[%swap3A_316] {strides = array<i32>} : memref<2048xf32, #tpu.memory_space<vmem>>, vector<16xf32>,
        %swap3A_318 = vector.shape_cast %swap3A_317 : vector<16xf32> to vector<16xf32>
        %swap3A_319 = vector.shape_cast %div3A : vector<16xf32> to vector<16xf32>
        tpu.vector_store %arg23[%swap3A_316], %swap3A_319 {strides = array<i32>} : memref<2048xf32, #tpu.memory_space<vmem>>, vector<16xf32>,
        %swap3A_320 = arith.index_cast %mul3A_271 : i32 to index
        %swap3A_321 = tpu.vector_load %arg24[%swap3A_320] {strides = array<i32>} : memref<2048xf32, #tpu.memory_space<vmem>>, vector<16xf32>,
        %swap3A_322 = vector.shape_cast %swap3A_321 : vector<16xf32> to vector<16xf32>
        %swap3A_323 = vector.shape_cast %div3A_315 : vector<16xf32> to vector<16xf32>
        tpu.vector_store %arg24[%swap3A_320], %swap3A_323 {strides = array<i32>} : memref<2048xf32, #tpu.memory_space<vmem>>, vector<16xf32>,
        %get3A_324 = arith.index_cast %mul3A_271 : i32 to index
        %get3A_325 = tpu.vector_load %arg25[%get3A_324] {strides = array<i32>} : memref<2048xf32, #tpu.memory_space<vmem>>, vector<16xf32>,
        %get3A_326 = vector.shape_cast %get3A_325 : vector<16xf32> to vector<16xf32>
        %max3A_327 = arith.maximumf %div3A, %div3A_315 : vector<16xf32>
        %max3A_328 = arith.maximumf %get3A_326, %max3A_327 : vector<16xf32>
        %swap3A_329 = arith.index_cast %mul3A_271 : i32 to index
        %swap3A_330 = tpu.vector_load %arg25[%swap3A_329] {strides = array<i32>} : memref<2048xf32, #tpu.memory_space<vmem>>, vector<16xf32>,
        %swap3A_331 = vector.shape_cast %swap3A_330 : vector<16xf32> to vector<16xf32>
        %swap3A_332 = vector.shape_cast %max3A_328 : vector<16xf32> to vector<16xf32>
        tpu.vector_store %arg25[%swap3A_329], %swap3A_332 {strides = array<i32>} : memref<2048xf32, #tpu.memory_space<vmem>>, vector<16xf32>,
        %add3A_333 = arith.constant 1 : i32
        %add3A_334 = arith.addi %mul3A_267, %add3A_333 : i32
        %mul3A_335 = arith.constant 16 : i32
        %mul3A_336 = arith.muli %add3A_334, %mul3A_335 : i32
        %get3A_337 = arith.index_cast %mul3A_336 : i32 to index
        %get3A_338 = tpu.vector_load %arg16[%get3A_337] {strides = array<i32>} : memref<2048xf32, #tpu.memory_space<vmem>>, vector<16xf32>,
        %get3A_339 = vector.shape_cast %get3A_338 : vector<16xf32> to vector<16xf32>
        %get3A_340 = arith.index_cast %mul3A_336 : i32 to index
        %get3A_341 = tpu.vector_load %arg17[%get3A_340] {strides = array<i32>} : memref<2048xf32, #tpu.memory_space<vmem>>, vector<16xf32>,
        %get3A_342 = vector.shape_cast %get3A_341 : vector<16xf32> to vector<16xf32>
        %get3A_343 = arith.index_cast %mul3A_336 : i32 to index
        %get3A_344 = tpu.vector_load %arg18[%get3A_343] {strides = array<i32>} : memref<2048xf32, #tpu.memory_space<vmem>>, vector<16xf32>,
        %get3A_345 = vector.shape_cast %get3A_344 : vector<16xf32> to vector<16xf32>
        %get3A_346 = arith.index_cast %mul3A_336 : i32 to index
        %get3A_347 = tpu.vector_load %arg19[%get3A_346] {strides = array<i32>} : memref<2048xf32, #tpu.memory_space<vmem>>, vector<16xf32>,
        %get3A_348 = vector.shape_cast %get3A_347 : vector<16xf32> to vector<16xf32>
        %get3A_349 = arith.index_cast %mul3A_336 : i32 to index
        %get3A_350 = tpu.vector_load %arg20[%get3A_349] {strides = array<i32>} : memref<2048xf32, #tpu.memory_space<vmem>>, vector<16xf32>,
        %get3A_351 = vector.shape_cast %get3A_350 : vector<16xf32> to vector<16xf32>
        %max3A_352 = arith.maximumf %get3A_192, %get3A_339 : vector<16xf32>
        %max3A_353 = arith.maximumf %get3A_195, %get3A_342 : vector<16xf32>
        %min3A_354 = arith.minimumf %get3A_198, %get3A_345 : vector<16xf32>
        %min3A_355 = arith.minimumf %get3A_201, %get3A_348 : vector<16xf32>
        %sub3A_356 = arith.subf %min3A_354, %max3A_352 : vector<16xf32>
        %max3A_357 = arith.constant 0.000000e+00 : f32
        %max3A_358 = vector.broadcast %max3A_357 : f32 to vector<16xf32>
        %max3A_359 = arith.maximumf %sub3A_356, %max3A_358 : vector<16xf32>
        %sub3A_360 = arith.subf %min3A_355, %max3A_353 : vector<16xf32>
        %max3A_361 = arith.constant 0.000000e+00 : f32
        %max3A_362 = vector.broadcast %max3A_361 : f32 to vector<16xf32>
        %max3A_363 = arith.maximumf %sub3A_360, %max3A_362 : vector<16xf32>
        %mul3A_364 = arith.mulf %max3A_359, %max3A_363 : vector<16xf32>
        %add3A_365 = arith.addf %mul3A_216, %get3A_351 : vector<16xf32>
        %sub3A_366 = arith.subf %add3A_365, %mul3A_364 : vector<16xf32>
        %div3A_367 = arith.divf %mul3A_364, %sub3A_366 : vector<16xf32>
        %max3A_368 = arith.maximumf %get3A_204, %get3A_339 : vector<16xf32>
        %max3A_369 = arith.maximumf %get3A_207, %get3A_342 : vector<16xf32>
        %min3A_370 = arith.minimumf %get3A_210, %get3A_345 : vector<16xf32>
        %min3A_371 = arith.minimumf %get3A_213, %get3A_348 : vector<16xf32>
        %sub3A_372 = arith.subf %min3A_370, %max3A_368 : vector<16xf32>
        %max3A_373 = arith.constant 0.000000e+00 : f32
        %max3A_374 = vector.broadcast %max3A_373 : f32 to vector<16xf32>
        %max3A_375 = arith.maximumf %sub3A_372, %max3A_374 : vector<16xf32>
        %sub3A_376 = arith.subf %min3A_371, %max3A_369 : vector<16xf32>
        %max3A_377 = arith.constant 0.000000e+00 : f32
        %max3A_378 = vector.broadcast %max3A_377 : f32 to vector<16xf32>
        %max3A_379 = arith.maximumf %sub3A_376, %max3A_378 : vector<16xf32>
        %mul3A_380 = arith.mulf %max3A_375, %max3A_379 : vector<16xf32>
        %add3A_381 = arith.addf %mul3A_219, %get3A_351 : vector<16xf32>
        %sub3A_382 = arith.subf %add3A_381, %mul3A_380 : vector<16xf32>
        %div3A_383 = arith.divf %mul3A_380, %sub3A_382 : vector<16xf32>
        %swap3A_384 = arith.index_cast %mul3A_336 : i32 to index
        %swap3A_385 = tpu.vector_load %arg23[%swap3A_384] {strides = array<i32>} : memref<2048xf32, #tpu.memory_space<vmem>>, vector<16xf32>,
        %swap3A_386 = vector.shape_cast %swap3A_385 : vector<16xf32> to vector<16xf32>
        %swap3A_387 = vector.shape_cast %div3A_367 : vector<16xf32> to vector<16xf32>
        tpu.vector_store %arg23[%swap3A_384], %swap3A_387 {strides = array<i32>} : memref<2048xf32, #tpu.memory_space<vmem>>, vector<16xf32>,
        %swap3A_388 = arith.index_cast %mul3A_336 : i32 to index
        %swap3A_389 = tpu.vector_load %arg24[%swap3A_388] {strides = array<i32>} : memref<2048xf32, #tpu.memory_space<vmem>>, vector<16xf32>,
        %swap3A_390 = vector.shape_cast %swap3A_389 : vector<16xf32> to vector<16xf32>
        %swap3A_391 = vector.shape_cast %div3A_383 : vector<16xf32> to vector<16xf32>
        tpu.vector_store %arg24[%swap3A_388], %swap3A_391 {strides = array<i32>} : memref<2048xf32, #tpu.memory_space<vmem>>, vector<16xf32>,
        %get3A_392 = arith.index_cast %mul3A_336 : i32 to index
        %get3A_393 = tpu.vector_load %arg25[%get3A_392] {strides = array<i32>} : memref<2048xf32, #tpu.memory_space<vmem>>, vector<16xf32>,
        %get3A_394 = vector.shape_cast %get3A_393 : vector<16xf32> to vector<16xf32>
        %max3A_395 = arith.maximumf %div3A_367, %div3A_383 : vector<16xf32>
        %max3A_396 = arith.maximumf %get3A_394, %max3A_395 : vector<16xf32>
        %swap3A_397 = arith.index_cast %mul3A_336 : i32 to index
        %swap3A_398 = tpu.vector_load %arg25[%swap3A_397] {strides = array<i32>} : memref<2048xf32, #tpu.memory_space<vmem>>, vector<16xf32>,
        %swap3A_399 = vector.shape_cast %swap3A_398 : vector<16xf32> to vector<16xf32>
        %swap3A_400 = vector.shape_cast %max3A_396 : vector<16xf32> to vector<16xf32>
        tpu.vector_store %arg25[%swap3A_397], %swap3A_400 {strides = array<i32>} : memref<2048xf32, #tpu.memory_space<vmem>>, vector<16xf32>,
        %add3A_401 = arith.constant 0 : i32
        %add3A_402 = arith.addi %mul3A_267, %add3A_401 : i32
        %add3A_403 = arith.constant 1 : i32
        %add3A_404 = arith.addi %mul3A_267, %add3A_403 : i32
        %max3A_405 = arith.maximumf %div3A, %div3A_367 : vector<16xf32>
        %gt3A_406 = arith.cmpf ogt, %div3A_367, %div3A : vector<16xf32>
        %broadcast_in_dim3A_407 = vector.broadcast %add3A_404 : i32 to vector<16xi32>
        %broadcast_in_dim3A_408 = vector.broadcast %add3A_402 : i32 to vector<16xi32>
        %select_n3A = arith.select %gt3A_406, %broadcast_in_dim3A_407, %broadcast_in_dim3A_408 : vector<16xi1>, vector<16xi32>
        %gt3A_409 = arith.cmpf ogt, %max3A_405, %scan3A_262 : vector<16xf32>
        %select_n3A_410 = arith.select %gt3A_409, %select_n3A, %scan3A_263 : vector<16xi1>, vector<16xi32>
        %max3A_411 = arith.maximumf %scan3A_262, %max3A_405 : vector<16xf32>
        %add3A_412 = arith.constant 0 : i32
        %add3A_413 = arith.addi %mul3A_267, %add3A_412 : i32
        %add3A_414 = arith.constant 1 : i32
        %add3A_415 = arith.addi %mul3A_267, %add3A_414 : i32
        %max3A_416 = arith.maximumf %div3A_315, %div3A_383 : vector<16xf32>
        %gt3A_417 = arith.cmpf ogt, %div3A_383, %div3A_315 : vector<16xf32>
        %broadcast_in_dim3A_418 = vector.broadcast %add3A_415 : i32 to vector<16xi32>
        %broadcast_in_dim3A_419 = vector.broadcast %add3A_413 : i32 to vector<16xi32>
        %select_n3A_420 = arith.select %gt3A_417, %broadcast_in_dim3A_418, %broadcast_in_dim3A_419 : vector<16xi1>, vector<16xi32>
        %gt3A_421 = arith.cmpf ogt, %max3A_416, %scan3A_264 : vector<16xf32>
        %select_n3A_422 = arith.select %gt3A_421, %select_n3A_420, %scan3A_265 : vector<16xi1>, vector<16xi32>
        %max3A_423 = arith.maximumf %scan3A_264, %max3A_416 : vector<16xf32>
        scf.yield %max3A_411, %select_n3A_410, %max3A_423, %select_n3A_422 : vector<16xf32>, vector<16xi32>, vector<16xf32>, vector<16xi32>
      }
      %scan3A_229 = arith.constant 64 : i32
      %swap3A_230 = arith.index_cast %mul3A_187 : i32 to index
      %swap3A_231 = tpu.vector_load %arg26[%swap3A_230] {strides = array<i32>} : memref<640xf32, #tpu.memory_space<vmem>>, vector<16xf32>,
      %swap3A_232 = vector.shape_cast %swap3A_231 : vector<16xf32> to vector<16xf32>
      %swap3A_233 = vector.shape_cast %scan3A_228#0 : vector<16xf32> to vector<16xf32>
      tpu.vector_store %arg26[%swap3A_230], %swap3A_233 {strides = array<i32>} : memref<640xf32, #tpu.memory_space<vmem>>, vector<16xf32>,
      %swap3A_234 = arith.index_cast %mul3A_187 : i32 to index
      %swap3A_235 = tpu.vector_load %arg27[%swap3A_234] {strides = array<i32>} : memref<640xi32, #tpu.memory_space<vmem>>, vector<16xi32>,
      %swap3A_236 = vector.shape_cast %swap3A_235 : vector<16xi32> to vector<16xi32>
      %swap3A_237 = vector.shape_cast %scan3A_228#1 : vector<16xi32> to vector<16xi32>
      tpu.vector_store %arg27[%swap3A_234], %swap3A_237 {strides = array<i32>} : memref<640xi32, #tpu.memory_space<vmem>>, vector<16xi32>,
      %swap3A_238 = arith.index_cast %add3A_189 : i32 to index
      %swap3A_239 = tpu.vector_load %arg26[%swap3A_238] {strides = array<i32>} : memref<640xf32, #tpu.memory_space<vmem>>, vector<16xf32>,
      %swap3A_240 = vector.shape_cast %swap3A_239 : vector<16xf32> to vector<16xf32>
      %swap3A_241 = vector.shape_cast %scan3A_228#2 : vector<16xf32> to vector<16xf32>
      tpu.vector_store %arg26[%swap3A_238], %swap3A_241 {strides = array<i32>} : memref<640xf32, #tpu.memory_space<vmem>>, vector<16xf32>,
      %swap3A_242 = arith.index_cast %add3A_189 : i32 to index
      %swap3A_243 = tpu.vector_load %arg27[%swap3A_242] {strides = array<i32>} : memref<640xi32, #tpu.memory_space<vmem>>, vector<16xi32>,
      %swap3A_244 = vector.shape_cast %swap3A_243 : vector<16xi32> to vector<16xi32>
      %swap3A_245 = vector.shape_cast %scan3A_228#3 : vector<16xi32> to vector<16xi32>
      tpu.vector_store %arg27[%swap3A_242], %swap3A_245 {strides = array<i32>} : memref<640xi32, #tpu.memory_space<vmem>>, vector<16xi32>,
      %dma_start3A_246 = arith.constant 0 : i32
      %dma_start3A_247 = tpu.memref_slice %arg10[%add3A, %mul3A_180, %dma_start3A_246] : memref<32x40x2048xf32, #tpu.memory_space<hbm>> -> memref<1x1x2048xf32, #tpu.memory_space<hbm>>
      %dma_start3A_248 = tpu.memref_squeeze %dma_start3A_247 : memref<1x1x2048xf32, #tpu.memory_space<hbm>> -> memref<2048xf32, #tpu.memory_space<hbm>>
      %dma_start3A_249 = arith.constant 0 : i32
      %dma_start3A_250 = tpu.memref_slice %arg10[%add3A, %mul3A_180, %dma_start3A_249] : memref<32x40x2048xf32, #tpu.memory_space<hbm>> -> memref<1x1x2048xf32, #tpu.memory_space<hbm>>
      %dma_start3A_251 = tpu.memref_squeeze %dma_start3A_250 : memref<1x1x2048xf32, #tpu.memory_space<hbm>> -> memref<2048xf32, #tpu.memory_space<hbm>>
      tpu.enqueue_dma source(%arg23 : memref<2048xf32, #tpu.memory_space<vmem>>) target(%dma_start3A_251 : memref<2048xf32, #tpu.memory_space<hbm>>) target_semaphore(%arg31 : memref<!tpu.dma_semaphore, #tpu.memory_space<semaphore_mem>>)
      %add3A_252 = arith.constant 1 : i32
      %add3A_253 = arith.addi %mul3A_180, %add3A_252 : i32
      %dma_start3A_254 = arith.constant 0 : i32
      %dma_start3A_255 = tpu.memref_slice %arg10[%add3A, %add3A_253, %dma_start3A_254] : memref<32x40x2048xf32, #tpu.memory_space<hbm>> -> memref<1x1x2048xf32, #tpu.memory_space<hbm>>
      %dma_start3A_256 = tpu.memref_squeeze %dma_start3A_255 : memref<1x1x2048xf32, #tpu.memory_space<hbm>> -> memref<2048xf32, #tpu.memory_space<hbm>>
      %dma_start3A_257 = arith.constant 0 : i32
      %dma_start3A_258 = tpu.memref_slice %arg10[%add3A, %add3A_253, %dma_start3A_257] : memref<32x40x2048xf32, #tpu.memory_space<hbm>> -> memref<1x1x2048xf32, #tpu.memory_space<hbm>>
      %dma_start3A_259 = tpu.memref_squeeze %dma_start3A_258 : memref<1x1x2048xf32, #tpu.memory_space<hbm>> -> memref<2048xf32, #tpu.memory_space<hbm>>
      tpu.enqueue_dma source(%arg24 : memref<2048xf32, #tpu.memory_space<vmem>>) target(%dma_start3A_259 : memref<2048xf32, #tpu.memory_space<hbm>>) target_semaphore(%arg32 : memref<!tpu.dma_semaphore, #tpu.memory_space<semaphore_mem>>)
      %scan3A_260 = arith.constant 0 : i32
      scf.yield %scan3A_260 : i32
    }
    %scan3A_27 = arith.constant 10 : i32
    %dma_wait3A_28 = arith.constant 36 : i32
    %dma_wait3A_29 = arith.constant 0 : i32
    %dma_wait3A_30 = tpu.memref_slice %arg10[%add3A, %dma_wait3A_28, %dma_wait3A_29] : memref<32x40x2048xf32, #tpu.memory_space<hbm>> -> memref<1x1x2048xf32, #tpu.memory_space<hbm>>
    %dma_wait3A_31 = tpu.memref_squeeze %dma_wait3A_30 : memref<1x1x2048xf32, #tpu.memory_space<hbm>> -> memref<2048xf32, #tpu.memory_space<hbm>>
    %dma_wait3A_32 = arith.constant 0 : i32
    %dma_wait3A_33 = tpu.memref_slice %arg10[%add3A, %dma_wait3A_28, %dma_wait3A_32] : memref<32x40x2048xf32, #tpu.memory_space<hbm>> -> memref<1x1x2048xf32, #tpu.memory_space<hbm>>
    %dma_wait3A_34 = tpu.memref_squeeze %dma_wait3A_33 : memref<1x1x2048xf32, #tpu.memory_space<hbm>> -> memref<2048xf32, #tpu.memory_space<hbm>>
    tpu.wait_dma2 semaphore(%arg29 : memref<!tpu.dma_semaphore, #tpu.memory_space<semaphore_mem>>) src(%arg21 : memref<2048xf32, #tpu.memory_space<vmem>>) dst(%dma_wait3A_34 : memref<2048xf32, #tpu.memory_space<hbm>>)
    %dma_wait3A_35 = arith.constant 37 : i32
    %dma_wait3A_36 = arith.constant 0 : i32
    %dma_wait3A_37 = tpu.memref_slice %arg10[%add3A, %dma_wait3A_35, %dma_wait3A_36] : memref<32x40x2048xf32, #tpu.memory_space<hbm>> -> memref<1x1x2048xf32, #tpu.memory_space<hbm>>
    %dma_wait3A_38 = tpu.memref_squeeze %dma_wait3A_37 : memref<1x1x2048xf32, #tpu.memory_space<hbm>> -> memref<2048xf32, #tpu.memory_space<hbm>>
    %dma_wait3A_39 = arith.constant 0 : i32
    %dma_wait3A_40 = tpu.memref_slice %arg10[%add3A, %dma_wait3A_35, %dma_wait3A_39] : memref<32x40x2048xf32, #tpu.memory_space<hbm>> -> memref<1x1x2048xf32, #tpu.memory_space<hbm>>
    %dma_wait3A_41 = tpu.memref_squeeze %dma_wait3A_40 : memref<1x1x2048xf32, #tpu.memory_space<hbm>> -> memref<2048xf32, #tpu.memory_space<hbm>>
    tpu.wait_dma2 semaphore(%arg30 : memref<!tpu.dma_semaphore, #tpu.memory_space<semaphore_mem>>) src(%arg22 : memref<2048xf32, #tpu.memory_space<vmem>>) dst(%dma_wait3A_41 : memref<2048xf32, #tpu.memory_space<hbm>>)
    %dma_wait3A_42 = arith.constant 38 : i32
    %dma_wait3A_43 = arith.constant 0 : i32
    %dma_wait3A_44 = tpu.memref_slice %arg10[%add3A, %dma_wait3A_42, %dma_wait3A_43] : memref<32x40x2048xf32, #tpu.memory_space<hbm>> -> memref<1x1x2048xf32, #tpu.memory_space<hbm>>
    %dma_wait3A_45 = tpu.memref_squeeze %dma_wait3A_44 : memref<1x1x2048xf32, #tpu.memory_space<hbm>> -> memref<2048xf32, #tpu.memory_space<hbm>>
    %dma_wait3A_46 = arith.constant 0 : i32
    %dma_wait3A_47 = tpu.memref_slice %arg10[%add3A, %dma_wait3A_42, %dma_wait3A_46] : memref<32x40x2048xf32, #tpu.memory_space<hbm>> -> memref<1x1x2048xf32, #tpu.memory_space<hbm>>
    %dma_wait3A_48 = tpu.memref_squeeze %dma_wait3A_47 : memref<1x1x2048xf32, #tpu.memory_space<hbm>> -> memref<2048xf32, #tpu.memory_space<hbm>>
    tpu.wait_dma2 semaphore(%arg31 : memref<!tpu.dma_semaphore, #tpu.memory_space<semaphore_mem>>) src(%arg23 : memref<2048xf32, #tpu.memory_space<vmem>>) dst(%dma_wait3A_48 : memref<2048xf32, #tpu.memory_space<hbm>>)
    %dma_wait3A_49 = arith.constant 39 : i32
    %dma_wait3A_50 = arith.constant 0 : i32
    %dma_wait3A_51 = tpu.memref_slice %arg10[%add3A, %dma_wait3A_49, %dma_wait3A_50] : memref<32x40x2048xf32, #tpu.memory_space<hbm>> -> memref<1x1x2048xf32, #tpu.memory_space<hbm>>
    %dma_wait3A_52 = tpu.memref_squeeze %dma_wait3A_51 : memref<1x1x2048xf32, #tpu.memory_space<hbm>> -> memref<2048xf32, #tpu.memory_space<hbm>>
    %dma_wait3A_53 = arith.constant 0 : i32
    %dma_wait3A_54 = tpu.memref_slice %arg10[%add3A, %dma_wait3A_49, %dma_wait3A_53] : memref<32x40x2048xf32, #tpu.memory_space<hbm>> -> memref<1x1x2048xf32, #tpu.memory_space<hbm>>
    %dma_wait3A_55 = tpu.memref_squeeze %dma_wait3A_54 : memref<1x1x2048xf32, #tpu.memory_space<hbm>> -> memref<2048xf32, #tpu.memory_space<hbm>>
    tpu.wait_dma2 semaphore(%arg32 : memref<!tpu.dma_semaphore, #tpu.memory_space<semaphore_mem>>) src(%arg24 : memref<2048xf32, #tpu.memory_space<vmem>>) dst(%dma_wait3A_55 : memref<2048xf32, #tpu.memory_space<hbm>>)
    %lt3A_56 = arith.constant 31 : i32
    %lt3A_57 = arith.cmpi slt, %add3A, %lt3A_56 : i32
    %convert_element_type3A_58 = arith.extui %lt3A_57 : i1 to i32
    %cond3A_59 = arith.constant 0 : i32
    %cond3A_60 = arith.cmpi ne, %convert_element_type3A_58, %cond3A_59 : i32
    scf.if %cond3A_60 {
      %dma_start3A_93 = tpu.memref_slice %arg7[%mul3A_2] : memref<20000xf32, #tpu.memory_space<hbm>> -> memref<640xf32, #tpu.memory_space<hbm>>
      %dma_start3A_94 = tpu.memref_slice %arg7[%mul3A_2] : memref<20000xf32, #tpu.memory_space<hbm>> -> memref<640xf32, #tpu.memory_space<hbm>>
      tpu.enqueue_dma source(%arg26 : memref<640xf32, #tpu.memory_space<vmem>>) target(%dma_start3A_94 : memref<640xf32, #tpu.memory_space<hbm>>) target_semaphore(%arg29 : memref<!tpu.dma_semaphore, #tpu.memory_space<semaphore_mem>>)
    } else {
    }
    %eq3A_61 = arith.constant 31 : i32
    %eq3A_62 = arith.cmpi eq, %add3A, %eq3A_61 : i32
    %convert_element_type3A_63 = arith.extui %eq3A_62 : i1 to i32
    %cond3A_64 = arith.constant 0 : i32
    %cond3A_65 = arith.cmpi ne, %convert_element_type3A_63, %cond3A_64 : i32
    scf.if %cond3A_65 {
      %dma_start3A_93 = arith.constant 0 : i32
      %dma_start3A_94 = tpu.memref_slice %arg26[%dma_start3A_93] : memref<640xf32, #tpu.memory_space<vmem>> -> memref<160xf32, #tpu.memory_space<vmem>>
      %dma_start3A_95 = tpu.memref_slice %arg7[%mul3A_2] : memref<20000xf32, #tpu.memory_space<hbm>> -> memref<160xf32, #tpu.memory_space<hbm>>
      %dma_start3A_96 = tpu.memref_slice %arg7[%mul3A_2] : memref<20000xf32, #tpu.memory_space<hbm>> -> memref<160xf32, #tpu.memory_space<hbm>>
      %dma_start3A_97 = arith.constant 0 : i32
      %dma_start3A_98 = tpu.memref_slice %arg26[%dma_start3A_97] : memref<640xf32, #tpu.memory_space<vmem>> -> memref<160xf32, #tpu.memory_space<vmem>>
      tpu.enqueue_dma source(%dma_start3A_98 : memref<160xf32, #tpu.memory_space<vmem>>) target(%dma_start3A_96 : memref<160xf32, #tpu.memory_space<hbm>>) target_semaphore(%arg29 : memref<!tpu.dma_semaphore, #tpu.memory_space<semaphore_mem>>)
    } else {
    }
    %mul3A_66 = arith.constant 640 : i32
    %mul3A_67 = arith.muli %add3A, %mul3A_66 : i32
    %dma_start3A_68 = tpu.memref_slice %arg8[%mul3A_67] : memref<20480xi32, #tpu.memory_space<hbm>> -> memref<640xi32, #tpu.memory_space<hbm>>
    %dma_start3A_69 = tpu.memref_slice %arg8[%mul3A_67] : memref<20480xi32, #tpu.memory_space<hbm>> -> memref<640xi32, #tpu.memory_space<hbm>>
    tpu.enqueue_dma source(%arg27 : memref<640xi32, #tpu.memory_space<vmem>>) target(%dma_start3A_69 : memref<640xi32, #tpu.memory_space<hbm>>) target_semaphore(%arg30 : memref<!tpu.dma_semaphore, #tpu.memory_space<semaphore_mem>>)
    %iota3A = tpu.iota {dimensions = array<i32: 0>} : vector<16xi32>
    %scan3A_70 = arith.constant 0 : i32
    %scan3A_71 = arith.constant 0 : i32
    %scan3A_72 = arith.constant 8 : i32
    %scan3A_73 = arith.addi %scan3A_71, %scan3A_72 : i32
    %scan3A_74 = arith.constant 1 : i32
    %scan3A_75 = scf.for %scan3A_93 = %scan3A_71 to %scan3A_73 step %scan3A_74 iter_args(%scan3A_94 = %scan3A_70) -> (i32)  : i32 {
      %broadcast_in_dim3A = arith.constant -1.000000e+00 : f32
      %broadcast_in_dim3A_95 = vector.broadcast %broadcast_in_dim3A : f32 to vector<16xf32>
      %scan3A_96 = arith.constant 0 : i32
      %scan3A_97 = arith.constant 16 : i32
      %scan3A_98 = arith.addi %scan3A_96, %scan3A_97 : i32
      %scan3A_99 = arith.constant 1 : i32
      %scan3A_100 = scf.for %scan3A_108 = %scan3A_96 to %scan3A_98 step %scan3A_99 iter_args(%scan3A_109 = %broadcast_in_dim3A_95) -> (vector<16xf32>)  : i32 {
        %mul3A_110 = arith.constant 16 : i32
        %mul3A_111 = arith.muli %scan3A_93, %mul3A_110 : i32
        %add3A_112 = arith.addi %mul3A_111, %scan3A_108 : i32
        %mul3A_113 = arith.constant 16 : i32
        %mul3A_114 = arith.muli %add3A_112, %mul3A_113 : i32
        %get3A = arith.index_cast %mul3A_114 : i32 to index
        %get3A_115 = tpu.vector_load %arg25[%get3A] {strides = array<i32>} : memref<2048xf32, #tpu.memory_space<vmem>>, vector<16xf32>,
        %get3A_116 = vector.shape_cast %get3A_115 : vector<16xf32> to vector<16xf32>
        %xor3A = arith.constant 8 : i32
        %xor3A_117 = vector.broadcast %xor3A : i32 to vector<16xi32>
        %xor3A_118 = arith.xori %iota3A, %xor3A_117 : vector<16xi32>
        %broadcast_in_dim3A_119 = vector.shape_cast %xor3A_118 : vector<16xi32> to vector<16x1xi32>
        %gather3A = vector.shape_cast %broadcast_in_dim3A_119 : vector<16x1xi32> to vector<16xi32>
        %gather3A_120 = tpu.dynamic_gather %get3A_116[%gather3A] in [0] : vector<16xf32>, vector<16xi32> -> vector<16xf32>
        %max3A = arith.maximumf %get3A_116, %gather3A_120 : vector<16xf32>
        %xor3A_121 = arith.constant 4 : i32
        %xor3A_122 = vector.broadcast %xor3A_121 : i32 to vector<16xi32>
        %xor3A_123 = arith.xori %iota3A, %xor3A_122 : vector<16xi32>
        %broadcast_in_dim3A_124 = vector.shape_cast %xor3A_123 : vector<16xi32> to vector<16x1xi32>
        %gather3A_125 = vector.shape_cast %broadcast_in_dim3A_124 : vector<16x1xi32> to vector<16xi32>
        %gather3A_126 = tpu.dynamic_gather %max3A[%gather3A_125] in [0] : vector<16xf32>, vector<16xi32> -> vector<16xf32>
        %max3A_127 = arith.maximumf %max3A, %gather3A_126 : vector<16xf32>
        %xor3A_128 = arith.constant 2 : i32
        %xor3A_129 = vector.broadcast %xor3A_128 : i32 to vector<16xi32>
        %xor3A_130 = arith.xori %iota3A, %xor3A_129 : vector<16xi32>
        %broadcast_in_dim3A_131 = vector.shape_cast %xor3A_130 : vector<16xi32> to vector<16x1xi32>
        %gather3A_132 = vector.shape_cast %broadcast_in_dim3A_131 : vector<16x1xi32> to vector<16xi32>
        %gather3A_133 = tpu.dynamic_gather %max3A_127[%gather3A_132] in [0] : vector<16xf32>, vector<16xi32> -> vector<16xf32>
        %max3A_134 = arith.maximumf %max3A_127, %gather3A_133 : vector<16xf32>
        %xor3A_135 = arith.constant 1 : i32
        %xor3A_136 = vector.broadcast %xor3A_135 : i32 to vector<16xi32>
        %xor3A_137 = arith.xori %iota3A, %xor3A_136 : vector<16xi32>
        %broadcast_in_dim3A_138 = vector.shape_cast %xor3A_137 : vector<16xi32> to vector<16x1xi32>
        %gather3A_139 = vector.shape_cast %broadcast_in_dim3A_138 : vector<16x1xi32> to vector<16xi32>
        %gather3A_140 = tpu.dynamic_gather %max3A_134[%gather3A_139] in [0] : vector<16xf32>, vector<16xi32> -> vector<16xf32>
        %max3A_141 = arith.maximumf %max3A_134, %gather3A_140 : vector<16xf32>
        %eq3A_142 = vector.broadcast %scan3A_108 : i32 to vector<16xi32>
        %eq3A_143 = arith.cmpi eq, %iota3A, %eq3A_142 : vector<16xi32>
        %select_n3A = arith.select %eq3A_143, %max3A_141, %scan3A_109 : vector<16xi1>, vector<16xf32>
        scf.yield %select_n3A : vector<16xf32>
      }
      %scan3A_101 = arith.constant 16 : i32
      %mul3A_102 = arith.constant 16 : i32
      %mul3A_103 = arith.muli %scan3A_93, %mul3A_102 : i32
      %swap3A = arith.index_cast %mul3A_103 : i32 to index
      %swap3A_104 = tpu.vector_load %arg28[%swap3A] {strides = array<i32>} : memref<128xf32, #tpu.memory_space<vmem>>, vector<16xf32>,
      %swap3A_105 = vector.shape_cast %swap3A_104 : vector<16xf32> to vector<16xf32>
      %swap3A_106 = vector.shape_cast %scan3A_100 : vector<16xf32> to vector<16xf32>
      tpu.vector_store %arg28[%swap3A], %swap3A_106 {strides = array<i32>} : memref<128xf32, #tpu.memory_space<vmem>>, vector<16xf32>,
      %scan3A_107 = arith.constant 0 : i32
      scf.yield %scan3A_107 : i32
    }
    %scan3A_76 = arith.constant 8 : i32
    %mul3A_77 = arith.constant 128 : i32
    %mul3A_78 = arith.muli %add3A, %mul3A_77 : i32
    "tpu.region"() ({
      %run_scoped3A = tpu.sem_alloc : memref<!tpu.dma_semaphore, #tpu.memory_space<semaphore_mem>>
      %dma_start3A_93 = tpu.memref_slice %arg9[%mul3A_78] : memref<4096xf32, #tpu.memory_space<hbm>> -> memref<128xf32, #tpu.memory_space<hbm>>
      %dma_start3A_94 = tpu.memref_slice %arg9[%mul3A_78] : memref<4096xf32, #tpu.memory_space<hbm>> -> memref<128xf32, #tpu.memory_space<hbm>>
      tpu.enqueue_dma source(%arg28 : memref<128xf32, #tpu.memory_space<vmem>>) target(%dma_start3A_94 : memref<128xf32, #tpu.memory_space<hbm>>) target_semaphore(%run_scoped3A : memref<!tpu.dma_semaphore, #tpu.memory_space<semaphore_mem>>)
      %dma_wait3A_95 = tpu.memref_slice %arg9[%mul3A_78] : memref<4096xf32, #tpu.memory_space<hbm>> -> memref<128xf32, #tpu.memory_space<hbm>>
      %dma_wait3A_96 = tpu.memref_slice %arg9[%mul3A_78] : memref<4096xf32, #tpu.memory_space<hbm>> -> memref<128xf32, #tpu.memory_space<hbm>>
      tpu.wait_dma2 semaphore(%run_scoped3A : memref<!tpu.dma_semaphore, #tpu.memory_space<semaphore_mem>>) src(%arg28 : memref<128xf32, #tpu.memory_space<vmem>>) dst(%dma_wait3A_96 : memref<128xf32, #tpu.memory_space<hbm>>)
      tpu.yield
    }) : () -> ()
    %lt3A_79 = arith.constant 31 : i32
    %lt3A_80 = arith.cmpi slt, %add3A, %lt3A_79 : i32
    %convert_element_type3A_81 = arith.extui %lt3A_80 : i1 to i32
    %cond3A_82 = arith.constant 0 : i32
    %cond3A_83 = arith.cmpi ne, %convert_element_type3A_81, %cond3A_82 : i32
    scf.if %cond3A_83 {
      %dma_wait3A_93 = tpu.memref_slice %arg7[%mul3A_2] : memref<20000xf32, #tpu.memory_space<hbm>> -> memref<640xf32, #tpu.memory_space<hbm>>
      %dma_wait3A_94 = tpu.memref_slice %arg7[%mul3A_2] : memref<20000xf32, #tpu.memory_space<hbm>> -> memref<640xf32, #tpu.memory_space<hbm>>
      tpu.wait_dma2 semaphore(%arg29 : memref<!tpu.dma_semaphore, #tpu.memory_space<semaphore_mem>>) src(%arg26 : memref<640xf32, #tpu.memory_space<vmem>>) dst(%dma_wait3A_94 : memref<640xf32, #tpu.memory_space<hbm>>)
    } else {
    }
    %eq3A_84 = arith.constant 31 : i32
    %eq3A_85 = arith.cmpi eq, %add3A, %eq3A_84 : i32
    %convert_element_type3A_86 = arith.extui %eq3A_85 : i1 to i32
    %cond3A_87 = arith.constant 0 : i32
    %cond3A_88 = arith.cmpi ne, %convert_element_type3A_86, %cond3A_87 : i32
    scf.if %cond3A_88 {
      %dma_wait3A_93 = arith.constant 0 : i32
      %dma_wait3A_94 = tpu.memref_slice %arg26[%dma_wait3A_93] : memref<640xf32, #tpu.memory_space<vmem>> -> memref<160xf32, #tpu.memory_space<vmem>>
      %dma_wait3A_95 = tpu.memref_slice %arg7[%mul3A_2] : memref<20000xf32, #tpu.memory_space<hbm>> -> memref<160xf32, #tpu.memory_space<hbm>>
      %dma_wait3A_96 = tpu.memref_slice %arg7[%mul3A_2] : memref<20000xf32, #tpu.memory_space<hbm>> -> memref<160xf32, #tpu.memory_space<hbm>>
      %dma_wait3A_97 = arith.constant 0 : i32
      %dma_wait3A_98 = tpu.memref_slice %arg26[%dma_wait3A_97] : memref<640xf32, #tpu.memory_space<vmem>> -> memref<160xf32, #tpu.memory_space<vmem>>
      tpu.wait_dma2 semaphore(%arg29 : memref<!tpu.dma_semaphore, #tpu.memory_space<semaphore_mem>>) src(%dma_wait3A_98 : memref<160xf32, #tpu.memory_space<vmem>>) dst(%dma_wait3A_96 : memref<160xf32, #tpu.memory_space<hbm>>)
    } else {
    }
    %mul3A_89 = arith.constant 640 : i32
    %mul3A_90 = arith.muli %add3A, %mul3A_89 : i32
    %dma_wait3A_91 = tpu.memref_slice %arg8[%mul3A_90] : memref<20480xi32, #tpu.memory_space<hbm>> -> memref<640xi32, #tpu.memory_space<hbm>>
    %dma_wait3A_92 = tpu.memref_slice %arg8[%mul3A_90] : memref<20480xi32, #tpu.memory_space<hbm>> -> memref<640xi32, #tpu.memory_space<hbm>>
    tpu.wait_dma2 semaphore(%arg30 : memref<!tpu.dma_semaphore, #tpu.memory_space<semaphore_mem>>) src(%arg27 : memref<640xi32, #tpu.memory_space<vmem>>) dst(%dma_wait3A_92 : memref<640xi32, #tpu.memory_space<hbm>>)
    return
  }
}

#map = affine_map<(d0, d1) -> (0)>
#map1 = affine_map<(d0, d1) -> (0, 0, 0)>
module attributes {stable_mosaic.version = 14 : i64} {
  func.func @_phase2(%arg0: i32, %arg1: i32, %arg2: memref<20000xf32, #tpu.memory_space<hbm>>, %arg3: memref<20480xi32, #tpu.memory_space<hbm>>, %arg4: memref<4096xf32, #tpu.memory_space<hbm>>, %arg5: memref<32x40x2048xf32, #tpu.memory_space<hbm>>, %arg6: memref<128xi32, #tpu.memory_space<hbm>>, %arg7: memref<20000xi32, #tpu.memory_space<hbm>>, %arg8: memref<20000xi32, #tpu.memory_space<hbm>>, %arg9: memref<2048xf32, #tpu.memory_space<vmem>>, %arg10: memref<2048xf32, #tpu.memory_space<vmem>>, %arg11: memref<2048xf32, #tpu.memory_space<vmem>>, %arg12: memref<2048xf32, #tpu.memory_space<vmem>>, %arg13: memref<640xf32, #tpu.memory_space<vmem>>, %arg14: memref<640xi32, #tpu.memory_space<vmem>>, %arg15: memref<4096xf32, #tpu.memory_space<vmem>>, %arg16: memref<2048xf32, #tpu.memory_space<vmem>>, %arg17: memref<128xi32, #tpu.memory_space<vmem>>, %arg18: memref<640xi32, #tpu.memory_space<vmem>>, %arg19: memref<640xi32, #tpu.memory_space<vmem>>, %arg20: memref<!tpu.dma_semaphore, #tpu.memory_space<semaphore_mem>>, %arg21: memref<!tpu.dma_semaphore, #tpu.memory_space<semaphore_mem>>, %arg22: memref<!tpu.dma_semaphore, #tpu.memory_space<semaphore_mem>>, %arg23: memref<!tpu.dma_semaphore, #tpu.memory_space<semaphore_mem>>, %arg24: memref<!tpu.dma_semaphore, #tpu.memory_space<semaphore_mem>>) attributes {dimension_semantics = [#tpu.dimension_semantics<core_parallel>, #tpu.dimension_semantics<subcore_parallel>], iteration_bounds = array<i64: 2, 16>, scalar_prefetch = 0 : i64, scratch_operands = 16 : i64, tpu.core_type = #tpu.core_type<sc_vector_subcore>, window_params = [{transform_indices = #map}, {transform_indices = #map}, {transform_indices = #map}, {transform_indices = #map1}, {transform_indices = #map}, {transform_indices = #map}, {transform_indices = #map}]} {
    %mul3A = arith.constant 2 : i32
    %mul3A_0 = arith.muli %arg1, %mul3A : i32
    %add3A = arith.addi %mul3A_0, %arg0 : i32
    %mul3A_1 = arith.constant 640 : i32
    %mul3A_2 = arith.muli %add3A, %mul3A_1 : i32
    %dma_start3A = arith.constant 0 : i32
    %dma_start3A_3 = arith.constant 0 : i32
    %dma_start3A_4 = tpu.memref_slice %arg5[%add3A, %dma_start3A, %dma_start3A_3] : memref<32x40x2048xf32, #tpu.memory_space<hbm>> -> memref<1x1x2048xf32, #tpu.memory_space<hbm>>
    %dma_start3A_5 = tpu.memref_squeeze %dma_start3A_4 : memref<1x1x2048xf32, #tpu.memory_space<hbm>> -> memref<2048xf32, #tpu.memory_space<hbm>>
    %dma_start3A_6 = arith.constant 0 : i32
    %dma_start3A_7 = tpu.memref_slice %arg5[%add3A, %dma_start3A, %dma_start3A_6] : memref<32x40x2048xf32, #tpu.memory_space<hbm>> -> memref<1x1x2048xf32, #tpu.memory_space<hbm>>
    %dma_start3A_8 = tpu.memref_squeeze %dma_start3A_7 : memref<1x1x2048xf32, #tpu.memory_space<hbm>> -> memref<2048xf32, #tpu.memory_space<hbm>>
    tpu.enqueue_dma source(%dma_start3A_8 : memref<2048xf32, #tpu.memory_space<hbm>>) target(%arg9 : memref<2048xf32, #tpu.memory_space<vmem>>) target_semaphore(%arg20 : memref<!tpu.dma_semaphore, #tpu.memory_space<semaphore_mem>>)
    %dma_start3A_9 = arith.constant 1 : i32
    %dma_start3A_10 = arith.constant 0 : i32
    %dma_start3A_11 = tpu.memref_slice %arg5[%add3A, %dma_start3A_9, %dma_start3A_10] : memref<32x40x2048xf32, #tpu.memory_space<hbm>> -> memref<1x1x2048xf32, #tpu.memory_space<hbm>>
    %dma_start3A_12 = tpu.memref_squeeze %dma_start3A_11 : memref<1x1x2048xf32, #tpu.memory_space<hbm>> -> memref<2048xf32, #tpu.memory_space<hbm>>
    %dma_start3A_13 = arith.constant 0 : i32
    %dma_start3A_14 = tpu.memref_slice %arg5[%add3A, %dma_start3A_9, %dma_start3A_13] : memref<32x40x2048xf32, #tpu.memory_space<hbm>> -> memref<1x1x2048xf32, #tpu.memory_space<hbm>>
    %dma_start3A_15 = tpu.memref_squeeze %dma_start3A_14 : memref<1x1x2048xf32, #tpu.memory_space<hbm>> -> memref<2048xf32, #tpu.memory_space<hbm>>
    tpu.enqueue_dma source(%dma_start3A_15 : memref<2048xf32, #tpu.memory_space<hbm>>) target(%arg10 : memref<2048xf32, #tpu.memory_space<vmem>>) target_semaphore(%arg21 : memref<!tpu.dma_semaphore, #tpu.memory_space<semaphore_mem>>)
    %dma_start3A_16 = arith.constant 2 : i32
    %dma_start3A_17 = arith.constant 0 : i32
    %dma_start3A_18 = tpu.memref_slice %arg5[%add3A, %dma_start3A_16, %dma_start3A_17] : memref<32x40x2048xf32, #tpu.memory_space<hbm>> -> memref<1x1x2048xf32, #tpu.memory_space<hbm>>
    %dma_start3A_19 = tpu.memref_squeeze %dma_start3A_18 : memref<1x1x2048xf32, #tpu.memory_space<hbm>> -> memref<2048xf32, #tpu.memory_space<hbm>>
    %dma_start3A_20 = arith.constant 0 : i32
    %dma_start3A_21 = tpu.memref_slice %arg5[%add3A, %dma_start3A_16, %dma_start3A_20] : memref<32x40x2048xf32, #tpu.memory_space<hbm>> -> memref<1x1x2048xf32, #tpu.memory_space<hbm>>
    %dma_start3A_22 = tpu.memref_squeeze %dma_start3A_21 : memref<1x1x2048xf32, #tpu.memory_space<hbm>> -> memref<2048xf32, #tpu.memory_space<hbm>>
    tpu.enqueue_dma source(%dma_start3A_22 : memref<2048xf32, #tpu.memory_space<hbm>>) target(%arg11 : memref<2048xf32, #tpu.memory_space<vmem>>) target_semaphore(%arg22 : memref<!tpu.dma_semaphore, #tpu.memory_space<semaphore_mem>>)
    %dma_start3A_23 = arith.constant 3 : i32
    %dma_start3A_24 = arith.constant 0 : i32
    %dma_start3A_25 = tpu.memref_slice %arg5[%add3A, %dma_start3A_23, %dma_start3A_24] : memref<32x40x2048xf32, #tpu.memory_space<hbm>> -> memref<1x1x2048xf32, #tpu.memory_space<hbm>>
    %dma_start3A_26 = tpu.memref_squeeze %dma_start3A_25 : memref<1x1x2048xf32, #tpu.memory_space<hbm>> -> memref<2048xf32, #tpu.memory_space<hbm>>
    %dma_start3A_27 = arith.constant 0 : i32
    %dma_start3A_28 = tpu.memref_slice %arg5[%add3A, %dma_start3A_23, %dma_start3A_27] : memref<32x40x2048xf32, #tpu.memory_space<hbm>> -> memref<1x1x2048xf32, #tpu.memory_space<hbm>>
    %dma_start3A_29 = tpu.memref_squeeze %dma_start3A_28 : memref<1x1x2048xf32, #tpu.memory_space<hbm>> -> memref<2048xf32, #tpu.memory_space<hbm>>
    tpu.enqueue_dma source(%dma_start3A_29 : memref<2048xf32, #tpu.memory_space<hbm>>) target(%arg12 : memref<2048xf32, #tpu.memory_space<vmem>>) target_semaphore(%arg23 : memref<!tpu.dma_semaphore, #tpu.memory_space<semaphore_mem>>)
    %mul3A_30 = arith.constant 640 : i32
    %mul3A_31 = arith.muli %add3A, %mul3A_30 : i32
    %dma_start3A_32 = tpu.memref_slice %arg3[%mul3A_31] : memref<20480xi32, #tpu.memory_space<hbm>> -> memref<640xi32, #tpu.memory_space<hbm>>
    %dma_start3A_33 = tpu.memref_slice %arg3[%mul3A_31] : memref<20480xi32, #tpu.memory_space<hbm>> -> memref<640xi32, #tpu.memory_space<hbm>>
    tpu.enqueue_dma source(%dma_start3A_33 : memref<640xi32, #tpu.memory_space<hbm>>) target(%arg14 : memref<640xi32, #tpu.memory_space<vmem>>) target_semaphore(%arg24 : memref<!tpu.dma_semaphore, #tpu.memory_space<semaphore_mem>>)
    tpu.enqueue_dma source(%arg4 : memref<4096xf32, #tpu.memory_space<hbm>>) target(%arg15 : memref<4096xf32, #tpu.memory_space<vmem>>) target_semaphore(%arg24 : memref<!tpu.dma_semaphore, #tpu.memory_space<semaphore_mem>>)
    tpu.enqueue_dma source(%arg6 : memref<128xi32, #tpu.memory_space<hbm>>) target(%arg17 : memref<128xi32, #tpu.memory_space<vmem>>) target_semaphore(%arg24 : memref<!tpu.dma_semaphore, #tpu.memory_space<semaphore_mem>>)
    %lt3A = arith.constant 31 : i32
    %lt3A_34 = arith.cmpi slt, %add3A, %lt3A : i32
    %convert_element_type3A = arith.extui %lt3A_34 : i1 to i32
    %cond3A = arith.constant 0 : i32
    %cond3A_35 = arith.cmpi ne, %convert_element_type3A, %cond3A : i32
    scf.if %cond3A_35 {
      %dma_start3A_2246 = tpu.memref_slice %arg2[%mul3A_2] : memref<20000xf32, #tpu.memory_space<hbm>> -> memref<640xf32, #tpu.memory_space<hbm>>
      %dma_start3A_2247 = tpu.memref_slice %arg2[%mul3A_2] : memref<20000xf32, #tpu.memory_space<hbm>> -> memref<640xf32, #tpu.memory_space<hbm>>
      tpu.enqueue_dma source(%dma_start3A_2247 : memref<640xf32, #tpu.memory_space<hbm>>) target(%arg13 : memref<640xf32, #tpu.memory_space<vmem>>) target_semaphore(%arg24 : memref<!tpu.dma_semaphore, #tpu.memory_space<semaphore_mem>>)
      %dma_wait3A_2248 = tpu.memref_slice %arg2[%mul3A_2] : memref<20000xf32, #tpu.memory_space<hbm>> -> memref<640xf32, #tpu.memory_space<hbm>>
      %dma_wait3A_2249 = tpu.memref_slice %arg2[%mul3A_2] : memref<20000xf32, #tpu.memory_space<hbm>> -> memref<640xf32, #tpu.memory_space<hbm>>
      tpu.wait_dma2 semaphore(%arg24 : memref<!tpu.dma_semaphore, #tpu.memory_space<semaphore_mem>>) src(%dma_wait3A_2249 : memref<640xf32, #tpu.memory_space<hbm>>) dst(%arg13 : memref<640xf32, #tpu.memory_space<vmem>>)
    } else {
    }
    %eq3A = arith.constant 31 : i32
    %eq3A_36 = arith.cmpi eq, %add3A, %eq3A : i32
    %convert_element_type3A_37 = arith.extui %eq3A_36 : i1 to i32
    %cond3A_38 = arith.constant 0 : i32
    %cond3A_39 = arith.cmpi ne, %convert_element_type3A_37, %cond3A_38 : i32
    scf.if %cond3A_39 {
      %dma_start3A_2246 = arith.constant 0 : i32
      %dma_start3A_2247 = tpu.memref_slice %arg13[%dma_start3A_2246] : memref<640xf32, #tpu.memory_space<vmem>> -> memref<160xf32, #tpu.memory_space<vmem>>
      %dma_start3A_2248 = tpu.memref_slice %arg2[%mul3A_2] : memref<20000xf32, #tpu.memory_space<hbm>> -> memref<160xf32, #tpu.memory_space<hbm>>
      %dma_start3A_2249 = arith.constant 0 : i32
      %dma_start3A_2250 = tpu.memref_slice %arg13[%dma_start3A_2249] : memref<640xf32, #tpu.memory_space<vmem>> -> memref<160xf32, #tpu.memory_space<vmem>>
      %dma_start3A_2251 = tpu.memref_slice %arg2[%mul3A_2] : memref<20000xf32, #tpu.memory_space<hbm>> -> memref<160xf32, #tpu.memory_space<hbm>>
      tpu.enqueue_dma source(%dma_start3A_2251 : memref<160xf32, #tpu.memory_space<hbm>>) target(%dma_start3A_2250 : memref<160xf32, #tpu.memory_space<vmem>>) target_semaphore(%arg24 : memref<!tpu.dma_semaphore, #tpu.memory_space<semaphore_mem>>)
      %dma_wait3A_2252 = arith.constant 0 : i32
      %dma_wait3A_2253 = tpu.memref_slice %arg13[%dma_wait3A_2252] : memref<640xf32, #tpu.memory_space<vmem>> -> memref<160xf32, #tpu.memory_space<vmem>>
      %dma_wait3A_2254 = tpu.memref_slice %arg2[%mul3A_2] : memref<20000xf32, #tpu.memory_space<hbm>> -> memref<160xf32, #tpu.memory_space<hbm>>
      %dma_wait3A_2255 = arith.constant 0 : i32
      %dma_wait3A_2256 = tpu.memref_slice %arg13[%dma_wait3A_2255] : memref<640xf32, #tpu.memory_space<vmem>> -> memref<160xf32, #tpu.memory_space<vmem>>
      %dma_wait3A_2257 = tpu.memref_slice %arg2[%mul3A_2] : memref<20000xf32, #tpu.memory_space<hbm>> -> memref<160xf32, #tpu.memory_space<hbm>>
      tpu.wait_dma2 semaphore(%arg24 : memref<!tpu.dma_semaphore, #tpu.memory_space<semaphore_mem>>) src(%dma_wait3A_2257 : memref<160xf32, #tpu.memory_space<hbm>>) dst(%dma_wait3A_2256 : memref<160xf32, #tpu.memory_space<vmem>>)
    } else {
    }
    %mul3A_40 = arith.constant 640 : i32
    %mul3A_41 = arith.muli %add3A, %mul3A_40 : i32
    %dma_wait3A = tpu.memref_slice %arg3[%mul3A_41] : memref<20480xi32, #tpu.memory_space<hbm>> -> memref<640xi32, #tpu.memory_space<hbm>>
    %dma_wait3A_42 = tpu.memref_slice %arg3[%mul3A_41] : memref<20480xi32, #tpu.memory_space<hbm>> -> memref<640xi32, #tpu.memory_space<hbm>>
    tpu.wait_dma2 semaphore(%arg24 : memref<!tpu.dma_semaphore, #tpu.memory_space<semaphore_mem>>) src(%dma_wait3A_42 : memref<640xi32, #tpu.memory_space<hbm>>) dst(%arg14 : memref<640xi32, #tpu.memory_space<vmem>>)
    tpu.wait_dma2 semaphore(%arg24 : memref<!tpu.dma_semaphore, #tpu.memory_space<semaphore_mem>>) src(%arg4 : memref<4096xf32, #tpu.memory_space<hbm>>) dst(%arg15 : memref<4096xf32, #tpu.memory_space<vmem>>)
    tpu.wait_dma2 semaphore(%arg24 : memref<!tpu.dma_semaphore, #tpu.memory_space<semaphore_mem>>) src(%arg6 : memref<128xi32, #tpu.memory_space<hbm>>) dst(%arg17 : memref<128xi32, #tpu.memory_space<vmem>>)
    %get3A = arith.constant 0 : index
    %get3A_43 = tpu.vector_load %arg15[%get3A] {strides = array<i32>} : memref<4096xf32, #tpu.memory_space<vmem>>, vector<16xf32>,
    %get3A_44 = vector.shape_cast %get3A_43 : vector<16xf32> to vector<16xf32>
    %get3A_45 = arith.constant 128 : index
    %get3A_46 = tpu.vector_load %arg15[%get3A_45] {strides = array<i32>} : memref<4096xf32, #tpu.memory_space<vmem>>, vector<16xf32>,
    %get3A_47 = vector.shape_cast %get3A_46 : vector<16xf32> to vector<16xf32>
    %max3A = arith.maximumf %get3A_44, %get3A_47 : vector<16xf32>
    %get3A_48 = arith.constant 256 : index
    %get3A_49 = tpu.vector_load %arg15[%get3A_48] {strides = array<i32>} : memref<4096xf32, #tpu.memory_space<vmem>>, vector<16xf32>,
    %get3A_50 = vector.shape_cast %get3A_49 : vector<16xf32> to vector<16xf32>
    %max3A_51 = arith.maximumf %max3A, %get3A_50 : vector<16xf32>
    %get3A_52 = arith.constant 384 : index
    %get3A_53 = tpu.vector_load %arg15[%get3A_52] {strides = array<i32>} : memref<4096xf32, #tpu.memory_space<vmem>>, vector<16xf32>,
    %get3A_54 = vector.shape_cast %get3A_53 : vector<16xf32> to vector<16xf32>
    %max3A_55 = arith.maximumf %max3A_51, %get3A_54 : vector<16xf32>
    %get3A_56 = arith.constant 512 : index
    %get3A_57 = tpu.vector_load %arg15[%get3A_56] {strides = array<i32>} : memref<4096xf32, #tpu.memory_space<vmem>>, vector<16xf32>,
    %get3A_58 = vector.shape_cast %get3A_57 : vector<16xf32> to vector<16xf32>
    %max3A_59 = arith.maximumf %max3A_55, %get3A_58 : vector<16xf32>
    %get3A_60 = arith.constant 640 : index
    %get3A_61 = tpu.vector_load %arg15[%get3A_60] {strides = array<i32>} : memref<4096xf32, #tpu.memory_space<vmem>>, vector<16xf32>,
    %get3A_62 = vector.shape_cast %get3A_61 : vector<16xf32> to vector<16xf32>
    %max3A_63 = arith.maximumf %max3A_59, %get3A_62 : vector<16xf32>
    %get3A_64 = arith.constant 768 : index
    %get3A_65 = tpu.vector_load %arg15[%get3A_64] {strides = array<i32>} : memref<4096xf32, #tpu.memory_space<vmem>>, vector<16xf32>,
    %get3A_66 = vector.shape_cast %get3A_65 : vector<16xf32> to vector<16xf32>
    %max3A_67 = arith.maximumf %max3A_63, %get3A_66 : vector<16xf32>
    %get3A_68 = arith.constant 896 : index
    %get3A_69 = tpu.vector_load %arg15[%get3A_68] {strides = array<i32>} : memref<4096xf32, #tpu.memory_space<vmem>>, vector<16xf32>,
    %get3A_70 = vector.shape_cast %get3A_69 : vector<16xf32> to vector<16xf32>
    %max3A_71 = arith.maximumf %max3A_67, %get3A_70 : vector<16xf32>
    %get3A_72 = arith.constant 1024 : index
    %get3A_73 = tpu.vector_load %arg15[%get3A_72] {strides = array<i32>} : memref<4096xf32, #tpu.memory_space<vmem>>, vector<16xf32>,
    %get3A_74 = vector.shape_cast %get3A_73 : vector<16xf32> to vector<16xf32>
    %max3A_75 = arith.maximumf %max3A_71, %get3A_74 : vector<16xf32>
    %get3A_76 = arith.constant 1152 : index
    %get3A_77 = tpu.vector_load %arg15[%get3A_76] {strides = array<i32>} : memref<4096xf32, #tpu.memory_space<vmem>>, vector<16xf32>,
    %get3A_78 = vector.shape_cast %get3A_77 : vector<16xf32> to vector<16xf32>
    %max3A_79 = arith.maximumf %max3A_75, %get3A_78 : vector<16xf32>
    %get3A_80 = arith.constant 1280 : index
    %get3A_81 = tpu.vector_load %arg15[%get3A_80] {strides = array<i32>} : memref<4096xf32, #tpu.memory_space<vmem>>, vector<16xf32>,
    %get3A_82 = vector.shape_cast %get3A_81 : vector<16xf32> to vector<16xf32>
    %max3A_83 = arith.maximumf %max3A_79, %get3A_82 : vector<16xf32>
    %get3A_84 = arith.constant 1408 : index
    %get3A_85 = tpu.vector_load %arg15[%get3A_84] {strides = array<i32>} : memref<4096xf32, #tpu.memory_space<vmem>>, vector<16xf32>,
    %get3A_86 = vector.shape_cast %get3A_85 : vector<16xf32> to vector<16xf32>
    %max3A_87 = arith.maximumf %max3A_83, %get3A_86 : vector<16xf32>
    %get3A_88 = arith.constant 1536 : index
    %get3A_89 = tpu.vector_load %arg15[%get3A_88] {strides = array<i32>} : memref<4096xf32, #tpu.memory_space<vmem>>, vector<16xf32>,
    %get3A_90 = vector.shape_cast %get3A_89 : vector<16xf32> to vector<16xf32>
    %max3A_91 = arith.maximumf %max3A_87, %get3A_90 : vector<16xf32>
    %get3A_92 = arith.constant 1664 : index
    %get3A_93 = tpu.vector_load %arg15[%get3A_92] {strides = array<i32>} : memref<4096xf32, #tpu.memory_space<vmem>>, vector<16xf32>,
    %get3A_94 = vector.shape_cast %get3A_93 : vector<16xf32> to vector<16xf32>
    %max3A_95 = arith.maximumf %max3A_91, %get3A_94 : vector<16xf32>
    %get3A_96 = arith.constant 1792 : index
    %get3A_97 = tpu.vector_load %arg15[%get3A_96] {strides = array<i32>} : memref<4096xf32, #tpu.memory_space<vmem>>, vector<16xf32>,
    %get3A_98 = vector.shape_cast %get3A_97 : vector<16xf32> to vector<16xf32>
    %max3A_99 = arith.maximumf %max3A_95, %get3A_98 : vector<16xf32>
    %get3A_100 = arith.constant 1920 : index
    %get3A_101 = tpu.vector_load %arg15[%get3A_100] {strides = array<i32>} : memref<4096xf32, #tpu.memory_space<vmem>>, vector<16xf32>,
    %get3A_102 = vector.shape_cast %get3A_101 : vector<16xf32> to vector<16xf32>
    %max3A_103 = arith.maximumf %max3A_99, %get3A_102 : vector<16xf32>
    %get3A_104 = arith.constant 2048 : index
    %get3A_105 = tpu.vector_load %arg15[%get3A_104] {strides = array<i32>} : memref<4096xf32, #tpu.memory_space<vmem>>, vector<16xf32>,
    %get3A_106 = vector.shape_cast %get3A_105 : vector<16xf32> to vector<16xf32>
    %max3A_107 = arith.maximumf %max3A_103, %get3A_106 : vector<16xf32>
    %get3A_108 = arith.constant 2176 : index
    %get3A_109 = tpu.vector_load %arg15[%get3A_108] {strides = array<i32>} : memref<4096xf32, #tpu.memory_space<vmem>>, vector<16xf32>,
    %get3A_110 = vector.shape_cast %get3A_109 : vector<16xf32> to vector<16xf32>
    %max3A_111 = arith.maximumf %max3A_107, %get3A_110 : vector<16xf32>
    %get3A_112 = arith.constant 2304 : index
    %get3A_113 = tpu.vector_load %arg15[%get3A_112] {strides = array<i32>} : memref<4096xf32, #tpu.memory_space<vmem>>, vector<16xf32>,
    %get3A_114 = vector.shape_cast %get3A_113 : vector<16xf32> to vector<16xf32>
    %max3A_115 = arith.maximumf %max3A_111, %get3A_114 : vector<16xf32>
    %get3A_116 = arith.constant 2432 : index
    %get3A_117 = tpu.vector_load %arg15[%get3A_116] {strides = array<i32>} : memref<4096xf32, #tpu.memory_space<vmem>>, vector<16xf32>,
    %get3A_118 = vector.shape_cast %get3A_117 : vector<16xf32> to vector<16xf32>
    %max3A_119 = arith.maximumf %max3A_115, %get3A_118 : vector<16xf32>
    %get3A_120 = arith.constant 2560 : index
    %get3A_121 = tpu.vector_load %arg15[%get3A_120] {strides = array<i32>} : memref<4096xf32, #tpu.memory_space<vmem>>, vector<16xf32>,
    %get3A_122 = vector.shape_cast %get3A_121 : vector<16xf32> to vector<16xf32>
    %max3A_123 = arith.maximumf %max3A_119, %get3A_122 : vector<16xf32>
    %get3A_124 = arith.constant 2688 : index
    %get3A_125 = tpu.vector_load %arg15[%get3A_124] {strides = array<i32>} : memref<4096xf32, #tpu.memory_space<vmem>>, vector<16xf32>,
    %get3A_126 = vector.shape_cast %get3A_125 : vector<16xf32> to vector<16xf32>
    %max3A_127 = arith.maximumf %max3A_123, %get3A_126 : vector<16xf32>
    %get3A_128 = arith.constant 2816 : index
    %get3A_129 = tpu.vector_load %arg15[%get3A_128] {strides = array<i32>} : memref<4096xf32, #tpu.memory_space<vmem>>, vector<16xf32>,
    %get3A_130 = vector.shape_cast %get3A_129 : vector<16xf32> to vector<16xf32>
    %max3A_131 = arith.maximumf %max3A_127, %get3A_130 : vector<16xf32>
    %get3A_132 = arith.constant 2944 : index
    %get3A_133 = tpu.vector_load %arg15[%get3A_132] {strides = array<i32>} : memref<4096xf32, #tpu.memory_space<vmem>>, vector<16xf32>,
    %get3A_134 = vector.shape_cast %get3A_133 : vector<16xf32> to vector<16xf32>
    %max3A_135 = arith.maximumf %max3A_131, %get3A_134 : vector<16xf32>
    %get3A_136 = arith.constant 3072 : index
    %get3A_137 = tpu.vector_load %arg15[%get3A_136] {strides = array<i32>} : memref<4096xf32, #tpu.memory_space<vmem>>, vector<16xf32>,
    %get3A_138 = vector.shape_cast %get3A_137 : vector<16xf32> to vector<16xf32>
    %max3A_139 = arith.maximumf %max3A_135, %get3A_138 : vector<16xf32>
    %get3A_140 = arith.constant 3200 : index
    %get3A_141 = tpu.vector_load %arg15[%get3A_140] {strides = array<i32>} : memref<4096xf32, #tpu.memory_space<vmem>>, vector<16xf32>,
    %get3A_142 = vector.shape_cast %get3A_141 : vector<16xf32> to vector<16xf32>
    %max3A_143 = arith.maximumf %max3A_139, %get3A_142 : vector<16xf32>
    %get3A_144 = arith.constant 3328 : index
    %get3A_145 = tpu.vector_load %arg15[%get3A_144] {strides = array<i32>} : memref<4096xf32, #tpu.memory_space<vmem>>, vector<16xf32>,
    %get3A_146 = vector.shape_cast %get3A_145 : vector<16xf32> to vector<16xf32>
    %max3A_147 = arith.maximumf %max3A_143, %get3A_146 : vector<16xf32>
    %get3A_148 = arith.constant 3456 : index
    %get3A_149 = tpu.vector_load %arg15[%get3A_148] {strides = array<i32>} : memref<4096xf32, #tpu.memory_space<vmem>>, vector<16xf32>,
    %get3A_150 = vector.shape_cast %get3A_149 : vector<16xf32> to vector<16xf32>
    %max3A_151 = arith.maximumf %max3A_147, %get3A_150 : vector<16xf32>
    %get3A_152 = arith.constant 3584 : index
    %get3A_153 = tpu.vector_load %arg15[%get3A_152] {strides = array<i32>} : memref<4096xf32, #tpu.memory_space<vmem>>, vector<16xf32>,
    %get3A_154 = vector.shape_cast %get3A_153 : vector<16xf32> to vector<16xf32>
    %max3A_155 = arith.maximumf %max3A_151, %get3A_154 : vector<16xf32>
    %get3A_156 = arith.constant 3712 : index
    %get3A_157 = tpu.vector_load %arg15[%get3A_156] {strides = array<i32>} : memref<4096xf32, #tpu.memory_space<vmem>>, vector<16xf32>,
    %get3A_158 = vector.shape_cast %get3A_157 : vector<16xf32> to vector<16xf32>
    %max3A_159 = arith.maximumf %max3A_155, %get3A_158 : vector<16xf32>
    %get3A_160 = arith.constant 3840 : index
    %get3A_161 = tpu.vector_load %arg15[%get3A_160] {strides = array<i32>} : memref<4096xf32, #tpu.memory_space<vmem>>, vector<16xf32>,
    %get3A_162 = vector.shape_cast %get3A_161 : vector<16xf32> to vector<16xf32>
    %max3A_163 = arith.maximumf %max3A_159, %get3A_162 : vector<16xf32>
    %get3A_164 = arith.constant 3968 : index
    %get3A_165 = tpu.vector_load %arg15[%get3A_164] {strides = array<i32>} : memref<4096xf32, #tpu.memory_space<vmem>>, vector<16xf32>,
    %get3A_166 = vector.shape_cast %get3A_165 : vector<16xf32> to vector<16xf32>
    %max3A_167 = arith.maximumf %max3A_163, %get3A_166 : vector<16xf32>
    %broadcast_in_dim3A = arith.constant 0 : i32
    %broadcast_in_dim3A_168 = vector.broadcast %broadcast_in_dim3A : i32 to vector<16xi32>
    %broadcast_in_dim3A_169 = vector.shape_cast %broadcast_in_dim3A_168 : vector<16xi32> to vector<16x1xi32>
    %gather3A = vector.shape_cast %broadcast_in_dim3A_169 : vector<16x1xi32> to vector<16xi32>
    %gather3A_170 = tpu.dynamic_gather %max3A_167[%gather3A] in [0] : vector<16xf32>, vector<16xi32> -> vector<16xf32>
    %swap3A = arith.constant 0 : index
    %swap3A_171 = tpu.vector_load %arg16[%swap3A] {strides = array<i32>} : memref<2048xf32, #tpu.memory_space<vmem>>, vector<16xf32>,
    %swap3A_172 = vector.shape_cast %swap3A_171 : vector<16xf32> to vector<16xf32>
    %swap3A_173 = vector.shape_cast %gather3A_170 : vector<16xf32> to vector<16xf32>
    tpu.vector_store %arg16[%swap3A], %swap3A_173 {strides = array<i32>} : memref<2048xf32, #tpu.memory_space<vmem>>, vector<16xf32>,
    %broadcast_in_dim3A_174 = arith.constant 1 : i32
    %broadcast_in_dim3A_175 = vector.broadcast %broadcast_in_dim3A_174 : i32 to vector<16xi32>
    %broadcast_in_dim3A_176 = vector.shape_cast %broadcast_in_dim3A_175 : vector<16xi32> to vector<16x1xi32>
    %gather3A_177 = vector.shape_cast %broadcast_in_dim3A_176 : vector<16x1xi32> to vector<16xi32>
    %gather3A_178 = tpu.dynamic_gather %max3A_167[%gather3A_177] in [0] : vector<16xf32>, vector<16xi32> -> vector<16xf32>
    %swap3A_179 = arith.constant 16 : index
    %swap3A_180 = tpu.vector_load %arg16[%swap3A_179] {strides = array<i32>} : memref<2048xf32, #tpu.memory_space<vmem>>, vector<16xf32>,
    %swap3A_181 = vector.shape_cast %swap3A_180 : vector<16xf32> to vector<16xf32>
    %swap3A_182 = vector.shape_cast %gather3A_178 : vector<16xf32> to vector<16xf32>
    tpu.vector_store %arg16[%swap3A_179], %swap3A_182 {strides = array<i32>} : memref<2048xf32, #tpu.memory_space<vmem>>, vector<16xf32>,
    %broadcast_in_dim3A_183 = arith.constant 2 : i32
    %broadcast_in_dim3A_184 = vector.broadcast %broadcast_in_dim3A_183 : i32 to vector<16xi32>
    %broadcast_in_dim3A_185 = vector.shape_cast %broadcast_in_dim3A_184 : vector<16xi32> to vector<16x1xi32>
    %gather3A_186 = vector.shape_cast %broadcast_in_dim3A_185 : vector<16x1xi32> to vector<16xi32>
    %gather3A_187 = tpu.dynamic_gather %max3A_167[%gather3A_186] in [0] : vector<16xf32>, vector<16xi32> -> vector<16xf32>
    %swap3A_188 = arith.constant 32 : index
    %swap3A_189 = tpu.vector_load %arg16[%swap3A_188] {strides = array<i32>} : memref<2048xf32, #tpu.memory_space<vmem>>, vector<16xf32>,
    %swap3A_190 = vector.shape_cast %swap3A_189 : vector<16xf32> to vector<16xf32>
    %swap3A_191 = vector.shape_cast %gather3A_187 : vector<16xf32> to vector<16xf32>
    tpu.vector_store %arg16[%swap3A_188], %swap3A_191 {strides = array<i32>} : memref<2048xf32, #tpu.memory_space<vmem>>, vector<16xf32>,
    %broadcast_in_dim3A_192 = arith.constant 3 : i32
    %broadcast_in_dim3A_193 = vector.broadcast %broadcast_in_dim3A_192 : i32 to vector<16xi32>
    %broadcast_in_dim3A_194 = vector.shape_cast %broadcast_in_dim3A_193 : vector<16xi32> to vector<16x1xi32>
    %gather3A_195 = vector.shape_cast %broadcast_in_dim3A_194 : vector<16x1xi32> to vector<16xi32>
    %gather3A_196 = tpu.dynamic_gather %max3A_167[%gather3A_195] in [0] : vector<16xf32>, vector<16xi32> -> vector<16xf32>
    %swap3A_197 = arith.constant 48 : index
    %swap3A_198 = tpu.vector_load %arg16[%swap3A_197] {strides = array<i32>} : memref<2048xf32, #tpu.memory_space<vmem>>, vector<16xf32>,
    %swap3A_199 = vector.shape_cast %swap3A_198 : vector<16xf32> to vector<16xf32>
    %swap3A_200 = vector.shape_cast %gather3A_196 : vector<16xf32> to vector<16xf32>
    tpu.vector_store %arg16[%swap3A_197], %swap3A_200 {strides = array<i32>} : memref<2048xf32, #tpu.memory_space<vmem>>, vector<16xf32>,
    %broadcast_in_dim3A_201 = arith.constant 4 : i32
    %broadcast_in_dim3A_202 = vector.broadcast %broadcast_in_dim3A_201 : i32 to vector<16xi32>
    %broadcast_in_dim3A_203 = vector.shape_cast %broadcast_in_dim3A_202 : vector<16xi32> to vector<16x1xi32>
    %gather3A_204 = vector.shape_cast %broadcast_in_dim3A_203 : vector<16x1xi32> to vector<16xi32>
    %gather3A_205 = tpu.dynamic_gather %max3A_167[%gather3A_204] in [0] : vector<16xf32>, vector<16xi32> -> vector<16xf32>
    %swap3A_206 = arith.constant 64 : index
    %swap3A_207 = tpu.vector_load %arg16[%swap3A_206] {strides = array<i32>} : memref<2048xf32, #tpu.memory_space<vmem>>, vector<16xf32>,
    %swap3A_208 = vector.shape_cast %swap3A_207 : vector<16xf32> to vector<16xf32>
    %swap3A_209 = vector.shape_cast %gather3A_205 : vector<16xf32> to vector<16xf32>
    tpu.vector_store %arg16[%swap3A_206], %swap3A_209 {strides = array<i32>} : memref<2048xf32, #tpu.memory_space<vmem>>, vector<16xf32>,
    %broadcast_in_dim3A_210 = arith.constant 5 : i32
    %broadcast_in_dim3A_211 = vector.broadcast %broadcast_in_dim3A_210 : i32 to vector<16xi32>
    %broadcast_in_dim3A_212 = vector.shape_cast %broadcast_in_dim3A_211 : vector<16xi32> to vector<16x1xi32>
    %gather3A_213 = vector.shape_cast %broadcast_in_dim3A_212 : vector<16x1xi32> to vector<16xi32>
    %gather3A_214 = tpu.dynamic_gather %max3A_167[%gather3A_213] in [0] : vector<16xf32>, vector<16xi32> -> vector<16xf32>
    %swap3A_215 = arith.constant 80 : index
    %swap3A_216 = tpu.vector_load %arg16[%swap3A_215] {strides = array<i32>} : memref<2048xf32, #tpu.memory_space<vmem>>, vector<16xf32>,
    %swap3A_217 = vector.shape_cast %swap3A_216 : vector<16xf32> to vector<16xf32>
    %swap3A_218 = vector.shape_cast %gather3A_214 : vector<16xf32> to vector<16xf32>
    tpu.vector_store %arg16[%swap3A_215], %swap3A_218 {strides = array<i32>} : memref<2048xf32, #tpu.memory_space<vmem>>, vector<16xf32>,
    %broadcast_in_dim3A_219 = arith.constant 6 : i32
    %broadcast_in_dim3A_220 = vector.broadcast %broadcast_in_dim3A_219 : i32 to vector<16xi32>
    %broadcast_in_dim3A_221 = vector.shape_cast %broadcast_in_dim3A_220 : vector<16xi32> to vector<16x1xi32>
    %gather3A_222 = vector.shape_cast %broadcast_in_dim3A_221 : vector<16x1xi32> to vector<16xi32>
    %gather3A_223 = tpu.dynamic_gather %max3A_167[%gather3A_222] in [0] : vector<16xf32>, vector<16xi32> -> vector<16xf32>
    %swap3A_224 = arith.constant 96 : index
    %swap3A_225 = tpu.vector_load %arg16[%swap3A_224] {strides = array<i32>} : memref<2048xf32, #tpu.memory_space<vmem>>, vector<16xf32>,
    %swap3A_226 = vector.shape_cast %swap3A_225 : vector<16xf32> to vector<16xf32>
    %swap3A_227 = vector.shape_cast %gather3A_223 : vector<16xf32> to vector<16xf32>
    tpu.vector_store %arg16[%swap3A_224], %swap3A_227 {strides = array<i32>} : memref<2048xf32, #tpu.memory_space<vmem>>, vector<16xf32>,
    %broadcast_in_dim3A_228 = arith.constant 7 : i32
    %broadcast_in_dim3A_229 = vector.broadcast %broadcast_in_dim3A_228 : i32 to vector<16xi32>
    %broadcast_in_dim3A_230 = vector.shape_cast %broadcast_in_dim3A_229 : vector<16xi32> to vector<16x1xi32>
    %gather3A_231 = vector.shape_cast %broadcast_in_dim3A_230 : vector<16x1xi32> to vector<16xi32>
    %gather3A_232 = tpu.dynamic_gather %max3A_167[%gather3A_231] in [0] : vector<16xf32>, vector<16xi32> -> vector<16xf32>
    %swap3A_233 = arith.constant 112 : index
    %swap3A_234 = tpu.vector_load %arg16[%swap3A_233] {strides = array<i32>} : memref<2048xf32, #tpu.memory_space<vmem>>, vector<16xf32>,
    %swap3A_235 = vector.shape_cast %swap3A_234 : vector<16xf32> to vector<16xf32>
    %swap3A_236 = vector.shape_cast %gather3A_232 : vector<16xf32> to vector<16xf32>
    tpu.vector_store %arg16[%swap3A_233], %swap3A_236 {strides = array<i32>} : memref<2048xf32, #tpu.memory_space<vmem>>, vector<16xf32>,
    %broadcast_in_dim3A_237 = arith.constant 8 : i32
    %broadcast_in_dim3A_238 = vector.broadcast %broadcast_in_dim3A_237 : i32 to vector<16xi32>
    %broadcast_in_dim3A_239 = vector.shape_cast %broadcast_in_dim3A_238 : vector<16xi32> to vector<16x1xi32>
    %gather3A_240 = vector.shape_cast %broadcast_in_dim3A_239 : vector<16x1xi32> to vector<16xi32>
    %gather3A_241 = tpu.dynamic_gather %max3A_167[%gather3A_240] in [0] : vector<16xf32>, vector<16xi32> -> vector<16xf32>
    %swap3A_242 = arith.constant 128 : index
    %swap3A_243 = tpu.vector_load %arg16[%swap3A_242] {strides = array<i32>} : memref<2048xf32, #tpu.memory_space<vmem>>, vector<16xf32>,
    %swap3A_244 = vector.shape_cast %swap3A_243 : vector<16xf32> to vector<16xf32>
    %swap3A_245 = vector.shape_cast %gather3A_241 : vector<16xf32> to vector<16xf32>
    tpu.vector_store %arg16[%swap3A_242], %swap3A_245 {strides = array<i32>} : memref<2048xf32, #tpu.memory_space<vmem>>, vector<16xf32>,
    %broadcast_in_dim3A_246 = arith.constant 9 : i32
    %broadcast_in_dim3A_247 = vector.broadcast %broadcast_in_dim3A_246 : i32 to vector<16xi32>
    %broadcast_in_dim3A_248 = vector.shape_cast %broadcast_in_dim3A_247 : vector<16xi32> to vector<16x1xi32>
    %gather3A_249 = vector.shape_cast %broadcast_in_dim3A_248 : vector<16x1xi32> to vector<16xi32>
    %gather3A_250 = tpu.dynamic_gather %max3A_167[%gather3A_249] in [0] : vector<16xf32>, vector<16xi32> -> vector<16xf32>
    %swap3A_251 = arith.constant 144 : index
    %swap3A_252 = tpu.vector_load %arg16[%swap3A_251] {strides = array<i32>} : memref<2048xf32, #tpu.memory_space<vmem>>, vector<16xf32>,
    %swap3A_253 = vector.shape_cast %swap3A_252 : vector<16xf32> to vector<16xf32>
    %swap3A_254 = vector.shape_cast %gather3A_250 : vector<16xf32> to vector<16xf32>
    tpu.vector_store %arg16[%swap3A_251], %swap3A_254 {strides = array<i32>} : memref<2048xf32, #tpu.memory_space<vmem>>, vector<16xf32>,
    %broadcast_in_dim3A_255 = arith.constant 10 : i32
    %broadcast_in_dim3A_256 = vector.broadcast %broadcast_in_dim3A_255 : i32 to vector<16xi32>
    %broadcast_in_dim3A_257 = vector.shape_cast %broadcast_in_dim3A_256 : vector<16xi32> to vector<16x1xi32>
    %gather3A_258 = vector.shape_cast %broadcast_in_dim3A_257 : vector<16x1xi32> to vector<16xi32>
    %gather3A_259 = tpu.dynamic_gather %max3A_167[%gather3A_258] in [0] : vector<16xf32>, vector<16xi32> -> vector<16xf32>
    %swap3A_260 = arith.constant 160 : index
    %swap3A_261 = tpu.vector_load %arg16[%swap3A_260] {strides = array<i32>} : memref<2048xf32, #tpu.memory_space<vmem>>, vector<16xf32>,
    %swap3A_262 = vector.shape_cast %swap3A_261 : vector<16xf32> to vector<16xf32>
    %swap3A_263 = vector.shape_cast %gather3A_259 : vector<16xf32> to vector<16xf32>
    tpu.vector_store %arg16[%swap3A_260], %swap3A_263 {strides = array<i32>} : memref<2048xf32, #tpu.memory_space<vmem>>, vector<16xf32>,
    %broadcast_in_dim3A_264 = arith.constant 11 : i32
    %broadcast_in_dim3A_265 = vector.broadcast %broadcast_in_dim3A_264 : i32 to vector<16xi32>
    %broadcast_in_dim3A_266 = vector.shape_cast %broadcast_in_dim3A_265 : vector<16xi32> to vector<16x1xi32>
    %gather3A_267 = vector.shape_cast %broadcast_in_dim3A_266 : vector<16x1xi32> to vector<16xi32>
    %gather3A_268 = tpu.dynamic_gather %max3A_167[%gather3A_267] in [0] : vector<16xf32>, vector<16xi32> -> vector<16xf32>
    %swap3A_269 = arith.constant 176 : index
    %swap3A_270 = tpu.vector_load %arg16[%swap3A_269] {strides = array<i32>} : memref<2048xf32, #tpu.memory_space<vmem>>, vector<16xf32>,
    %swap3A_271 = vector.shape_cast %swap3A_270 : vector<16xf32> to vector<16xf32>
    %swap3A_272 = vector.shape_cast %gather3A_268 : vector<16xf32> to vector<16xf32>
    tpu.vector_store %arg16[%swap3A_269], %swap3A_272 {strides = array<i32>} : memref<2048xf32, #tpu.memory_space<vmem>>, vector<16xf32>,
    %broadcast_in_dim3A_273 = arith.constant 12 : i32
    %broadcast_in_dim3A_274 = vector.broadcast %broadcast_in_dim3A_273 : i32 to vector<16xi32>
    %broadcast_in_dim3A_275 = vector.shape_cast %broadcast_in_dim3A_274 : vector<16xi32> to vector<16x1xi32>
    %gather3A_276 = vector.shape_cast %broadcast_in_dim3A_275 : vector<16x1xi32> to vector<16xi32>
    %gather3A_277 = tpu.dynamic_gather %max3A_167[%gather3A_276] in [0] : vector<16xf32>, vector<16xi32> -> vector<16xf32>
    %swap3A_278 = arith.constant 192 : index
    %swap3A_279 = tpu.vector_load %arg16[%swap3A_278] {strides = array<i32>} : memref<2048xf32, #tpu.memory_space<vmem>>, vector<16xf32>,
    %swap3A_280 = vector.shape_cast %swap3A_279 : vector<16xf32> to vector<16xf32>
    %swap3A_281 = vector.shape_cast %gather3A_277 : vector<16xf32> to vector<16xf32>
    tpu.vector_store %arg16[%swap3A_278], %swap3A_281 {strides = array<i32>} : memref<2048xf32, #tpu.memory_space<vmem>>, vector<16xf32>,
    %broadcast_in_dim3A_282 = arith.constant 13 : i32
    %broadcast_in_dim3A_283 = vector.broadcast %broadcast_in_dim3A_282 : i32 to vector<16xi32>
    %broadcast_in_dim3A_284 = vector.shape_cast %broadcast_in_dim3A_283 : vector<16xi32> to vector<16x1xi32>
    %gather3A_285 = vector.shape_cast %broadcast_in_dim3A_284 : vector<16x1xi32> to vector<16xi32>
    %gather3A_286 = tpu.dynamic_gather %max3A_167[%gather3A_285] in [0] : vector<16xf32>, vector<16xi32> -> vector<16xf32>
    %swap3A_287 = arith.constant 208 : index
    %swap3A_288 = tpu.vector_load %arg16[%swap3A_287] {strides = array<i32>} : memref<2048xf32, #tpu.memory_space<vmem>>, vector<16xf32>,
    %swap3A_289 = vector.shape_cast %swap3A_288 : vector<16xf32> to vector<16xf32>
    %swap3A_290 = vector.shape_cast %gather3A_286 : vector<16xf32> to vector<16xf32>
    tpu.vector_store %arg16[%swap3A_287], %swap3A_290 {strides = array<i32>} : memref<2048xf32, #tpu.memory_space<vmem>>, vector<16xf32>,
    %broadcast_in_dim3A_291 = arith.constant 14 : i32
    %broadcast_in_dim3A_292 = vector.broadcast %broadcast_in_dim3A_291 : i32 to vector<16xi32>
    %broadcast_in_dim3A_293 = vector.shape_cast %broadcast_in_dim3A_292 : vector<16xi32> to vector<16x1xi32>
    %gather3A_294 = vector.shape_cast %broadcast_in_dim3A_293 : vector<16x1xi32> to vector<16xi32>
    %gather3A_295 = tpu.dynamic_gather %max3A_167[%gather3A_294] in [0] : vector<16xf32>, vector<16xi32> -> vector<16xf32>
    %swap3A_296 = arith.constant 224 : index
    %swap3A_297 = tpu.vector_load %arg16[%swap3A_296] {strides = array<i32>} : memref<2048xf32, #tpu.memory_space<vmem>>, vector<16xf32>,
    %swap3A_298 = vector.shape_cast %swap3A_297 : vector<16xf32> to vector<16xf32>
    %swap3A_299 = vector.shape_cast %gather3A_295 : vector<16xf32> to vector<16xf32>
    tpu.vector_store %arg16[%swap3A_296], %swap3A_299 {strides = array<i32>} : memref<2048xf32, #tpu.memory_space<vmem>>, vector<16xf32>,
    %broadcast_in_dim3A_300 = arith.constant 15 : i32
    %broadcast_in_dim3A_301 = vector.broadcast %broadcast_in_dim3A_300 : i32 to vector<16xi32>
    %broadcast_in_dim3A_302 = vector.shape_cast %broadcast_in_dim3A_301 : vector<16xi32> to vector<16x1xi32>
    %gather3A_303 = vector.shape_cast %broadcast_in_dim3A_302 : vector<16x1xi32> to vector<16xi32>
    %gather3A_304 = tpu.dynamic_gather %max3A_167[%gather3A_303] in [0] : vector<16xf32>, vector<16xi32> -> vector<16xf32>
    %swap3A_305 = arith.constant 240 : index
    %swap3A_306 = tpu.vector_load %arg16[%swap3A_305] {strides = array<i32>} : memref<2048xf32, #tpu.memory_space<vmem>>, vector<16xf32>,
    %swap3A_307 = vector.shape_cast %swap3A_306 : vector<16xf32> to vector<16xf32>
    %swap3A_308 = vector.shape_cast %gather3A_304 : vector<16xf32> to vector<16xf32>
    tpu.vector_store %arg16[%swap3A_305], %swap3A_308 {strides = array<i32>} : memref<2048xf32, #tpu.memory_space<vmem>>, vector<16xf32>,
    %get3A_309 = arith.constant 16 : index
    %get3A_310 = tpu.vector_load %arg15[%get3A_309] {strides = array<i32>} : memref<4096xf32, #tpu.memory_space<vmem>>, vector<16xf32>,
    %get3A_311 = vector.shape_cast %get3A_310 : vector<16xf32> to vector<16xf32>
    %get3A_312 = arith.constant 144 : index
    %get3A_313 = tpu.vector_load %arg15[%get3A_312] {strides = array<i32>} : memref<4096xf32, #tpu.memory_space<vmem>>, vector<16xf32>,
    %get3A_314 = vector.shape_cast %get3A_313 : vector<16xf32> to vector<16xf32>
    %max3A_315 = arith.maximumf %get3A_311, %get3A_314 : vector<16xf32>
    %get3A_316 = arith.constant 272 : index
    %get3A_317 = tpu.vector_load %arg15[%get3A_316] {strides = array<i32>} : memref<4096xf32, #tpu.memory_space<vmem>>, vector<16xf32>,
    %get3A_318 = vector.shape_cast %get3A_317 : vector<16xf32> to vector<16xf32>
    %max3A_319 = arith.maximumf %max3A_315, %get3A_318 : vector<16xf32>
    %get3A_320 = arith.constant 400 : index
    %get3A_321 = tpu.vector_load %arg15[%get3A_320] {strides = array<i32>} : memref<4096xf32, #tpu.memory_space<vmem>>, vector<16xf32>,
    %get3A_322 = vector.shape_cast %get3A_321 : vector<16xf32> to vector<16xf32>
    %max3A_323 = arith.maximumf %max3A_319, %get3A_322 : vector<16xf32>
    %get3A_324 = arith.constant 528 : index
    %get3A_325 = tpu.vector_load %arg15[%get3A_324] {strides = array<i32>} : memref<4096xf32, #tpu.memory_space<vmem>>, vector<16xf32>,
    %get3A_326 = vector.shape_cast %get3A_325 : vector<16xf32> to vector<16xf32>
    %max3A_327 = arith.maximumf %max3A_323, %get3A_326 : vector<16xf32>
    %get3A_328 = arith.constant 656 : index
    %get3A_329 = tpu.vector_load %arg15[%get3A_328] {strides = array<i32>} : memref<4096xf32, #tpu.memory_space<vmem>>, vector<16xf32>,
    %get3A_330 = vector.shape_cast %get3A_329 : vector<16xf32> to vector<16xf32>
    %max3A_331 = arith.maximumf %max3A_327, %get3A_330 : vector<16xf32>
    %get3A_332 = arith.constant 784 : index
    %get3A_333 = tpu.vector_load %arg15[%get3A_332] {strides = array<i32>} : memref<4096xf32, #tpu.memory_space<vmem>>, vector<16xf32>,
    %get3A_334 = vector.shape_cast %get3A_333 : vector<16xf32> to vector<16xf32>
    %max3A_335 = arith.maximumf %max3A_331, %get3A_334 : vector<16xf32>
    %get3A_336 = arith.constant 912 : index
    %get3A_337 = tpu.vector_load %arg15[%get3A_336] {strides = array<i32>} : memref<4096xf32, #tpu.memory_space<vmem>>, vector<16xf32>,
    %get3A_338 = vector.shape_cast %get3A_337 : vector<16xf32> to vector<16xf32>
    %max3A_339 = arith.maximumf %max3A_335, %get3A_338 : vector<16xf32>
    %get3A_340 = arith.constant 1040 : index
    %get3A_341 = tpu.vector_load %arg15[%get3A_340] {strides = array<i32>} : memref<4096xf32, #tpu.memory_space<vmem>>, vector<16xf32>,
    %get3A_342 = vector.shape_cast %get3A_341 : vector<16xf32> to vector<16xf32>
    %max3A_343 = arith.maximumf %max3A_339, %get3A_342 : vector<16xf32>
    %get3A_344 = arith.constant 1168 : index
    %get3A_345 = tpu.vector_load %arg15[%get3A_344] {strides = array<i32>} : memref<4096xf32, #tpu.memory_space<vmem>>, vector<16xf32>,
    %get3A_346 = vector.shape_cast %get3A_345 : vector<16xf32> to vector<16xf32>
    %max3A_347 = arith.maximumf %max3A_343, %get3A_346 : vector<16xf32>
    %get3A_348 = arith.constant 1296 : index
    %get3A_349 = tpu.vector_load %arg15[%get3A_348] {strides = array<i32>} : memref<4096xf32, #tpu.memory_space<vmem>>, vector<16xf32>,
    %get3A_350 = vector.shape_cast %get3A_349 : vector<16xf32> to vector<16xf32>
    %max3A_351 = arith.maximumf %max3A_347, %get3A_350 : vector<16xf32>
    %get3A_352 = arith.constant 1424 : index
    %get3A_353 = tpu.vector_load %arg15[%get3A_352] {strides = array<i32>} : memref<4096xf32, #tpu.memory_space<vmem>>, vector<16xf32>,
    %get3A_354 = vector.shape_cast %get3A_353 : vector<16xf32> to vector<16xf32>
    %max3A_355 = arith.maximumf %max3A_351, %get3A_354 : vector<16xf32>
    %get3A_356 = arith.constant 1552 : index
    %get3A_357 = tpu.vector_load %arg15[%get3A_356] {strides = array<i32>} : memref<4096xf32, #tpu.memory_space<vmem>>, vector<16xf32>,
    %get3A_358 = vector.shape_cast %get3A_357 : vector<16xf32> to vector<16xf32>
    %max3A_359 = arith.maximumf %max3A_355, %get3A_358 : vector<16xf32>
    %get3A_360 = arith.constant 1680 : index
    %get3A_361 = tpu.vector_load %arg15[%get3A_360] {strides = array<i32>} : memref<4096xf32, #tpu.memory_space<vmem>>, vector<16xf32>,
    %get3A_362 = vector.shape_cast %get3A_361 : vector<16xf32> to vector<16xf32>
    %max3A_363 = arith.maximumf %max3A_359, %get3A_362 : vector<16xf32>
    %get3A_364 = arith.constant 1808 : index
    %get3A_365 = tpu.vector_load %arg15[%get3A_364] {strides = array<i32>} : memref<4096xf32, #tpu.memory_space<vmem>>, vector<16xf32>,
    %get3A_366 = vector.shape_cast %get3A_365 : vector<16xf32> to vector<16xf32>
    %max3A_367 = arith.maximumf %max3A_363, %get3A_366 : vector<16xf32>
    %get3A_368 = arith.constant 1936 : index
    %get3A_369 = tpu.vector_load %arg15[%get3A_368] {strides = array<i32>} : memref<4096xf32, #tpu.memory_space<vmem>>, vector<16xf32>,
    %get3A_370 = vector.shape_cast %get3A_369 : vector<16xf32> to vector<16xf32>
    %max3A_371 = arith.maximumf %max3A_367, %get3A_370 : vector<16xf32>
    %get3A_372 = arith.constant 2064 : index
    %get3A_373 = tpu.vector_load %arg15[%get3A_372] {strides = array<i32>} : memref<4096xf32, #tpu.memory_space<vmem>>, vector<16xf32>,
    %get3A_374 = vector.shape_cast %get3A_373 : vector<16xf32> to vector<16xf32>
    %max3A_375 = arith.maximumf %max3A_371, %get3A_374 : vector<16xf32>
    %get3A_376 = arith.constant 2192 : index
    %get3A_377 = tpu.vector_load %arg15[%get3A_376] {strides = array<i32>} : memref<4096xf32, #tpu.memory_space<vmem>>, vector<16xf32>,
    %get3A_378 = vector.shape_cast %get3A_377 : vector<16xf32> to vector<16xf32>
    %max3A_379 = arith.maximumf %max3A_375, %get3A_378 : vector<16xf32>
    %get3A_380 = arith.constant 2320 : index
    %get3A_381 = tpu.vector_load %arg15[%get3A_380] {strides = array<i32>} : memref<4096xf32, #tpu.memory_space<vmem>>, vector<16xf32>,
    %get3A_382 = vector.shape_cast %get3A_381 : vector<16xf32> to vector<16xf32>
    %max3A_383 = arith.maximumf %max3A_379, %get3A_382 : vector<16xf32>
    %get3A_384 = arith.constant 2448 : index
    %get3A_385 = tpu.vector_load %arg15[%get3A_384] {strides = array<i32>} : memref<4096xf32, #tpu.memory_space<vmem>>, vector<16xf32>,
    %get3A_386 = vector.shape_cast %get3A_385 : vector<16xf32> to vector<16xf32>
    %max3A_387 = arith.maximumf %max3A_383, %get3A_386 : vector<16xf32>
    %get3A_388 = arith.constant 2576 : index
    %get3A_389 = tpu.vector_load %arg15[%get3A_388] {strides = array<i32>} : memref<4096xf32, #tpu.memory_space<vmem>>, vector<16xf32>,
    %get3A_390 = vector.shape_cast %get3A_389 : vector<16xf32> to vector<16xf32>
    %max3A_391 = arith.maximumf %max3A_387, %get3A_390 : vector<16xf32>
    %get3A_392 = arith.constant 2704 : index
    %get3A_393 = tpu.vector_load %arg15[%get3A_392] {strides = array<i32>} : memref<4096xf32, #tpu.memory_space<vmem>>, vector<16xf32>,
    %get3A_394 = vector.shape_cast %get3A_393 : vector<16xf32> to vector<16xf32>
    %max3A_395 = arith.maximumf %max3A_391, %get3A_394 : vector<16xf32>
    %get3A_396 = arith.constant 2832 : index
    %get3A_397 = tpu.vector_load %arg15[%get3A_396] {strides = array<i32>} : memref<4096xf32, #tpu.memory_space<vmem>>, vector<16xf32>,
    %get3A_398 = vector.shape_cast %get3A_397 : vector<16xf32> to vector<16xf32>
    %max3A_399 = arith.maximumf %max3A_395, %get3A_398 : vector<16xf32>
    %get3A_400 = arith.constant 2960 : index
    %get3A_401 = tpu.vector_load %arg15[%get3A_400] {strides = array<i32>} : memref<4096xf32, #tpu.memory_space<vmem>>, vector<16xf32>,
    %get3A_402 = vector.shape_cast %get3A_401 : vector<16xf32> to vector<16xf32>
    %max3A_403 = arith.maximumf %max3A_399, %get3A_402 : vector<16xf32>
    %get3A_404 = arith.constant 3088 : index
    %get3A_405 = tpu.vector_load %arg15[%get3A_404] {strides = array<i32>} : memref<4096xf32, #tpu.memory_space<vmem>>, vector<16xf32>,
    %get3A_406 = vector.shape_cast %get3A_405 : vector<16xf32> to vector<16xf32>
    %max3A_407 = arith.maximumf %max3A_403, %get3A_406 : vector<16xf32>
    %get3A_408 = arith.constant 3216 : index
    %get3A_409 = tpu.vector_load %arg15[%get3A_408] {strides = array<i32>} : memref<4096xf32, #tpu.memory_space<vmem>>, vector<16xf32>,
    %get3A_410 = vector.shape_cast %get3A_409 : vector<16xf32> to vector<16xf32>
    %max3A_411 = arith.maximumf %max3A_407, %get3A_410 : vector<16xf32>
    %get3A_412 = arith.constant 3344 : index
    %get3A_413 = tpu.vector_load %arg15[%get3A_412] {strides = array<i32>} : memref<4096xf32, #tpu.memory_space<vmem>>, vector<16xf32>,
    %get3A_414 = vector.shape_cast %get3A_413 : vector<16xf32> to vector<16xf32>
    %max3A_415 = arith.maximumf %max3A_411, %get3A_414 : vector<16xf32>
    %get3A_416 = arith.constant 3472 : index
    %get3A_417 = tpu.vector_load %arg15[%get3A_416] {strides = array<i32>} : memref<4096xf32, #tpu.memory_space<vmem>>, vector<16xf32>,
    %get3A_418 = vector.shape_cast %get3A_417 : vector<16xf32> to vector<16xf32>
    %max3A_419 = arith.maximumf %max3A_415, %get3A_418 : vector<16xf32>
    %get3A_420 = arith.constant 3600 : index
    %get3A_421 = tpu.vector_load %arg15[%get3A_420] {strides = array<i32>} : memref<4096xf32, #tpu.memory_space<vmem>>, vector<16xf32>,
    %get3A_422 = vector.shape_cast %get3A_421 : vector<16xf32> to vector<16xf32>
    %max3A_423 = arith.maximumf %max3A_419, %get3A_422 : vector<16xf32>
    %get3A_424 = arith.constant 3728 : index
    %get3A_425 = tpu.vector_load %arg15[%get3A_424] {strides = array<i32>} : memref<4096xf32, #tpu.memory_space<vmem>>, vector<16xf32>,
    %get3A_426 = vector.shape_cast %get3A_425 : vector<16xf32> to vector<16xf32>
    %max3A_427 = arith.maximumf %max3A_423, %get3A_426 : vector<16xf32>
    %get3A_428 = arith.constant 3856 : index
    %get3A_429 = tpu.vector_load %arg15[%get3A_428] {strides = array<i32>} : memref<4096xf32, #tpu.memory_space<vmem>>, vector<16xf32>,
    %get3A_430 = vector.shape_cast %get3A_429 : vector<16xf32> to vector<16xf32>
    %max3A_431 = arith.maximumf %max3A_427, %get3A_430 : vector<16xf32>
    %get3A_432 = arith.constant 3984 : index
    %get3A_433 = tpu.vector_load %arg15[%get3A_432] {strides = array<i32>} : memref<4096xf32, #tpu.memory_space<vmem>>, vector<16xf32>,
    %get3A_434 = vector.shape_cast %get3A_433 : vector<16xf32> to vector<16xf32>
    %max3A_435 = arith.maximumf %max3A_431, %get3A_434 : vector<16xf32>
    %broadcast_in_dim3A_436 = arith.constant 0 : i32
    %broadcast_in_dim3A_437 = vector.broadcast %broadcast_in_dim3A_436 : i32 to vector<16xi32>
    %broadcast_in_dim3A_438 = vector.shape_cast %broadcast_in_dim3A_437 : vector<16xi32> to vector<16x1xi32>
    %gather3A_439 = vector.shape_cast %broadcast_in_dim3A_438 : vector<16x1xi32> to vector<16xi32>
    %gather3A_440 = tpu.dynamic_gather %max3A_435[%gather3A_439] in [0] : vector<16xf32>, vector<16xi32> -> vector<16xf32>
    %swap3A_441 = arith.constant 256 : index
    %swap3A_442 = tpu.vector_load %arg16[%swap3A_441] {strides = array<i32>} : memref<2048xf32, #tpu.memory_space<vmem>>, vector<16xf32>,
    %swap3A_443 = vector.shape_cast %swap3A_442 : vector<16xf32> to vector<16xf32>
    %swap3A_444 = vector.shape_cast %gather3A_440 : vector<16xf32> to vector<16xf32>
    tpu.vector_store %arg16[%swap3A_441], %swap3A_444 {strides = array<i32>} : memref<2048xf32, #tpu.memory_space<vmem>>, vector<16xf32>,
    %broadcast_in_dim3A_445 = arith.constant 1 : i32
    %broadcast_in_dim3A_446 = vector.broadcast %broadcast_in_dim3A_445 : i32 to vector<16xi32>
    %broadcast_in_dim3A_447 = vector.shape_cast %broadcast_in_dim3A_446 : vector<16xi32> to vector<16x1xi32>
    %gather3A_448 = vector.shape_cast %broadcast_in_dim3A_447 : vector<16x1xi32> to vector<16xi32>
    %gather3A_449 = tpu.dynamic_gather %max3A_435[%gather3A_448] in [0] : vector<16xf32>, vector<16xi32> -> vector<16xf32>
    %swap3A_450 = arith.constant 272 : index
    %swap3A_451 = tpu.vector_load %arg16[%swap3A_450] {strides = array<i32>} : memref<2048xf32, #tpu.memory_space<vmem>>, vector<16xf32>,
    %swap3A_452 = vector.shape_cast %swap3A_451 : vector<16xf32> to vector<16xf32>
    %swap3A_453 = vector.shape_cast %gather3A_449 : vector<16xf32> to vector<16xf32>
    tpu.vector_store %arg16[%swap3A_450], %swap3A_453 {strides = array<i32>} : memref<2048xf32, #tpu.memory_space<vmem>>, vector<16xf32>,
    %broadcast_in_dim3A_454 = arith.constant 2 : i32
    %broadcast_in_dim3A_455 = vector.broadcast %broadcast_in_dim3A_454 : i32 to vector<16xi32>
    %broadcast_in_dim3A_456 = vector.shape_cast %broadcast_in_dim3A_455 : vector<16xi32> to vector<16x1xi32>
    %gather3A_457 = vector.shape_cast %broadcast_in_dim3A_456 : vector<16x1xi32> to vector<16xi32>
    %gather3A_458 = tpu.dynamic_gather %max3A_435[%gather3A_457] in [0] : vector<16xf32>, vector<16xi32> -> vector<16xf32>
    %swap3A_459 = arith.constant 288 : index
    %swap3A_460 = tpu.vector_load %arg16[%swap3A_459] {strides = array<i32>} : memref<2048xf32, #tpu.memory_space<vmem>>, vector<16xf32>,
    %swap3A_461 = vector.shape_cast %swap3A_460 : vector<16xf32> to vector<16xf32>
    %swap3A_462 = vector.shape_cast %gather3A_458 : vector<16xf32> to vector<16xf32>
    tpu.vector_store %arg16[%swap3A_459], %swap3A_462 {strides = array<i32>} : memref<2048xf32, #tpu.memory_space<vmem>>, vector<16xf32>,
    %broadcast_in_dim3A_463 = arith.constant 3 : i32
    %broadcast_in_dim3A_464 = vector.broadcast %broadcast_in_dim3A_463 : i32 to vector<16xi32>
    %broadcast_in_dim3A_465 = vector.shape_cast %broadcast_in_dim3A_464 : vector<16xi32> to vector<16x1xi32>
    %gather3A_466 = vector.shape_cast %broadcast_in_dim3A_465 : vector<16x1xi32> to vector<16xi32>
    %gather3A_467 = tpu.dynamic_gather %max3A_435[%gather3A_466] in [0] : vector<16xf32>, vector<16xi32> -> vector<16xf32>
    %swap3A_468 = arith.constant 304 : index
    %swap3A_469 = tpu.vector_load %arg16[%swap3A_468] {strides = array<i32>} : memref<2048xf32, #tpu.memory_space<vmem>>, vector<16xf32>,
    %swap3A_470 = vector.shape_cast %swap3A_469 : vector<16xf32> to vector<16xf32>
    %swap3A_471 = vector.shape_cast %gather3A_467 : vector<16xf32> to vector<16xf32>
    tpu.vector_store %arg16[%swap3A_468], %swap3A_471 {strides = array<i32>} : memref<2048xf32, #tpu.memory_space<vmem>>, vector<16xf32>,
    %broadcast_in_dim3A_472 = arith.constant 4 : i32
    %broadcast_in_dim3A_473 = vector.broadcast %broadcast_in_dim3A_472 : i32 to vector<16xi32>
    %broadcast_in_dim3A_474 = vector.shape_cast %broadcast_in_dim3A_473 : vector<16xi32> to vector<16x1xi32>
    %gather3A_475 = vector.shape_cast %broadcast_in_dim3A_474 : vector<16x1xi32> to vector<16xi32>
    %gather3A_476 = tpu.dynamic_gather %max3A_435[%gather3A_475] in [0] : vector<16xf32>, vector<16xi32> -> vector<16xf32>
    %swap3A_477 = arith.constant 320 : index
    %swap3A_478 = tpu.vector_load %arg16[%swap3A_477] {strides = array<i32>} : memref<2048xf32, #tpu.memory_space<vmem>>, vector<16xf32>,
    %swap3A_479 = vector.shape_cast %swap3A_478 : vector<16xf32> to vector<16xf32>
    %swap3A_480 = vector.shape_cast %gather3A_476 : vector<16xf32> to vector<16xf32>
    tpu.vector_store %arg16[%swap3A_477], %swap3A_480 {strides = array<i32>} : memref<2048xf32, #tpu.memory_space<vmem>>, vector<16xf32>,
    %broadcast_in_dim3A_481 = arith.constant 5 : i32
    %broadcast_in_dim3A_482 = vector.broadcast %broadcast_in_dim3A_481 : i32 to vector<16xi32>
    %broadcast_in_dim3A_483 = vector.shape_cast %broadcast_in_dim3A_482 : vector<16xi32> to vector<16x1xi32>
    %gather3A_484 = vector.shape_cast %broadcast_in_dim3A_483 : vector<16x1xi32> to vector<16xi32>
    %gather3A_485 = tpu.dynamic_gather %max3A_435[%gather3A_484] in [0] : vector<16xf32>, vector<16xi32> -> vector<16xf32>
    %swap3A_486 = arith.constant 336 : index
    %swap3A_487 = tpu.vector_load %arg16[%swap3A_486] {strides = array<i32>} : memref<2048xf32, #tpu.memory_space<vmem>>, vector<16xf32>,
    %swap3A_488 = vector.shape_cast %swap3A_487 : vector<16xf32> to vector<16xf32>
    %swap3A_489 = vector.shape_cast %gather3A_485 : vector<16xf32> to vector<16xf32>
    tpu.vector_store %arg16[%swap3A_486], %swap3A_489 {strides = array<i32>} : memref<2048xf32, #tpu.memory_space<vmem>>, vector<16xf32>,
    %broadcast_in_dim3A_490 = arith.constant 6 : i32
    %broadcast_in_dim3A_491 = vector.broadcast %broadcast_in_dim3A_490 : i32 to vector<16xi32>
    %broadcast_in_dim3A_492 = vector.shape_cast %broadcast_in_dim3A_491 : vector<16xi32> to vector<16x1xi32>
    %gather3A_493 = vector.shape_cast %broadcast_in_dim3A_492 : vector<16x1xi32> to vector<16xi32>
    %gather3A_494 = tpu.dynamic_gather %max3A_435[%gather3A_493] in [0] : vector<16xf32>, vector<16xi32> -> vector<16xf32>
    %swap3A_495 = arith.constant 352 : index
    %swap3A_496 = tpu.vector_load %arg16[%swap3A_495] {strides = array<i32>} : memref<2048xf32, #tpu.memory_space<vmem>>, vector<16xf32>,
    %swap3A_497 = vector.shape_cast %swap3A_496 : vector<16xf32> to vector<16xf32>
    %swap3A_498 = vector.shape_cast %gather3A_494 : vector<16xf32> to vector<16xf32>
    tpu.vector_store %arg16[%swap3A_495], %swap3A_498 {strides = array<i32>} : memref<2048xf32, #tpu.memory_space<vmem>>, vector<16xf32>,
    %broadcast_in_dim3A_499 = arith.constant 7 : i32
    %broadcast_in_dim3A_500 = vector.broadcast %broadcast_in_dim3A_499 : i32 to vector<16xi32>
    %broadcast_in_dim3A_501 = vector.shape_cast %broadcast_in_dim3A_500 : vector<16xi32> to vector<16x1xi32>
    %gather3A_502 = vector.shape_cast %broadcast_in_dim3A_501 : vector<16x1xi32> to vector<16xi32>
    %gather3A_503 = tpu.dynamic_gather %max3A_435[%gather3A_502] in [0] : vector<16xf32>, vector<16xi32> -> vector<16xf32>
    %swap3A_504 = arith.constant 368 : index
    %swap3A_505 = tpu.vector_load %arg16[%swap3A_504] {strides = array<i32>} : memref<2048xf32, #tpu.memory_space<vmem>>, vector<16xf32>,
    %swap3A_506 = vector.shape_cast %swap3A_505 : vector<16xf32> to vector<16xf32>
    %swap3A_507 = vector.shape_cast %gather3A_503 : vector<16xf32> to vector<16xf32>
    tpu.vector_store %arg16[%swap3A_504], %swap3A_507 {strides = array<i32>} : memref<2048xf32, #tpu.memory_space<vmem>>, vector<16xf32>,
    %broadcast_in_dim3A_508 = arith.constant 8 : i32
    %broadcast_in_dim3A_509 = vector.broadcast %broadcast_in_dim3A_508 : i32 to vector<16xi32>
    %broadcast_in_dim3A_510 = vector.shape_cast %broadcast_in_dim3A_509 : vector<16xi32> to vector<16x1xi32>
    %gather3A_511 = vector.shape_cast %broadcast_in_dim3A_510 : vector<16x1xi32> to vector<16xi32>
    %gather3A_512 = tpu.dynamic_gather %max3A_435[%gather3A_511] in [0] : vector<16xf32>, vector<16xi32> -> vector<16xf32>
    %swap3A_513 = arith.constant 384 : index
    %swap3A_514 = tpu.vector_load %arg16[%swap3A_513] {strides = array<i32>} : memref<2048xf32, #tpu.memory_space<vmem>>, vector<16xf32>,
    %swap3A_515 = vector.shape_cast %swap3A_514 : vector<16xf32> to vector<16xf32>
    %swap3A_516 = vector.shape_cast %gather3A_512 : vector<16xf32> to vector<16xf32>
    tpu.vector_store %arg16[%swap3A_513], %swap3A_516 {strides = array<i32>} : memref<2048xf32, #tpu.memory_space<vmem>>, vector<16xf32>,
    %broadcast_in_dim3A_517 = arith.constant 9 : i32
    %broadcast_in_dim3A_518 = vector.broadcast %broadcast_in_dim3A_517 : i32 to vector<16xi32>
    %broadcast_in_dim3A_519 = vector.shape_cast %broadcast_in_dim3A_518 : vector<16xi32> to vector<16x1xi32>
    %gather3A_520 = vector.shape_cast %broadcast_in_dim3A_519 : vector<16x1xi32> to vector<16xi32>
    %gather3A_521 = tpu.dynamic_gather %max3A_435[%gather3A_520] in [0] : vector<16xf32>, vector<16xi32> -> vector<16xf32>
    %swap3A_522 = arith.constant 400 : index
    %swap3A_523 = tpu.vector_load %arg16[%swap3A_522] {strides = array<i32>} : memref<2048xf32, #tpu.memory_space<vmem>>, vector<16xf32>,
    %swap3A_524 = vector.shape_cast %swap3A_523 : vector<16xf32> to vector<16xf32>
    %swap3A_525 = vector.shape_cast %gather3A_521 : vector<16xf32> to vector<16xf32>
    tpu.vector_store %arg16[%swap3A_522], %swap3A_525 {strides = array<i32>} : memref<2048xf32, #tpu.memory_space<vmem>>, vector<16xf32>,
    %broadcast_in_dim3A_526 = arith.constant 10 : i32
    %broadcast_in_dim3A_527 = vector.broadcast %broadcast_in_dim3A_526 : i32 to vector<16xi32>
    %broadcast_in_dim3A_528 = vector.shape_cast %broadcast_in_dim3A_527 : vector<16xi32> to vector<16x1xi32>
    %gather3A_529 = vector.shape_cast %broadcast_in_dim3A_528 : vector<16x1xi32> to vector<16xi32>
    %gather3A_530 = tpu.dynamic_gather %max3A_435[%gather3A_529] in [0] : vector<16xf32>, vector<16xi32> -> vector<16xf32>
    %swap3A_531 = arith.constant 416 : index
    %swap3A_532 = tpu.vector_load %arg16[%swap3A_531] {strides = array<i32>} : memref<2048xf32, #tpu.memory_space<vmem>>, vector<16xf32>,
    %swap3A_533 = vector.shape_cast %swap3A_532 : vector<16xf32> to vector<16xf32>
    %swap3A_534 = vector.shape_cast %gather3A_530 : vector<16xf32> to vector<16xf32>
    tpu.vector_store %arg16[%swap3A_531], %swap3A_534 {strides = array<i32>} : memref<2048xf32, #tpu.memory_space<vmem>>, vector<16xf32>,
    %broadcast_in_dim3A_535 = arith.constant 11 : i32
    %broadcast_in_dim3A_536 = vector.broadcast %broadcast_in_dim3A_535 : i32 to vector<16xi32>
    %broadcast_in_dim3A_537 = vector.shape_cast %broadcast_in_dim3A_536 : vector<16xi32> to vector<16x1xi32>
    %gather3A_538 = vector.shape_cast %broadcast_in_dim3A_537 : vector<16x1xi32> to vector<16xi32>
    %gather3A_539 = tpu.dynamic_gather %max3A_435[%gather3A_538] in [0] : vector<16xf32>, vector<16xi32> -> vector<16xf32>
    %swap3A_540 = arith.constant 432 : index
    %swap3A_541 = tpu.vector_load %arg16[%swap3A_540] {strides = array<i32>} : memref<2048xf32, #tpu.memory_space<vmem>>, vector<16xf32>,
    %swap3A_542 = vector.shape_cast %swap3A_541 : vector<16xf32> to vector<16xf32>
    %swap3A_543 = vector.shape_cast %gather3A_539 : vector<16xf32> to vector<16xf32>
    tpu.vector_store %arg16[%swap3A_540], %swap3A_543 {strides = array<i32>} : memref<2048xf32, #tpu.memory_space<vmem>>, vector<16xf32>,
    %broadcast_in_dim3A_544 = arith.constant 12 : i32
    %broadcast_in_dim3A_545 = vector.broadcast %broadcast_in_dim3A_544 : i32 to vector<16xi32>
    %broadcast_in_dim3A_546 = vector.shape_cast %broadcast_in_dim3A_545 : vector<16xi32> to vector<16x1xi32>
    %gather3A_547 = vector.shape_cast %broadcast_in_dim3A_546 : vector<16x1xi32> to vector<16xi32>
    %gather3A_548 = tpu.dynamic_gather %max3A_435[%gather3A_547] in [0] : vector<16xf32>, vector<16xi32> -> vector<16xf32>
    %swap3A_549 = arith.constant 448 : index
    %swap3A_550 = tpu.vector_load %arg16[%swap3A_549] {strides = array<i32>} : memref<2048xf32, #tpu.memory_space<vmem>>, vector<16xf32>,
    %swap3A_551 = vector.shape_cast %swap3A_550 : vector<16xf32> to vector<16xf32>
    %swap3A_552 = vector.shape_cast %gather3A_548 : vector<16xf32> to vector<16xf32>
    tpu.vector_store %arg16[%swap3A_549], %swap3A_552 {strides = array<i32>} : memref<2048xf32, #tpu.memory_space<vmem>>, vector<16xf32>,
    %broadcast_in_dim3A_553 = arith.constant 13 : i32
    %broadcast_in_dim3A_554 = vector.broadcast %broadcast_in_dim3A_553 : i32 to vector<16xi32>
    %broadcast_in_dim3A_555 = vector.shape_cast %broadcast_in_dim3A_554 : vector<16xi32> to vector<16x1xi32>
    %gather3A_556 = vector.shape_cast %broadcast_in_dim3A_555 : vector<16x1xi32> to vector<16xi32>
    %gather3A_557 = tpu.dynamic_gather %max3A_435[%gather3A_556] in [0] : vector<16xf32>, vector<16xi32> -> vector<16xf32>
    %swap3A_558 = arith.constant 464 : index
    %swap3A_559 = tpu.vector_load %arg16[%swap3A_558] {strides = array<i32>} : memref<2048xf32, #tpu.memory_space<vmem>>, vector<16xf32>,
    %swap3A_560 = vector.shape_cast %swap3A_559 : vector<16xf32> to vector<16xf32>
    %swap3A_561 = vector.shape_cast %gather3A_557 : vector<16xf32> to vector<16xf32>
    tpu.vector_store %arg16[%swap3A_558], %swap3A_561 {strides = array<i32>} : memref<2048xf32, #tpu.memory_space<vmem>>, vector<16xf32>,
    %broadcast_in_dim3A_562 = arith.constant 14 : i32
    %broadcast_in_dim3A_563 = vector.broadcast %broadcast_in_dim3A_562 : i32 to vector<16xi32>
    %broadcast_in_dim3A_564 = vector.shape_cast %broadcast_in_dim3A_563 : vector<16xi32> to vector<16x1xi32>
    %gather3A_565 = vector.shape_cast %broadcast_in_dim3A_564 : vector<16x1xi32> to vector<16xi32>
    %gather3A_566 = tpu.dynamic_gather %max3A_435[%gather3A_565] in [0] : vector<16xf32>, vector<16xi32> -> vector<16xf32>
    %swap3A_567 = arith.constant 480 : index
    %swap3A_568 = tpu.vector_load %arg16[%swap3A_567] {strides = array<i32>} : memref<2048xf32, #tpu.memory_space<vmem>>, vector<16xf32>,
    %swap3A_569 = vector.shape_cast %swap3A_568 : vector<16xf32> to vector<16xf32>
    %swap3A_570 = vector.shape_cast %gather3A_566 : vector<16xf32> to vector<16xf32>
    tpu.vector_store %arg16[%swap3A_567], %swap3A_570 {strides = array<i32>} : memref<2048xf32, #tpu.memory_space<vmem>>, vector<16xf32>,
    %broadcast_in_dim3A_571 = arith.constant 15 : i32
    %broadcast_in_dim3A_572 = vector.broadcast %broadcast_in_dim3A_571 : i32 to vector<16xi32>
    %broadcast_in_dim3A_573 = vector.shape_cast %broadcast_in_dim3A_572 : vector<16xi32> to vector<16x1xi32>
    %gather3A_574 = vector.shape_cast %broadcast_in_dim3A_573 : vector<16x1xi32> to vector<16xi32>
    %gather3A_575 = tpu.dynamic_gather %max3A_435[%gather3A_574] in [0] : vector<16xf32>, vector<16xi32> -> vector<16xf32>
    %swap3A_576 = arith.constant 496 : index
    %swap3A_577 = tpu.vector_load %arg16[%swap3A_576] {strides = array<i32>} : memref<2048xf32, #tpu.memory_space<vmem>>, vector<16xf32>,
    %swap3A_578 = vector.shape_cast %swap3A_577 : vector<16xf32> to vector<16xf32>
    %swap3A_579 = vector.shape_cast %gather3A_575 : vector<16xf32> to vector<16xf32>
    tpu.vector_store %arg16[%swap3A_576], %swap3A_579 {strides = array<i32>} : memref<2048xf32, #tpu.memory_space<vmem>>, vector<16xf32>,
    %get3A_580 = arith.constant 32 : index
    %get3A_581 = tpu.vector_load %arg15[%get3A_580] {strides = array<i32>} : memref<4096xf32, #tpu.memory_space<vmem>>, vector<16xf32>,
    %get3A_582 = vector.shape_cast %get3A_581 : vector<16xf32> to vector<16xf32>
    %get3A_583 = arith.constant 160 : index
    %get3A_584 = tpu.vector_load %arg15[%get3A_583] {strides = array<i32>} : memref<4096xf32, #tpu.memory_space<vmem>>, vector<16xf32>,
    %get3A_585 = vector.shape_cast %get3A_584 : vector<16xf32> to vector<16xf32>
    %max3A_586 = arith.maximumf %get3A_582, %get3A_585 : vector<16xf32>
    %get3A_587 = arith.constant 288 : index
    %get3A_588 = tpu.vector_load %arg15[%get3A_587] {strides = array<i32>} : memref<4096xf32, #tpu.memory_space<vmem>>, vector<16xf32>,
    %get3A_589 = vector.shape_cast %get3A_588 : vector<16xf32> to vector<16xf32>
    %max3A_590 = arith.maximumf %max3A_586, %get3A_589 : vector<16xf32>
    %get3A_591 = arith.constant 416 : index
    %get3A_592 = tpu.vector_load %arg15[%get3A_591] {strides = array<i32>} : memref<4096xf32, #tpu.memory_space<vmem>>, vector<16xf32>,
    %get3A_593 = vector.shape_cast %get3A_592 : vector<16xf32> to vector<16xf32>
    %max3A_594 = arith.maximumf %max3A_590, %get3A_593 : vector<16xf32>
    %get3A_595 = arith.constant 544 : index
    %get3A_596 = tpu.vector_load %arg15[%get3A_595] {strides = array<i32>} : memref<4096xf32, #tpu.memory_space<vmem>>, vector<16xf32>,
    %get3A_597 = vector.shape_cast %get3A_596 : vector<16xf32> to vector<16xf32>
    %max3A_598 = arith.maximumf %max3A_594, %get3A_597 : vector<16xf32>
    %get3A_599 = arith.constant 672 : index
    %get3A_600 = tpu.vector_load %arg15[%get3A_599] {strides = array<i32>} : memref<4096xf32, #tpu.memory_space<vmem>>, vector<16xf32>,
    %get3A_601 = vector.shape_cast %get3A_600 : vector<16xf32> to vector<16xf32>
    %max3A_602 = arith.maximumf %max3A_598, %get3A_601 : vector<16xf32>
    %get3A_603 = arith.constant 800 : index
    %get3A_604 = tpu.vector_load %arg15[%get3A_603] {strides = array<i32>} : memref<4096xf32, #tpu.memory_space<vmem>>, vector<16xf32>,
    %get3A_605 = vector.shape_cast %get3A_604 : vector<16xf32> to vector<16xf32>
    %max3A_606 = arith.maximumf %max3A_602, %get3A_605 : vector<16xf32>
    %get3A_607 = arith.constant 928 : index
    %get3A_608 = tpu.vector_load %arg15[%get3A_607] {strides = array<i32>} : memref<4096xf32, #tpu.memory_space<vmem>>, vector<16xf32>,
    %get3A_609 = vector.shape_cast %get3A_608 : vector<16xf32> to vector<16xf32>
    %max3A_610 = arith.maximumf %max3A_606, %get3A_609 : vector<16xf32>
    %get3A_611 = arith.constant 1056 : index
    %get3A_612 = tpu.vector_load %arg15[%get3A_611] {strides = array<i32>} : memref<4096xf32, #tpu.memory_space<vmem>>, vector<16xf32>,
    %get3A_613 = vector.shape_cast %get3A_612 : vector<16xf32> to vector<16xf32>
    %max3A_614 = arith.maximumf %max3A_610, %get3A_613 : vector<16xf32>
    %get3A_615 = arith.constant 1184 : index
    %get3A_616 = tpu.vector_load %arg15[%get3A_615] {strides = array<i32>} : memref<4096xf32, #tpu.memory_space<vmem>>, vector<16xf32>,
    %get3A_617 = vector.shape_cast %get3A_616 : vector<16xf32> to vector<16xf32>
    %max3A_618 = arith.maximumf %max3A_614, %get3A_617 : vector<16xf32>
    %get3A_619 = arith.constant 1312 : index
    %get3A_620 = tpu.vector_load %arg15[%get3A_619] {strides = array<i32>} : memref<4096xf32, #tpu.memory_space<vmem>>, vector<16xf32>,
    %get3A_621 = vector.shape_cast %get3A_620 : vector<16xf32> to vector<16xf32>
    %max3A_622 = arith.maximumf %max3A_618, %get3A_621 : vector<16xf32>
    %get3A_623 = arith.constant 1440 : index
    %get3A_624 = tpu.vector_load %arg15[%get3A_623] {strides = array<i32>} : memref<4096xf32, #tpu.memory_space<vmem>>, vector<16xf32>,
    %get3A_625 = vector.shape_cast %get3A_624 : vector<16xf32> to vector<16xf32>
    %max3A_626 = arith.maximumf %max3A_622, %get3A_625 : vector<16xf32>
    %get3A_627 = arith.constant 1568 : index
    %get3A_628 = tpu.vector_load %arg15[%get3A_627] {strides = array<i32>} : memref<4096xf32, #tpu.memory_space<vmem>>, vector<16xf32>,
    %get3A_629 = vector.shape_cast %get3A_628 : vector<16xf32> to vector<16xf32>
    %max3A_630 = arith.maximumf %max3A_626, %get3A_629 : vector<16xf32>
    %get3A_631 = arith.constant 1696 : index
    %get3A_632 = tpu.vector_load %arg15[%get3A_631] {strides = array<i32>} : memref<4096xf32, #tpu.memory_space<vmem>>, vector<16xf32>,
    %get3A_633 = vector.shape_cast %get3A_632 : vector<16xf32> to vector<16xf32>
    %max3A_634 = arith.maximumf %max3A_630, %get3A_633 : vector<16xf32>
    %get3A_635 = arith.constant 1824 : index
    %get3A_636 = tpu.vector_load %arg15[%get3A_635] {strides = array<i32>} : memref<4096xf32, #tpu.memory_space<vmem>>, vector<16xf32>,
    %get3A_637 = vector.shape_cast %get3A_636 : vector<16xf32> to vector<16xf32>
    %max3A_638 = arith.maximumf %max3A_634, %get3A_637 : vector<16xf32>
    %get3A_639 = arith.constant 1952 : index
    %get3A_640 = tpu.vector_load %arg15[%get3A_639] {strides = array<i32>} : memref<4096xf32, #tpu.memory_space<vmem>>, vector<16xf32>,
    %get3A_641 = vector.shape_cast %get3A_640 : vector<16xf32> to vector<16xf32>
    %max3A_642 = arith.maximumf %max3A_638, %get3A_641 : vector<16xf32>
    %get3A_643 = arith.constant 2080 : index
    %get3A_644 = tpu.vector_load %arg15[%get3A_643] {strides = array<i32>} : memref<4096xf32, #tpu.memory_space<vmem>>, vector<16xf32>,
    %get3A_645 = vector.shape_cast %get3A_644 : vector<16xf32> to vector<16xf32>
    %max3A_646 = arith.maximumf %max3A_642, %get3A_645 : vector<16xf32>
    %get3A_647 = arith.constant 2208 : index
    %get3A_648 = tpu.vector_load %arg15[%get3A_647] {strides = array<i32>} : memref<4096xf32, #tpu.memory_space<vmem>>, vector<16xf32>,
    %get3A_649 = vector.shape_cast %get3A_648 : vector<16xf32> to vector<16xf32>
    %max3A_650 = arith.maximumf %max3A_646, %get3A_649 : vector<16xf32>
    %get3A_651 = arith.constant 2336 : index
    %get3A_652 = tpu.vector_load %arg15[%get3A_651] {strides = array<i32>} : memref<4096xf32, #tpu.memory_space<vmem>>, vector<16xf32>,
    %get3A_653 = vector.shape_cast %get3A_652 : vector<16xf32> to vector<16xf32>
    %max3A_654 = arith.maximumf %max3A_650, %get3A_653 : vector<16xf32>
    %get3A_655 = arith.constant 2464 : index
    %get3A_656 = tpu.vector_load %arg15[%get3A_655] {strides = array<i32>} : memref<4096xf32, #tpu.memory_space<vmem>>, vector<16xf32>,
    %get3A_657 = vector.shape_cast %get3A_656 : vector<16xf32> to vector<16xf32>
    %max3A_658 = arith.maximumf %max3A_654, %get3A_657 : vector<16xf32>
    %get3A_659 = arith.constant 2592 : index
    %get3A_660 = tpu.vector_load %arg15[%get3A_659] {strides = array<i32>} : memref<4096xf32, #tpu.memory_space<vmem>>, vector<16xf32>,
    %get3A_661 = vector.shape_cast %get3A_660 : vector<16xf32> to vector<16xf32>
    %max3A_662 = arith.maximumf %max3A_658, %get3A_661 : vector<16xf32>
    %get3A_663 = arith.constant 2720 : index
    %get3A_664 = tpu.vector_load %arg15[%get3A_663] {strides = array<i32>} : memref<4096xf32, #tpu.memory_space<vmem>>, vector<16xf32>,
    %get3A_665 = vector.shape_cast %get3A_664 : vector<16xf32> to vector<16xf32>
    %max3A_666 = arith.maximumf %max3A_662, %get3A_665 : vector<16xf32>
    %get3A_667 = arith.constant 2848 : index
    %get3A_668 = tpu.vector_load %arg15[%get3A_667] {strides = array<i32>} : memref<4096xf32, #tpu.memory_space<vmem>>, vector<16xf32>,
    %get3A_669 = vector.shape_cast %get3A_668 : vector<16xf32> to vector<16xf32>
    %max3A_670 = arith.maximumf %max3A_666, %get3A_669 : vector<16xf32>
    %get3A_671 = arith.constant 2976 : index
    %get3A_672 = tpu.vector_load %arg15[%get3A_671] {strides = array<i32>} : memref<4096xf32, #tpu.memory_space<vmem>>, vector<16xf32>,
    %get3A_673 = vector.shape_cast %get3A_672 : vector<16xf32> to vector<16xf32>
    %max3A_674 = arith.maximumf %max3A_670, %get3A_673 : vector<16xf32>
    %get3A_675 = arith.constant 3104 : index
    %get3A_676 = tpu.vector_load %arg15[%get3A_675] {strides = array<i32>} : memref<4096xf32, #tpu.memory_space<vmem>>, vector<16xf32>,
    %get3A_677 = vector.shape_cast %get3A_676 : vector<16xf32> to vector<16xf32>
    %max3A_678 = arith.maximumf %max3A_674, %get3A_677 : vector<16xf32>
    %get3A_679 = arith.constant 3232 : index
    %get3A_680 = tpu.vector_load %arg15[%get3A_679] {strides = array<i32>} : memref<4096xf32, #tpu.memory_space<vmem>>, vector<16xf32>,
    %get3A_681 = vector.shape_cast %get3A_680 : vector<16xf32> to vector<16xf32>
    %max3A_682 = arith.maximumf %max3A_678, %get3A_681 : vector<16xf32>
    %get3A_683 = arith.constant 3360 : index
    %get3A_684 = tpu.vector_load %arg15[%get3A_683] {strides = array<i32>} : memref<4096xf32, #tpu.memory_space<vmem>>, vector<16xf32>,
    %get3A_685 = vector.shape_cast %get3A_684 : vector<16xf32> to vector<16xf32>
    %max3A_686 = arith.maximumf %max3A_682, %get3A_685 : vector<16xf32>
    %get3A_687 = arith.constant 3488 : index
    %get3A_688 = tpu.vector_load %arg15[%get3A_687] {strides = array<i32>} : memref<4096xf32, #tpu.memory_space<vmem>>, vector<16xf32>,
    %get3A_689 = vector.shape_cast %get3A_688 : vector<16xf32> to vector<16xf32>
    %max3A_690 = arith.maximumf %max3A_686, %get3A_689 : vector<16xf32>
    %get3A_691 = arith.constant 3616 : index
    %get3A_692 = tpu.vector_load %arg15[%get3A_691] {strides = array<i32>} : memref<4096xf32, #tpu.memory_space<vmem>>, vector<16xf32>,
    %get3A_693 = vector.shape_cast %get3A_692 : vector<16xf32> to vector<16xf32>
    %max3A_694 = arith.maximumf %max3A_690, %get3A_693 : vector<16xf32>
    %get3A_695 = arith.constant 3744 : index
    %get3A_696 = tpu.vector_load %arg15[%get3A_695] {strides = array<i32>} : memref<4096xf32, #tpu.memory_space<vmem>>, vector<16xf32>,
    %get3A_697 = vector.shape_cast %get3A_696 : vector<16xf32> to vector<16xf32>
    %max3A_698 = arith.maximumf %max3A_694, %get3A_697 : vector<16xf32>
    %get3A_699 = arith.constant 3872 : index
    %get3A_700 = tpu.vector_load %arg15[%get3A_699] {strides = array<i32>} : memref<4096xf32, #tpu.memory_space<vmem>>, vector<16xf32>,
    %get3A_701 = vector.shape_cast %get3A_700 : vector<16xf32> to vector<16xf32>
    %max3A_702 = arith.maximumf %max3A_698, %get3A_701 : vector<16xf32>
    %get3A_703 = arith.constant 4000 : index
    %get3A_704 = tpu.vector_load %arg15[%get3A_703] {strides = array<i32>} : memref<4096xf32, #tpu.memory_space<vmem>>, vector<16xf32>,
    %get3A_705 = vector.shape_cast %get3A_704 : vector<16xf32> to vector<16xf32>
    %max3A_706 = arith.maximumf %max3A_702, %get3A_705 : vector<16xf32>
    %broadcast_in_dim3A_707 = arith.constant 0 : i32
    %broadcast_in_dim3A_708 = vector.broadcast %broadcast_in_dim3A_707 : i32 to vector<16xi32>
    %broadcast_in_dim3A_709 = vector.shape_cast %broadcast_in_dim3A_708 : vector<16xi32> to vector<16x1xi32>
    %gather3A_710 = vector.shape_cast %broadcast_in_dim3A_709 : vector<16x1xi32> to vector<16xi32>
    %gather3A_711 = tpu.dynamic_gather %max3A_706[%gather3A_710] in [0] : vector<16xf32>, vector<16xi32> -> vector<16xf32>
    %swap3A_712 = arith.constant 512 : index
    %swap3A_713 = tpu.vector_load %arg16[%swap3A_712] {strides = array<i32>} : memref<2048xf32, #tpu.memory_space<vmem>>, vector<16xf32>,
    %swap3A_714 = vector.shape_cast %swap3A_713 : vector<16xf32> to vector<16xf32>
    %swap3A_715 = vector.shape_cast %gather3A_711 : vector<16xf32> to vector<16xf32>
    tpu.vector_store %arg16[%swap3A_712], %swap3A_715 {strides = array<i32>} : memref<2048xf32, #tpu.memory_space<vmem>>, vector<16xf32>,
    %broadcast_in_dim3A_716 = arith.constant 1 : i32
    %broadcast_in_dim3A_717 = vector.broadcast %broadcast_in_dim3A_716 : i32 to vector<16xi32>
    %broadcast_in_dim3A_718 = vector.shape_cast %broadcast_in_dim3A_717 : vector<16xi32> to vector<16x1xi32>
    %gather3A_719 = vector.shape_cast %broadcast_in_dim3A_718 : vector<16x1xi32> to vector<16xi32>
    %gather3A_720 = tpu.dynamic_gather %max3A_706[%gather3A_719] in [0] : vector<16xf32>, vector<16xi32> -> vector<16xf32>
    %swap3A_721 = arith.constant 528 : index
    %swap3A_722 = tpu.vector_load %arg16[%swap3A_721] {strides = array<i32>} : memref<2048xf32, #tpu.memory_space<vmem>>, vector<16xf32>,
    %swap3A_723 = vector.shape_cast %swap3A_722 : vector<16xf32> to vector<16xf32>
    %swap3A_724 = vector.shape_cast %gather3A_720 : vector<16xf32> to vector<16xf32>
    tpu.vector_store %arg16[%swap3A_721], %swap3A_724 {strides = array<i32>} : memref<2048xf32, #tpu.memory_space<vmem>>, vector<16xf32>,
    %broadcast_in_dim3A_725 = arith.constant 2 : i32
    %broadcast_in_dim3A_726 = vector.broadcast %broadcast_in_dim3A_725 : i32 to vector<16xi32>
    %broadcast_in_dim3A_727 = vector.shape_cast %broadcast_in_dim3A_726 : vector<16xi32> to vector<16x1xi32>
    %gather3A_728 = vector.shape_cast %broadcast_in_dim3A_727 : vector<16x1xi32> to vector<16xi32>
    %gather3A_729 = tpu.dynamic_gather %max3A_706[%gather3A_728] in [0] : vector<16xf32>, vector<16xi32> -> vector<16xf32>
    %swap3A_730 = arith.constant 544 : index
    %swap3A_731 = tpu.vector_load %arg16[%swap3A_730] {strides = array<i32>} : memref<2048xf32, #tpu.memory_space<vmem>>, vector<16xf32>,
    %swap3A_732 = vector.shape_cast %swap3A_731 : vector<16xf32> to vector<16xf32>
    %swap3A_733 = vector.shape_cast %gather3A_729 : vector<16xf32> to vector<16xf32>
    tpu.vector_store %arg16[%swap3A_730], %swap3A_733 {strides = array<i32>} : memref<2048xf32, #tpu.memory_space<vmem>>, vector<16xf32>,
    %broadcast_in_dim3A_734 = arith.constant 3 : i32
    %broadcast_in_dim3A_735 = vector.broadcast %broadcast_in_dim3A_734 : i32 to vector<16xi32>
    %broadcast_in_dim3A_736 = vector.shape_cast %broadcast_in_dim3A_735 : vector<16xi32> to vector<16x1xi32>
    %gather3A_737 = vector.shape_cast %broadcast_in_dim3A_736 : vector<16x1xi32> to vector<16xi32>
    %gather3A_738 = tpu.dynamic_gather %max3A_706[%gather3A_737] in [0] : vector<16xf32>, vector<16xi32> -> vector<16xf32>
    %swap3A_739 = arith.constant 560 : index
    %swap3A_740 = tpu.vector_load %arg16[%swap3A_739] {strides = array<i32>} : memref<2048xf32, #tpu.memory_space<vmem>>, vector<16xf32>,
    %swap3A_741 = vector.shape_cast %swap3A_740 : vector<16xf32> to vector<16xf32>
    %swap3A_742 = vector.shape_cast %gather3A_738 : vector<16xf32> to vector<16xf32>
    tpu.vector_store %arg16[%swap3A_739], %swap3A_742 {strides = array<i32>} : memref<2048xf32, #tpu.memory_space<vmem>>, vector<16xf32>,
    %broadcast_in_dim3A_743 = arith.constant 4 : i32
    %broadcast_in_dim3A_744 = vector.broadcast %broadcast_in_dim3A_743 : i32 to vector<16xi32>
    %broadcast_in_dim3A_745 = vector.shape_cast %broadcast_in_dim3A_744 : vector<16xi32> to vector<16x1xi32>
    %gather3A_746 = vector.shape_cast %broadcast_in_dim3A_745 : vector<16x1xi32> to vector<16xi32>
    %gather3A_747 = tpu.dynamic_gather %max3A_706[%gather3A_746] in [0] : vector<16xf32>, vector<16xi32> -> vector<16xf32>
    %swap3A_748 = arith.constant 576 : index
    %swap3A_749 = tpu.vector_load %arg16[%swap3A_748] {strides = array<i32>} : memref<2048xf32, #tpu.memory_space<vmem>>, vector<16xf32>,
    %swap3A_750 = vector.shape_cast %swap3A_749 : vector<16xf32> to vector<16xf32>
    %swap3A_751 = vector.shape_cast %gather3A_747 : vector<16xf32> to vector<16xf32>
    tpu.vector_store %arg16[%swap3A_748], %swap3A_751 {strides = array<i32>} : memref<2048xf32, #tpu.memory_space<vmem>>, vector<16xf32>,
    %broadcast_in_dim3A_752 = arith.constant 5 : i32
    %broadcast_in_dim3A_753 = vector.broadcast %broadcast_in_dim3A_752 : i32 to vector<16xi32>
    %broadcast_in_dim3A_754 = vector.shape_cast %broadcast_in_dim3A_753 : vector<16xi32> to vector<16x1xi32>
    %gather3A_755 = vector.shape_cast %broadcast_in_dim3A_754 : vector<16x1xi32> to vector<16xi32>
    %gather3A_756 = tpu.dynamic_gather %max3A_706[%gather3A_755] in [0] : vector<16xf32>, vector<16xi32> -> vector<16xf32>
    %swap3A_757 = arith.constant 592 : index
    %swap3A_758 = tpu.vector_load %arg16[%swap3A_757] {strides = array<i32>} : memref<2048xf32, #tpu.memory_space<vmem>>, vector<16xf32>,
    %swap3A_759 = vector.shape_cast %swap3A_758 : vector<16xf32> to vector<16xf32>
    %swap3A_760 = vector.shape_cast %gather3A_756 : vector<16xf32> to vector<16xf32>
    tpu.vector_store %arg16[%swap3A_757], %swap3A_760 {strides = array<i32>} : memref<2048xf32, #tpu.memory_space<vmem>>, vector<16xf32>,
    %broadcast_in_dim3A_761 = arith.constant 6 : i32
    %broadcast_in_dim3A_762 = vector.broadcast %broadcast_in_dim3A_761 : i32 to vector<16xi32>
    %broadcast_in_dim3A_763 = vector.shape_cast %broadcast_in_dim3A_762 : vector<16xi32> to vector<16x1xi32>
    %gather3A_764 = vector.shape_cast %broadcast_in_dim3A_763 : vector<16x1xi32> to vector<16xi32>
    %gather3A_765 = tpu.dynamic_gather %max3A_706[%gather3A_764] in [0] : vector<16xf32>, vector<16xi32> -> vector<16xf32>
    %swap3A_766 = arith.constant 608 : index
    %swap3A_767 = tpu.vector_load %arg16[%swap3A_766] {strides = array<i32>} : memref<2048xf32, #tpu.memory_space<vmem>>, vector<16xf32>,
    %swap3A_768 = vector.shape_cast %swap3A_767 : vector<16xf32> to vector<16xf32>
    %swap3A_769 = vector.shape_cast %gather3A_765 : vector<16xf32> to vector<16xf32>
    tpu.vector_store %arg16[%swap3A_766], %swap3A_769 {strides = array<i32>} : memref<2048xf32, #tpu.memory_space<vmem>>, vector<16xf32>,
    %broadcast_in_dim3A_770 = arith.constant 7 : i32
    %broadcast_in_dim3A_771 = vector.broadcast %broadcast_in_dim3A_770 : i32 to vector<16xi32>
    %broadcast_in_dim3A_772 = vector.shape_cast %broadcast_in_dim3A_771 : vector<16xi32> to vector<16x1xi32>
    %gather3A_773 = vector.shape_cast %broadcast_in_dim3A_772 : vector<16x1xi32> to vector<16xi32>
    %gather3A_774 = tpu.dynamic_gather %max3A_706[%gather3A_773] in [0] : vector<16xf32>, vector<16xi32> -> vector<16xf32>
    %swap3A_775 = arith.constant 624 : index
    %swap3A_776 = tpu.vector_load %arg16[%swap3A_775] {strides = array<i32>} : memref<2048xf32, #tpu.memory_space<vmem>>, vector<16xf32>,
    %swap3A_777 = vector.shape_cast %swap3A_776 : vector<16xf32> to vector<16xf32>
    %swap3A_778 = vector.shape_cast %gather3A_774 : vector<16xf32> to vector<16xf32>
    tpu.vector_store %arg16[%swap3A_775], %swap3A_778 {strides = array<i32>} : memref<2048xf32, #tpu.memory_space<vmem>>, vector<16xf32>,
    %broadcast_in_dim3A_779 = arith.constant 8 : i32
    %broadcast_in_dim3A_780 = vector.broadcast %broadcast_in_dim3A_779 : i32 to vector<16xi32>
    %broadcast_in_dim3A_781 = vector.shape_cast %broadcast_in_dim3A_780 : vector<16xi32> to vector<16x1xi32>
    %gather3A_782 = vector.shape_cast %broadcast_in_dim3A_781 : vector<16x1xi32> to vector<16xi32>
    %gather3A_783 = tpu.dynamic_gather %max3A_706[%gather3A_782] in [0] : vector<16xf32>, vector<16xi32> -> vector<16xf32>
    %swap3A_784 = arith.constant 640 : index
    %swap3A_785 = tpu.vector_load %arg16[%swap3A_784] {strides = array<i32>} : memref<2048xf32, #tpu.memory_space<vmem>>, vector<16xf32>,
    %swap3A_786 = vector.shape_cast %swap3A_785 : vector<16xf32> to vector<16xf32>
    %swap3A_787 = vector.shape_cast %gather3A_783 : vector<16xf32> to vector<16xf32>
    tpu.vector_store %arg16[%swap3A_784], %swap3A_787 {strides = array<i32>} : memref<2048xf32, #tpu.memory_space<vmem>>, vector<16xf32>,
    %broadcast_in_dim3A_788 = arith.constant 9 : i32
    %broadcast_in_dim3A_789 = vector.broadcast %broadcast_in_dim3A_788 : i32 to vector<16xi32>
    %broadcast_in_dim3A_790 = vector.shape_cast %broadcast_in_dim3A_789 : vector<16xi32> to vector<16x1xi32>
    %gather3A_791 = vector.shape_cast %broadcast_in_dim3A_790 : vector<16x1xi32> to vector<16xi32>
    %gather3A_792 = tpu.dynamic_gather %max3A_706[%gather3A_791] in [0] : vector<16xf32>, vector<16xi32> -> vector<16xf32>
    %swap3A_793 = arith.constant 656 : index
    %swap3A_794 = tpu.vector_load %arg16[%swap3A_793] {strides = array<i32>} : memref<2048xf32, #tpu.memory_space<vmem>>, vector<16xf32>,
    %swap3A_795 = vector.shape_cast %swap3A_794 : vector<16xf32> to vector<16xf32>
    %swap3A_796 = vector.shape_cast %gather3A_792 : vector<16xf32> to vector<16xf32>
    tpu.vector_store %arg16[%swap3A_793], %swap3A_796 {strides = array<i32>} : memref<2048xf32, #tpu.memory_space<vmem>>, vector<16xf32>,
    %broadcast_in_dim3A_797 = arith.constant 10 : i32
    %broadcast_in_dim3A_798 = vector.broadcast %broadcast_in_dim3A_797 : i32 to vector<16xi32>
    %broadcast_in_dim3A_799 = vector.shape_cast %broadcast_in_dim3A_798 : vector<16xi32> to vector<16x1xi32>
    %gather3A_800 = vector.shape_cast %broadcast_in_dim3A_799 : vector<16x1xi32> to vector<16xi32>
    %gather3A_801 = tpu.dynamic_gather %max3A_706[%gather3A_800] in [0] : vector<16xf32>, vector<16xi32> -> vector<16xf32>
    %swap3A_802 = arith.constant 672 : index
    %swap3A_803 = tpu.vector_load %arg16[%swap3A_802] {strides = array<i32>} : memref<2048xf32, #tpu.memory_space<vmem>>, vector<16xf32>,
    %swap3A_804 = vector.shape_cast %swap3A_803 : vector<16xf32> to vector<16xf32>
    %swap3A_805 = vector.shape_cast %gather3A_801 : vector<16xf32> to vector<16xf32>
    tpu.vector_store %arg16[%swap3A_802], %swap3A_805 {strides = array<i32>} : memref<2048xf32, #tpu.memory_space<vmem>>, vector<16xf32>,
    %broadcast_in_dim3A_806 = arith.constant 11 : i32
    %broadcast_in_dim3A_807 = vector.broadcast %broadcast_in_dim3A_806 : i32 to vector<16xi32>
    %broadcast_in_dim3A_808 = vector.shape_cast %broadcast_in_dim3A_807 : vector<16xi32> to vector<16x1xi32>
    %gather3A_809 = vector.shape_cast %broadcast_in_dim3A_808 : vector<16x1xi32> to vector<16xi32>
    %gather3A_810 = tpu.dynamic_gather %max3A_706[%gather3A_809] in [0] : vector<16xf32>, vector<16xi32> -> vector<16xf32>
    %swap3A_811 = arith.constant 688 : index
    %swap3A_812 = tpu.vector_load %arg16[%swap3A_811] {strides = array<i32>} : memref<2048xf32, #tpu.memory_space<vmem>>, vector<16xf32>,
    %swap3A_813 = vector.shape_cast %swap3A_812 : vector<16xf32> to vector<16xf32>
    %swap3A_814 = vector.shape_cast %gather3A_810 : vector<16xf32> to vector<16xf32>
    tpu.vector_store %arg16[%swap3A_811], %swap3A_814 {strides = array<i32>} : memref<2048xf32, #tpu.memory_space<vmem>>, vector<16xf32>,
    %broadcast_in_dim3A_815 = arith.constant 12 : i32
    %broadcast_in_dim3A_816 = vector.broadcast %broadcast_in_dim3A_815 : i32 to vector<16xi32>
    %broadcast_in_dim3A_817 = vector.shape_cast %broadcast_in_dim3A_816 : vector<16xi32> to vector<16x1xi32>
    %gather3A_818 = vector.shape_cast %broadcast_in_dim3A_817 : vector<16x1xi32> to vector<16xi32>
    %gather3A_819 = tpu.dynamic_gather %max3A_706[%gather3A_818] in [0] : vector<16xf32>, vector<16xi32> -> vector<16xf32>
    %swap3A_820 = arith.constant 704 : index
    %swap3A_821 = tpu.vector_load %arg16[%swap3A_820] {strides = array<i32>} : memref<2048xf32, #tpu.memory_space<vmem>>, vector<16xf32>,
    %swap3A_822 = vector.shape_cast %swap3A_821 : vector<16xf32> to vector<16xf32>
    %swap3A_823 = vector.shape_cast %gather3A_819 : vector<16xf32> to vector<16xf32>
    tpu.vector_store %arg16[%swap3A_820], %swap3A_823 {strides = array<i32>} : memref<2048xf32, #tpu.memory_space<vmem>>, vector<16xf32>,
    %broadcast_in_dim3A_824 = arith.constant 13 : i32
    %broadcast_in_dim3A_825 = vector.broadcast %broadcast_in_dim3A_824 : i32 to vector<16xi32>
    %broadcast_in_dim3A_826 = vector.shape_cast %broadcast_in_dim3A_825 : vector<16xi32> to vector<16x1xi32>
    %gather3A_827 = vector.shape_cast %broadcast_in_dim3A_826 : vector<16x1xi32> to vector<16xi32>
    %gather3A_828 = tpu.dynamic_gather %max3A_706[%gather3A_827] in [0] : vector<16xf32>, vector<16xi32> -> vector<16xf32>
    %swap3A_829 = arith.constant 720 : index
    %swap3A_830 = tpu.vector_load %arg16[%swap3A_829] {strides = array<i32>} : memref<2048xf32, #tpu.memory_space<vmem>>, vector<16xf32>,
    %swap3A_831 = vector.shape_cast %swap3A_830 : vector<16xf32> to vector<16xf32>
    %swap3A_832 = vector.shape_cast %gather3A_828 : vector<16xf32> to vector<16xf32>
    tpu.vector_store %arg16[%swap3A_829], %swap3A_832 {strides = array<i32>} : memref<2048xf32, #tpu.memory_space<vmem>>, vector<16xf32>,
    %broadcast_in_dim3A_833 = arith.constant 14 : i32
    %broadcast_in_dim3A_834 = vector.broadcast %broadcast_in_dim3A_833 : i32 to vector<16xi32>
    %broadcast_in_dim3A_835 = vector.shape_cast %broadcast_in_dim3A_834 : vector<16xi32> to vector<16x1xi32>
    %gather3A_836 = vector.shape_cast %broadcast_in_dim3A_835 : vector<16x1xi32> to vector<16xi32>
    %gather3A_837 = tpu.dynamic_gather %max3A_706[%gather3A_836] in [0] : vector<16xf32>, vector<16xi32> -> vector<16xf32>
    %swap3A_838 = arith.constant 736 : index
    %swap3A_839 = tpu.vector_load %arg16[%swap3A_838] {strides = array<i32>} : memref<2048xf32, #tpu.memory_space<vmem>>, vector<16xf32>,
    %swap3A_840 = vector.shape_cast %swap3A_839 : vector<16xf32> to vector<16xf32>
    %swap3A_841 = vector.shape_cast %gather3A_837 : vector<16xf32> to vector<16xf32>
    tpu.vector_store %arg16[%swap3A_838], %swap3A_841 {strides = array<i32>} : memref<2048xf32, #tpu.memory_space<vmem>>, vector<16xf32>,
    %broadcast_in_dim3A_842 = arith.constant 15 : i32
    %broadcast_in_dim3A_843 = vector.broadcast %broadcast_in_dim3A_842 : i32 to vector<16xi32>
    %broadcast_in_dim3A_844 = vector.shape_cast %broadcast_in_dim3A_843 : vector<16xi32> to vector<16x1xi32>
    %gather3A_845 = vector.shape_cast %broadcast_in_dim3A_844 : vector<16x1xi32> to vector<16xi32>
    %gather3A_846 = tpu.dynamic_gather %max3A_706[%gather3A_845] in [0] : vector<16xf32>, vector<16xi32> -> vector<16xf32>
    %swap3A_847 = arith.constant 752 : index
    %swap3A_848 = tpu.vector_load %arg16[%swap3A_847] {strides = array<i32>} : memref<2048xf32, #tpu.memory_space<vmem>>, vector<16xf32>,
    %swap3A_849 = vector.shape_cast %swap3A_848 : vector<16xf32> to vector<16xf32>
    %swap3A_850 = vector.shape_cast %gather3A_846 : vector<16xf32> to vector<16xf32>
    tpu.vector_store %arg16[%swap3A_847], %swap3A_850 {strides = array<i32>} : memref<2048xf32, #tpu.memory_space<vmem>>, vector<16xf32>,
    %get3A_851 = arith.constant 48 : index
    %get3A_852 = tpu.vector_load %arg15[%get3A_851] {strides = array<i32>} : memref<4096xf32, #tpu.memory_space<vmem>>, vector<16xf32>,
    %get3A_853 = vector.shape_cast %get3A_852 : vector<16xf32> to vector<16xf32>
    %get3A_854 = arith.constant 176 : index
    %get3A_855 = tpu.vector_load %arg15[%get3A_854] {strides = array<i32>} : memref<4096xf32, #tpu.memory_space<vmem>>, vector<16xf32>,
    %get3A_856 = vector.shape_cast %get3A_855 : vector<16xf32> to vector<16xf32>
    %max3A_857 = arith.maximumf %get3A_853, %get3A_856 : vector<16xf32>
    %get3A_858 = arith.constant 304 : index
    %get3A_859 = tpu.vector_load %arg15[%get3A_858] {strides = array<i32>} : memref<4096xf32, #tpu.memory_space<vmem>>, vector<16xf32>,
    %get3A_860 = vector.shape_cast %get3A_859 : vector<16xf32> to vector<16xf32>
    %max3A_861 = arith.maximumf %max3A_857, %get3A_860 : vector<16xf32>
    %get3A_862 = arith.constant 432 : index
    %get3A_863 = tpu.vector_load %arg15[%get3A_862] {strides = array<i32>} : memref<4096xf32, #tpu.memory_space<vmem>>, vector<16xf32>,
    %get3A_864 = vector.shape_cast %get3A_863 : vector<16xf32> to vector<16xf32>
    %max3A_865 = arith.maximumf %max3A_861, %get3A_864 : vector<16xf32>
    %get3A_866 = arith.constant 560 : index
    %get3A_867 = tpu.vector_load %arg15[%get3A_866] {strides = array<i32>} : memref<4096xf32, #tpu.memory_space<vmem>>, vector<16xf32>,
    %get3A_868 = vector.shape_cast %get3A_867 : vector<16xf32> to vector<16xf32>
    %max3A_869 = arith.maximumf %max3A_865, %get3A_868 : vector<16xf32>
    %get3A_870 = arith.constant 688 : index
    %get3A_871 = tpu.vector_load %arg15[%get3A_870] {strides = array<i32>} : memref<4096xf32, #tpu.memory_space<vmem>>, vector<16xf32>,
    %get3A_872 = vector.shape_cast %get3A_871 : vector<16xf32> to vector<16xf32>
    %max3A_873 = arith.maximumf %max3A_869, %get3A_872 : vector<16xf32>
    %get3A_874 = arith.constant 816 : index
    %get3A_875 = tpu.vector_load %arg15[%get3A_874] {strides = array<i32>} : memref<4096xf32, #tpu.memory_space<vmem>>, vector<16xf32>,
    %get3A_876 = vector.shape_cast %get3A_875 : vector<16xf32> to vector<16xf32>
    %max3A_877 = arith.maximumf %max3A_873, %get3A_876 : vector<16xf32>
    %get3A_878 = arith.constant 944 : index
    %get3A_879 = tpu.vector_load %arg15[%get3A_878] {strides = array<i32>} : memref<4096xf32, #tpu.memory_space<vmem>>, vector<16xf32>,
    %get3A_880 = vector.shape_cast %get3A_879 : vector<16xf32> to vector<16xf32>
    %max3A_881 = arith.maximumf %max3A_877, %get3A_880 : vector<16xf32>
    %get3A_882 = arith.constant 1072 : index
    %get3A_883 = tpu.vector_load %arg15[%get3A_882] {strides = array<i32>} : memref<4096xf32, #tpu.memory_space<vmem>>, vector<16xf32>,
    %get3A_884 = vector.shape_cast %get3A_883 : vector<16xf32> to vector<16xf32>
    %max3A_885 = arith.maximumf %max3A_881, %get3A_884 : vector<16xf32>
    %get3A_886 = arith.constant 1200 : index
    %get3A_887 = tpu.vector_load %arg15[%get3A_886] {strides = array<i32>} : memref<4096xf32, #tpu.memory_space<vmem>>, vector<16xf32>,
    %get3A_888 = vector.shape_cast %get3A_887 : vector<16xf32> to vector<16xf32>
    %max3A_889 = arith.maximumf %max3A_885, %get3A_888 : vector<16xf32>
    %get3A_890 = arith.constant 1328 : index
    %get3A_891 = tpu.vector_load %arg15[%get3A_890] {strides = array<i32>} : memref<4096xf32, #tpu.memory_space<vmem>>, vector<16xf32>,
    %get3A_892 = vector.shape_cast %get3A_891 : vector<16xf32> to vector<16xf32>
    %max3A_893 = arith.maximumf %max3A_889, %get3A_892 : vector<16xf32>
    %get3A_894 = arith.constant 1456 : index
    %get3A_895 = tpu.vector_load %arg15[%get3A_894] {strides = array<i32>} : memref<4096xf32, #tpu.memory_space<vmem>>, vector<16xf32>,
    %get3A_896 = vector.shape_cast %get3A_895 : vector<16xf32> to vector<16xf32>
    %max3A_897 = arith.maximumf %max3A_893, %get3A_896 : vector<16xf32>
    %get3A_898 = arith.constant 1584 : index
    %get3A_899 = tpu.vector_load %arg15[%get3A_898] {strides = array<i32>} : memref<4096xf32, #tpu.memory_space<vmem>>, vector<16xf32>,
    %get3A_900 = vector.shape_cast %get3A_899 : vector<16xf32> to vector<16xf32>
    %max3A_901 = arith.maximumf %max3A_897, %get3A_900 : vector<16xf32>
    %get3A_902 = arith.constant 1712 : index
    %get3A_903 = tpu.vector_load %arg15[%get3A_902] {strides = array<i32>} : memref<4096xf32, #tpu.memory_space<vmem>>, vector<16xf32>,
    %get3A_904 = vector.shape_cast %get3A_903 : vector<16xf32> to vector<16xf32>
    %max3A_905 = arith.maximumf %max3A_901, %get3A_904 : vector<16xf32>
    %get3A_906 = arith.constant 1840 : index
    %get3A_907 = tpu.vector_load %arg15[%get3A_906] {strides = array<i32>} : memref<4096xf32, #tpu.memory_space<vmem>>, vector<16xf32>,
    %get3A_908 = vector.shape_cast %get3A_907 : vector<16xf32> to vector<16xf32>
    %max3A_909 = arith.maximumf %max3A_905, %get3A_908 : vector<16xf32>
    %get3A_910 = arith.constant 1968 : index
    %get3A_911 = tpu.vector_load %arg15[%get3A_910] {strides = array<i32>} : memref<4096xf32, #tpu.memory_space<vmem>>, vector<16xf32>,
    %get3A_912 = vector.shape_cast %get3A_911 : vector<16xf32> to vector<16xf32>
    %max3A_913 = arith.maximumf %max3A_909, %get3A_912 : vector<16xf32>
    %get3A_914 = arith.constant 2096 : index
    %get3A_915 = tpu.vector_load %arg15[%get3A_914] {strides = array<i32>} : memref<4096xf32, #tpu.memory_space<vmem>>, vector<16xf32>,
    %get3A_916 = vector.shape_cast %get3A_915 : vector<16xf32> to vector<16xf32>
    %max3A_917 = arith.maximumf %max3A_913, %get3A_916 : vector<16xf32>
    %get3A_918 = arith.constant 2224 : index
    %get3A_919 = tpu.vector_load %arg15[%get3A_918] {strides = array<i32>} : memref<4096xf32, #tpu.memory_space<vmem>>, vector<16xf32>,
    %get3A_920 = vector.shape_cast %get3A_919 : vector<16xf32> to vector<16xf32>
    %max3A_921 = arith.maximumf %max3A_917, %get3A_920 : vector<16xf32>
    %get3A_922 = arith.constant 2352 : index
    %get3A_923 = tpu.vector_load %arg15[%get3A_922] {strides = array<i32>} : memref<4096xf32, #tpu.memory_space<vmem>>, vector<16xf32>,
    %get3A_924 = vector.shape_cast %get3A_923 : vector<16xf32> to vector<16xf32>
    %max3A_925 = arith.maximumf %max3A_921, %get3A_924 : vector<16xf32>
    %get3A_926 = arith.constant 2480 : index
    %get3A_927 = tpu.vector_load %arg15[%get3A_926] {strides = array<i32>} : memref<4096xf32, #tpu.memory_space<vmem>>, vector<16xf32>,
    %get3A_928 = vector.shape_cast %get3A_927 : vector<16xf32> to vector<16xf32>
    %max3A_929 = arith.maximumf %max3A_925, %get3A_928 : vector<16xf32>
    %get3A_930 = arith.constant 2608 : index
    %get3A_931 = tpu.vector_load %arg15[%get3A_930] {strides = array<i32>} : memref<4096xf32, #tpu.memory_space<vmem>>, vector<16xf32>,
    %get3A_932 = vector.shape_cast %get3A_931 : vector<16xf32> to vector<16xf32>
    %max3A_933 = arith.maximumf %max3A_929, %get3A_932 : vector<16xf32>
    %get3A_934 = arith.constant 2736 : index
    %get3A_935 = tpu.vector_load %arg15[%get3A_934] {strides = array<i32>} : memref<4096xf32, #tpu.memory_space<vmem>>, vector<16xf32>,
    %get3A_936 = vector.shape_cast %get3A_935 : vector<16xf32> to vector<16xf32>
    %max3A_937 = arith.maximumf %max3A_933, %get3A_936 : vector<16xf32>
    %get3A_938 = arith.constant 2864 : index
    %get3A_939 = tpu.vector_load %arg15[%get3A_938] {strides = array<i32>} : memref<4096xf32, #tpu.memory_space<vmem>>, vector<16xf32>,
    %get3A_940 = vector.shape_cast %get3A_939 : vector<16xf32> to vector<16xf32>
    %max3A_941 = arith.maximumf %max3A_937, %get3A_940 : vector<16xf32>
    %get3A_942 = arith.constant 2992 : index
    %get3A_943 = tpu.vector_load %arg15[%get3A_942] {strides = array<i32>} : memref<4096xf32, #tpu.memory_space<vmem>>, vector<16xf32>,
    %get3A_944 = vector.shape_cast %get3A_943 : vector<16xf32> to vector<16xf32>
    %max3A_945 = arith.maximumf %max3A_941, %get3A_944 : vector<16xf32>
    %get3A_946 = arith.constant 3120 : index
    %get3A_947 = tpu.vector_load %arg15[%get3A_946] {strides = array<i32>} : memref<4096xf32, #tpu.memory_space<vmem>>, vector<16xf32>,
    %get3A_948 = vector.shape_cast %get3A_947 : vector<16xf32> to vector<16xf32>
    %max3A_949 = arith.maximumf %max3A_945, %get3A_948 : vector<16xf32>
    %get3A_950 = arith.constant 3248 : index
    %get3A_951 = tpu.vector_load %arg15[%get3A_950] {strides = array<i32>} : memref<4096xf32, #tpu.memory_space<vmem>>, vector<16xf32>,
    %get3A_952 = vector.shape_cast %get3A_951 : vector<16xf32> to vector<16xf32>
    %max3A_953 = arith.maximumf %max3A_949, %get3A_952 : vector<16xf32>
    %get3A_954 = arith.constant 3376 : index
    %get3A_955 = tpu.vector_load %arg15[%get3A_954] {strides = array<i32>} : memref<4096xf32, #tpu.memory_space<vmem>>, vector<16xf32>,
    %get3A_956 = vector.shape_cast %get3A_955 : vector<16xf32> to vector<16xf32>
    %max3A_957 = arith.maximumf %max3A_953, %get3A_956 : vector<16xf32>
    %get3A_958 = arith.constant 3504 : index
    %get3A_959 = tpu.vector_load %arg15[%get3A_958] {strides = array<i32>} : memref<4096xf32, #tpu.memory_space<vmem>>, vector<16xf32>,
    %get3A_960 = vector.shape_cast %get3A_959 : vector<16xf32> to vector<16xf32>
    %max3A_961 = arith.maximumf %max3A_957, %get3A_960 : vector<16xf32>
    %get3A_962 = arith.constant 3632 : index
    %get3A_963 = tpu.vector_load %arg15[%get3A_962] {strides = array<i32>} : memref<4096xf32, #tpu.memory_space<vmem>>, vector<16xf32>,
    %get3A_964 = vector.shape_cast %get3A_963 : vector<16xf32> to vector<16xf32>
    %max3A_965 = arith.maximumf %max3A_961, %get3A_964 : vector<16xf32>
    %get3A_966 = arith.constant 3760 : index
    %get3A_967 = tpu.vector_load %arg15[%get3A_966] {strides = array<i32>} : memref<4096xf32, #tpu.memory_space<vmem>>, vector<16xf32>,
    %get3A_968 = vector.shape_cast %get3A_967 : vector<16xf32> to vector<16xf32>
    %max3A_969 = arith.maximumf %max3A_965, %get3A_968 : vector<16xf32>
    %get3A_970 = arith.constant 3888 : index
    %get3A_971 = tpu.vector_load %arg15[%get3A_970] {strides = array<i32>} : memref<4096xf32, #tpu.memory_space<vmem>>, vector<16xf32>,
    %get3A_972 = vector.shape_cast %get3A_971 : vector<16xf32> to vector<16xf32>
    %max3A_973 = arith.maximumf %max3A_969, %get3A_972 : vector<16xf32>
    %get3A_974 = arith.constant 4016 : index
    %get3A_975 = tpu.vector_load %arg15[%get3A_974] {strides = array<i32>} : memref<4096xf32, #tpu.memory_space<vmem>>, vector<16xf32>,
    %get3A_976 = vector.shape_cast %get3A_975 : vector<16xf32> to vector<16xf32>
    %max3A_977 = arith.maximumf %max3A_973, %get3A_976 : vector<16xf32>
    %broadcast_in_dim3A_978 = arith.constant 0 : i32
    %broadcast_in_dim3A_979 = vector.broadcast %broadcast_in_dim3A_978 : i32 to vector<16xi32>
    %broadcast_in_dim3A_980 = vector.shape_cast %broadcast_in_dim3A_979 : vector<16xi32> to vector<16x1xi32>
    %gather3A_981 = vector.shape_cast %broadcast_in_dim3A_980 : vector<16x1xi32> to vector<16xi32>
    %gather3A_982 = tpu.dynamic_gather %max3A_977[%gather3A_981] in [0] : vector<16xf32>, vector<16xi32> -> vector<16xf32>
    %swap3A_983 = arith.constant 768 : index
    %swap3A_984 = tpu.vector_load %arg16[%swap3A_983] {strides = array<i32>} : memref<2048xf32, #tpu.memory_space<vmem>>, vector<16xf32>,
    %swap3A_985 = vector.shape_cast %swap3A_984 : vector<16xf32> to vector<16xf32>
    %swap3A_986 = vector.shape_cast %gather3A_982 : vector<16xf32> to vector<16xf32>
    tpu.vector_store %arg16[%swap3A_983], %swap3A_986 {strides = array<i32>} : memref<2048xf32, #tpu.memory_space<vmem>>, vector<16xf32>,
    %broadcast_in_dim3A_987 = arith.constant 1 : i32
    %broadcast_in_dim3A_988 = vector.broadcast %broadcast_in_dim3A_987 : i32 to vector<16xi32>
    %broadcast_in_dim3A_989 = vector.shape_cast %broadcast_in_dim3A_988 : vector<16xi32> to vector<16x1xi32>
    %gather3A_990 = vector.shape_cast %broadcast_in_dim3A_989 : vector<16x1xi32> to vector<16xi32>
    %gather3A_991 = tpu.dynamic_gather %max3A_977[%gather3A_990] in [0] : vector<16xf32>, vector<16xi32> -> vector<16xf32>
    %swap3A_992 = arith.constant 784 : index
    %swap3A_993 = tpu.vector_load %arg16[%swap3A_992] {strides = array<i32>} : memref<2048xf32, #tpu.memory_space<vmem>>, vector<16xf32>,
    %swap3A_994 = vector.shape_cast %swap3A_993 : vector<16xf32> to vector<16xf32>
    %swap3A_995 = vector.shape_cast %gather3A_991 : vector<16xf32> to vector<16xf32>
    tpu.vector_store %arg16[%swap3A_992], %swap3A_995 {strides = array<i32>} : memref<2048xf32, #tpu.memory_space<vmem>>, vector<16xf32>,
    %broadcast_in_dim3A_996 = arith.constant 2 : i32
    %broadcast_in_dim3A_997 = vector.broadcast %broadcast_in_dim3A_996 : i32 to vector<16xi32>
    %broadcast_in_dim3A_998 = vector.shape_cast %broadcast_in_dim3A_997 : vector<16xi32> to vector<16x1xi32>
    %gather3A_999 = vector.shape_cast %broadcast_in_dim3A_998 : vector<16x1xi32> to vector<16xi32>
    %gather3A_1000 = tpu.dynamic_gather %max3A_977[%gather3A_999] in [0] : vector<16xf32>, vector<16xi32> -> vector<16xf32>
    %swap3A_1001 = arith.constant 800 : index
    %swap3A_1002 = tpu.vector_load %arg16[%swap3A_1001] {strides = array<i32>} : memref<2048xf32, #tpu.memory_space<vmem>>, vector<16xf32>,
    %swap3A_1003 = vector.shape_cast %swap3A_1002 : vector<16xf32> to vector<16xf32>
    %swap3A_1004 = vector.shape_cast %gather3A_1000 : vector<16xf32> to vector<16xf32>
    tpu.vector_store %arg16[%swap3A_1001], %swap3A_1004 {strides = array<i32>} : memref<2048xf32, #tpu.memory_space<vmem>>, vector<16xf32>,
    %broadcast_in_dim3A_1005 = arith.constant 3 : i32
    %broadcast_in_dim3A_1006 = vector.broadcast %broadcast_in_dim3A_1005 : i32 to vector<16xi32>
    %broadcast_in_dim3A_1007 = vector.shape_cast %broadcast_in_dim3A_1006 : vector<16xi32> to vector<16x1xi32>
    %gather3A_1008 = vector.shape_cast %broadcast_in_dim3A_1007 : vector<16x1xi32> to vector<16xi32>
    %gather3A_1009 = tpu.dynamic_gather %max3A_977[%gather3A_1008] in [0] : vector<16xf32>, vector<16xi32> -> vector<16xf32>
    %swap3A_1010 = arith.constant 816 : index
    %swap3A_1011 = tpu.vector_load %arg16[%swap3A_1010] {strides = array<i32>} : memref<2048xf32, #tpu.memory_space<vmem>>, vector<16xf32>,
    %swap3A_1012 = vector.shape_cast %swap3A_1011 : vector<16xf32> to vector<16xf32>
    %swap3A_1013 = vector.shape_cast %gather3A_1009 : vector<16xf32> to vector<16xf32>
    tpu.vector_store %arg16[%swap3A_1010], %swap3A_1013 {strides = array<i32>} : memref<2048xf32, #tpu.memory_space<vmem>>, vector<16xf32>,
    %broadcast_in_dim3A_1014 = arith.constant 4 : i32
    %broadcast_in_dim3A_1015 = vector.broadcast %broadcast_in_dim3A_1014 : i32 to vector<16xi32>
    %broadcast_in_dim3A_1016 = vector.shape_cast %broadcast_in_dim3A_1015 : vector<16xi32> to vector<16x1xi32>
    %gather3A_1017 = vector.shape_cast %broadcast_in_dim3A_1016 : vector<16x1xi32> to vector<16xi32>
    %gather3A_1018 = tpu.dynamic_gather %max3A_977[%gather3A_1017] in [0] : vector<16xf32>, vector<16xi32> -> vector<16xf32>
    %swap3A_1019 = arith.constant 832 : index
    %swap3A_1020 = tpu.vector_load %arg16[%swap3A_1019] {strides = array<i32>} : memref<2048xf32, #tpu.memory_space<vmem>>, vector<16xf32>,
    %swap3A_1021 = vector.shape_cast %swap3A_1020 : vector<16xf32> to vector<16xf32>
    %swap3A_1022 = vector.shape_cast %gather3A_1018 : vector<16xf32> to vector<16xf32>
    tpu.vector_store %arg16[%swap3A_1019], %swap3A_1022 {strides = array<i32>} : memref<2048xf32, #tpu.memory_space<vmem>>, vector<16xf32>,
    %broadcast_in_dim3A_1023 = arith.constant 5 : i32
    %broadcast_in_dim3A_1024 = vector.broadcast %broadcast_in_dim3A_1023 : i32 to vector<16xi32>
    %broadcast_in_dim3A_1025 = vector.shape_cast %broadcast_in_dim3A_1024 : vector<16xi32> to vector<16x1xi32>
    %gather3A_1026 = vector.shape_cast %broadcast_in_dim3A_1025 : vector<16x1xi32> to vector<16xi32>
    %gather3A_1027 = tpu.dynamic_gather %max3A_977[%gather3A_1026] in [0] : vector<16xf32>, vector<16xi32> -> vector<16xf32>
    %swap3A_1028 = arith.constant 848 : index
    %swap3A_1029 = tpu.vector_load %arg16[%swap3A_1028] {strides = array<i32>} : memref<2048xf32, #tpu.memory_space<vmem>>, vector<16xf32>,
    %swap3A_1030 = vector.shape_cast %swap3A_1029 : vector<16xf32> to vector<16xf32>
    %swap3A_1031 = vector.shape_cast %gather3A_1027 : vector<16xf32> to vector<16xf32>
    tpu.vector_store %arg16[%swap3A_1028], %swap3A_1031 {strides = array<i32>} : memref<2048xf32, #tpu.memory_space<vmem>>, vector<16xf32>,
    %broadcast_in_dim3A_1032 = arith.constant 6 : i32
    %broadcast_in_dim3A_1033 = vector.broadcast %broadcast_in_dim3A_1032 : i32 to vector<16xi32>
    %broadcast_in_dim3A_1034 = vector.shape_cast %broadcast_in_dim3A_1033 : vector<16xi32> to vector<16x1xi32>
    %gather3A_1035 = vector.shape_cast %broadcast_in_dim3A_1034 : vector<16x1xi32> to vector<16xi32>
    %gather3A_1036 = tpu.dynamic_gather %max3A_977[%gather3A_1035] in [0] : vector<16xf32>, vector<16xi32> -> vector<16xf32>
    %swap3A_1037 = arith.constant 864 : index
    %swap3A_1038 = tpu.vector_load %arg16[%swap3A_1037] {strides = array<i32>} : memref<2048xf32, #tpu.memory_space<vmem>>, vector<16xf32>,
    %swap3A_1039 = vector.shape_cast %swap3A_1038 : vector<16xf32> to vector<16xf32>
    %swap3A_1040 = vector.shape_cast %gather3A_1036 : vector<16xf32> to vector<16xf32>
    tpu.vector_store %arg16[%swap3A_1037], %swap3A_1040 {strides = array<i32>} : memref<2048xf32, #tpu.memory_space<vmem>>, vector<16xf32>,
    %broadcast_in_dim3A_1041 = arith.constant 7 : i32
    %broadcast_in_dim3A_1042 = vector.broadcast %broadcast_in_dim3A_1041 : i32 to vector<16xi32>
    %broadcast_in_dim3A_1043 = vector.shape_cast %broadcast_in_dim3A_1042 : vector<16xi32> to vector<16x1xi32>
    %gather3A_1044 = vector.shape_cast %broadcast_in_dim3A_1043 : vector<16x1xi32> to vector<16xi32>
    %gather3A_1045 = tpu.dynamic_gather %max3A_977[%gather3A_1044] in [0] : vector<16xf32>, vector<16xi32> -> vector<16xf32>
    %swap3A_1046 = arith.constant 880 : index
    %swap3A_1047 = tpu.vector_load %arg16[%swap3A_1046] {strides = array<i32>} : memref<2048xf32, #tpu.memory_space<vmem>>, vector<16xf32>,
    %swap3A_1048 = vector.shape_cast %swap3A_1047 : vector<16xf32> to vector<16xf32>
    %swap3A_1049 = vector.shape_cast %gather3A_1045 : vector<16xf32> to vector<16xf32>
    tpu.vector_store %arg16[%swap3A_1046], %swap3A_1049 {strides = array<i32>} : memref<2048xf32, #tpu.memory_space<vmem>>, vector<16xf32>,
    %broadcast_in_dim3A_1050 = arith.constant 8 : i32
    %broadcast_in_dim3A_1051 = vector.broadcast %broadcast_in_dim3A_1050 : i32 to vector<16xi32>
    %broadcast_in_dim3A_1052 = vector.shape_cast %broadcast_in_dim3A_1051 : vector<16xi32> to vector<16x1xi32>
    %gather3A_1053 = vector.shape_cast %broadcast_in_dim3A_1052 : vector<16x1xi32> to vector<16xi32>
    %gather3A_1054 = tpu.dynamic_gather %max3A_977[%gather3A_1053] in [0] : vector<16xf32>, vector<16xi32> -> vector<16xf32>
    %swap3A_1055 = arith.constant 896 : index
    %swap3A_1056 = tpu.vector_load %arg16[%swap3A_1055] {strides = array<i32>} : memref<2048xf32, #tpu.memory_space<vmem>>, vector<16xf32>,
    %swap3A_1057 = vector.shape_cast %swap3A_1056 : vector<16xf32> to vector<16xf32>
    %swap3A_1058 = vector.shape_cast %gather3A_1054 : vector<16xf32> to vector<16xf32>
    tpu.vector_store %arg16[%swap3A_1055], %swap3A_1058 {strides = array<i32>} : memref<2048xf32, #tpu.memory_space<vmem>>, vector<16xf32>,
    %broadcast_in_dim3A_1059 = arith.constant 9 : i32
    %broadcast_in_dim3A_1060 = vector.broadcast %broadcast_in_dim3A_1059 : i32 to vector<16xi32>
    %broadcast_in_dim3A_1061 = vector.shape_cast %broadcast_in_dim3A_1060 : vector<16xi32> to vector<16x1xi32>
    %gather3A_1062 = vector.shape_cast %broadcast_in_dim3A_1061 : vector<16x1xi32> to vector<16xi32>
    %gather3A_1063 = tpu.dynamic_gather %max3A_977[%gather3A_1062] in [0] : vector<16xf32>, vector<16xi32> -> vector<16xf32>
    %swap3A_1064 = arith.constant 912 : index
    %swap3A_1065 = tpu.vector_load %arg16[%swap3A_1064] {strides = array<i32>} : memref<2048xf32, #tpu.memory_space<vmem>>, vector<16xf32>,
    %swap3A_1066 = vector.shape_cast %swap3A_1065 : vector<16xf32> to vector<16xf32>
    %swap3A_1067 = vector.shape_cast %gather3A_1063 : vector<16xf32> to vector<16xf32>
    tpu.vector_store %arg16[%swap3A_1064], %swap3A_1067 {strides = array<i32>} : memref<2048xf32, #tpu.memory_space<vmem>>, vector<16xf32>,
    %broadcast_in_dim3A_1068 = arith.constant 10 : i32
    %broadcast_in_dim3A_1069 = vector.broadcast %broadcast_in_dim3A_1068 : i32 to vector<16xi32>
    %broadcast_in_dim3A_1070 = vector.shape_cast %broadcast_in_dim3A_1069 : vector<16xi32> to vector<16x1xi32>
    %gather3A_1071 = vector.shape_cast %broadcast_in_dim3A_1070 : vector<16x1xi32> to vector<16xi32>
    %gather3A_1072 = tpu.dynamic_gather %max3A_977[%gather3A_1071] in [0] : vector<16xf32>, vector<16xi32> -> vector<16xf32>
    %swap3A_1073 = arith.constant 928 : index
    %swap3A_1074 = tpu.vector_load %arg16[%swap3A_1073] {strides = array<i32>} : memref<2048xf32, #tpu.memory_space<vmem>>, vector<16xf32>,
    %swap3A_1075 = vector.shape_cast %swap3A_1074 : vector<16xf32> to vector<16xf32>
    %swap3A_1076 = vector.shape_cast %gather3A_1072 : vector<16xf32> to vector<16xf32>
    tpu.vector_store %arg16[%swap3A_1073], %swap3A_1076 {strides = array<i32>} : memref<2048xf32, #tpu.memory_space<vmem>>, vector<16xf32>,
    %broadcast_in_dim3A_1077 = arith.constant 11 : i32
    %broadcast_in_dim3A_1078 = vector.broadcast %broadcast_in_dim3A_1077 : i32 to vector<16xi32>
    %broadcast_in_dim3A_1079 = vector.shape_cast %broadcast_in_dim3A_1078 : vector<16xi32> to vector<16x1xi32>
    %gather3A_1080 = vector.shape_cast %broadcast_in_dim3A_1079 : vector<16x1xi32> to vector<16xi32>
    %gather3A_1081 = tpu.dynamic_gather %max3A_977[%gather3A_1080] in [0] : vector<16xf32>, vector<16xi32> -> vector<16xf32>
    %swap3A_1082 = arith.constant 944 : index
    %swap3A_1083 = tpu.vector_load %arg16[%swap3A_1082] {strides = array<i32>} : memref<2048xf32, #tpu.memory_space<vmem>>, vector<16xf32>,
    %swap3A_1084 = vector.shape_cast %swap3A_1083 : vector<16xf32> to vector<16xf32>
    %swap3A_1085 = vector.shape_cast %gather3A_1081 : vector<16xf32> to vector<16xf32>
    tpu.vector_store %arg16[%swap3A_1082], %swap3A_1085 {strides = array<i32>} : memref<2048xf32, #tpu.memory_space<vmem>>, vector<16xf32>,
    %broadcast_in_dim3A_1086 = arith.constant 12 : i32
    %broadcast_in_dim3A_1087 = vector.broadcast %broadcast_in_dim3A_1086 : i32 to vector<16xi32>
    %broadcast_in_dim3A_1088 = vector.shape_cast %broadcast_in_dim3A_1087 : vector<16xi32> to vector<16x1xi32>
    %gather3A_1089 = vector.shape_cast %broadcast_in_dim3A_1088 : vector<16x1xi32> to vector<16xi32>
    %gather3A_1090 = tpu.dynamic_gather %max3A_977[%gather3A_1089] in [0] : vector<16xf32>, vector<16xi32> -> vector<16xf32>
    %swap3A_1091 = arith.constant 960 : index
    %swap3A_1092 = tpu.vector_load %arg16[%swap3A_1091] {strides = array<i32>} : memref<2048xf32, #tpu.memory_space<vmem>>, vector<16xf32>,
    %swap3A_1093 = vector.shape_cast %swap3A_1092 : vector<16xf32> to vector<16xf32>
    %swap3A_1094 = vector.shape_cast %gather3A_1090 : vector<16xf32> to vector<16xf32>
    tpu.vector_store %arg16[%swap3A_1091], %swap3A_1094 {strides = array<i32>} : memref<2048xf32, #tpu.memory_space<vmem>>, vector<16xf32>,
    %broadcast_in_dim3A_1095 = arith.constant 13 : i32
    %broadcast_in_dim3A_1096 = vector.broadcast %broadcast_in_dim3A_1095 : i32 to vector<16xi32>
    %broadcast_in_dim3A_1097 = vector.shape_cast %broadcast_in_dim3A_1096 : vector<16xi32> to vector<16x1xi32>
    %gather3A_1098 = vector.shape_cast %broadcast_in_dim3A_1097 : vector<16x1xi32> to vector<16xi32>
    %gather3A_1099 = tpu.dynamic_gather %max3A_977[%gather3A_1098] in [0] : vector<16xf32>, vector<16xi32> -> vector<16xf32>
    %swap3A_1100 = arith.constant 976 : index
    %swap3A_1101 = tpu.vector_load %arg16[%swap3A_1100] {strides = array<i32>} : memref<2048xf32, #tpu.memory_space<vmem>>, vector<16xf32>,
    %swap3A_1102 = vector.shape_cast %swap3A_1101 : vector<16xf32> to vector<16xf32>
    %swap3A_1103 = vector.shape_cast %gather3A_1099 : vector<16xf32> to vector<16xf32>
    tpu.vector_store %arg16[%swap3A_1100], %swap3A_1103 {strides = array<i32>} : memref<2048xf32, #tpu.memory_space<vmem>>, vector<16xf32>,
    %broadcast_in_dim3A_1104 = arith.constant 14 : i32
    %broadcast_in_dim3A_1105 = vector.broadcast %broadcast_in_dim3A_1104 : i32 to vector<16xi32>
    %broadcast_in_dim3A_1106 = vector.shape_cast %broadcast_in_dim3A_1105 : vector<16xi32> to vector<16x1xi32>
    %gather3A_1107 = vector.shape_cast %broadcast_in_dim3A_1106 : vector<16x1xi32> to vector<16xi32>
    %gather3A_1108 = tpu.dynamic_gather %max3A_977[%gather3A_1107] in [0] : vector<16xf32>, vector<16xi32> -> vector<16xf32>
    %swap3A_1109 = arith.constant 992 : index
    %swap3A_1110 = tpu.vector_load %arg16[%swap3A_1109] {strides = array<i32>} : memref<2048xf32, #tpu.memory_space<vmem>>, vector<16xf32>,
    %swap3A_1111 = vector.shape_cast %swap3A_1110 : vector<16xf32> to vector<16xf32>
    %swap3A_1112 = vector.shape_cast %gather3A_1108 : vector<16xf32> to vector<16xf32>
    tpu.vector_store %arg16[%swap3A_1109], %swap3A_1112 {strides = array<i32>} : memref<2048xf32, #tpu.memory_space<vmem>>, vector<16xf32>,
    %broadcast_in_dim3A_1113 = arith.constant 15 : i32
    %broadcast_in_dim3A_1114 = vector.broadcast %broadcast_in_dim3A_1113 : i32 to vector<16xi32>
    %broadcast_in_dim3A_1115 = vector.shape_cast %broadcast_in_dim3A_1114 : vector<16xi32> to vector<16x1xi32>
    %gather3A_1116 = vector.shape_cast %broadcast_in_dim3A_1115 : vector<16x1xi32> to vector<16xi32>
    %gather3A_1117 = tpu.dynamic_gather %max3A_977[%gather3A_1116] in [0] : vector<16xf32>, vector<16xi32> -> vector<16xf32>
    %swap3A_1118 = arith.constant 1008 : index
    %swap3A_1119 = tpu.vector_load %arg16[%swap3A_1118] {strides = array<i32>} : memref<2048xf32, #tpu.memory_space<vmem>>, vector<16xf32>,
    %swap3A_1120 = vector.shape_cast %swap3A_1119 : vector<16xf32> to vector<16xf32>
    %swap3A_1121 = vector.shape_cast %gather3A_1117 : vector<16xf32> to vector<16xf32>
    tpu.vector_store %arg16[%swap3A_1118], %swap3A_1121 {strides = array<i32>} : memref<2048xf32, #tpu.memory_space<vmem>>, vector<16xf32>,
    %get3A_1122 = arith.constant 64 : index
    %get3A_1123 = tpu.vector_load %arg15[%get3A_1122] {strides = array<i32>} : memref<4096xf32, #tpu.memory_space<vmem>>, vector<16xf32>,
    %get3A_1124 = vector.shape_cast %get3A_1123 : vector<16xf32> to vector<16xf32>
    %get3A_1125 = arith.constant 192 : index
    %get3A_1126 = tpu.vector_load %arg15[%get3A_1125] {strides = array<i32>} : memref<4096xf32, #tpu.memory_space<vmem>>, vector<16xf32>,
    %get3A_1127 = vector.shape_cast %get3A_1126 : vector<16xf32> to vector<16xf32>
    %max3A_1128 = arith.maximumf %get3A_1124, %get3A_1127 : vector<16xf32>
    %get3A_1129 = arith.constant 320 : index
    %get3A_1130 = tpu.vector_load %arg15[%get3A_1129] {strides = array<i32>} : memref<4096xf32, #tpu.memory_space<vmem>>, vector<16xf32>,
    %get3A_1131 = vector.shape_cast %get3A_1130 : vector<16xf32> to vector<16xf32>
    %max3A_1132 = arith.maximumf %max3A_1128, %get3A_1131 : vector<16xf32>
    %get3A_1133 = arith.constant 448 : index
    %get3A_1134 = tpu.vector_load %arg15[%get3A_1133] {strides = array<i32>} : memref<4096xf32, #tpu.memory_space<vmem>>, vector<16xf32>,
    %get3A_1135 = vector.shape_cast %get3A_1134 : vector<16xf32> to vector<16xf32>
    %max3A_1136 = arith.maximumf %max3A_1132, %get3A_1135 : vector<16xf32>
    %get3A_1137 = arith.constant 576 : index
    %get3A_1138 = tpu.vector_load %arg15[%get3A_1137] {strides = array<i32>} : memref<4096xf32, #tpu.memory_space<vmem>>, vector<16xf32>,
    %get3A_1139 = vector.shape_cast %get3A_1138 : vector<16xf32> to vector<16xf32>
    %max3A_1140 = arith.maximumf %max3A_1136, %get3A_1139 : vector<16xf32>
    %get3A_1141 = arith.constant 704 : index
    %get3A_1142 = tpu.vector_load %arg15[%get3A_1141] {strides = array<i32>} : memref<4096xf32, #tpu.memory_space<vmem>>, vector<16xf32>,
    %get3A_1143 = vector.shape_cast %get3A_1142 : vector<16xf32> to vector<16xf32>
    %max3A_1144 = arith.maximumf %max3A_1140, %get3A_1143 : vector<16xf32>
    %get3A_1145 = arith.constant 832 : index
    %get3A_1146 = tpu.vector_load %arg15[%get3A_1145] {strides = array<i32>} : memref<4096xf32, #tpu.memory_space<vmem>>, vector<16xf32>,
    %get3A_1147 = vector.shape_cast %get3A_1146 : vector<16xf32> to vector<16xf32>
    %max3A_1148 = arith.maximumf %max3A_1144, %get3A_1147 : vector<16xf32>
    %get3A_1149 = arith.constant 960 : index
    %get3A_1150 = tpu.vector_load %arg15[%get3A_1149] {strides = array<i32>} : memref<4096xf32, #tpu.memory_space<vmem>>, vector<16xf32>,
    %get3A_1151 = vector.shape_cast %get3A_1150 : vector<16xf32> to vector<16xf32>
    %max3A_1152 = arith.maximumf %max3A_1148, %get3A_1151 : vector<16xf32>
    %get3A_1153 = arith.constant 1088 : index
    %get3A_1154 = tpu.vector_load %arg15[%get3A_1153] {strides = array<i32>} : memref<4096xf32, #tpu.memory_space<vmem>>, vector<16xf32>,
    %get3A_1155 = vector.shape_cast %get3A_1154 : vector<16xf32> to vector<16xf32>
    %max3A_1156 = arith.maximumf %max3A_1152, %get3A_1155 : vector<16xf32>
    %get3A_1157 = arith.constant 1216 : index
    %get3A_1158 = tpu.vector_load %arg15[%get3A_1157] {strides = array<i32>} : memref<4096xf32, #tpu.memory_space<vmem>>, vector<16xf32>,
    %get3A_1159 = vector.shape_cast %get3A_1158 : vector<16xf32> to vector<16xf32>
    %max3A_1160 = arith.maximumf %max3A_1156, %get3A_1159 : vector<16xf32>
    %get3A_1161 = arith.constant 1344 : index
    %get3A_1162 = tpu.vector_load %arg15[%get3A_1161] {strides = array<i32>} : memref<4096xf32, #tpu.memory_space<vmem>>, vector<16xf32>,
    %get3A_1163 = vector.shape_cast %get3A_1162 : vector<16xf32> to vector<16xf32>
    %max3A_1164 = arith.maximumf %max3A_1160, %get3A_1163 : vector<16xf32>
    %get3A_1165 = arith.constant 1472 : index
    %get3A_1166 = tpu.vector_load %arg15[%get3A_1165] {strides = array<i32>} : memref<4096xf32, #tpu.memory_space<vmem>>, vector<16xf32>,
    %get3A_1167 = vector.shape_cast %get3A_1166 : vector<16xf32> to vector<16xf32>
    %max3A_1168 = arith.maximumf %max3A_1164, %get3A_1167 : vector<16xf32>
    %get3A_1169 = arith.constant 1600 : index
    %get3A_1170 = tpu.vector_load %arg15[%get3A_1169] {strides = array<i32>} : memref<4096xf32, #tpu.memory_space<vmem>>, vector<16xf32>,
    %get3A_1171 = vector.shape_cast %get3A_1170 : vector<16xf32> to vector<16xf32>
    %max3A_1172 = arith.maximumf %max3A_1168, %get3A_1171 : vector<16xf32>
    %get3A_1173 = arith.constant 1728 : index
    %get3A_1174 = tpu.vector_load %arg15[%get3A_1173] {strides = array<i32>} : memref<4096xf32, #tpu.memory_space<vmem>>, vector<16xf32>,
    %get3A_1175 = vector.shape_cast %get3A_1174 : vector<16xf32> to vector<16xf32>
    %max3A_1176 = arith.maximumf %max3A_1172, %get3A_1175 : vector<16xf32>
    %get3A_1177 = arith.constant 1856 : index
    %get3A_1178 = tpu.vector_load %arg15[%get3A_1177] {strides = array<i32>} : memref<4096xf32, #tpu.memory_space<vmem>>, vector<16xf32>,
    %get3A_1179 = vector.shape_cast %get3A_1178 : vector<16xf32> to vector<16xf32>
    %max3A_1180 = arith.maximumf %max3A_1176, %get3A_1179 : vector<16xf32>
    %get3A_1181 = arith.constant 1984 : index
    %get3A_1182 = tpu.vector_load %arg15[%get3A_1181] {strides = array<i32>} : memref<4096xf32, #tpu.memory_space<vmem>>, vector<16xf32>,
    %get3A_1183 = vector.shape_cast %get3A_1182 : vector<16xf32> to vector<16xf32>
    %max3A_1184 = arith.maximumf %max3A_1180, %get3A_1183 : vector<16xf32>
    %get3A_1185 = arith.constant 2112 : index
    %get3A_1186 = tpu.vector_load %arg15[%get3A_1185] {strides = array<i32>} : memref<4096xf32, #tpu.memory_space<vmem>>, vector<16xf32>,
    %get3A_1187 = vector.shape_cast %get3A_1186 : vector<16xf32> to vector<16xf32>
    %max3A_1188 = arith.maximumf %max3A_1184, %get3A_1187 : vector<16xf32>
    %get3A_1189 = arith.constant 2240 : index
    %get3A_1190 = tpu.vector_load %arg15[%get3A_1189] {strides = array<i32>} : memref<4096xf32, #tpu.memory_space<vmem>>, vector<16xf32>,
    %get3A_1191 = vector.shape_cast %get3A_1190 : vector<16xf32> to vector<16xf32>
    %max3A_1192 = arith.maximumf %max3A_1188, %get3A_1191 : vector<16xf32>
    %get3A_1193 = arith.constant 2368 : index
    %get3A_1194 = tpu.vector_load %arg15[%get3A_1193] {strides = array<i32>} : memref<4096xf32, #tpu.memory_space<vmem>>, vector<16xf32>,
    %get3A_1195 = vector.shape_cast %get3A_1194 : vector<16xf32> to vector<16xf32>
    %max3A_1196 = arith.maximumf %max3A_1192, %get3A_1195 : vector<16xf32>
    %get3A_1197 = arith.constant 2496 : index
    %get3A_1198 = tpu.vector_load %arg15[%get3A_1197] {strides = array<i32>} : memref<4096xf32, #tpu.memory_space<vmem>>, vector<16xf32>,
    %get3A_1199 = vector.shape_cast %get3A_1198 : vector<16xf32> to vector<16xf32>
    %max3A_1200 = arith.maximumf %max3A_1196, %get3A_1199 : vector<16xf32>
    %get3A_1201 = arith.constant 2624 : index
    %get3A_1202 = tpu.vector_load %arg15[%get3A_1201] {strides = array<i32>} : memref<4096xf32, #tpu.memory_space<vmem>>, vector<16xf32>,
    %get3A_1203 = vector.shape_cast %get3A_1202 : vector<16xf32> to vector<16xf32>
    %max3A_1204 = arith.maximumf %max3A_1200, %get3A_1203 : vector<16xf32>
    %get3A_1205 = arith.constant 2752 : index
    %get3A_1206 = tpu.vector_load %arg15[%get3A_1205] {strides = array<i32>} : memref<4096xf32, #tpu.memory_space<vmem>>, vector<16xf32>,
    %get3A_1207 = vector.shape_cast %get3A_1206 : vector<16xf32> to vector<16xf32>
    %max3A_1208 = arith.maximumf %max3A_1204, %get3A_1207 : vector<16xf32>
    %get3A_1209 = arith.constant 2880 : index
    %get3A_1210 = tpu.vector_load %arg15[%get3A_1209] {strides = array<i32>} : memref<4096xf32, #tpu.memory_space<vmem>>, vector<16xf32>,
    %get3A_1211 = vector.shape_cast %get3A_1210 : vector<16xf32> to vector<16xf32>
    %max3A_1212 = arith.maximumf %max3A_1208, %get3A_1211 : vector<16xf32>
    %get3A_1213 = arith.constant 3008 : index
    %get3A_1214 = tpu.vector_load %arg15[%get3A_1213] {strides = array<i32>} : memref<4096xf32, #tpu.memory_space<vmem>>, vector<16xf32>,
    %get3A_1215 = vector.shape_cast %get3A_1214 : vector<16xf32> to vector<16xf32>
    %max3A_1216 = arith.maximumf %max3A_1212, %get3A_1215 : vector<16xf32>
    %get3A_1217 = arith.constant 3136 : index
    %get3A_1218 = tpu.vector_load %arg15[%get3A_1217] {strides = array<i32>} : memref<4096xf32, #tpu.memory_space<vmem>>, vector<16xf32>,
    %get3A_1219 = vector.shape_cast %get3A_1218 : vector<16xf32> to vector<16xf32>
    %max3A_1220 = arith.maximumf %max3A_1216, %get3A_1219 : vector<16xf32>
    %get3A_1221 = arith.constant 3264 : index
    %get3A_1222 = tpu.vector_load %arg15[%get3A_1221] {strides = array<i32>} : memref<4096xf32, #tpu.memory_space<vmem>>, vector<16xf32>,
    %get3A_1223 = vector.shape_cast %get3A_1222 : vector<16xf32> to vector<16xf32>
    %max3A_1224 = arith.maximumf %max3A_1220, %get3A_1223 : vector<16xf32>
    %get3A_1225 = arith.constant 3392 : index
    %get3A_1226 = tpu.vector_load %arg15[%get3A_1225] {strides = array<i32>} : memref<4096xf32, #tpu.memory_space<vmem>>, vector<16xf32>,
    %get3A_1227 = vector.shape_cast %get3A_1226 : vector<16xf32> to vector<16xf32>
    %max3A_1228 = arith.maximumf %max3A_1224, %get3A_1227 : vector<16xf32>
    %get3A_1229 = arith.constant 3520 : index
    %get3A_1230 = tpu.vector_load %arg15[%get3A_1229] {strides = array<i32>} : memref<4096xf32, #tpu.memory_space<vmem>>, vector<16xf32>,
    %get3A_1231 = vector.shape_cast %get3A_1230 : vector<16xf32> to vector<16xf32>
    %max3A_1232 = arith.maximumf %max3A_1228, %get3A_1231 : vector<16xf32>
    %get3A_1233 = arith.constant 3648 : index
    %get3A_1234 = tpu.vector_load %arg15[%get3A_1233] {strides = array<i32>} : memref<4096xf32, #tpu.memory_space<vmem>>, vector<16xf32>,
    %get3A_1235 = vector.shape_cast %get3A_1234 : vector<16xf32> to vector<16xf32>
    %max3A_1236 = arith.maximumf %max3A_1232, %get3A_1235 : vector<16xf32>
    %get3A_1237 = arith.constant 3776 : index
    %get3A_1238 = tpu.vector_load %arg15[%get3A_1237] {strides = array<i32>} : memref<4096xf32, #tpu.memory_space<vmem>>, vector<16xf32>,
    %get3A_1239 = vector.shape_cast %get3A_1238 : vector<16xf32> to vector<16xf32>
    %max3A_1240 = arith.maximumf %max3A_1236, %get3A_1239 : vector<16xf32>
    %get3A_1241 = arith.constant 3904 : index
    %get3A_1242 = tpu.vector_load %arg15[%get3A_1241] {strides = array<i32>} : memref<4096xf32, #tpu.memory_space<vmem>>, vector<16xf32>,
    %get3A_1243 = vector.shape_cast %get3A_1242 : vector<16xf32> to vector<16xf32>
    %max3A_1244 = arith.maximumf %max3A_1240, %get3A_1243 : vector<16xf32>
    %get3A_1245 = arith.constant 4032 : index
    %get3A_1246 = tpu.vector_load %arg15[%get3A_1245] {strides = array<i32>} : memref<4096xf32, #tpu.memory_space<vmem>>, vector<16xf32>,
    %get3A_1247 = vector.shape_cast %get3A_1246 : vector<16xf32> to vector<16xf32>
    %max3A_1248 = arith.maximumf %max3A_1244, %get3A_1247 : vector<16xf32>
    %broadcast_in_dim3A_1249 = arith.constant 0 : i32
    %broadcast_in_dim3A_1250 = vector.broadcast %broadcast_in_dim3A_1249 : i32 to vector<16xi32>
    %broadcast_in_dim3A_1251 = vector.shape_cast %broadcast_in_dim3A_1250 : vector<16xi32> to vector<16x1xi32>
    %gather3A_1252 = vector.shape_cast %broadcast_in_dim3A_1251 : vector<16x1xi32> to vector<16xi32>
    %gather3A_1253 = tpu.dynamic_gather %max3A_1248[%gather3A_1252] in [0] : vector<16xf32>, vector<16xi32> -> vector<16xf32>
    %swap3A_1254 = arith.constant 1024 : index
    %swap3A_1255 = tpu.vector_load %arg16[%swap3A_1254] {strides = array<i32>} : memref<2048xf32, #tpu.memory_space<vmem>>, vector<16xf32>,
    %swap3A_1256 = vector.shape_cast %swap3A_1255 : vector<16xf32> to vector<16xf32>
    %swap3A_1257 = vector.shape_cast %gather3A_1253 : vector<16xf32> to vector<16xf32>
    tpu.vector_store %arg16[%swap3A_1254], %swap3A_1257 {strides = array<i32>} : memref<2048xf32, #tpu.memory_space<vmem>>, vector<16xf32>,
    %broadcast_in_dim3A_1258 = arith.constant 1 : i32
    %broadcast_in_dim3A_1259 = vector.broadcast %broadcast_in_dim3A_1258 : i32 to vector<16xi32>
    %broadcast_in_dim3A_1260 = vector.shape_cast %broadcast_in_dim3A_1259 : vector<16xi32> to vector<16x1xi32>
    %gather3A_1261 = vector.shape_cast %broadcast_in_dim3A_1260 : vector<16x1xi32> to vector<16xi32>
    %gather3A_1262 = tpu.dynamic_gather %max3A_1248[%gather3A_1261] in [0] : vector<16xf32>, vector<16xi32> -> vector<16xf32>
    %swap3A_1263 = arith.constant 1040 : index
    %swap3A_1264 = tpu.vector_load %arg16[%swap3A_1263] {strides = array<i32>} : memref<2048xf32, #tpu.memory_space<vmem>>, vector<16xf32>,
    %swap3A_1265 = vector.shape_cast %swap3A_1264 : vector<16xf32> to vector<16xf32>
    %swap3A_1266 = vector.shape_cast %gather3A_1262 : vector<16xf32> to vector<16xf32>
    tpu.vector_store %arg16[%swap3A_1263], %swap3A_1266 {strides = array<i32>} : memref<2048xf32, #tpu.memory_space<vmem>>, vector<16xf32>,
    %broadcast_in_dim3A_1267 = arith.constant 2 : i32
    %broadcast_in_dim3A_1268 = vector.broadcast %broadcast_in_dim3A_1267 : i32 to vector<16xi32>
    %broadcast_in_dim3A_1269 = vector.shape_cast %broadcast_in_dim3A_1268 : vector<16xi32> to vector<16x1xi32>
    %gather3A_1270 = vector.shape_cast %broadcast_in_dim3A_1269 : vector<16x1xi32> to vector<16xi32>
    %gather3A_1271 = tpu.dynamic_gather %max3A_1248[%gather3A_1270] in [0] : vector<16xf32>, vector<16xi32> -> vector<16xf32>
    %swap3A_1272 = arith.constant 1056 : index
    %swap3A_1273 = tpu.vector_load %arg16[%swap3A_1272] {strides = array<i32>} : memref<2048xf32, #tpu.memory_space<vmem>>, vector<16xf32>,
    %swap3A_1274 = vector.shape_cast %swap3A_1273 : vector<16xf32> to vector<16xf32>
    %swap3A_1275 = vector.shape_cast %gather3A_1271 : vector<16xf32> to vector<16xf32>
    tpu.vector_store %arg16[%swap3A_1272], %swap3A_1275 {strides = array<i32>} : memref<2048xf32, #tpu.memory_space<vmem>>, vector<16xf32>,
    %broadcast_in_dim3A_1276 = arith.constant 3 : i32
    %broadcast_in_dim3A_1277 = vector.broadcast %broadcast_in_dim3A_1276 : i32 to vector<16xi32>
    %broadcast_in_dim3A_1278 = vector.shape_cast %broadcast_in_dim3A_1277 : vector<16xi32> to vector<16x1xi32>
    %gather3A_1279 = vector.shape_cast %broadcast_in_dim3A_1278 : vector<16x1xi32> to vector<16xi32>
    %gather3A_1280 = tpu.dynamic_gather %max3A_1248[%gather3A_1279] in [0] : vector<16xf32>, vector<16xi32> -> vector<16xf32>
    %swap3A_1281 = arith.constant 1072 : index
    %swap3A_1282 = tpu.vector_load %arg16[%swap3A_1281] {strides = array<i32>} : memref<2048xf32, #tpu.memory_space<vmem>>, vector<16xf32>,
    %swap3A_1283 = vector.shape_cast %swap3A_1282 : vector<16xf32> to vector<16xf32>
    %swap3A_1284 = vector.shape_cast %gather3A_1280 : vector<16xf32> to vector<16xf32>
    tpu.vector_store %arg16[%swap3A_1281], %swap3A_1284 {strides = array<i32>} : memref<2048xf32, #tpu.memory_space<vmem>>, vector<16xf32>,
    %broadcast_in_dim3A_1285 = arith.constant 4 : i32
    %broadcast_in_dim3A_1286 = vector.broadcast %broadcast_in_dim3A_1285 : i32 to vector<16xi32>
    %broadcast_in_dim3A_1287 = vector.shape_cast %broadcast_in_dim3A_1286 : vector<16xi32> to vector<16x1xi32>
    %gather3A_1288 = vector.shape_cast %broadcast_in_dim3A_1287 : vector<16x1xi32> to vector<16xi32>
    %gather3A_1289 = tpu.dynamic_gather %max3A_1248[%gather3A_1288] in [0] : vector<16xf32>, vector<16xi32> -> vector<16xf32>
    %swap3A_1290 = arith.constant 1088 : index
    %swap3A_1291 = tpu.vector_load %arg16[%swap3A_1290] {strides = array<i32>} : memref<2048xf32, #tpu.memory_space<vmem>>, vector<16xf32>,
    %swap3A_1292 = vector.shape_cast %swap3A_1291 : vector<16xf32> to vector<16xf32>
    %swap3A_1293 = vector.shape_cast %gather3A_1289 : vector<16xf32> to vector<16xf32>
    tpu.vector_store %arg16[%swap3A_1290], %swap3A_1293 {strides = array<i32>} : memref<2048xf32, #tpu.memory_space<vmem>>, vector<16xf32>,
    %broadcast_in_dim3A_1294 = arith.constant 5 : i32
    %broadcast_in_dim3A_1295 = vector.broadcast %broadcast_in_dim3A_1294 : i32 to vector<16xi32>
    %broadcast_in_dim3A_1296 = vector.shape_cast %broadcast_in_dim3A_1295 : vector<16xi32> to vector<16x1xi32>
    %gather3A_1297 = vector.shape_cast %broadcast_in_dim3A_1296 : vector<16x1xi32> to vector<16xi32>
    %gather3A_1298 = tpu.dynamic_gather %max3A_1248[%gather3A_1297] in [0] : vector<16xf32>, vector<16xi32> -> vector<16xf32>
    %swap3A_1299 = arith.constant 1104 : index
    %swap3A_1300 = tpu.vector_load %arg16[%swap3A_1299] {strides = array<i32>} : memref<2048xf32, #tpu.memory_space<vmem>>, vector<16xf32>,
    %swap3A_1301 = vector.shape_cast %swap3A_1300 : vector<16xf32> to vector<16xf32>
    %swap3A_1302 = vector.shape_cast %gather3A_1298 : vector<16xf32> to vector<16xf32>
    tpu.vector_store %arg16[%swap3A_1299], %swap3A_1302 {strides = array<i32>} : memref<2048xf32, #tpu.memory_space<vmem>>, vector<16xf32>,
    %broadcast_in_dim3A_1303 = arith.constant 6 : i32
    %broadcast_in_dim3A_1304 = vector.broadcast %broadcast_in_dim3A_1303 : i32 to vector<16xi32>
    %broadcast_in_dim3A_1305 = vector.shape_cast %broadcast_in_dim3A_1304 : vector<16xi32> to vector<16x1xi32>
    %gather3A_1306 = vector.shape_cast %broadcast_in_dim3A_1305 : vector<16x1xi32> to vector<16xi32>
    %gather3A_1307 = tpu.dynamic_gather %max3A_1248[%gather3A_1306] in [0] : vector<16xf32>, vector<16xi32> -> vector<16xf32>
    %swap3A_1308 = arith.constant 1120 : index
    %swap3A_1309 = tpu.vector_load %arg16[%swap3A_1308] {strides = array<i32>} : memref<2048xf32, #tpu.memory_space<vmem>>, vector<16xf32>,
    %swap3A_1310 = vector.shape_cast %swap3A_1309 : vector<16xf32> to vector<16xf32>
    %swap3A_1311 = vector.shape_cast %gather3A_1307 : vector<16xf32> to vector<16xf32>
    tpu.vector_store %arg16[%swap3A_1308], %swap3A_1311 {strides = array<i32>} : memref<2048xf32, #tpu.memory_space<vmem>>, vector<16xf32>,
    %broadcast_in_dim3A_1312 = arith.constant 7 : i32
    %broadcast_in_dim3A_1313 = vector.broadcast %broadcast_in_dim3A_1312 : i32 to vector<16xi32>
    %broadcast_in_dim3A_1314 = vector.shape_cast %broadcast_in_dim3A_1313 : vector<16xi32> to vector<16x1xi32>
    %gather3A_1315 = vector.shape_cast %broadcast_in_dim3A_1314 : vector<16x1xi32> to vector<16xi32>
    %gather3A_1316 = tpu.dynamic_gather %max3A_1248[%gather3A_1315] in [0] : vector<16xf32>, vector<16xi32> -> vector<16xf32>
    %swap3A_1317 = arith.constant 1136 : index
    %swap3A_1318 = tpu.vector_load %arg16[%swap3A_1317] {strides = array<i32>} : memref<2048xf32, #tpu.memory_space<vmem>>, vector<16xf32>,
    %swap3A_1319 = vector.shape_cast %swap3A_1318 : vector<16xf32> to vector<16xf32>
    %swap3A_1320 = vector.shape_cast %gather3A_1316 : vector<16xf32> to vector<16xf32>
    tpu.vector_store %arg16[%swap3A_1317], %swap3A_1320 {strides = array<i32>} : memref<2048xf32, #tpu.memory_space<vmem>>, vector<16xf32>,
    %broadcast_in_dim3A_1321 = arith.constant 8 : i32
    %broadcast_in_dim3A_1322 = vector.broadcast %broadcast_in_dim3A_1321 : i32 to vector<16xi32>
    %broadcast_in_dim3A_1323 = vector.shape_cast %broadcast_in_dim3A_1322 : vector<16xi32> to vector<16x1xi32>
    %gather3A_1324 = vector.shape_cast %broadcast_in_dim3A_1323 : vector<16x1xi32> to vector<16xi32>
    %gather3A_1325 = tpu.dynamic_gather %max3A_1248[%gather3A_1324] in [0] : vector<16xf32>, vector<16xi32> -> vector<16xf32>
    %swap3A_1326 = arith.constant 1152 : index
    %swap3A_1327 = tpu.vector_load %arg16[%swap3A_1326] {strides = array<i32>} : memref<2048xf32, #tpu.memory_space<vmem>>, vector<16xf32>,
    %swap3A_1328 = vector.shape_cast %swap3A_1327 : vector<16xf32> to vector<16xf32>
    %swap3A_1329 = vector.shape_cast %gather3A_1325 : vector<16xf32> to vector<16xf32>
    tpu.vector_store %arg16[%swap3A_1326], %swap3A_1329 {strides = array<i32>} : memref<2048xf32, #tpu.memory_space<vmem>>, vector<16xf32>,
    %broadcast_in_dim3A_1330 = arith.constant 9 : i32
    %broadcast_in_dim3A_1331 = vector.broadcast %broadcast_in_dim3A_1330 : i32 to vector<16xi32>
    %broadcast_in_dim3A_1332 = vector.shape_cast %broadcast_in_dim3A_1331 : vector<16xi32> to vector<16x1xi32>
    %gather3A_1333 = vector.shape_cast %broadcast_in_dim3A_1332 : vector<16x1xi32> to vector<16xi32>
    %gather3A_1334 = tpu.dynamic_gather %max3A_1248[%gather3A_1333] in [0] : vector<16xf32>, vector<16xi32> -> vector<16xf32>
    %swap3A_1335 = arith.constant 1168 : index
    %swap3A_1336 = tpu.vector_load %arg16[%swap3A_1335] {strides = array<i32>} : memref<2048xf32, #tpu.memory_space<vmem>>, vector<16xf32>,
    %swap3A_1337 = vector.shape_cast %swap3A_1336 : vector<16xf32> to vector<16xf32>
    %swap3A_1338 = vector.shape_cast %gather3A_1334 : vector<16xf32> to vector<16xf32>
    tpu.vector_store %arg16[%swap3A_1335], %swap3A_1338 {strides = array<i32>} : memref<2048xf32, #tpu.memory_space<vmem>>, vector<16xf32>,
    %broadcast_in_dim3A_1339 = arith.constant 10 : i32
    %broadcast_in_dim3A_1340 = vector.broadcast %broadcast_in_dim3A_1339 : i32 to vector<16xi32>
    %broadcast_in_dim3A_1341 = vector.shape_cast %broadcast_in_dim3A_1340 : vector<16xi32> to vector<16x1xi32>
    %gather3A_1342 = vector.shape_cast %broadcast_in_dim3A_1341 : vector<16x1xi32> to vector<16xi32>
    %gather3A_1343 = tpu.dynamic_gather %max3A_1248[%gather3A_1342] in [0] : vector<16xf32>, vector<16xi32> -> vector<16xf32>
    %swap3A_1344 = arith.constant 1184 : index
    %swap3A_1345 = tpu.vector_load %arg16[%swap3A_1344] {strides = array<i32>} : memref<2048xf32, #tpu.memory_space<vmem>>, vector<16xf32>,
    %swap3A_1346 = vector.shape_cast %swap3A_1345 : vector<16xf32> to vector<16xf32>
    %swap3A_1347 = vector.shape_cast %gather3A_1343 : vector<16xf32> to vector<16xf32>
    tpu.vector_store %arg16[%swap3A_1344], %swap3A_1347 {strides = array<i32>} : memref<2048xf32, #tpu.memory_space<vmem>>, vector<16xf32>,
    %broadcast_in_dim3A_1348 = arith.constant 11 : i32
    %broadcast_in_dim3A_1349 = vector.broadcast %broadcast_in_dim3A_1348 : i32 to vector<16xi32>
    %broadcast_in_dim3A_1350 = vector.shape_cast %broadcast_in_dim3A_1349 : vector<16xi32> to vector<16x1xi32>
    %gather3A_1351 = vector.shape_cast %broadcast_in_dim3A_1350 : vector<16x1xi32> to vector<16xi32>
    %gather3A_1352 = tpu.dynamic_gather %max3A_1248[%gather3A_1351] in [0] : vector<16xf32>, vector<16xi32> -> vector<16xf32>
    %swap3A_1353 = arith.constant 1200 : index
    %swap3A_1354 = tpu.vector_load %arg16[%swap3A_1353] {strides = array<i32>} : memref<2048xf32, #tpu.memory_space<vmem>>, vector<16xf32>,
    %swap3A_1355 = vector.shape_cast %swap3A_1354 : vector<16xf32> to vector<16xf32>
    %swap3A_1356 = vector.shape_cast %gather3A_1352 : vector<16xf32> to vector<16xf32>
    tpu.vector_store %arg16[%swap3A_1353], %swap3A_1356 {strides = array<i32>} : memref<2048xf32, #tpu.memory_space<vmem>>, vector<16xf32>,
    %broadcast_in_dim3A_1357 = arith.constant 12 : i32
    %broadcast_in_dim3A_1358 = vector.broadcast %broadcast_in_dim3A_1357 : i32 to vector<16xi32>
    %broadcast_in_dim3A_1359 = vector.shape_cast %broadcast_in_dim3A_1358 : vector<16xi32> to vector<16x1xi32>
    %gather3A_1360 = vector.shape_cast %broadcast_in_dim3A_1359 : vector<16x1xi32> to vector<16xi32>
    %gather3A_1361 = tpu.dynamic_gather %max3A_1248[%gather3A_1360] in [0] : vector<16xf32>, vector<16xi32> -> vector<16xf32>
    %swap3A_1362 = arith.constant 1216 : index
    %swap3A_1363 = tpu.vector_load %arg16[%swap3A_1362] {strides = array<i32>} : memref<2048xf32, #tpu.memory_space<vmem>>, vector<16xf32>,
    %swap3A_1364 = vector.shape_cast %swap3A_1363 : vector<16xf32> to vector<16xf32>
    %swap3A_1365 = vector.shape_cast %gather3A_1361 : vector<16xf32> to vector<16xf32>
    tpu.vector_store %arg16[%swap3A_1362], %swap3A_1365 {strides = array<i32>} : memref<2048xf32, #tpu.memory_space<vmem>>, vector<16xf32>,
    %broadcast_in_dim3A_1366 = arith.constant 13 : i32
    %broadcast_in_dim3A_1367 = vector.broadcast %broadcast_in_dim3A_1366 : i32 to vector<16xi32>
    %broadcast_in_dim3A_1368 = vector.shape_cast %broadcast_in_dim3A_1367 : vector<16xi32> to vector<16x1xi32>
    %gather3A_1369 = vector.shape_cast %broadcast_in_dim3A_1368 : vector<16x1xi32> to vector<16xi32>
    %gather3A_1370 = tpu.dynamic_gather %max3A_1248[%gather3A_1369] in [0] : vector<16xf32>, vector<16xi32> -> vector<16xf32>
    %swap3A_1371 = arith.constant 1232 : index
    %swap3A_1372 = tpu.vector_load %arg16[%swap3A_1371] {strides = array<i32>} : memref<2048xf32, #tpu.memory_space<vmem>>, vector<16xf32>,
    %swap3A_1373 = vector.shape_cast %swap3A_1372 : vector<16xf32> to vector<16xf32>
    %swap3A_1374 = vector.shape_cast %gather3A_1370 : vector<16xf32> to vector<16xf32>
    tpu.vector_store %arg16[%swap3A_1371], %swap3A_1374 {strides = array<i32>} : memref<2048xf32, #tpu.memory_space<vmem>>, vector<16xf32>,
    %broadcast_in_dim3A_1375 = arith.constant 14 : i32
    %broadcast_in_dim3A_1376 = vector.broadcast %broadcast_in_dim3A_1375 : i32 to vector<16xi32>
    %broadcast_in_dim3A_1377 = vector.shape_cast %broadcast_in_dim3A_1376 : vector<16xi32> to vector<16x1xi32>
    %gather3A_1378 = vector.shape_cast %broadcast_in_dim3A_1377 : vector<16x1xi32> to vector<16xi32>
    %gather3A_1379 = tpu.dynamic_gather %max3A_1248[%gather3A_1378] in [0] : vector<16xf32>, vector<16xi32> -> vector<16xf32>
    %swap3A_1380 = arith.constant 1248 : index
    %swap3A_1381 = tpu.vector_load %arg16[%swap3A_1380] {strides = array<i32>} : memref<2048xf32, #tpu.memory_space<vmem>>, vector<16xf32>,
    %swap3A_1382 = vector.shape_cast %swap3A_1381 : vector<16xf32> to vector<16xf32>
    %swap3A_1383 = vector.shape_cast %gather3A_1379 : vector<16xf32> to vector<16xf32>
    tpu.vector_store %arg16[%swap3A_1380], %swap3A_1383 {strides = array<i32>} : memref<2048xf32, #tpu.memory_space<vmem>>, vector<16xf32>,
    %broadcast_in_dim3A_1384 = arith.constant 15 : i32
    %broadcast_in_dim3A_1385 = vector.broadcast %broadcast_in_dim3A_1384 : i32 to vector<16xi32>
    %broadcast_in_dim3A_1386 = vector.shape_cast %broadcast_in_dim3A_1385 : vector<16xi32> to vector<16x1xi32>
    %gather3A_1387 = vector.shape_cast %broadcast_in_dim3A_1386 : vector<16x1xi32> to vector<16xi32>
    %gather3A_1388 = tpu.dynamic_gather %max3A_1248[%gather3A_1387] in [0] : vector<16xf32>, vector<16xi32> -> vector<16xf32>
    %swap3A_1389 = arith.constant 1264 : index
    %swap3A_1390 = tpu.vector_load %arg16[%swap3A_1389] {strides = array<i32>} : memref<2048xf32, #tpu.memory_space<vmem>>, vector<16xf32>,
    %swap3A_1391 = vector.shape_cast %swap3A_1390 : vector<16xf32> to vector<16xf32>
    %swap3A_1392 = vector.shape_cast %gather3A_1388 : vector<16xf32> to vector<16xf32>
    tpu.vector_store %arg16[%swap3A_1389], %swap3A_1392 {strides = array<i32>} : memref<2048xf32, #tpu.memory_space<vmem>>, vector<16xf32>,
    %get3A_1393 = arith.constant 80 : index
    %get3A_1394 = tpu.vector_load %arg15[%get3A_1393] {strides = array<i32>} : memref<4096xf32, #tpu.memory_space<vmem>>, vector<16xf32>,
    %get3A_1395 = vector.shape_cast %get3A_1394 : vector<16xf32> to vector<16xf32>
    %get3A_1396 = arith.constant 208 : index
    %get3A_1397 = tpu.vector_load %arg15[%get3A_1396] {strides = array<i32>} : memref<4096xf32, #tpu.memory_space<vmem>>, vector<16xf32>,
    %get3A_1398 = vector.shape_cast %get3A_1397 : vector<16xf32> to vector<16xf32>
    %max3A_1399 = arith.maximumf %get3A_1395, %get3A_1398 : vector<16xf32>
    %get3A_1400 = arith.constant 336 : index
    %get3A_1401 = tpu.vector_load %arg15[%get3A_1400] {strides = array<i32>} : memref<4096xf32, #tpu.memory_space<vmem>>, vector<16xf32>,
    %get3A_1402 = vector.shape_cast %get3A_1401 : vector<16xf32> to vector<16xf32>
    %max3A_1403 = arith.maximumf %max3A_1399, %get3A_1402 : vector<16xf32>
    %get3A_1404 = arith.constant 464 : index
    %get3A_1405 = tpu.vector_load %arg15[%get3A_1404] {strides = array<i32>} : memref<4096xf32, #tpu.memory_space<vmem>>, vector<16xf32>,
    %get3A_1406 = vector.shape_cast %get3A_1405 : vector<16xf32> to vector<16xf32>
    %max3A_1407 = arith.maximumf %max3A_1403, %get3A_1406 : vector<16xf32>
    %get3A_1408 = arith.constant 592 : index
    %get3A_1409 = tpu.vector_load %arg15[%get3A_1408] {strides = array<i32>} : memref<4096xf32, #tpu.memory_space<vmem>>, vector<16xf32>,
    %get3A_1410 = vector.shape_cast %get3A_1409 : vector<16xf32> to vector<16xf32>
    %max3A_1411 = arith.maximumf %max3A_1407, %get3A_1410 : vector<16xf32>
    %get3A_1412 = arith.constant 720 : index
    %get3A_1413 = tpu.vector_load %arg15[%get3A_1412] {strides = array<i32>} : memref<4096xf32, #tpu.memory_space<vmem>>, vector<16xf32>,
    %get3A_1414 = vector.shape_cast %get3A_1413 : vector<16xf32> to vector<16xf32>
    %max3A_1415 = arith.maximumf %max3A_1411, %get3A_1414 : vector<16xf32>
    %get3A_1416 = arith.constant 848 : index
    %get3A_1417 = tpu.vector_load %arg15[%get3A_1416] {strides = array<i32>} : memref<4096xf32, #tpu.memory_space<vmem>>, vector<16xf32>,
    %get3A_1418 = vector.shape_cast %get3A_1417 : vector<16xf32> to vector<16xf32>
    %max3A_1419 = arith.maximumf %max3A_1415, %get3A_1418 : vector<16xf32>
    %get3A_1420 = arith.constant 976 : index
    %get3A_1421 = tpu.vector_load %arg15[%get3A_1420] {strides = array<i32>} : memref<4096xf32, #tpu.memory_space<vmem>>, vector<16xf32>,
    %get3A_1422 = vector.shape_cast %get3A_1421 : vector<16xf32> to vector<16xf32>
    %max3A_1423 = arith.maximumf %max3A_1419, %get3A_1422 : vector<16xf32>
    %get3A_1424 = arith.constant 1104 : index
    %get3A_1425 = tpu.vector_load %arg15[%get3A_1424] {strides = array<i32>} : memref<4096xf32, #tpu.memory_space<vmem>>, vector<16xf32>,
    %get3A_1426 = vector.shape_cast %get3A_1425 : vector<16xf32> to vector<16xf32>
    %max3A_1427 = arith.maximumf %max3A_1423, %get3A_1426 : vector<16xf32>
    %get3A_1428 = arith.constant 1232 : index
    %get3A_1429 = tpu.vector_load %arg15[%get3A_1428] {strides = array<i32>} : memref<4096xf32, #tpu.memory_space<vmem>>, vector<16xf32>,
    %get3A_1430 = vector.shape_cast %get3A_1429 : vector<16xf32> to vector<16xf32>
    %max3A_1431 = arith.maximumf %max3A_1427, %get3A_1430 : vector<16xf32>
    %get3A_1432 = arith.constant 1360 : index
    %get3A_1433 = tpu.vector_load %arg15[%get3A_1432] {strides = array<i32>} : memref<4096xf32, #tpu.memory_space<vmem>>, vector<16xf32>,
    %get3A_1434 = vector.shape_cast %get3A_1433 : vector<16xf32> to vector<16xf32>
    %max3A_1435 = arith.maximumf %max3A_1431, %get3A_1434 : vector<16xf32>
    %get3A_1436 = arith.constant 1488 : index
    %get3A_1437 = tpu.vector_load %arg15[%get3A_1436] {strides = array<i32>} : memref<4096xf32, #tpu.memory_space<vmem>>, vector<16xf32>,
    %get3A_1438 = vector.shape_cast %get3A_1437 : vector<16xf32> to vector<16xf32>
    %max3A_1439 = arith.maximumf %max3A_1435, %get3A_1438 : vector<16xf32>
    %get3A_1440 = arith.constant 1616 : index
    %get3A_1441 = tpu.vector_load %arg15[%get3A_1440] {strides = array<i32>} : memref<4096xf32, #tpu.memory_space<vmem>>, vector<16xf32>,
    %get3A_1442 = vector.shape_cast %get3A_1441 : vector<16xf32> to vector<16xf32>
    %max3A_1443 = arith.maximumf %max3A_1439, %get3A_1442 : vector<16xf32>
    %get3A_1444 = arith.constant 1744 : index
    %get3A_1445 = tpu.vector_load %arg15[%get3A_1444] {strides = array<i32>} : memref<4096xf32, #tpu.memory_space<vmem>>, vector<16xf32>,
    %get3A_1446 = vector.shape_cast %get3A_1445 : vector<16xf32> to vector<16xf32>
    %max3A_1447 = arith.maximumf %max3A_1443, %get3A_1446 : vector<16xf32>
    %get3A_1448 = arith.constant 1872 : index
    %get3A_1449 = tpu.vector_load %arg15[%get3A_1448] {strides = array<i32>} : memref<4096xf32, #tpu.memory_space<vmem>>, vector<16xf32>,
    %get3A_1450 = vector.shape_cast %get3A_1449 : vector<16xf32> to vector<16xf32>
    %max3A_1451 = arith.maximumf %max3A_1447, %get3A_1450 : vector<16xf32>
    %get3A_1452 = arith.constant 2000 : index
    %get3A_1453 = tpu.vector_load %arg15[%get3A_1452] {strides = array<i32>} : memref<4096xf32, #tpu.memory_space<vmem>>, vector<16xf32>,
    %get3A_1454 = vector.shape_cast %get3A_1453 : vector<16xf32> to vector<16xf32>
    %max3A_1455 = arith.maximumf %max3A_1451, %get3A_1454 : vector<16xf32>
    %get3A_1456 = arith.constant 2128 : index
    %get3A_1457 = tpu.vector_load %arg15[%get3A_1456] {strides = array<i32>} : memref<4096xf32, #tpu.memory_space<vmem>>, vector<16xf32>,
    %get3A_1458 = vector.shape_cast %get3A_1457 : vector<16xf32> to vector<16xf32>
    %max3A_1459 = arith.maximumf %max3A_1455, %get3A_1458 : vector<16xf32>
    %get3A_1460 = arith.constant 2256 : index
    %get3A_1461 = tpu.vector_load %arg15[%get3A_1460] {strides = array<i32>} : memref<4096xf32, #tpu.memory_space<vmem>>, vector<16xf32>,
    %get3A_1462 = vector.shape_cast %get3A_1461 : vector<16xf32> to vector<16xf32>
    %max3A_1463 = arith.maximumf %max3A_1459, %get3A_1462 : vector<16xf32>
    %get3A_1464 = arith.constant 2384 : index
    %get3A_1465 = tpu.vector_load %arg15[%get3A_1464] {strides = array<i32>} : memref<4096xf32, #tpu.memory_space<vmem>>, vector<16xf32>,
    %get3A_1466 = vector.shape_cast %get3A_1465 : vector<16xf32> to vector<16xf32>
    %max3A_1467 = arith.maximumf %max3A_1463, %get3A_1466 : vector<16xf32>
    %get3A_1468 = arith.constant 2512 : index
    %get3A_1469 = tpu.vector_load %arg15[%get3A_1468] {strides = array<i32>} : memref<4096xf32, #tpu.memory_space<vmem>>, vector<16xf32>,
    %get3A_1470 = vector.shape_cast %get3A_1469 : vector<16xf32> to vector<16xf32>
    %max3A_1471 = arith.maximumf %max3A_1467, %get3A_1470 : vector<16xf32>
    %get3A_1472 = arith.constant 2640 : index
    %get3A_1473 = tpu.vector_load %arg15[%get3A_1472] {strides = array<i32>} : memref<4096xf32, #tpu.memory_space<vmem>>, vector<16xf32>,
    %get3A_1474 = vector.shape_cast %get3A_1473 : vector<16xf32> to vector<16xf32>
    %max3A_1475 = arith.maximumf %max3A_1471, %get3A_1474 : vector<16xf32>
    %get3A_1476 = arith.constant 2768 : index
    %get3A_1477 = tpu.vector_load %arg15[%get3A_1476] {strides = array<i32>} : memref<4096xf32, #tpu.memory_space<vmem>>, vector<16xf32>,
    %get3A_1478 = vector.shape_cast %get3A_1477 : vector<16xf32> to vector<16xf32>
    %max3A_1479 = arith.maximumf %max3A_1475, %get3A_1478 : vector<16xf32>
    %get3A_1480 = arith.constant 2896 : index
    %get3A_1481 = tpu.vector_load %arg15[%get3A_1480] {strides = array<i32>} : memref<4096xf32, #tpu.memory_space<vmem>>, vector<16xf32>,
    %get3A_1482 = vector.shape_cast %get3A_1481 : vector<16xf32> to vector<16xf32>
    %max3A_1483 = arith.maximumf %max3A_1479, %get3A_1482 : vector<16xf32>
    %get3A_1484 = arith.constant 3024 : index
    %get3A_1485 = tpu.vector_load %arg15[%get3A_1484] {strides = array<i32>} : memref<4096xf32, #tpu.memory_space<vmem>>, vector<16xf32>,
    %get3A_1486 = vector.shape_cast %get3A_1485 : vector<16xf32> to vector<16xf32>
    %max3A_1487 = arith.maximumf %max3A_1483, %get3A_1486 : vector<16xf32>
    %get3A_1488 = arith.constant 3152 : index
    %get3A_1489 = tpu.vector_load %arg15[%get3A_1488] {strides = array<i32>} : memref<4096xf32, #tpu.memory_space<vmem>>, vector<16xf32>,
    %get3A_1490 = vector.shape_cast %get3A_1489 : vector<16xf32> to vector<16xf32>
    %max3A_1491 = arith.maximumf %max3A_1487, %get3A_1490 : vector<16xf32>
    %get3A_1492 = arith.constant 3280 : index
    %get3A_1493 = tpu.vector_load %arg15[%get3A_1492] {strides = array<i32>} : memref<4096xf32, #tpu.memory_space<vmem>>, vector<16xf32>,
    %get3A_1494 = vector.shape_cast %get3A_1493 : vector<16xf32> to vector<16xf32>
    %max3A_1495 = arith.maximumf %max3A_1491, %get3A_1494 : vector<16xf32>
    %get3A_1496 = arith.constant 3408 : index
    %get3A_1497 = tpu.vector_load %arg15[%get3A_1496] {strides = array<i32>} : memref<4096xf32, #tpu.memory_space<vmem>>, vector<16xf32>,
    %get3A_1498 = vector.shape_cast %get3A_1497 : vector<16xf32> to vector<16xf32>
    %max3A_1499 = arith.maximumf %max3A_1495, %get3A_1498 : vector<16xf32>
    %get3A_1500 = arith.constant 3536 : index
    %get3A_1501 = tpu.vector_load %arg15[%get3A_1500] {strides = array<i32>} : memref<4096xf32, #tpu.memory_space<vmem>>, vector<16xf32>,
    %get3A_1502 = vector.shape_cast %get3A_1501 : vector<16xf32> to vector<16xf32>
    %max3A_1503 = arith.maximumf %max3A_1499, %get3A_1502 : vector<16xf32>
    %get3A_1504 = arith.constant 3664 : index
    %get3A_1505 = tpu.vector_load %arg15[%get3A_1504] {strides = array<i32>} : memref<4096xf32, #tpu.memory_space<vmem>>, vector<16xf32>,
    %get3A_1506 = vector.shape_cast %get3A_1505 : vector<16xf32> to vector<16xf32>
    %max3A_1507 = arith.maximumf %max3A_1503, %get3A_1506 : vector<16xf32>
    %get3A_1508 = arith.constant 3792 : index
    %get3A_1509 = tpu.vector_load %arg15[%get3A_1508] {strides = array<i32>} : memref<4096xf32, #tpu.memory_space<vmem>>, vector<16xf32>,
    %get3A_1510 = vector.shape_cast %get3A_1509 : vector<16xf32> to vector<16xf32>
    %max3A_1511 = arith.maximumf %max3A_1507, %get3A_1510 : vector<16xf32>
    %get3A_1512 = arith.constant 3920 : index
    %get3A_1513 = tpu.vector_load %arg15[%get3A_1512] {strides = array<i32>} : memref<4096xf32, #tpu.memory_space<vmem>>, vector<16xf32>,
    %get3A_1514 = vector.shape_cast %get3A_1513 : vector<16xf32> to vector<16xf32>
    %max3A_1515 = arith.maximumf %max3A_1511, %get3A_1514 : vector<16xf32>
    %get3A_1516 = arith.constant 4048 : index
    %get3A_1517 = tpu.vector_load %arg15[%get3A_1516] {strides = array<i32>} : memref<4096xf32, #tpu.memory_space<vmem>>, vector<16xf32>,
    %get3A_1518 = vector.shape_cast %get3A_1517 : vector<16xf32> to vector<16xf32>
    %max3A_1519 = arith.maximumf %max3A_1515, %get3A_1518 : vector<16xf32>
    %broadcast_in_dim3A_1520 = arith.constant 0 : i32
    %broadcast_in_dim3A_1521 = vector.broadcast %broadcast_in_dim3A_1520 : i32 to vector<16xi32>
    %broadcast_in_dim3A_1522 = vector.shape_cast %broadcast_in_dim3A_1521 : vector<16xi32> to vector<16x1xi32>
    %gather3A_1523 = vector.shape_cast %broadcast_in_dim3A_1522 : vector<16x1xi32> to vector<16xi32>
    %gather3A_1524 = tpu.dynamic_gather %max3A_1519[%gather3A_1523] in [0] : vector<16xf32>, vector<16xi32> -> vector<16xf32>
    %swap3A_1525 = arith.constant 1280 : index
    %swap3A_1526 = tpu.vector_load %arg16[%swap3A_1525] {strides = array<i32>} : memref<2048xf32, #tpu.memory_space<vmem>>, vector<16xf32>,
    %swap3A_1527 = vector.shape_cast %swap3A_1526 : vector<16xf32> to vector<16xf32>
    %swap3A_1528 = vector.shape_cast %gather3A_1524 : vector<16xf32> to vector<16xf32>
    tpu.vector_store %arg16[%swap3A_1525], %swap3A_1528 {strides = array<i32>} : memref<2048xf32, #tpu.memory_space<vmem>>, vector<16xf32>,
    %broadcast_in_dim3A_1529 = arith.constant 1 : i32
    %broadcast_in_dim3A_1530 = vector.broadcast %broadcast_in_dim3A_1529 : i32 to vector<16xi32>
    %broadcast_in_dim3A_1531 = vector.shape_cast %broadcast_in_dim3A_1530 : vector<16xi32> to vector<16x1xi32>
    %gather3A_1532 = vector.shape_cast %broadcast_in_dim3A_1531 : vector<16x1xi32> to vector<16xi32>
    %gather3A_1533 = tpu.dynamic_gather %max3A_1519[%gather3A_1532] in [0] : vector<16xf32>, vector<16xi32> -> vector<16xf32>
    %swap3A_1534 = arith.constant 1296 : index
    %swap3A_1535 = tpu.vector_load %arg16[%swap3A_1534] {strides = array<i32>} : memref<2048xf32, #tpu.memory_space<vmem>>, vector<16xf32>,
    %swap3A_1536 = vector.shape_cast %swap3A_1535 : vector<16xf32> to vector<16xf32>
    %swap3A_1537 = vector.shape_cast %gather3A_1533 : vector<16xf32> to vector<16xf32>
    tpu.vector_store %arg16[%swap3A_1534], %swap3A_1537 {strides = array<i32>} : memref<2048xf32, #tpu.memory_space<vmem>>, vector<16xf32>,
    %broadcast_in_dim3A_1538 = arith.constant 2 : i32
    %broadcast_in_dim3A_1539 = vector.broadcast %broadcast_in_dim3A_1538 : i32 to vector<16xi32>
    %broadcast_in_dim3A_1540 = vector.shape_cast %broadcast_in_dim3A_1539 : vector<16xi32> to vector<16x1xi32>
    %gather3A_1541 = vector.shape_cast %broadcast_in_dim3A_1540 : vector<16x1xi32> to vector<16xi32>
    %gather3A_1542 = tpu.dynamic_gather %max3A_1519[%gather3A_1541] in [0] : vector<16xf32>, vector<16xi32> -> vector<16xf32>
    %swap3A_1543 = arith.constant 1312 : index
    %swap3A_1544 = tpu.vector_load %arg16[%swap3A_1543] {strides = array<i32>} : memref<2048xf32, #tpu.memory_space<vmem>>, vector<16xf32>,
    %swap3A_1545 = vector.shape_cast %swap3A_1544 : vector<16xf32> to vector<16xf32>
    %swap3A_1546 = vector.shape_cast %gather3A_1542 : vector<16xf32> to vector<16xf32>
    tpu.vector_store %arg16[%swap3A_1543], %swap3A_1546 {strides = array<i32>} : memref<2048xf32, #tpu.memory_space<vmem>>, vector<16xf32>,
    %broadcast_in_dim3A_1547 = arith.constant 3 : i32
    %broadcast_in_dim3A_1548 = vector.broadcast %broadcast_in_dim3A_1547 : i32 to vector<16xi32>
    %broadcast_in_dim3A_1549 = vector.shape_cast %broadcast_in_dim3A_1548 : vector<16xi32> to vector<16x1xi32>
    %gather3A_1550 = vector.shape_cast %broadcast_in_dim3A_1549 : vector<16x1xi32> to vector<16xi32>
    %gather3A_1551 = tpu.dynamic_gather %max3A_1519[%gather3A_1550] in [0] : vector<16xf32>, vector<16xi32> -> vector<16xf32>
    %swap3A_1552 = arith.constant 1328 : index
    %swap3A_1553 = tpu.vector_load %arg16[%swap3A_1552] {strides = array<i32>} : memref<2048xf32, #tpu.memory_space<vmem>>, vector<16xf32>,
    %swap3A_1554 = vector.shape_cast %swap3A_1553 : vector<16xf32> to vector<16xf32>
    %swap3A_1555 = vector.shape_cast %gather3A_1551 : vector<16xf32> to vector<16xf32>
    tpu.vector_store %arg16[%swap3A_1552], %swap3A_1555 {strides = array<i32>} : memref<2048xf32, #tpu.memory_space<vmem>>, vector<16xf32>,
    %broadcast_in_dim3A_1556 = arith.constant 4 : i32
    %broadcast_in_dim3A_1557 = vector.broadcast %broadcast_in_dim3A_1556 : i32 to vector<16xi32>
    %broadcast_in_dim3A_1558 = vector.shape_cast %broadcast_in_dim3A_1557 : vector<16xi32> to vector<16x1xi32>
    %gather3A_1559 = vector.shape_cast %broadcast_in_dim3A_1558 : vector<16x1xi32> to vector<16xi32>
    %gather3A_1560 = tpu.dynamic_gather %max3A_1519[%gather3A_1559] in [0] : vector<16xf32>, vector<16xi32> -> vector<16xf32>
    %swap3A_1561 = arith.constant 1344 : index
    %swap3A_1562 = tpu.vector_load %arg16[%swap3A_1561] {strides = array<i32>} : memref<2048xf32, #tpu.memory_space<vmem>>, vector<16xf32>,
    %swap3A_1563 = vector.shape_cast %swap3A_1562 : vector<16xf32> to vector<16xf32>
    %swap3A_1564 = vector.shape_cast %gather3A_1560 : vector<16xf32> to vector<16xf32>
    tpu.vector_store %arg16[%swap3A_1561], %swap3A_1564 {strides = array<i32>} : memref<2048xf32, #tpu.memory_space<vmem>>, vector<16xf32>,
    %broadcast_in_dim3A_1565 = arith.constant 5 : i32
    %broadcast_in_dim3A_1566 = vector.broadcast %broadcast_in_dim3A_1565 : i32 to vector<16xi32>
    %broadcast_in_dim3A_1567 = vector.shape_cast %broadcast_in_dim3A_1566 : vector<16xi32> to vector<16x1xi32>
    %gather3A_1568 = vector.shape_cast %broadcast_in_dim3A_1567 : vector<16x1xi32> to vector<16xi32>
    %gather3A_1569 = tpu.dynamic_gather %max3A_1519[%gather3A_1568] in [0] : vector<16xf32>, vector<16xi32> -> vector<16xf32>
    %swap3A_1570 = arith.constant 1360 : index
    %swap3A_1571 = tpu.vector_load %arg16[%swap3A_1570] {strides = array<i32>} : memref<2048xf32, #tpu.memory_space<vmem>>, vector<16xf32>,
    %swap3A_1572 = vector.shape_cast %swap3A_1571 : vector<16xf32> to vector<16xf32>
    %swap3A_1573 = vector.shape_cast %gather3A_1569 : vector<16xf32> to vector<16xf32>
    tpu.vector_store %arg16[%swap3A_1570], %swap3A_1573 {strides = array<i32>} : memref<2048xf32, #tpu.memory_space<vmem>>, vector<16xf32>,
    %broadcast_in_dim3A_1574 = arith.constant 6 : i32
    %broadcast_in_dim3A_1575 = vector.broadcast %broadcast_in_dim3A_1574 : i32 to vector<16xi32>
    %broadcast_in_dim3A_1576 = vector.shape_cast %broadcast_in_dim3A_1575 : vector<16xi32> to vector<16x1xi32>
    %gather3A_1577 = vector.shape_cast %broadcast_in_dim3A_1576 : vector<16x1xi32> to vector<16xi32>
    %gather3A_1578 = tpu.dynamic_gather %max3A_1519[%gather3A_1577] in [0] : vector<16xf32>, vector<16xi32> -> vector<16xf32>
    %swap3A_1579 = arith.constant 1376 : index
    %swap3A_1580 = tpu.vector_load %arg16[%swap3A_1579] {strides = array<i32>} : memref<2048xf32, #tpu.memory_space<vmem>>, vector<16xf32>,
    %swap3A_1581 = vector.shape_cast %swap3A_1580 : vector<16xf32> to vector<16xf32>
    %swap3A_1582 = vector.shape_cast %gather3A_1578 : vector<16xf32> to vector<16xf32>
    tpu.vector_store %arg16[%swap3A_1579], %swap3A_1582 {strides = array<i32>} : memref<2048xf32, #tpu.memory_space<vmem>>, vector<16xf32>,
    %broadcast_in_dim3A_1583 = arith.constant 7 : i32
    %broadcast_in_dim3A_1584 = vector.broadcast %broadcast_in_dim3A_1583 : i32 to vector<16xi32>
    %broadcast_in_dim3A_1585 = vector.shape_cast %broadcast_in_dim3A_1584 : vector<16xi32> to vector<16x1xi32>
    %gather3A_1586 = vector.shape_cast %broadcast_in_dim3A_1585 : vector<16x1xi32> to vector<16xi32>
    %gather3A_1587 = tpu.dynamic_gather %max3A_1519[%gather3A_1586] in [0] : vector<16xf32>, vector<16xi32> -> vector<16xf32>
    %swap3A_1588 = arith.constant 1392 : index
    %swap3A_1589 = tpu.vector_load %arg16[%swap3A_1588] {strides = array<i32>} : memref<2048xf32, #tpu.memory_space<vmem>>, vector<16xf32>,
    %swap3A_1590 = vector.shape_cast %swap3A_1589 : vector<16xf32> to vector<16xf32>
    %swap3A_1591 = vector.shape_cast %gather3A_1587 : vector<16xf32> to vector<16xf32>
    tpu.vector_store %arg16[%swap3A_1588], %swap3A_1591 {strides = array<i32>} : memref<2048xf32, #tpu.memory_space<vmem>>, vector<16xf32>,
    %broadcast_in_dim3A_1592 = arith.constant 8 : i32
    %broadcast_in_dim3A_1593 = vector.broadcast %broadcast_in_dim3A_1592 : i32 to vector<16xi32>
    %broadcast_in_dim3A_1594 = vector.shape_cast %broadcast_in_dim3A_1593 : vector<16xi32> to vector<16x1xi32>
    %gather3A_1595 = vector.shape_cast %broadcast_in_dim3A_1594 : vector<16x1xi32> to vector<16xi32>
    %gather3A_1596 = tpu.dynamic_gather %max3A_1519[%gather3A_1595] in [0] : vector<16xf32>, vector<16xi32> -> vector<16xf32>
    %swap3A_1597 = arith.constant 1408 : index
    %swap3A_1598 = tpu.vector_load %arg16[%swap3A_1597] {strides = array<i32>} : memref<2048xf32, #tpu.memory_space<vmem>>, vector<16xf32>,
    %swap3A_1599 = vector.shape_cast %swap3A_1598 : vector<16xf32> to vector<16xf32>
    %swap3A_1600 = vector.shape_cast %gather3A_1596 : vector<16xf32> to vector<16xf32>
    tpu.vector_store %arg16[%swap3A_1597], %swap3A_1600 {strides = array<i32>} : memref<2048xf32, #tpu.memory_space<vmem>>, vector<16xf32>,
    %broadcast_in_dim3A_1601 = arith.constant 9 : i32
    %broadcast_in_dim3A_1602 = vector.broadcast %broadcast_in_dim3A_1601 : i32 to vector<16xi32>
    %broadcast_in_dim3A_1603 = vector.shape_cast %broadcast_in_dim3A_1602 : vector<16xi32> to vector<16x1xi32>
    %gather3A_1604 = vector.shape_cast %broadcast_in_dim3A_1603 : vector<16x1xi32> to vector<16xi32>
    %gather3A_1605 = tpu.dynamic_gather %max3A_1519[%gather3A_1604] in [0] : vector<16xf32>, vector<16xi32> -> vector<16xf32>
    %swap3A_1606 = arith.constant 1424 : index
    %swap3A_1607 = tpu.vector_load %arg16[%swap3A_1606] {strides = array<i32>} : memref<2048xf32, #tpu.memory_space<vmem>>, vector<16xf32>,
    %swap3A_1608 = vector.shape_cast %swap3A_1607 : vector<16xf32> to vector<16xf32>
    %swap3A_1609 = vector.shape_cast %gather3A_1605 : vector<16xf32> to vector<16xf32>
    tpu.vector_store %arg16[%swap3A_1606], %swap3A_1609 {strides = array<i32>} : memref<2048xf32, #tpu.memory_space<vmem>>, vector<16xf32>,
    %broadcast_in_dim3A_1610 = arith.constant 10 : i32
    %broadcast_in_dim3A_1611 = vector.broadcast %broadcast_in_dim3A_1610 : i32 to vector<16xi32>
    %broadcast_in_dim3A_1612 = vector.shape_cast %broadcast_in_dim3A_1611 : vector<16xi32> to vector<16x1xi32>
    %gather3A_1613 = vector.shape_cast %broadcast_in_dim3A_1612 : vector<16x1xi32> to vector<16xi32>
    %gather3A_1614 = tpu.dynamic_gather %max3A_1519[%gather3A_1613] in [0] : vector<16xf32>, vector<16xi32> -> vector<16xf32>
    %swap3A_1615 = arith.constant 1440 : index
    %swap3A_1616 = tpu.vector_load %arg16[%swap3A_1615] {strides = array<i32>} : memref<2048xf32, #tpu.memory_space<vmem>>, vector<16xf32>,
    %swap3A_1617 = vector.shape_cast %swap3A_1616 : vector<16xf32> to vector<16xf32>
    %swap3A_1618 = vector.shape_cast %gather3A_1614 : vector<16xf32> to vector<16xf32>
    tpu.vector_store %arg16[%swap3A_1615], %swap3A_1618 {strides = array<i32>} : memref<2048xf32, #tpu.memory_space<vmem>>, vector<16xf32>,
    %broadcast_in_dim3A_1619 = arith.constant 11 : i32
    %broadcast_in_dim3A_1620 = vector.broadcast %broadcast_in_dim3A_1619 : i32 to vector<16xi32>
    %broadcast_in_dim3A_1621 = vector.shape_cast %broadcast_in_dim3A_1620 : vector<16xi32> to vector<16x1xi32>
    %gather3A_1622 = vector.shape_cast %broadcast_in_dim3A_1621 : vector<16x1xi32> to vector<16xi32>
    %gather3A_1623 = tpu.dynamic_gather %max3A_1519[%gather3A_1622] in [0] : vector<16xf32>, vector<16xi32> -> vector<16xf32>
    %swap3A_1624 = arith.constant 1456 : index
    %swap3A_1625 = tpu.vector_load %arg16[%swap3A_1624] {strides = array<i32>} : memref<2048xf32, #tpu.memory_space<vmem>>, vector<16xf32>,
    %swap3A_1626 = vector.shape_cast %swap3A_1625 : vector<16xf32> to vector<16xf32>
    %swap3A_1627 = vector.shape_cast %gather3A_1623 : vector<16xf32> to vector<16xf32>
    tpu.vector_store %arg16[%swap3A_1624], %swap3A_1627 {strides = array<i32>} : memref<2048xf32, #tpu.memory_space<vmem>>, vector<16xf32>,
    %broadcast_in_dim3A_1628 = arith.constant 12 : i32
    %broadcast_in_dim3A_1629 = vector.broadcast %broadcast_in_dim3A_1628 : i32 to vector<16xi32>
    %broadcast_in_dim3A_1630 = vector.shape_cast %broadcast_in_dim3A_1629 : vector<16xi32> to vector<16x1xi32>
    %gather3A_1631 = vector.shape_cast %broadcast_in_dim3A_1630 : vector<16x1xi32> to vector<16xi32>
    %gather3A_1632 = tpu.dynamic_gather %max3A_1519[%gather3A_1631] in [0] : vector<16xf32>, vector<16xi32> -> vector<16xf32>
    %swap3A_1633 = arith.constant 1472 : index
    %swap3A_1634 = tpu.vector_load %arg16[%swap3A_1633] {strides = array<i32>} : memref<2048xf32, #tpu.memory_space<vmem>>, vector<16xf32>,
    %swap3A_1635 = vector.shape_cast %swap3A_1634 : vector<16xf32> to vector<16xf32>
    %swap3A_1636 = vector.shape_cast %gather3A_1632 : vector<16xf32> to vector<16xf32>
    tpu.vector_store %arg16[%swap3A_1633], %swap3A_1636 {strides = array<i32>} : memref<2048xf32, #tpu.memory_space<vmem>>, vector<16xf32>,
    %broadcast_in_dim3A_1637 = arith.constant 13 : i32
    %broadcast_in_dim3A_1638 = vector.broadcast %broadcast_in_dim3A_1637 : i32 to vector<16xi32>
    %broadcast_in_dim3A_1639 = vector.shape_cast %broadcast_in_dim3A_1638 : vector<16xi32> to vector<16x1xi32>
    %gather3A_1640 = vector.shape_cast %broadcast_in_dim3A_1639 : vector<16x1xi32> to vector<16xi32>
    %gather3A_1641 = tpu.dynamic_gather %max3A_1519[%gather3A_1640] in [0] : vector<16xf32>, vector<16xi32> -> vector<16xf32>
    %swap3A_1642 = arith.constant 1488 : index
    %swap3A_1643 = tpu.vector_load %arg16[%swap3A_1642] {strides = array<i32>} : memref<2048xf32, #tpu.memory_space<vmem>>, vector<16xf32>,
    %swap3A_1644 = vector.shape_cast %swap3A_1643 : vector<16xf32> to vector<16xf32>
    %swap3A_1645 = vector.shape_cast %gather3A_1641 : vector<16xf32> to vector<16xf32>
    tpu.vector_store %arg16[%swap3A_1642], %swap3A_1645 {strides = array<i32>} : memref<2048xf32, #tpu.memory_space<vmem>>, vector<16xf32>,
    %broadcast_in_dim3A_1646 = arith.constant 14 : i32
    %broadcast_in_dim3A_1647 = vector.broadcast %broadcast_in_dim3A_1646 : i32 to vector<16xi32>
    %broadcast_in_dim3A_1648 = vector.shape_cast %broadcast_in_dim3A_1647 : vector<16xi32> to vector<16x1xi32>
    %gather3A_1649 = vector.shape_cast %broadcast_in_dim3A_1648 : vector<16x1xi32> to vector<16xi32>
    %gather3A_1650 = tpu.dynamic_gather %max3A_1519[%gather3A_1649] in [0] : vector<16xf32>, vector<16xi32> -> vector<16xf32>
    %swap3A_1651 = arith.constant 1504 : index
    %swap3A_1652 = tpu.vector_load %arg16[%swap3A_1651] {strides = array<i32>} : memref<2048xf32, #tpu.memory_space<vmem>>, vector<16xf32>,
    %swap3A_1653 = vector.shape_cast %swap3A_1652 : vector<16xf32> to vector<16xf32>
    %swap3A_1654 = vector.shape_cast %gather3A_1650 : vector<16xf32> to vector<16xf32>
    tpu.vector_store %arg16[%swap3A_1651], %swap3A_1654 {strides = array<i32>} : memref<2048xf32, #tpu.memory_space<vmem>>, vector<16xf32>,
    %broadcast_in_dim3A_1655 = arith.constant 15 : i32
    %broadcast_in_dim3A_1656 = vector.broadcast %broadcast_in_dim3A_1655 : i32 to vector<16xi32>
    %broadcast_in_dim3A_1657 = vector.shape_cast %broadcast_in_dim3A_1656 : vector<16xi32> to vector<16x1xi32>
    %gather3A_1658 = vector.shape_cast %broadcast_in_dim3A_1657 : vector<16x1xi32> to vector<16xi32>
    %gather3A_1659 = tpu.dynamic_gather %max3A_1519[%gather3A_1658] in [0] : vector<16xf32>, vector<16xi32> -> vector<16xf32>
    %swap3A_1660 = arith.constant 1520 : index
    %swap3A_1661 = tpu.vector_load %arg16[%swap3A_1660] {strides = array<i32>} : memref<2048xf32, #tpu.memory_space<vmem>>, vector<16xf32>,
    %swap3A_1662 = vector.shape_cast %swap3A_1661 : vector<16xf32> to vector<16xf32>
    %swap3A_1663 = vector.shape_cast %gather3A_1659 : vector<16xf32> to vector<16xf32>
    tpu.vector_store %arg16[%swap3A_1660], %swap3A_1663 {strides = array<i32>} : memref<2048xf32, #tpu.memory_space<vmem>>, vector<16xf32>,
    %get3A_1664 = arith.constant 96 : index
    %get3A_1665 = tpu.vector_load %arg15[%get3A_1664] {strides = array<i32>} : memref<4096xf32, #tpu.memory_space<vmem>>, vector<16xf32>,
    %get3A_1666 = vector.shape_cast %get3A_1665 : vector<16xf32> to vector<16xf32>
    %get3A_1667 = arith.constant 224 : index
    %get3A_1668 = tpu.vector_load %arg15[%get3A_1667] {strides = array<i32>} : memref<4096xf32, #tpu.memory_space<vmem>>, vector<16xf32>,
    %get3A_1669 = vector.shape_cast %get3A_1668 : vector<16xf32> to vector<16xf32>
    %max3A_1670 = arith.maximumf %get3A_1666, %get3A_1669 : vector<16xf32>
    %get3A_1671 = arith.constant 352 : index
    %get3A_1672 = tpu.vector_load %arg15[%get3A_1671] {strides = array<i32>} : memref<4096xf32, #tpu.memory_space<vmem>>, vector<16xf32>,
    %get3A_1673 = vector.shape_cast %get3A_1672 : vector<16xf32> to vector<16xf32>
    %max3A_1674 = arith.maximumf %max3A_1670, %get3A_1673 : vector<16xf32>
    %get3A_1675 = arith.constant 480 : index
    %get3A_1676 = tpu.vector_load %arg15[%get3A_1675] {strides = array<i32>} : memref<4096xf32, #tpu.memory_space<vmem>>, vector<16xf32>,
    %get3A_1677 = vector.shape_cast %get3A_1676 : vector<16xf32> to vector<16xf32>
    %max3A_1678 = arith.maximumf %max3A_1674, %get3A_1677 : vector<16xf32>
    %get3A_1679 = arith.constant 608 : index
    %get3A_1680 = tpu.vector_load %arg15[%get3A_1679] {strides = array<i32>} : memref<4096xf32, #tpu.memory_space<vmem>>, vector<16xf32>,
    %get3A_1681 = vector.shape_cast %get3A_1680 : vector<16xf32> to vector<16xf32>
    %max3A_1682 = arith.maximumf %max3A_1678, %get3A_1681 : vector<16xf32>
    %get3A_1683 = arith.constant 736 : index
    %get3A_1684 = tpu.vector_load %arg15[%get3A_1683] {strides = array<i32>} : memref<4096xf32, #tpu.memory_space<vmem>>, vector<16xf32>,
    %get3A_1685 = vector.shape_cast %get3A_1684 : vector<16xf32> to vector<16xf32>
    %max3A_1686 = arith.maximumf %max3A_1682, %get3A_1685 : vector<16xf32>
    %get3A_1687 = arith.constant 864 : index
    %get3A_1688 = tpu.vector_load %arg15[%get3A_1687] {strides = array<i32>} : memref<4096xf32, #tpu.memory_space<vmem>>, vector<16xf32>,
    %get3A_1689 = vector.shape_cast %get3A_1688 : vector<16xf32> to vector<16xf32>
    %max3A_1690 = arith.maximumf %max3A_1686, %get3A_1689 : vector<16xf32>
    %get3A_1691 = arith.constant 992 : index
    %get3A_1692 = tpu.vector_load %arg15[%get3A_1691] {strides = array<i32>} : memref<4096xf32, #tpu.memory_space<vmem>>, vector<16xf32>,
    %get3A_1693 = vector.shape_cast %get3A_1692 : vector<16xf32> to vector<16xf32>
    %max3A_1694 = arith.maximumf %max3A_1690, %get3A_1693 : vector<16xf32>
    %get3A_1695 = arith.constant 1120 : index
    %get3A_1696 = tpu.vector_load %arg15[%get3A_1695] {strides = array<i32>} : memref<4096xf32, #tpu.memory_space<vmem>>, vector<16xf32>,
    %get3A_1697 = vector.shape_cast %get3A_1696 : vector<16xf32> to vector<16xf32>
    %max3A_1698 = arith.maximumf %max3A_1694, %get3A_1697 : vector<16xf32>
    %get3A_1699 = arith.constant 1248 : index
    %get3A_1700 = tpu.vector_load %arg15[%get3A_1699] {strides = array<i32>} : memref<4096xf32, #tpu.memory_space<vmem>>, vector<16xf32>,
    %get3A_1701 = vector.shape_cast %get3A_1700 : vector<16xf32> to vector<16xf32>
    %max3A_1702 = arith.maximumf %max3A_1698, %get3A_1701 : vector<16xf32>
    %get3A_1703 = arith.constant 1376 : index
    %get3A_1704 = tpu.vector_load %arg15[%get3A_1703] {strides = array<i32>} : memref<4096xf32, #tpu.memory_space<vmem>>, vector<16xf32>,
    %get3A_1705 = vector.shape_cast %get3A_1704 : vector<16xf32> to vector<16xf32>
    %max3A_1706 = arith.maximumf %max3A_1702, %get3A_1705 : vector<16xf32>
    %get3A_1707 = arith.constant 1504 : index
    %get3A_1708 = tpu.vector_load %arg15[%get3A_1707] {strides = array<i32>} : memref<4096xf32, #tpu.memory_space<vmem>>, vector<16xf32>,
    %get3A_1709 = vector.shape_cast %get3A_1708 : vector<16xf32> to vector<16xf32>
    %max3A_1710 = arith.maximumf %max3A_1706, %get3A_1709 : vector<16xf32>
    %get3A_1711 = arith.constant 1632 : index
    %get3A_1712 = tpu.vector_load %arg15[%get3A_1711] {strides = array<i32>} : memref<4096xf32, #tpu.memory_space<vmem>>, vector<16xf32>,
    %get3A_1713 = vector.shape_cast %get3A_1712 : vector<16xf32> to vector<16xf32>
    %max3A_1714 = arith.maximumf %max3A_1710, %get3A_1713 : vector<16xf32>
    %get3A_1715 = arith.constant 1760 : index
    %get3A_1716 = tpu.vector_load %arg15[%get3A_1715] {strides = array<i32>} : memref<4096xf32, #tpu.memory_space<vmem>>, vector<16xf32>,
    %get3A_1717 = vector.shape_cast %get3A_1716 : vector<16xf32> to vector<16xf32>
    %max3A_1718 = arith.maximumf %max3A_1714, %get3A_1717 : vector<16xf32>
    %get3A_1719 = arith.constant 1888 : index
    %get3A_1720 = tpu.vector_load %arg15[%get3A_1719] {strides = array<i32>} : memref<4096xf32, #tpu.memory_space<vmem>>, vector<16xf32>,
    %get3A_1721 = vector.shape_cast %get3A_1720 : vector<16xf32> to vector<16xf32>
    %max3A_1722 = arith.maximumf %max3A_1718, %get3A_1721 : vector<16xf32>
    %get3A_1723 = arith.constant 2016 : index
    %get3A_1724 = tpu.vector_load %arg15[%get3A_1723] {strides = array<i32>} : memref<4096xf32, #tpu.memory_space<vmem>>, vector<16xf32>,
    %get3A_1725 = vector.shape_cast %get3A_1724 : vector<16xf32> to vector<16xf32>
    %max3A_1726 = arith.maximumf %max3A_1722, %get3A_1725 : vector<16xf32>
    %get3A_1727 = arith.constant 2144 : index
    %get3A_1728 = tpu.vector_load %arg15[%get3A_1727] {strides = array<i32>} : memref<4096xf32, #tpu.memory_space<vmem>>, vector<16xf32>,
    %get3A_1729 = vector.shape_cast %get3A_1728 : vector<16xf32> to vector<16xf32>
    %max3A_1730 = arith.maximumf %max3A_1726, %get3A_1729 : vector<16xf32>
    %get3A_1731 = arith.constant 2272 : index
    %get3A_1732 = tpu.vector_load %arg15[%get3A_1731] {strides = array<i32>} : memref<4096xf32, #tpu.memory_space<vmem>>, vector<16xf32>,
    %get3A_1733 = vector.shape_cast %get3A_1732 : vector<16xf32> to vector<16xf32>
    %max3A_1734 = arith.maximumf %max3A_1730, %get3A_1733 : vector<16xf32>
    %get3A_1735 = arith.constant 2400 : index
    %get3A_1736 = tpu.vector_load %arg15[%get3A_1735] {strides = array<i32>} : memref<4096xf32, #tpu.memory_space<vmem>>, vector<16xf32>,
    %get3A_1737 = vector.shape_cast %get3A_1736 : vector<16xf32> to vector<16xf32>
    %max3A_1738 = arith.maximumf %max3A_1734, %get3A_1737 : vector<16xf32>
    %get3A_1739 = arith.constant 2528 : index
    %get3A_1740 = tpu.vector_load %arg15[%get3A_1739] {strides = array<i32>} : memref<4096xf32, #tpu.memory_space<vmem>>, vector<16xf32>,
    %get3A_1741 = vector.shape_cast %get3A_1740 : vector<16xf32> to vector<16xf32>
    %max3A_1742 = arith.maximumf %max3A_1738, %get3A_1741 : vector<16xf32>
    %get3A_1743 = arith.constant 2656 : index
    %get3A_1744 = tpu.vector_load %arg15[%get3A_1743] {strides = array<i32>} : memref<4096xf32, #tpu.memory_space<vmem>>, vector<16xf32>,
    %get3A_1745 = vector.shape_cast %get3A_1744 : vector<16xf32> to vector<16xf32>
    %max3A_1746 = arith.maximumf %max3A_1742, %get3A_1745 : vector<16xf32>
    %get3A_1747 = arith.constant 2784 : index
    %get3A_1748 = tpu.vector_load %arg15[%get3A_1747] {strides = array<i32>} : memref<4096xf32, #tpu.memory_space<vmem>>, vector<16xf32>,
    %get3A_1749 = vector.shape_cast %get3A_1748 : vector<16xf32> to vector<16xf32>
    %max3A_1750 = arith.maximumf %max3A_1746, %get3A_1749 : vector<16xf32>
    %get3A_1751 = arith.constant 2912 : index
    %get3A_1752 = tpu.vector_load %arg15[%get3A_1751] {strides = array<i32>} : memref<4096xf32, #tpu.memory_space<vmem>>, vector<16xf32>,
    %get3A_1753 = vector.shape_cast %get3A_1752 : vector<16xf32> to vector<16xf32>
    %max3A_1754 = arith.maximumf %max3A_1750, %get3A_1753 : vector<16xf32>
    %get3A_1755 = arith.constant 3040 : index
    %get3A_1756 = tpu.vector_load %arg15[%get3A_1755] {strides = array<i32>} : memref<4096xf32, #tpu.memory_space<vmem>>, vector<16xf32>,
    %get3A_1757 = vector.shape_cast %get3A_1756 : vector<16xf32> to vector<16xf32>
    %max3A_1758 = arith.maximumf %max3A_1754, %get3A_1757 : vector<16xf32>
    %get3A_1759 = arith.constant 3168 : index
    %get3A_1760 = tpu.vector_load %arg15[%get3A_1759] {strides = array<i32>} : memref<4096xf32, #tpu.memory_space<vmem>>, vector<16xf32>,
    %get3A_1761 = vector.shape_cast %get3A_1760 : vector<16xf32> to vector<16xf32>
    %max3A_1762 = arith.maximumf %max3A_1758, %get3A_1761 : vector<16xf32>
    %get3A_1763 = arith.constant 3296 : index
    %get3A_1764 = tpu.vector_load %arg15[%get3A_1763] {strides = array<i32>} : memref<4096xf32, #tpu.memory_space<vmem>>, vector<16xf32>,
    %get3A_1765 = vector.shape_cast %get3A_1764 : vector<16xf32> to vector<16xf32>
    %max3A_1766 = arith.maximumf %max3A_1762, %get3A_1765 : vector<16xf32>
    %get3A_1767 = arith.constant 3424 : index
    %get3A_1768 = tpu.vector_load %arg15[%get3A_1767] {strides = array<i32>} : memref<4096xf32, #tpu.memory_space<vmem>>, vector<16xf32>,
    %get3A_1769 = vector.shape_cast %get3A_1768 : vector<16xf32> to vector<16xf32>
    %max3A_1770 = arith.maximumf %max3A_1766, %get3A_1769 : vector<16xf32>
    %get3A_1771 = arith.constant 3552 : index
    %get3A_1772 = tpu.vector_load %arg15[%get3A_1771] {strides = array<i32>} : memref<4096xf32, #tpu.memory_space<vmem>>, vector<16xf32>,
    %get3A_1773 = vector.shape_cast %get3A_1772 : vector<16xf32> to vector<16xf32>
    %max3A_1774 = arith.maximumf %max3A_1770, %get3A_1773 : vector<16xf32>
    %get3A_1775 = arith.constant 3680 : index
    %get3A_1776 = tpu.vector_load %arg15[%get3A_1775] {strides = array<i32>} : memref<4096xf32, #tpu.memory_space<vmem>>, vector<16xf32>,
    %get3A_1777 = vector.shape_cast %get3A_1776 : vector<16xf32> to vector<16xf32>
    %max3A_1778 = arith.maximumf %max3A_1774, %get3A_1777 : vector<16xf32>
    %get3A_1779 = arith.constant 3808 : index
    %get3A_1780 = tpu.vector_load %arg15[%get3A_1779] {strides = array<i32>} : memref<4096xf32, #tpu.memory_space<vmem>>, vector<16xf32>,
    %get3A_1781 = vector.shape_cast %get3A_1780 : vector<16xf32> to vector<16xf32>
    %max3A_1782 = arith.maximumf %max3A_1778, %get3A_1781 : vector<16xf32>
    %get3A_1783 = arith.constant 3936 : index
    %get3A_1784 = tpu.vector_load %arg15[%get3A_1783] {strides = array<i32>} : memref<4096xf32, #tpu.memory_space<vmem>>, vector<16xf32>,
    %get3A_1785 = vector.shape_cast %get3A_1784 : vector<16xf32> to vector<16xf32>
    %max3A_1786 = arith.maximumf %max3A_1782, %get3A_1785 : vector<16xf32>
    %get3A_1787 = arith.constant 4064 : index
    %get3A_1788 = tpu.vector_load %arg15[%get3A_1787] {strides = array<i32>} : memref<4096xf32, #tpu.memory_space<vmem>>, vector<16xf32>,
    %get3A_1789 = vector.shape_cast %get3A_1788 : vector<16xf32> to vector<16xf32>
    %max3A_1790 = arith.maximumf %max3A_1786, %get3A_1789 : vector<16xf32>
    %broadcast_in_dim3A_1791 = arith.constant 0 : i32
    %broadcast_in_dim3A_1792 = vector.broadcast %broadcast_in_dim3A_1791 : i32 to vector<16xi32>
    %broadcast_in_dim3A_1793 = vector.shape_cast %broadcast_in_dim3A_1792 : vector<16xi32> to vector<16x1xi32>
    %gather3A_1794 = vector.shape_cast %broadcast_in_dim3A_1793 : vector<16x1xi32> to vector<16xi32>
    %gather3A_1795 = tpu.dynamic_gather %max3A_1790[%gather3A_1794] in [0] : vector<16xf32>, vector<16xi32> -> vector<16xf32>
    %swap3A_1796 = arith.constant 1536 : index
    %swap3A_1797 = tpu.vector_load %arg16[%swap3A_1796] {strides = array<i32>} : memref<2048xf32, #tpu.memory_space<vmem>>, vector<16xf32>,
    %swap3A_1798 = vector.shape_cast %swap3A_1797 : vector<16xf32> to vector<16xf32>
    %swap3A_1799 = vector.shape_cast %gather3A_1795 : vector<16xf32> to vector<16xf32>
    tpu.vector_store %arg16[%swap3A_1796], %swap3A_1799 {strides = array<i32>} : memref<2048xf32, #tpu.memory_space<vmem>>, vector<16xf32>,
    %broadcast_in_dim3A_1800 = arith.constant 1 : i32
    %broadcast_in_dim3A_1801 = vector.broadcast %broadcast_in_dim3A_1800 : i32 to vector<16xi32>
    %broadcast_in_dim3A_1802 = vector.shape_cast %broadcast_in_dim3A_1801 : vector<16xi32> to vector<16x1xi32>
    %gather3A_1803 = vector.shape_cast %broadcast_in_dim3A_1802 : vector<16x1xi32> to vector<16xi32>
    %gather3A_1804 = tpu.dynamic_gather %max3A_1790[%gather3A_1803] in [0] : vector<16xf32>, vector<16xi32> -> vector<16xf32>
    %swap3A_1805 = arith.constant 1552 : index
    %swap3A_1806 = tpu.vector_load %arg16[%swap3A_1805] {strides = array<i32>} : memref<2048xf32, #tpu.memory_space<vmem>>, vector<16xf32>,
    %swap3A_1807 = vector.shape_cast %swap3A_1806 : vector<16xf32> to vector<16xf32>
    %swap3A_1808 = vector.shape_cast %gather3A_1804 : vector<16xf32> to vector<16xf32>
    tpu.vector_store %arg16[%swap3A_1805], %swap3A_1808 {strides = array<i32>} : memref<2048xf32, #tpu.memory_space<vmem>>, vector<16xf32>,
    %broadcast_in_dim3A_1809 = arith.constant 2 : i32
    %broadcast_in_dim3A_1810 = vector.broadcast %broadcast_in_dim3A_1809 : i32 to vector<16xi32>
    %broadcast_in_dim3A_1811 = vector.shape_cast %broadcast_in_dim3A_1810 : vector<16xi32> to vector<16x1xi32>
    %gather3A_1812 = vector.shape_cast %broadcast_in_dim3A_1811 : vector<16x1xi32> to vector<16xi32>
    %gather3A_1813 = tpu.dynamic_gather %max3A_1790[%gather3A_1812] in [0] : vector<16xf32>, vector<16xi32> -> vector<16xf32>
    %swap3A_1814 = arith.constant 1568 : index
    %swap3A_1815 = tpu.vector_load %arg16[%swap3A_1814] {strides = array<i32>} : memref<2048xf32, #tpu.memory_space<vmem>>, vector<16xf32>,
    %swap3A_1816 = vector.shape_cast %swap3A_1815 : vector<16xf32> to vector<16xf32>
    %swap3A_1817 = vector.shape_cast %gather3A_1813 : vector<16xf32> to vector<16xf32>
    tpu.vector_store %arg16[%swap3A_1814], %swap3A_1817 {strides = array<i32>} : memref<2048xf32, #tpu.memory_space<vmem>>, vector<16xf32>,
    %broadcast_in_dim3A_1818 = arith.constant 3 : i32
    %broadcast_in_dim3A_1819 = vector.broadcast %broadcast_in_dim3A_1818 : i32 to vector<16xi32>
    %broadcast_in_dim3A_1820 = vector.shape_cast %broadcast_in_dim3A_1819 : vector<16xi32> to vector<16x1xi32>
    %gather3A_1821 = vector.shape_cast %broadcast_in_dim3A_1820 : vector<16x1xi32> to vector<16xi32>
    %gather3A_1822 = tpu.dynamic_gather %max3A_1790[%gather3A_1821] in [0] : vector<16xf32>, vector<16xi32> -> vector<16xf32>
    %swap3A_1823 = arith.constant 1584 : index
    %swap3A_1824 = tpu.vector_load %arg16[%swap3A_1823] {strides = array<i32>} : memref<2048xf32, #tpu.memory_space<vmem>>, vector<16xf32>,
    %swap3A_1825 = vector.shape_cast %swap3A_1824 : vector<16xf32> to vector<16xf32>
    %swap3A_1826 = vector.shape_cast %gather3A_1822 : vector<16xf32> to vector<16xf32>
    tpu.vector_store %arg16[%swap3A_1823], %swap3A_1826 {strides = array<i32>} : memref<2048xf32, #tpu.memory_space<vmem>>, vector<16xf32>,
    %broadcast_in_dim3A_1827 = arith.constant 4 : i32
    %broadcast_in_dim3A_1828 = vector.broadcast %broadcast_in_dim3A_1827 : i32 to vector<16xi32>
    %broadcast_in_dim3A_1829 = vector.shape_cast %broadcast_in_dim3A_1828 : vector<16xi32> to vector<16x1xi32>
    %gather3A_1830 = vector.shape_cast %broadcast_in_dim3A_1829 : vector<16x1xi32> to vector<16xi32>
    %gather3A_1831 = tpu.dynamic_gather %max3A_1790[%gather3A_1830] in [0] : vector<16xf32>, vector<16xi32> -> vector<16xf32>
    %swap3A_1832 = arith.constant 1600 : index
    %swap3A_1833 = tpu.vector_load %arg16[%swap3A_1832] {strides = array<i32>} : memref<2048xf32, #tpu.memory_space<vmem>>, vector<16xf32>,
    %swap3A_1834 = vector.shape_cast %swap3A_1833 : vector<16xf32> to vector<16xf32>
    %swap3A_1835 = vector.shape_cast %gather3A_1831 : vector<16xf32> to vector<16xf32>
    tpu.vector_store %arg16[%swap3A_1832], %swap3A_1835 {strides = array<i32>} : memref<2048xf32, #tpu.memory_space<vmem>>, vector<16xf32>,
    %broadcast_in_dim3A_1836 = arith.constant 5 : i32
    %broadcast_in_dim3A_1837 = vector.broadcast %broadcast_in_dim3A_1836 : i32 to vector<16xi32>
    %broadcast_in_dim3A_1838 = vector.shape_cast %broadcast_in_dim3A_1837 : vector<16xi32> to vector<16x1xi32>
    %gather3A_1839 = vector.shape_cast %broadcast_in_dim3A_1838 : vector<16x1xi32> to vector<16xi32>
    %gather3A_1840 = tpu.dynamic_gather %max3A_1790[%gather3A_1839] in [0] : vector<16xf32>, vector<16xi32> -> vector<16xf32>
    %swap3A_1841 = arith.constant 1616 : index
    %swap3A_1842 = tpu.vector_load %arg16[%swap3A_1841] {strides = array<i32>} : memref<2048xf32, #tpu.memory_space<vmem>>, vector<16xf32>,
    %swap3A_1843 = vector.shape_cast %swap3A_1842 : vector<16xf32> to vector<16xf32>
    %swap3A_1844 = vector.shape_cast %gather3A_1840 : vector<16xf32> to vector<16xf32>
    tpu.vector_store %arg16[%swap3A_1841], %swap3A_1844 {strides = array<i32>} : memref<2048xf32, #tpu.memory_space<vmem>>, vector<16xf32>,
    %broadcast_in_dim3A_1845 = arith.constant 6 : i32
    %broadcast_in_dim3A_1846 = vector.broadcast %broadcast_in_dim3A_1845 : i32 to vector<16xi32>
    %broadcast_in_dim3A_1847 = vector.shape_cast %broadcast_in_dim3A_1846 : vector<16xi32> to vector<16x1xi32>
    %gather3A_1848 = vector.shape_cast %broadcast_in_dim3A_1847 : vector<16x1xi32> to vector<16xi32>
    %gather3A_1849 = tpu.dynamic_gather %max3A_1790[%gather3A_1848] in [0] : vector<16xf32>, vector<16xi32> -> vector<16xf32>
    %swap3A_1850 = arith.constant 1632 : index
    %swap3A_1851 = tpu.vector_load %arg16[%swap3A_1850] {strides = array<i32>} : memref<2048xf32, #tpu.memory_space<vmem>>, vector<16xf32>,
    %swap3A_1852 = vector.shape_cast %swap3A_1851 : vector<16xf32> to vector<16xf32>
    %swap3A_1853 = vector.shape_cast %gather3A_1849 : vector<16xf32> to vector<16xf32>
    tpu.vector_store %arg16[%swap3A_1850], %swap3A_1853 {strides = array<i32>} : memref<2048xf32, #tpu.memory_space<vmem>>, vector<16xf32>,
    %broadcast_in_dim3A_1854 = arith.constant 7 : i32
    %broadcast_in_dim3A_1855 = vector.broadcast %broadcast_in_dim3A_1854 : i32 to vector<16xi32>
    %broadcast_in_dim3A_1856 = vector.shape_cast %broadcast_in_dim3A_1855 : vector<16xi32> to vector<16x1xi32>
    %gather3A_1857 = vector.shape_cast %broadcast_in_dim3A_1856 : vector<16x1xi32> to vector<16xi32>
    %gather3A_1858 = tpu.dynamic_gather %max3A_1790[%gather3A_1857] in [0] : vector<16xf32>, vector<16xi32> -> vector<16xf32>
    %swap3A_1859 = arith.constant 1648 : index
    %swap3A_1860 = tpu.vector_load %arg16[%swap3A_1859] {strides = array<i32>} : memref<2048xf32, #tpu.memory_space<vmem>>, vector<16xf32>,
    %swap3A_1861 = vector.shape_cast %swap3A_1860 : vector<16xf32> to vector<16xf32>
    %swap3A_1862 = vector.shape_cast %gather3A_1858 : vector<16xf32> to vector<16xf32>
    tpu.vector_store %arg16[%swap3A_1859], %swap3A_1862 {strides = array<i32>} : memref<2048xf32, #tpu.memory_space<vmem>>, vector<16xf32>,
    %broadcast_in_dim3A_1863 = arith.constant 8 : i32
    %broadcast_in_dim3A_1864 = vector.broadcast %broadcast_in_dim3A_1863 : i32 to vector<16xi32>
    %broadcast_in_dim3A_1865 = vector.shape_cast %broadcast_in_dim3A_1864 : vector<16xi32> to vector<16x1xi32>
    %gather3A_1866 = vector.shape_cast %broadcast_in_dim3A_1865 : vector<16x1xi32> to vector<16xi32>
    %gather3A_1867 = tpu.dynamic_gather %max3A_1790[%gather3A_1866] in [0] : vector<16xf32>, vector<16xi32> -> vector<16xf32>
    %swap3A_1868 = arith.constant 1664 : index
    %swap3A_1869 = tpu.vector_load %arg16[%swap3A_1868] {strides = array<i32>} : memref<2048xf32, #tpu.memory_space<vmem>>, vector<16xf32>,
    %swap3A_1870 = vector.shape_cast %swap3A_1869 : vector<16xf32> to vector<16xf32>
    %swap3A_1871 = vector.shape_cast %gather3A_1867 : vector<16xf32> to vector<16xf32>
    tpu.vector_store %arg16[%swap3A_1868], %swap3A_1871 {strides = array<i32>} : memref<2048xf32, #tpu.memory_space<vmem>>, vector<16xf32>,
    %broadcast_in_dim3A_1872 = arith.constant 9 : i32
    %broadcast_in_dim3A_1873 = vector.broadcast %broadcast_in_dim3A_1872 : i32 to vector<16xi32>
    %broadcast_in_dim3A_1874 = vector.shape_cast %broadcast_in_dim3A_1873 : vector<16xi32> to vector<16x1xi32>
    %gather3A_1875 = vector.shape_cast %broadcast_in_dim3A_1874 : vector<16x1xi32> to vector<16xi32>
    %gather3A_1876 = tpu.dynamic_gather %max3A_1790[%gather3A_1875] in [0] : vector<16xf32>, vector<16xi32> -> vector<16xf32>
    %swap3A_1877 = arith.constant 1680 : index
    %swap3A_1878 = tpu.vector_load %arg16[%swap3A_1877] {strides = array<i32>} : memref<2048xf32, #tpu.memory_space<vmem>>, vector<16xf32>,
    %swap3A_1879 = vector.shape_cast %swap3A_1878 : vector<16xf32> to vector<16xf32>
    %swap3A_1880 = vector.shape_cast %gather3A_1876 : vector<16xf32> to vector<16xf32>
    tpu.vector_store %arg16[%swap3A_1877], %swap3A_1880 {strides = array<i32>} : memref<2048xf32, #tpu.memory_space<vmem>>, vector<16xf32>,
    %broadcast_in_dim3A_1881 = arith.constant 10 : i32
    %broadcast_in_dim3A_1882 = vector.broadcast %broadcast_in_dim3A_1881 : i32 to vector<16xi32>
    %broadcast_in_dim3A_1883 = vector.shape_cast %broadcast_in_dim3A_1882 : vector<16xi32> to vector<16x1xi32>
    %gather3A_1884 = vector.shape_cast %broadcast_in_dim3A_1883 : vector<16x1xi32> to vector<16xi32>
    %gather3A_1885 = tpu.dynamic_gather %max3A_1790[%gather3A_1884] in [0] : vector<16xf32>, vector<16xi32> -> vector<16xf32>
    %swap3A_1886 = arith.constant 1696 : index
    %swap3A_1887 = tpu.vector_load %arg16[%swap3A_1886] {strides = array<i32>} : memref<2048xf32, #tpu.memory_space<vmem>>, vector<16xf32>,
    %swap3A_1888 = vector.shape_cast %swap3A_1887 : vector<16xf32> to vector<16xf32>
    %swap3A_1889 = vector.shape_cast %gather3A_1885 : vector<16xf32> to vector<16xf32>
    tpu.vector_store %arg16[%swap3A_1886], %swap3A_1889 {strides = array<i32>} : memref<2048xf32, #tpu.memory_space<vmem>>, vector<16xf32>,
    %broadcast_in_dim3A_1890 = arith.constant 11 : i32
    %broadcast_in_dim3A_1891 = vector.broadcast %broadcast_in_dim3A_1890 : i32 to vector<16xi32>
    %broadcast_in_dim3A_1892 = vector.shape_cast %broadcast_in_dim3A_1891 : vector<16xi32> to vector<16x1xi32>
    %gather3A_1893 = vector.shape_cast %broadcast_in_dim3A_1892 : vector<16x1xi32> to vector<16xi32>
    %gather3A_1894 = tpu.dynamic_gather %max3A_1790[%gather3A_1893] in [0] : vector<16xf32>, vector<16xi32> -> vector<16xf32>
    %swap3A_1895 = arith.constant 1712 : index
    %swap3A_1896 = tpu.vector_load %arg16[%swap3A_1895] {strides = array<i32>} : memref<2048xf32, #tpu.memory_space<vmem>>, vector<16xf32>,
    %swap3A_1897 = vector.shape_cast %swap3A_1896 : vector<16xf32> to vector<16xf32>
    %swap3A_1898 = vector.shape_cast %gather3A_1894 : vector<16xf32> to vector<16xf32>
    tpu.vector_store %arg16[%swap3A_1895], %swap3A_1898 {strides = array<i32>} : memref<2048xf32, #tpu.memory_space<vmem>>, vector<16xf32>,
    %broadcast_in_dim3A_1899 = arith.constant 12 : i32
    %broadcast_in_dim3A_1900 = vector.broadcast %broadcast_in_dim3A_1899 : i32 to vector<16xi32>
    %broadcast_in_dim3A_1901 = vector.shape_cast %broadcast_in_dim3A_1900 : vector<16xi32> to vector<16x1xi32>
    %gather3A_1902 = vector.shape_cast %broadcast_in_dim3A_1901 : vector<16x1xi32> to vector<16xi32>
    %gather3A_1903 = tpu.dynamic_gather %max3A_1790[%gather3A_1902] in [0] : vector<16xf32>, vector<16xi32> -> vector<16xf32>
    %swap3A_1904 = arith.constant 1728 : index
    %swap3A_1905 = tpu.vector_load %arg16[%swap3A_1904] {strides = array<i32>} : memref<2048xf32, #tpu.memory_space<vmem>>, vector<16xf32>,
    %swap3A_1906 = vector.shape_cast %swap3A_1905 : vector<16xf32> to vector<16xf32>
    %swap3A_1907 = vector.shape_cast %gather3A_1903 : vector<16xf32> to vector<16xf32>
    tpu.vector_store %arg16[%swap3A_1904], %swap3A_1907 {strides = array<i32>} : memref<2048xf32, #tpu.memory_space<vmem>>, vector<16xf32>,
    %broadcast_in_dim3A_1908 = arith.constant 13 : i32
    %broadcast_in_dim3A_1909 = vector.broadcast %broadcast_in_dim3A_1908 : i32 to vector<16xi32>
    %broadcast_in_dim3A_1910 = vector.shape_cast %broadcast_in_dim3A_1909 : vector<16xi32> to vector<16x1xi32>
    %gather3A_1911 = vector.shape_cast %broadcast_in_dim3A_1910 : vector<16x1xi32> to vector<16xi32>
    %gather3A_1912 = tpu.dynamic_gather %max3A_1790[%gather3A_1911] in [0] : vector<16xf32>, vector<16xi32> -> vector<16xf32>
    %swap3A_1913 = arith.constant 1744 : index
    %swap3A_1914 = tpu.vector_load %arg16[%swap3A_1913] {strides = array<i32>} : memref<2048xf32, #tpu.memory_space<vmem>>, vector<16xf32>,
    %swap3A_1915 = vector.shape_cast %swap3A_1914 : vector<16xf32> to vector<16xf32>
    %swap3A_1916 = vector.shape_cast %gather3A_1912 : vector<16xf32> to vector<16xf32>
    tpu.vector_store %arg16[%swap3A_1913], %swap3A_1916 {strides = array<i32>} : memref<2048xf32, #tpu.memory_space<vmem>>, vector<16xf32>,
    %broadcast_in_dim3A_1917 = arith.constant 14 : i32
    %broadcast_in_dim3A_1918 = vector.broadcast %broadcast_in_dim3A_1917 : i32 to vector<16xi32>
    %broadcast_in_dim3A_1919 = vector.shape_cast %broadcast_in_dim3A_1918 : vector<16xi32> to vector<16x1xi32>
    %gather3A_1920 = vector.shape_cast %broadcast_in_dim3A_1919 : vector<16x1xi32> to vector<16xi32>
    %gather3A_1921 = tpu.dynamic_gather %max3A_1790[%gather3A_1920] in [0] : vector<16xf32>, vector<16xi32> -> vector<16xf32>
    %swap3A_1922 = arith.constant 1760 : index
    %swap3A_1923 = tpu.vector_load %arg16[%swap3A_1922] {strides = array<i32>} : memref<2048xf32, #tpu.memory_space<vmem>>, vector<16xf32>,
    %swap3A_1924 = vector.shape_cast %swap3A_1923 : vector<16xf32> to vector<16xf32>
    %swap3A_1925 = vector.shape_cast %gather3A_1921 : vector<16xf32> to vector<16xf32>
    tpu.vector_store %arg16[%swap3A_1922], %swap3A_1925 {strides = array<i32>} : memref<2048xf32, #tpu.memory_space<vmem>>, vector<16xf32>,
    %broadcast_in_dim3A_1926 = arith.constant 15 : i32
    %broadcast_in_dim3A_1927 = vector.broadcast %broadcast_in_dim3A_1926 : i32 to vector<16xi32>
    %broadcast_in_dim3A_1928 = vector.shape_cast %broadcast_in_dim3A_1927 : vector<16xi32> to vector<16x1xi32>
    %gather3A_1929 = vector.shape_cast %broadcast_in_dim3A_1928 : vector<16x1xi32> to vector<16xi32>
    %gather3A_1930 = tpu.dynamic_gather %max3A_1790[%gather3A_1929] in [0] : vector<16xf32>, vector<16xi32> -> vector<16xf32>
    %swap3A_1931 = arith.constant 1776 : index
    %swap3A_1932 = tpu.vector_load %arg16[%swap3A_1931] {strides = array<i32>} : memref<2048xf32, #tpu.memory_space<vmem>>, vector<16xf32>,
    %swap3A_1933 = vector.shape_cast %swap3A_1932 : vector<16xf32> to vector<16xf32>
    %swap3A_1934 = vector.shape_cast %gather3A_1930 : vector<16xf32> to vector<16xf32>
    tpu.vector_store %arg16[%swap3A_1931], %swap3A_1934 {strides = array<i32>} : memref<2048xf32, #tpu.memory_space<vmem>>, vector<16xf32>,
    %get3A_1935 = arith.constant 112 : index
    %get3A_1936 = tpu.vector_load %arg15[%get3A_1935] {strides = array<i32>} : memref<4096xf32, #tpu.memory_space<vmem>>, vector<16xf32>,
    %get3A_1937 = vector.shape_cast %get3A_1936 : vector<16xf32> to vector<16xf32>
    %get3A_1938 = arith.constant 240 : index
    %get3A_1939 = tpu.vector_load %arg15[%get3A_1938] {strides = array<i32>} : memref<4096xf32, #tpu.memory_space<vmem>>, vector<16xf32>,
    %get3A_1940 = vector.shape_cast %get3A_1939 : vector<16xf32> to vector<16xf32>
    %max3A_1941 = arith.maximumf %get3A_1937, %get3A_1940 : vector<16xf32>
    %get3A_1942 = arith.constant 368 : index
    %get3A_1943 = tpu.vector_load %arg15[%get3A_1942] {strides = array<i32>} : memref<4096xf32, #tpu.memory_space<vmem>>, vector<16xf32>,
    %get3A_1944 = vector.shape_cast %get3A_1943 : vector<16xf32> to vector<16xf32>
    %max3A_1945 = arith.maximumf %max3A_1941, %get3A_1944 : vector<16xf32>
    %get3A_1946 = arith.constant 496 : index
    %get3A_1947 = tpu.vector_load %arg15[%get3A_1946] {strides = array<i32>} : memref<4096xf32, #tpu.memory_space<vmem>>, vector<16xf32>,
    %get3A_1948 = vector.shape_cast %get3A_1947 : vector<16xf32> to vector<16xf32>
    %max3A_1949 = arith.maximumf %max3A_1945, %get3A_1948 : vector<16xf32>
    %get3A_1950 = arith.constant 624 : index
    %get3A_1951 = tpu.vector_load %arg15[%get3A_1950] {strides = array<i32>} : memref<4096xf32, #tpu.memory_space<vmem>>, vector<16xf32>,
    %get3A_1952 = vector.shape_cast %get3A_1951 : vector<16xf32> to vector<16xf32>
    %max3A_1953 = arith.maximumf %max3A_1949, %get3A_1952 : vector<16xf32>
    %get3A_1954 = arith.constant 752 : index
    %get3A_1955 = tpu.vector_load %arg15[%get3A_1954] {strides = array<i32>} : memref<4096xf32, #tpu.memory_space<vmem>>, vector<16xf32>,
    %get3A_1956 = vector.shape_cast %get3A_1955 : vector<16xf32> to vector<16xf32>
    %max3A_1957 = arith.maximumf %max3A_1953, %get3A_1956 : vector<16xf32>
    %get3A_1958 = arith.constant 880 : index
    %get3A_1959 = tpu.vector_load %arg15[%get3A_1958] {strides = array<i32>} : memref<4096xf32, #tpu.memory_space<vmem>>, vector<16xf32>,
    %get3A_1960 = vector.shape_cast %get3A_1959 : vector<16xf32> to vector<16xf32>
    %max3A_1961 = arith.maximumf %max3A_1957, %get3A_1960 : vector<16xf32>
    %get3A_1962 = arith.constant 1008 : index
    %get3A_1963 = tpu.vector_load %arg15[%get3A_1962] {strides = array<i32>} : memref<4096xf32, #tpu.memory_space<vmem>>, vector<16xf32>,
    %get3A_1964 = vector.shape_cast %get3A_1963 : vector<16xf32> to vector<16xf32>
    %max3A_1965 = arith.maximumf %max3A_1961, %get3A_1964 : vector<16xf32>
    %get3A_1966 = arith.constant 1136 : index
    %get3A_1967 = tpu.vector_load %arg15[%get3A_1966] {strides = array<i32>} : memref<4096xf32, #tpu.memory_space<vmem>>, vector<16xf32>,
    %get3A_1968 = vector.shape_cast %get3A_1967 : vector<16xf32> to vector<16xf32>
    %max3A_1969 = arith.maximumf %max3A_1965, %get3A_1968 : vector<16xf32>
    %get3A_1970 = arith.constant 1264 : index
    %get3A_1971 = tpu.vector_load %arg15[%get3A_1970] {strides = array<i32>} : memref<4096xf32, #tpu.memory_space<vmem>>, vector<16xf32>,
    %get3A_1972 = vector.shape_cast %get3A_1971 : vector<16xf32> to vector<16xf32>
    %max3A_1973 = arith.maximumf %max3A_1969, %get3A_1972 : vector<16xf32>
    %get3A_1974 = arith.constant 1392 : index
    %get3A_1975 = tpu.vector_load %arg15[%get3A_1974] {strides = array<i32>} : memref<4096xf32, #tpu.memory_space<vmem>>, vector<16xf32>,
    %get3A_1976 = vector.shape_cast %get3A_1975 : vector<16xf32> to vector<16xf32>
    %max3A_1977 = arith.maximumf %max3A_1973, %get3A_1976 : vector<16xf32>
    %get3A_1978 = arith.constant 1520 : index
    %get3A_1979 = tpu.vector_load %arg15[%get3A_1978] {strides = array<i32>} : memref<4096xf32, #tpu.memory_space<vmem>>, vector<16xf32>,
    %get3A_1980 = vector.shape_cast %get3A_1979 : vector<16xf32> to vector<16xf32>
    %max3A_1981 = arith.maximumf %max3A_1977, %get3A_1980 : vector<16xf32>
    %get3A_1982 = arith.constant 1648 : index
    %get3A_1983 = tpu.vector_load %arg15[%get3A_1982] {strides = array<i32>} : memref<4096xf32, #tpu.memory_space<vmem>>, vector<16xf32>,
    %get3A_1984 = vector.shape_cast %get3A_1983 : vector<16xf32> to vector<16xf32>
    %max3A_1985 = arith.maximumf %max3A_1981, %get3A_1984 : vector<16xf32>
    %get3A_1986 = arith.constant 1776 : index
    %get3A_1987 = tpu.vector_load %arg15[%get3A_1986] {strides = array<i32>} : memref<4096xf32, #tpu.memory_space<vmem>>, vector<16xf32>,
    %get3A_1988 = vector.shape_cast %get3A_1987 : vector<16xf32> to vector<16xf32>
    %max3A_1989 = arith.maximumf %max3A_1985, %get3A_1988 : vector<16xf32>
    %get3A_1990 = arith.constant 1904 : index
    %get3A_1991 = tpu.vector_load %arg15[%get3A_1990] {strides = array<i32>} : memref<4096xf32, #tpu.memory_space<vmem>>, vector<16xf32>,
    %get3A_1992 = vector.shape_cast %get3A_1991 : vector<16xf32> to vector<16xf32>
    %max3A_1993 = arith.maximumf %max3A_1989, %get3A_1992 : vector<16xf32>
    %get3A_1994 = arith.constant 2032 : index
    %get3A_1995 = tpu.vector_load %arg15[%get3A_1994] {strides = array<i32>} : memref<4096xf32, #tpu.memory_space<vmem>>, vector<16xf32>,
    %get3A_1996 = vector.shape_cast %get3A_1995 : vector<16xf32> to vector<16xf32>
    %max3A_1997 = arith.maximumf %max3A_1993, %get3A_1996 : vector<16xf32>
    %get3A_1998 = arith.constant 2160 : index
    %get3A_1999 = tpu.vector_load %arg15[%get3A_1998] {strides = array<i32>} : memref<4096xf32, #tpu.memory_space<vmem>>, vector<16xf32>,
    %get3A_2000 = vector.shape_cast %get3A_1999 : vector<16xf32> to vector<16xf32>
    %max3A_2001 = arith.maximumf %max3A_1997, %get3A_2000 : vector<16xf32>
    %get3A_2002 = arith.constant 2288 : index
    %get3A_2003 = tpu.vector_load %arg15[%get3A_2002] {strides = array<i32>} : memref<4096xf32, #tpu.memory_space<vmem>>, vector<16xf32>,
    %get3A_2004 = vector.shape_cast %get3A_2003 : vector<16xf32> to vector<16xf32>
    %max3A_2005 = arith.maximumf %max3A_2001, %get3A_2004 : vector<16xf32>
    %get3A_2006 = arith.constant 2416 : index
    %get3A_2007 = tpu.vector_load %arg15[%get3A_2006] {strides = array<i32>} : memref<4096xf32, #tpu.memory_space<vmem>>, vector<16xf32>,
    %get3A_2008 = vector.shape_cast %get3A_2007 : vector<16xf32> to vector<16xf32>
    %max3A_2009 = arith.maximumf %max3A_2005, %get3A_2008 : vector<16xf32>
    %get3A_2010 = arith.constant 2544 : index
    %get3A_2011 = tpu.vector_load %arg15[%get3A_2010] {strides = array<i32>} : memref<4096xf32, #tpu.memory_space<vmem>>, vector<16xf32>,
    %get3A_2012 = vector.shape_cast %get3A_2011 : vector<16xf32> to vector<16xf32>
    %max3A_2013 = arith.maximumf %max3A_2009, %get3A_2012 : vector<16xf32>
    %get3A_2014 = arith.constant 2672 : index
    %get3A_2015 = tpu.vector_load %arg15[%get3A_2014] {strides = array<i32>} : memref<4096xf32, #tpu.memory_space<vmem>>, vector<16xf32>,
    %get3A_2016 = vector.shape_cast %get3A_2015 : vector<16xf32> to vector<16xf32>
    %max3A_2017 = arith.maximumf %max3A_2013, %get3A_2016 : vector<16xf32>
    %get3A_2018 = arith.constant 2800 : index
    %get3A_2019 = tpu.vector_load %arg15[%get3A_2018] {strides = array<i32>} : memref<4096xf32, #tpu.memory_space<vmem>>, vector<16xf32>,
    %get3A_2020 = vector.shape_cast %get3A_2019 : vector<16xf32> to vector<16xf32>
    %max3A_2021 = arith.maximumf %max3A_2017, %get3A_2020 : vector<16xf32>
    %get3A_2022 = arith.constant 2928 : index
    %get3A_2023 = tpu.vector_load %arg15[%get3A_2022] {strides = array<i32>} : memref<4096xf32, #tpu.memory_space<vmem>>, vector<16xf32>,
    %get3A_2024 = vector.shape_cast %get3A_2023 : vector<16xf32> to vector<16xf32>
    %max3A_2025 = arith.maximumf %max3A_2021, %get3A_2024 : vector<16xf32>
    %get3A_2026 = arith.constant 3056 : index
    %get3A_2027 = tpu.vector_load %arg15[%get3A_2026] {strides = array<i32>} : memref<4096xf32, #tpu.memory_space<vmem>>, vector<16xf32>,
    %get3A_2028 = vector.shape_cast %get3A_2027 : vector<16xf32> to vector<16xf32>
    %max3A_2029 = arith.maximumf %max3A_2025, %get3A_2028 : vector<16xf32>
    %get3A_2030 = arith.constant 3184 : index
    %get3A_2031 = tpu.vector_load %arg15[%get3A_2030] {strides = array<i32>} : memref<4096xf32, #tpu.memory_space<vmem>>, vector<16xf32>,
    %get3A_2032 = vector.shape_cast %get3A_2031 : vector<16xf32> to vector<16xf32>
    %max3A_2033 = arith.maximumf %max3A_2029, %get3A_2032 : vector<16xf32>
    %get3A_2034 = arith.constant 3312 : index
    %get3A_2035 = tpu.vector_load %arg15[%get3A_2034] {strides = array<i32>} : memref<4096xf32, #tpu.memory_space<vmem>>, vector<16xf32>,
    %get3A_2036 = vector.shape_cast %get3A_2035 : vector<16xf32> to vector<16xf32>
    %max3A_2037 = arith.maximumf %max3A_2033, %get3A_2036 : vector<16xf32>
    %get3A_2038 = arith.constant 3440 : index
    %get3A_2039 = tpu.vector_load %arg15[%get3A_2038] {strides = array<i32>} : memref<4096xf32, #tpu.memory_space<vmem>>, vector<16xf32>,
    %get3A_2040 = vector.shape_cast %get3A_2039 : vector<16xf32> to vector<16xf32>
    %max3A_2041 = arith.maximumf %max3A_2037, %get3A_2040 : vector<16xf32>
    %get3A_2042 = arith.constant 3568 : index
    %get3A_2043 = tpu.vector_load %arg15[%get3A_2042] {strides = array<i32>} : memref<4096xf32, #tpu.memory_space<vmem>>, vector<16xf32>,
    %get3A_2044 = vector.shape_cast %get3A_2043 : vector<16xf32> to vector<16xf32>
    %max3A_2045 = arith.maximumf %max3A_2041, %get3A_2044 : vector<16xf32>
    %get3A_2046 = arith.constant 3696 : index
    %get3A_2047 = tpu.vector_load %arg15[%get3A_2046] {strides = array<i32>} : memref<4096xf32, #tpu.memory_space<vmem>>, vector<16xf32>,
    %get3A_2048 = vector.shape_cast %get3A_2047 : vector<16xf32> to vector<16xf32>
    %max3A_2049 = arith.maximumf %max3A_2045, %get3A_2048 : vector<16xf32>
    %get3A_2050 = arith.constant 3824 : index
    %get3A_2051 = tpu.vector_load %arg15[%get3A_2050] {strides = array<i32>} : memref<4096xf32, #tpu.memory_space<vmem>>, vector<16xf32>,
    %get3A_2052 = vector.shape_cast %get3A_2051 : vector<16xf32> to vector<16xf32>
    %max3A_2053 = arith.maximumf %max3A_2049, %get3A_2052 : vector<16xf32>
    %get3A_2054 = arith.constant 3952 : index
    %get3A_2055 = tpu.vector_load %arg15[%get3A_2054] {strides = array<i32>} : memref<4096xf32, #tpu.memory_space<vmem>>, vector<16xf32>,
    %get3A_2056 = vector.shape_cast %get3A_2055 : vector<16xf32> to vector<16xf32>
    %max3A_2057 = arith.maximumf %max3A_2053, %get3A_2056 : vector<16xf32>
    %get3A_2058 = arith.constant 4080 : index
    %get3A_2059 = tpu.vector_load %arg15[%get3A_2058] {strides = array<i32>} : memref<4096xf32, #tpu.memory_space<vmem>>, vector<16xf32>,
    %get3A_2060 = vector.shape_cast %get3A_2059 : vector<16xf32> to vector<16xf32>
    %max3A_2061 = arith.maximumf %max3A_2057, %get3A_2060 : vector<16xf32>
    %broadcast_in_dim3A_2062 = arith.constant 0 : i32
    %broadcast_in_dim3A_2063 = vector.broadcast %broadcast_in_dim3A_2062 : i32 to vector<16xi32>
    %broadcast_in_dim3A_2064 = vector.shape_cast %broadcast_in_dim3A_2063 : vector<16xi32> to vector<16x1xi32>
    %gather3A_2065 = vector.shape_cast %broadcast_in_dim3A_2064 : vector<16x1xi32> to vector<16xi32>
    %gather3A_2066 = tpu.dynamic_gather %max3A_2061[%gather3A_2065] in [0] : vector<16xf32>, vector<16xi32> -> vector<16xf32>
    %swap3A_2067 = arith.constant 1792 : index
    %swap3A_2068 = tpu.vector_load %arg16[%swap3A_2067] {strides = array<i32>} : memref<2048xf32, #tpu.memory_space<vmem>>, vector<16xf32>,
    %swap3A_2069 = vector.shape_cast %swap3A_2068 : vector<16xf32> to vector<16xf32>
    %swap3A_2070 = vector.shape_cast %gather3A_2066 : vector<16xf32> to vector<16xf32>
    tpu.vector_store %arg16[%swap3A_2067], %swap3A_2070 {strides = array<i32>} : memref<2048xf32, #tpu.memory_space<vmem>>, vector<16xf32>,
    %broadcast_in_dim3A_2071 = arith.constant 1 : i32
    %broadcast_in_dim3A_2072 = vector.broadcast %broadcast_in_dim3A_2071 : i32 to vector<16xi32>
    %broadcast_in_dim3A_2073 = vector.shape_cast %broadcast_in_dim3A_2072 : vector<16xi32> to vector<16x1xi32>
    %gather3A_2074 = vector.shape_cast %broadcast_in_dim3A_2073 : vector<16x1xi32> to vector<16xi32>
    %gather3A_2075 = tpu.dynamic_gather %max3A_2061[%gather3A_2074] in [0] : vector<16xf32>, vector<16xi32> -> vector<16xf32>
    %swap3A_2076 = arith.constant 1808 : index
    %swap3A_2077 = tpu.vector_load %arg16[%swap3A_2076] {strides = array<i32>} : memref<2048xf32, #tpu.memory_space<vmem>>, vector<16xf32>,
    %swap3A_2078 = vector.shape_cast %swap3A_2077 : vector<16xf32> to vector<16xf32>
    %swap3A_2079 = vector.shape_cast %gather3A_2075 : vector<16xf32> to vector<16xf32>
    tpu.vector_store %arg16[%swap3A_2076], %swap3A_2079 {strides = array<i32>} : memref<2048xf32, #tpu.memory_space<vmem>>, vector<16xf32>,
    %broadcast_in_dim3A_2080 = arith.constant 2 : i32
    %broadcast_in_dim3A_2081 = vector.broadcast %broadcast_in_dim3A_2080 : i32 to vector<16xi32>
    %broadcast_in_dim3A_2082 = vector.shape_cast %broadcast_in_dim3A_2081 : vector<16xi32> to vector<16x1xi32>
    %gather3A_2083 = vector.shape_cast %broadcast_in_dim3A_2082 : vector<16x1xi32> to vector<16xi32>
    %gather3A_2084 = tpu.dynamic_gather %max3A_2061[%gather3A_2083] in [0] : vector<16xf32>, vector<16xi32> -> vector<16xf32>
    %swap3A_2085 = arith.constant 1824 : index
    %swap3A_2086 = tpu.vector_load %arg16[%swap3A_2085] {strides = array<i32>} : memref<2048xf32, #tpu.memory_space<vmem>>, vector<16xf32>,
    %swap3A_2087 = vector.shape_cast %swap3A_2086 : vector<16xf32> to vector<16xf32>
    %swap3A_2088 = vector.shape_cast %gather3A_2084 : vector<16xf32> to vector<16xf32>
    tpu.vector_store %arg16[%swap3A_2085], %swap3A_2088 {strides = array<i32>} : memref<2048xf32, #tpu.memory_space<vmem>>, vector<16xf32>,
    %broadcast_in_dim3A_2089 = arith.constant 3 : i32
    %broadcast_in_dim3A_2090 = vector.broadcast %broadcast_in_dim3A_2089 : i32 to vector<16xi32>
    %broadcast_in_dim3A_2091 = vector.shape_cast %broadcast_in_dim3A_2090 : vector<16xi32> to vector<16x1xi32>
    %gather3A_2092 = vector.shape_cast %broadcast_in_dim3A_2091 : vector<16x1xi32> to vector<16xi32>
    %gather3A_2093 = tpu.dynamic_gather %max3A_2061[%gather3A_2092] in [0] : vector<16xf32>, vector<16xi32> -> vector<16xf32>
    %swap3A_2094 = arith.constant 1840 : index
    %swap3A_2095 = tpu.vector_load %arg16[%swap3A_2094] {strides = array<i32>} : memref<2048xf32, #tpu.memory_space<vmem>>, vector<16xf32>,
    %swap3A_2096 = vector.shape_cast %swap3A_2095 : vector<16xf32> to vector<16xf32>
    %swap3A_2097 = vector.shape_cast %gather3A_2093 : vector<16xf32> to vector<16xf32>
    tpu.vector_store %arg16[%swap3A_2094], %swap3A_2097 {strides = array<i32>} : memref<2048xf32, #tpu.memory_space<vmem>>, vector<16xf32>,
    %broadcast_in_dim3A_2098 = arith.constant 4 : i32
    %broadcast_in_dim3A_2099 = vector.broadcast %broadcast_in_dim3A_2098 : i32 to vector<16xi32>
    %broadcast_in_dim3A_2100 = vector.shape_cast %broadcast_in_dim3A_2099 : vector<16xi32> to vector<16x1xi32>
    %gather3A_2101 = vector.shape_cast %broadcast_in_dim3A_2100 : vector<16x1xi32> to vector<16xi32>
    %gather3A_2102 = tpu.dynamic_gather %max3A_2061[%gather3A_2101] in [0] : vector<16xf32>, vector<16xi32> -> vector<16xf32>
    %swap3A_2103 = arith.constant 1856 : index
    %swap3A_2104 = tpu.vector_load %arg16[%swap3A_2103] {strides = array<i32>} : memref<2048xf32, #tpu.memory_space<vmem>>, vector<16xf32>,
    %swap3A_2105 = vector.shape_cast %swap3A_2104 : vector<16xf32> to vector<16xf32>
    %swap3A_2106 = vector.shape_cast %gather3A_2102 : vector<16xf32> to vector<16xf32>
    tpu.vector_store %arg16[%swap3A_2103], %swap3A_2106 {strides = array<i32>} : memref<2048xf32, #tpu.memory_space<vmem>>, vector<16xf32>,
    %broadcast_in_dim3A_2107 = arith.constant 5 : i32
    %broadcast_in_dim3A_2108 = vector.broadcast %broadcast_in_dim3A_2107 : i32 to vector<16xi32>
    %broadcast_in_dim3A_2109 = vector.shape_cast %broadcast_in_dim3A_2108 : vector<16xi32> to vector<16x1xi32>
    %gather3A_2110 = vector.shape_cast %broadcast_in_dim3A_2109 : vector<16x1xi32> to vector<16xi32>
    %gather3A_2111 = tpu.dynamic_gather %max3A_2061[%gather3A_2110] in [0] : vector<16xf32>, vector<16xi32> -> vector<16xf32>
    %swap3A_2112 = arith.constant 1872 : index
    %swap3A_2113 = tpu.vector_load %arg16[%swap3A_2112] {strides = array<i32>} : memref<2048xf32, #tpu.memory_space<vmem>>, vector<16xf32>,
    %swap3A_2114 = vector.shape_cast %swap3A_2113 : vector<16xf32> to vector<16xf32>
    %swap3A_2115 = vector.shape_cast %gather3A_2111 : vector<16xf32> to vector<16xf32>
    tpu.vector_store %arg16[%swap3A_2112], %swap3A_2115 {strides = array<i32>} : memref<2048xf32, #tpu.memory_space<vmem>>, vector<16xf32>,
    %broadcast_in_dim3A_2116 = arith.constant 6 : i32
    %broadcast_in_dim3A_2117 = vector.broadcast %broadcast_in_dim3A_2116 : i32 to vector<16xi32>
    %broadcast_in_dim3A_2118 = vector.shape_cast %broadcast_in_dim3A_2117 : vector<16xi32> to vector<16x1xi32>
    %gather3A_2119 = vector.shape_cast %broadcast_in_dim3A_2118 : vector<16x1xi32> to vector<16xi32>
    %gather3A_2120 = tpu.dynamic_gather %max3A_2061[%gather3A_2119] in [0] : vector<16xf32>, vector<16xi32> -> vector<16xf32>
    %swap3A_2121 = arith.constant 1888 : index
    %swap3A_2122 = tpu.vector_load %arg16[%swap3A_2121] {strides = array<i32>} : memref<2048xf32, #tpu.memory_space<vmem>>, vector<16xf32>,
    %swap3A_2123 = vector.shape_cast %swap3A_2122 : vector<16xf32> to vector<16xf32>
    %swap3A_2124 = vector.shape_cast %gather3A_2120 : vector<16xf32> to vector<16xf32>
    tpu.vector_store %arg16[%swap3A_2121], %swap3A_2124 {strides = array<i32>} : memref<2048xf32, #tpu.memory_space<vmem>>, vector<16xf32>,
    %broadcast_in_dim3A_2125 = arith.constant 7 : i32
    %broadcast_in_dim3A_2126 = vector.broadcast %broadcast_in_dim3A_2125 : i32 to vector<16xi32>
    %broadcast_in_dim3A_2127 = vector.shape_cast %broadcast_in_dim3A_2126 : vector<16xi32> to vector<16x1xi32>
    %gather3A_2128 = vector.shape_cast %broadcast_in_dim3A_2127 : vector<16x1xi32> to vector<16xi32>
    %gather3A_2129 = tpu.dynamic_gather %max3A_2061[%gather3A_2128] in [0] : vector<16xf32>, vector<16xi32> -> vector<16xf32>
    %swap3A_2130 = arith.constant 1904 : index
    %swap3A_2131 = tpu.vector_load %arg16[%swap3A_2130] {strides = array<i32>} : memref<2048xf32, #tpu.memory_space<vmem>>, vector<16xf32>,
    %swap3A_2132 = vector.shape_cast %swap3A_2131 : vector<16xf32> to vector<16xf32>
    %swap3A_2133 = vector.shape_cast %gather3A_2129 : vector<16xf32> to vector<16xf32>
    tpu.vector_store %arg16[%swap3A_2130], %swap3A_2133 {strides = array<i32>} : memref<2048xf32, #tpu.memory_space<vmem>>, vector<16xf32>,
    %broadcast_in_dim3A_2134 = arith.constant 8 : i32
    %broadcast_in_dim3A_2135 = vector.broadcast %broadcast_in_dim3A_2134 : i32 to vector<16xi32>
    %broadcast_in_dim3A_2136 = vector.shape_cast %broadcast_in_dim3A_2135 : vector<16xi32> to vector<16x1xi32>
    %gather3A_2137 = vector.shape_cast %broadcast_in_dim3A_2136 : vector<16x1xi32> to vector<16xi32>
    %gather3A_2138 = tpu.dynamic_gather %max3A_2061[%gather3A_2137] in [0] : vector<16xf32>, vector<16xi32> -> vector<16xf32>
    %swap3A_2139 = arith.constant 1920 : index
    %swap3A_2140 = tpu.vector_load %arg16[%swap3A_2139] {strides = array<i32>} : memref<2048xf32, #tpu.memory_space<vmem>>, vector<16xf32>,
    %swap3A_2141 = vector.shape_cast %swap3A_2140 : vector<16xf32> to vector<16xf32>
    %swap3A_2142 = vector.shape_cast %gather3A_2138 : vector<16xf32> to vector<16xf32>
    tpu.vector_store %arg16[%swap3A_2139], %swap3A_2142 {strides = array<i32>} : memref<2048xf32, #tpu.memory_space<vmem>>, vector<16xf32>,
    %broadcast_in_dim3A_2143 = arith.constant 9 : i32
    %broadcast_in_dim3A_2144 = vector.broadcast %broadcast_in_dim3A_2143 : i32 to vector<16xi32>
    %broadcast_in_dim3A_2145 = vector.shape_cast %broadcast_in_dim3A_2144 : vector<16xi32> to vector<16x1xi32>
    %gather3A_2146 = vector.shape_cast %broadcast_in_dim3A_2145 : vector<16x1xi32> to vector<16xi32>
    %gather3A_2147 = tpu.dynamic_gather %max3A_2061[%gather3A_2146] in [0] : vector<16xf32>, vector<16xi32> -> vector<16xf32>
    %swap3A_2148 = arith.constant 1936 : index
    %swap3A_2149 = tpu.vector_load %arg16[%swap3A_2148] {strides = array<i32>} : memref<2048xf32, #tpu.memory_space<vmem>>, vector<16xf32>,
    %swap3A_2150 = vector.shape_cast %swap3A_2149 : vector<16xf32> to vector<16xf32>
    %swap3A_2151 = vector.shape_cast %gather3A_2147 : vector<16xf32> to vector<16xf32>
    tpu.vector_store %arg16[%swap3A_2148], %swap3A_2151 {strides = array<i32>} : memref<2048xf32, #tpu.memory_space<vmem>>, vector<16xf32>,
    %broadcast_in_dim3A_2152 = arith.constant 10 : i32
    %broadcast_in_dim3A_2153 = vector.broadcast %broadcast_in_dim3A_2152 : i32 to vector<16xi32>
    %broadcast_in_dim3A_2154 = vector.shape_cast %broadcast_in_dim3A_2153 : vector<16xi32> to vector<16x1xi32>
    %gather3A_2155 = vector.shape_cast %broadcast_in_dim3A_2154 : vector<16x1xi32> to vector<16xi32>
    %gather3A_2156 = tpu.dynamic_gather %max3A_2061[%gather3A_2155] in [0] : vector<16xf32>, vector<16xi32> -> vector<16xf32>
    %swap3A_2157 = arith.constant 1952 : index
    %swap3A_2158 = tpu.vector_load %arg16[%swap3A_2157] {strides = array<i32>} : memref<2048xf32, #tpu.memory_space<vmem>>, vector<16xf32>,
    %swap3A_2159 = vector.shape_cast %swap3A_2158 : vector<16xf32> to vector<16xf32>
    %swap3A_2160 = vector.shape_cast %gather3A_2156 : vector<16xf32> to vector<16xf32>
    tpu.vector_store %arg16[%swap3A_2157], %swap3A_2160 {strides = array<i32>} : memref<2048xf32, #tpu.memory_space<vmem>>, vector<16xf32>,
    %broadcast_in_dim3A_2161 = arith.constant 11 : i32
    %broadcast_in_dim3A_2162 = vector.broadcast %broadcast_in_dim3A_2161 : i32 to vector<16xi32>
    %broadcast_in_dim3A_2163 = vector.shape_cast %broadcast_in_dim3A_2162 : vector<16xi32> to vector<16x1xi32>
    %gather3A_2164 = vector.shape_cast %broadcast_in_dim3A_2163 : vector<16x1xi32> to vector<16xi32>
    %gather3A_2165 = tpu.dynamic_gather %max3A_2061[%gather3A_2164] in [0] : vector<16xf32>, vector<16xi32> -> vector<16xf32>
    %swap3A_2166 = arith.constant 1968 : index
    %swap3A_2167 = tpu.vector_load %arg16[%swap3A_2166] {strides = array<i32>} : memref<2048xf32, #tpu.memory_space<vmem>>, vector<16xf32>,
    %swap3A_2168 = vector.shape_cast %swap3A_2167 : vector<16xf32> to vector<16xf32>
    %swap3A_2169 = vector.shape_cast %gather3A_2165 : vector<16xf32> to vector<16xf32>
    tpu.vector_store %arg16[%swap3A_2166], %swap3A_2169 {strides = array<i32>} : memref<2048xf32, #tpu.memory_space<vmem>>, vector<16xf32>,
    %broadcast_in_dim3A_2170 = arith.constant 12 : i32
    %broadcast_in_dim3A_2171 = vector.broadcast %broadcast_in_dim3A_2170 : i32 to vector<16xi32>
    %broadcast_in_dim3A_2172 = vector.shape_cast %broadcast_in_dim3A_2171 : vector<16xi32> to vector<16x1xi32>
    %gather3A_2173 = vector.shape_cast %broadcast_in_dim3A_2172 : vector<16x1xi32> to vector<16xi32>
    %gather3A_2174 = tpu.dynamic_gather %max3A_2061[%gather3A_2173] in [0] : vector<16xf32>, vector<16xi32> -> vector<16xf32>
    %swap3A_2175 = arith.constant 1984 : index
    %swap3A_2176 = tpu.vector_load %arg16[%swap3A_2175] {strides = array<i32>} : memref<2048xf32, #tpu.memory_space<vmem>>, vector<16xf32>,
    %swap3A_2177 = vector.shape_cast %swap3A_2176 : vector<16xf32> to vector<16xf32>
    %swap3A_2178 = vector.shape_cast %gather3A_2174 : vector<16xf32> to vector<16xf32>
    tpu.vector_store %arg16[%swap3A_2175], %swap3A_2178 {strides = array<i32>} : memref<2048xf32, #tpu.memory_space<vmem>>, vector<16xf32>,
    %broadcast_in_dim3A_2179 = arith.constant 13 : i32
    %broadcast_in_dim3A_2180 = vector.broadcast %broadcast_in_dim3A_2179 : i32 to vector<16xi32>
    %broadcast_in_dim3A_2181 = vector.shape_cast %broadcast_in_dim3A_2180 : vector<16xi32> to vector<16x1xi32>
    %gather3A_2182 = vector.shape_cast %broadcast_in_dim3A_2181 : vector<16x1xi32> to vector<16xi32>
    %gather3A_2183 = tpu.dynamic_gather %max3A_2061[%gather3A_2182] in [0] : vector<16xf32>, vector<16xi32> -> vector<16xf32>
    %swap3A_2184 = arith.constant 2000 : index
    %swap3A_2185 = tpu.vector_load %arg16[%swap3A_2184] {strides = array<i32>} : memref<2048xf32, #tpu.memory_space<vmem>>, vector<16xf32>,
    %swap3A_2186 = vector.shape_cast %swap3A_2185 : vector<16xf32> to vector<16xf32>
    %swap3A_2187 = vector.shape_cast %gather3A_2183 : vector<16xf32> to vector<16xf32>
    tpu.vector_store %arg16[%swap3A_2184], %swap3A_2187 {strides = array<i32>} : memref<2048xf32, #tpu.memory_space<vmem>>, vector<16xf32>,
    %broadcast_in_dim3A_2188 = arith.constant 14 : i32
    %broadcast_in_dim3A_2189 = vector.broadcast %broadcast_in_dim3A_2188 : i32 to vector<16xi32>
    %broadcast_in_dim3A_2190 = vector.shape_cast %broadcast_in_dim3A_2189 : vector<16xi32> to vector<16x1xi32>
    %gather3A_2191 = vector.shape_cast %broadcast_in_dim3A_2190 : vector<16x1xi32> to vector<16xi32>
    %gather3A_2192 = tpu.dynamic_gather %max3A_2061[%gather3A_2191] in [0] : vector<16xf32>, vector<16xi32> -> vector<16xf32>
    %swap3A_2193 = arith.constant 2016 : index
    %swap3A_2194 = tpu.vector_load %arg16[%swap3A_2193] {strides = array<i32>} : memref<2048xf32, #tpu.memory_space<vmem>>, vector<16xf32>,
    %swap3A_2195 = vector.shape_cast %swap3A_2194 : vector<16xf32> to vector<16xf32>
    %swap3A_2196 = vector.shape_cast %gather3A_2192 : vector<16xf32> to vector<16xf32>
    tpu.vector_store %arg16[%swap3A_2193], %swap3A_2196 {strides = array<i32>} : memref<2048xf32, #tpu.memory_space<vmem>>, vector<16xf32>,
    %broadcast_in_dim3A_2197 = arith.constant 15 : i32
    %broadcast_in_dim3A_2198 = vector.broadcast %broadcast_in_dim3A_2197 : i32 to vector<16xi32>
    %broadcast_in_dim3A_2199 = vector.shape_cast %broadcast_in_dim3A_2198 : vector<16xi32> to vector<16x1xi32>
    %gather3A_2200 = vector.shape_cast %broadcast_in_dim3A_2199 : vector<16x1xi32> to vector<16xi32>
    %gather3A_2201 = tpu.dynamic_gather %max3A_2061[%gather3A_2200] in [0] : vector<16xf32>, vector<16xi32> -> vector<16xf32>
    %swap3A_2202 = arith.constant 2032 : index
    %swap3A_2203 = tpu.vector_load %arg16[%swap3A_2202] {strides = array<i32>} : memref<2048xf32, #tpu.memory_space<vmem>>, vector<16xf32>,
    %swap3A_2204 = vector.shape_cast %swap3A_2203 : vector<16xf32> to vector<16xf32>
    %swap3A_2205 = vector.shape_cast %gather3A_2201 : vector<16xf32> to vector<16xf32>
    tpu.vector_store %arg16[%swap3A_2202], %swap3A_2205 {strides = array<i32>} : memref<2048xf32, #tpu.memory_space<vmem>>, vector<16xf32>,
    %get3A_2206 = arith.constant 0 : index
    %get3A_2207 = tpu.vector_load %arg17[%get3A_2206] {strides = array<i32>} : memref<128xi32, #tpu.memory_space<vmem>>, vector<16xi32>,
    %get3A_2208 = vector.shape_cast %get3A_2207 : vector<16xi32> to vector<16xi32>
    %get3A_2209 = arith.constant 16 : index
    %get3A_2210 = tpu.vector_load %arg17[%get3A_2209] {strides = array<i32>} : memref<128xi32, #tpu.memory_space<vmem>>, vector<16xi32>,
    %get3A_2211 = vector.shape_cast %get3A_2210 : vector<16xi32> to vector<16xi32>
    %get3A_2212 = arith.constant 32 : index
    %get3A_2213 = tpu.vector_load %arg17[%get3A_2212] {strides = array<i32>} : memref<128xi32, #tpu.memory_space<vmem>>, vector<16xi32>,
    %get3A_2214 = vector.shape_cast %get3A_2213 : vector<16xi32> to vector<16xi32>
    %get3A_2215 = arith.constant 48 : index
    %get3A_2216 = tpu.vector_load %arg17[%get3A_2215] {strides = array<i32>} : memref<128xi32, #tpu.memory_space<vmem>>, vector<16xi32>,
    %get3A_2217 = vector.shape_cast %get3A_2216 : vector<16xi32> to vector<16xi32>
    %get3A_2218 = arith.constant 64 : index
    %get3A_2219 = tpu.vector_load %arg17[%get3A_2218] {strides = array<i32>} : memref<128xi32, #tpu.memory_space<vmem>>, vector<16xi32>,
    %get3A_2220 = vector.shape_cast %get3A_2219 : vector<16xi32> to vector<16xi32>
    %get3A_2221 = arith.constant 80 : index
    %get3A_2222 = tpu.vector_load %arg17[%get3A_2221] {strides = array<i32>} : memref<128xi32, #tpu.memory_space<vmem>>, vector<16xi32>,
    %get3A_2223 = vector.shape_cast %get3A_2222 : vector<16xi32> to vector<16xi32>
    %get3A_2224 = arith.constant 96 : index
    %get3A_2225 = tpu.vector_load %arg17[%get3A_2224] {strides = array<i32>} : memref<128xi32, #tpu.memory_space<vmem>>, vector<16xi32>,
    %get3A_2226 = vector.shape_cast %get3A_2225 : vector<16xi32> to vector<16xi32>
    %get3A_2227 = arith.constant 112 : index
    %get3A_2228 = tpu.vector_load %arg17[%get3A_2227] {strides = array<i32>} : memref<128xi32, #tpu.memory_space<vmem>>, vector<16xi32>,
    %get3A_2229 = vector.shape_cast %get3A_2228 : vector<16xi32> to vector<16xi32>
    %scan3A = arith.constant 0 : i32
    %scan3A_2230 = arith.constant 0 : i32
    %scan3A_2231 = arith.constant 10 : i32
    %scan3A_2232 = arith.addi %scan3A_2230, %scan3A_2231 : i32
    %scan3A_2233 = arith.constant 1 : i32
    %scan3A_2234 = scf.for %scan3A_2246 = %scan3A_2230 to %scan3A_2232 step %scan3A_2233 iter_args(%scan3A_2247 = %scan3A) -> (i32)  : i32 {
      %mul3A_2248 = arith.constant 2 : i32
      %mul3A_2249 = arith.muli %scan3A_2246, %mul3A_2248 : i32
      %add3A_2250 = arith.constant 0 : i32
      %add3A_2251 = arith.addi %mul3A_2249, %add3A_2250 : i32
      %mul3A_2252 = arith.constant 2 : i32
      %mul3A_2253 = arith.muli %add3A_2251, %mul3A_2252 : i32
      %dma_wait3A_2254 = arith.constant 0 : i32
      %dma_wait3A_2255 = tpu.memref_slice %arg5[%add3A, %mul3A_2253, %dma_wait3A_2254] : memref<32x40x2048xf32, #tpu.memory_space<hbm>> -> memref<1x1x2048xf32, #tpu.memory_space<hbm>>
      %dma_wait3A_2256 = tpu.memref_squeeze %dma_wait3A_2255 : memref<1x1x2048xf32, #tpu.memory_space<hbm>> -> memref<2048xf32, #tpu.memory_space<hbm>>
      %dma_wait3A_2257 = arith.constant 0 : i32
      %dma_wait3A_2258 = tpu.memref_slice %arg5[%add3A, %mul3A_2253, %dma_wait3A_2257] : memref<32x40x2048xf32, #tpu.memory_space<hbm>> -> memref<1x1x2048xf32, #tpu.memory_space<hbm>>
      %dma_wait3A_2259 = tpu.memref_squeeze %dma_wait3A_2258 : memref<1x1x2048xf32, #tpu.memory_space<hbm>> -> memref<2048xf32, #tpu.memory_space<hbm>>
      tpu.wait_dma2 semaphore(%arg20 : memref<!tpu.dma_semaphore, #tpu.memory_space<semaphore_mem>>) src(%dma_wait3A_2259 : memref<2048xf32, #tpu.memory_space<hbm>>) dst(%arg9 : memref<2048xf32, #tpu.memory_space<vmem>>)
      %add3A_2260 = arith.constant 1 : i32
      %add3A_2261 = arith.addi %mul3A_2253, %add3A_2260 : i32
      %dma_wait3A_2262 = arith.constant 0 : i32
      %dma_wait3A_2263 = tpu.memref_slice %arg5[%add3A, %add3A_2261, %dma_wait3A_2262] : memref<32x40x2048xf32, #tpu.memory_space<hbm>> -> memref<1x1x2048xf32, #tpu.memory_space<hbm>>
      %dma_wait3A_2264 = tpu.memref_squeeze %dma_wait3A_2263 : memref<1x1x2048xf32, #tpu.memory_space<hbm>> -> memref<2048xf32, #tpu.memory_space<hbm>>
      %dma_wait3A_2265 = arith.constant 0 : i32
      %dma_wait3A_2266 = tpu.memref_slice %arg5[%add3A, %add3A_2261, %dma_wait3A_2265] : memref<32x40x2048xf32, #tpu.memory_space<hbm>> -> memref<1x1x2048xf32, #tpu.memory_space<hbm>>
      %dma_wait3A_2267 = tpu.memref_squeeze %dma_wait3A_2266 : memref<1x1x2048xf32, #tpu.memory_space<hbm>> -> memref<2048xf32, #tpu.memory_space<hbm>>
      tpu.wait_dma2 semaphore(%arg21 : memref<!tpu.dma_semaphore, #tpu.memory_space<semaphore_mem>>) src(%dma_wait3A_2267 : memref<2048xf32, #tpu.memory_space<hbm>>) dst(%arg10 : memref<2048xf32, #tpu.memory_space<vmem>>)
      %broadcast_in_dim3A_2268 = arith.constant -1 : i32
      %broadcast_in_dim3A_2269 = vector.broadcast %broadcast_in_dim3A_2268 : i32 to vector<16xi32>
      %scan3A_2270 = arith.constant 0 : i32
      %scan3A_2271 = arith.constant 32 : i32
      %scan3A_2272 = arith.addi %scan3A_2270, %scan3A_2271 : i32
      %scan3A_2273 = arith.constant 1 : i32
      %scan3A_2274:2 = scf.for %scan3A_2755 = %scan3A_2270 to %scan3A_2272 step %scan3A_2273 iter_args(%scan3A_2756 = %broadcast_in_dim3A_2269, %scan3A_2757 = %broadcast_in_dim3A_2269) -> (vector<16xi32>, vector<16xi32>)  : i32 {
        %mul3A_2758 = arith.constant 4 : i32
        %mul3A_2759 = arith.muli %scan3A_2755, %mul3A_2758 : i32
        %broadcast_in_dim3A_2760 = arith.constant -1 : i32
        %broadcast_in_dim3A_2761 = vector.broadcast %broadcast_in_dim3A_2760 : i32 to vector<16xi32>
        %broadcast_in_dim3A_2762 = arith.constant -1 : i32
        %broadcast_in_dim3A_2763 = vector.broadcast %broadcast_in_dim3A_2762 : i32 to vector<16xi32>
        %add3A_2764 = arith.constant 0 : i32
        %add3A_2765 = arith.addi %mul3A_2759, %add3A_2764 : i32
        %mul3A_2766 = arith.constant 16 : i32
        %mul3A_2767 = arith.muli %add3A_2765, %mul3A_2766 : i32
        %get3A_2768 = arith.index_cast %mul3A_2767 : i32 to index
        %get3A_2769 = tpu.vector_load %arg16[%get3A_2768] {strides = array<i32>} : memref<2048xf32, #tpu.memory_space<vmem>>, vector<16xf32>,
        %get3A_2770 = vector.shape_cast %get3A_2769 : vector<16xf32> to vector<16xf32>
        %get3A_2771 = arith.index_cast %mul3A_2767 : i32 to index
        %get3A_2772 = tpu.vector_load %arg9[%get3A_2771] {strides = array<i32>} : memref<2048xf32, #tpu.memory_space<vmem>>, vector<16xf32>,
        %get3A_2773 = vector.shape_cast %get3A_2772 : vector<16xf32> to vector<16xf32>
        %eq3A_2774 = arith.cmpf oeq, %get3A_2773, %get3A_2770 : vector<16xf32>
        %broadcast_in_dim3A_2775 = vector.broadcast %add3A_2765 : i32 to vector<16xi32>
        %select_n3A_2776 = arith.select %eq3A_2774, %broadcast_in_dim3A_2775, %broadcast_in_dim3A_2761 : vector<16xi1>, vector<16xi32>
        %get3A_2777 = arith.index_cast %mul3A_2767 : i32 to index
        %get3A_2778 = tpu.vector_load %arg10[%get3A_2777] {strides = array<i32>} : memref<2048xf32, #tpu.memory_space<vmem>>, vector<16xf32>,
        %get3A_2779 = vector.shape_cast %get3A_2778 : vector<16xf32> to vector<16xf32>
        %eq3A_2780 = arith.cmpf oeq, %get3A_2779, %get3A_2770 : vector<16xf32>
        %broadcast_in_dim3A_2781 = vector.broadcast %add3A_2765 : i32 to vector<16xi32>
        %select_n3A_2782 = arith.select %eq3A_2780, %broadcast_in_dim3A_2781, %broadcast_in_dim3A_2763 : vector<16xi1>, vector<16xi32>
        %add3A_2783 = arith.constant 1 : i32
        %add3A_2784 = arith.addi %mul3A_2759, %add3A_2783 : i32
        %mul3A_2785 = arith.constant 16 : i32
        %mul3A_2786 = arith.muli %add3A_2784, %mul3A_2785 : i32
        %get3A_2787 = arith.index_cast %mul3A_2786 : i32 to index
        %get3A_2788 = tpu.vector_load %arg16[%get3A_2787] {strides = array<i32>} : memref<2048xf32, #tpu.memory_space<vmem>>, vector<16xf32>,
        %get3A_2789 = vector.shape_cast %get3A_2788 : vector<16xf32> to vector<16xf32>
        %get3A_2790 = arith.index_cast %mul3A_2786 : i32 to index
        %get3A_2791 = tpu.vector_load %arg9[%get3A_2790] {strides = array<i32>} : memref<2048xf32, #tpu.memory_space<vmem>>, vector<16xf32>,
        %get3A_2792 = vector.shape_cast %get3A_2791 : vector<16xf32> to vector<16xf32>
        %eq3A_2793 = arith.cmpf oeq, %get3A_2792, %get3A_2789 : vector<16xf32>
        %broadcast_in_dim3A_2794 = vector.broadcast %add3A_2784 : i32 to vector<16xi32>
        %select_n3A_2795 = arith.select %eq3A_2793, %broadcast_in_dim3A_2794, %select_n3A_2776 : vector<16xi1>, vector<16xi32>
        %get3A_2796 = arith.index_cast %mul3A_2786 : i32 to index
        %get3A_2797 = tpu.vector_load %arg10[%get3A_2796] {strides = array<i32>} : memref<2048xf32, #tpu.memory_space<vmem>>, vector<16xf32>,
        %get3A_2798 = vector.shape_cast %get3A_2797 : vector<16xf32> to vector<16xf32>
        %eq3A_2799 = arith.cmpf oeq, %get3A_2798, %get3A_2789 : vector<16xf32>
        %broadcast_in_dim3A_2800 = vector.broadcast %add3A_2784 : i32 to vector<16xi32>
        %select_n3A_2801 = arith.select %eq3A_2799, %broadcast_in_dim3A_2800, %select_n3A_2782 : vector<16xi1>, vector<16xi32>
        %add3A_2802 = arith.constant 2 : i32
        %add3A_2803 = arith.addi %mul3A_2759, %add3A_2802 : i32
        %mul3A_2804 = arith.constant 16 : i32
        %mul3A_2805 = arith.muli %add3A_2803, %mul3A_2804 : i32
        %get3A_2806 = arith.index_cast %mul3A_2805 : i32 to index
        %get3A_2807 = tpu.vector_load %arg16[%get3A_2806] {strides = array<i32>} : memref<2048xf32, #tpu.memory_space<vmem>>, vector<16xf32>,
        %get3A_2808 = vector.shape_cast %get3A_2807 : vector<16xf32> to vector<16xf32>
        %get3A_2809 = arith.index_cast %mul3A_2805 : i32 to index
        %get3A_2810 = tpu.vector_load %arg9[%get3A_2809] {strides = array<i32>} : memref<2048xf32, #tpu.memory_space<vmem>>, vector<16xf32>,
        %get3A_2811 = vector.shape_cast %get3A_2810 : vector<16xf32> to vector<16xf32>
        %eq3A_2812 = arith.cmpf oeq, %get3A_2811, %get3A_2808 : vector<16xf32>
        %broadcast_in_dim3A_2813 = vector.broadcast %add3A_2803 : i32 to vector<16xi32>
        %select_n3A_2814 = arith.select %eq3A_2812, %broadcast_in_dim3A_2813, %select_n3A_2795 : vector<16xi1>, vector<16xi32>
        %get3A_2815 = arith.index_cast %mul3A_2805 : i32 to index
        %get3A_2816 = tpu.vector_load %arg10[%get3A_2815] {strides = array<i32>} : memref<2048xf32, #tpu.memory_space<vmem>>, vector<16xf32>,
        %get3A_2817 = vector.shape_cast %get3A_2816 : vector<16xf32> to vector<16xf32>
        %eq3A_2818 = arith.cmpf oeq, %get3A_2817, %get3A_2808 : vector<16xf32>
        %broadcast_in_dim3A_2819 = vector.broadcast %add3A_2803 : i32 to vector<16xi32>
        %select_n3A_2820 = arith.select %eq3A_2818, %broadcast_in_dim3A_2819, %select_n3A_2801 : vector<16xi1>, vector<16xi32>
        %add3A_2821 = arith.constant 3 : i32
        %add3A_2822 = arith.addi %mul3A_2759, %add3A_2821 : i32
        %mul3A_2823 = arith.constant 16 : i32
        %mul3A_2824 = arith.muli %add3A_2822, %mul3A_2823 : i32
        %get3A_2825 = arith.index_cast %mul3A_2824 : i32 to index
        %get3A_2826 = tpu.vector_load %arg16[%get3A_2825] {strides = array<i32>} : memref<2048xf32, #tpu.memory_space<vmem>>, vector<16xf32>,
        %get3A_2827 = vector.shape_cast %get3A_2826 : vector<16xf32> to vector<16xf32>
        %get3A_2828 = arith.index_cast %mul3A_2824 : i32 to index
        %get3A_2829 = tpu.vector_load %arg9[%get3A_2828] {strides = array<i32>} : memref<2048xf32, #tpu.memory_space<vmem>>, vector<16xf32>,
        %get3A_2830 = vector.shape_cast %get3A_2829 : vector<16xf32> to vector<16xf32>
        %eq3A_2831 = arith.cmpf oeq, %get3A_2830, %get3A_2827 : vector<16xf32>
        %broadcast_in_dim3A_2832 = vector.broadcast %add3A_2822 : i32 to vector<16xi32>
        %select_n3A_2833 = arith.select %eq3A_2831, %broadcast_in_dim3A_2832, %select_n3A_2814 : vector<16xi1>, vector<16xi32>
        %get3A_2834 = arith.index_cast %mul3A_2824 : i32 to index
        %get3A_2835 = tpu.vector_load %arg10[%get3A_2834] {strides = array<i32>} : memref<2048xf32, #tpu.memory_space<vmem>>, vector<16xf32>,
        %get3A_2836 = vector.shape_cast %get3A_2835 : vector<16xf32> to vector<16xf32>
        %eq3A_2837 = arith.cmpf oeq, %get3A_2836, %get3A_2827 : vector<16xf32>
        %broadcast_in_dim3A_2838 = vector.broadcast %add3A_2822 : i32 to vector<16xi32>
        %select_n3A_2839 = arith.select %eq3A_2837, %broadcast_in_dim3A_2838, %select_n3A_2820 : vector<16xi1>, vector<16xi32>
        %ge3A_2840 = arith.constant 0 : i32
        %ge3A_2841 = vector.broadcast %ge3A_2840 : i32 to vector<16xi32>
        %ge3A_2842 = arith.cmpi sge, %select_n3A_2833, %ge3A_2841 : vector<16xi32>
        %select_n3A_2843 = arith.select %ge3A_2842, %select_n3A_2833, %scan3A_2756 : vector<16xi1>, vector<16xi32>
        %ge3A_2844 = arith.constant 0 : i32
        %ge3A_2845 = vector.broadcast %ge3A_2844 : i32 to vector<16xi32>
        %ge3A_2846 = arith.cmpi sge, %select_n3A_2839, %ge3A_2845 : vector<16xi32>
        %select_n3A_2847 = arith.select %ge3A_2846, %select_n3A_2839, %scan3A_2757 : vector<16xi1>, vector<16xi32>
        scf.yield %select_n3A_2843, %select_n3A_2847 : vector<16xi32>, vector<16xi32>
      }
      %scan3A_2275 = arith.constant 32 : i32
      %mul3A_2276 = arith.constant 16 : i32
      %mul3A_2277 = arith.muli %mul3A_2253, %mul3A_2276 : i32
      %get3A_2278 = arith.index_cast %mul3A_2277 : i32 to index
      %get3A_2279 = tpu.vector_load %arg13[%get3A_2278] {strides = array<i32>} : memref<640xf32, #tpu.memory_space<vmem>>, vector<16xf32>,
      %get3A_2280 = vector.shape_cast %get3A_2279 : vector<16xf32> to vector<16xf32>
      %get3A_2281 = arith.index_cast %mul3A_2277 : i32 to index
      %get3A_2282 = tpu.vector_load %arg14[%get3A_2281] {strides = array<i32>} : memref<640xi32, #tpu.memory_space<vmem>>, vector<16xi32>,
      %get3A_2283 = vector.shape_cast %get3A_2282 : vector<16xi32> to vector<16xi32>
      %gt3A = arith.constant 5.000000e-01 : f32
      %gt3A_2284 = vector.broadcast %gt3A : f32 to vector<16xf32>
      %gt3A_2285 = arith.cmpf ogt, %get3A_2280, %gt3A_2284 : vector<16xf32>
      %add3A_2286 = arith.constant 1 : i32
      %add3A_2287 = vector.broadcast %add3A_2286 : i32 to vector<16xi32>
      %add3A_2288 = arith.addi %get3A_2283, %add3A_2287 : vector<16xi32>
      %lt3A_2289 = arith.constant 4.000000e-01 : f32
      %lt3A_2290 = vector.broadcast %lt3A_2289 : f32 to vector<16xf32>
      %lt3A_2291 = arith.cmpf olt, %get3A_2280, %lt3A_2290 : vector<16xf32>
      %jit3A = arith.constant 0 : i32
      %jit3A_2292 = arith.constant -1 : i32
      %broadcast_in_dim3A_2293 = vector.broadcast %jit3A : i32 to vector<16xi32>
      %broadcast_in_dim3A_2294 = vector.broadcast %jit3A_2292 : i32 to vector<16xi32>
      %select_n3A = arith.select %lt3A_2291, %broadcast_in_dim3A_2293, %broadcast_in_dim3A_2294 : vector<16xi1>, vector<16xi32>
      %select_n3A_2295 = arith.select %gt3A_2285, %add3A_2288, %select_n3A : vector<16xi1>, vector<16xi32>
      %ge3A = arith.constant 0 : i32
      %ge3A_2296 = vector.broadcast %ge3A : i32 to vector<16xi32>
      %ge3A_2297 = arith.cmpi sge, %scan3A_2274#0, %ge3A_2296 : vector<16xi32>
      %add3A_2298 = arith.constant 1 : i32
      %add3A_2299 = vector.broadcast %add3A_2298 : i32 to vector<16xi32>
      %add3A_2300 = arith.addi %scan3A_2274#0, %add3A_2299 : vector<16xi32>
      %select_n3A_2301 = arith.select %ge3A_2297, %add3A_2300, %select_n3A_2295 : vector<16xi1>, vector<16xi32>
      %sub3A = arith.constant 1 : i32
      %sub3A_2302 = vector.broadcast %sub3A : i32 to vector<16xi32>
      %sub3A_2303 = arith.subi %select_n3A_2301, %sub3A_2302 : vector<16xi32>
      %jit3A_2304 = arith.constant 0 : i32
      %jit3A_2305 = arith.constant 127 : i32
      %max3A_2306 = vector.broadcast %jit3A_2304 : i32 to vector<16xi32>
      %max3A_2307 = arith.maxsi %max3A_2306, %sub3A_2303 : vector<16xi32>
      %min3A = vector.broadcast %jit3A_2305 : i32 to vector<16xi32>
      %min3A_2308 = arith.minsi %min3A, %max3A_2307 : vector<16xi32>
      %and3A = arith.constant 15 : i32
      %and3A_2309 = vector.broadcast %and3A : i32 to vector<16xi32>
      %and3A_2310 = arith.andi %min3A_2308, %and3A_2309 : vector<16xi32>
      %shift_right_arithmetic3A = arith.constant 4 : i32
      %shift_right_arithmetic3A_2311 = vector.broadcast %shift_right_arithmetic3A : i32 to vector<16xi32>
      %shift_right_arithmetic3A_2312 = arith.shrsi %min3A_2308, %shift_right_arithmetic3A_2311 : vector<16xi32>
      %broadcast_in_dim3A_2313 = vector.shape_cast %and3A_2310 : vector<16xi32> to vector<16x1xi32>
      %gather3A_2314 = vector.shape_cast %broadcast_in_dim3A_2313 : vector<16x1xi32> to vector<16xi32>
      %gather3A_2315 = tpu.dynamic_gather %get3A_2208[%gather3A_2314] in [0] : vector<16xi32>, vector<16xi32> -> vector<16xi32>
      %eq3A_2316 = arith.constant 1 : i32
      %eq3A_2317 = vector.broadcast %eq3A_2316 : i32 to vector<16xi32>
      %eq3A_2318 = arith.cmpi eq, %shift_right_arithmetic3A_2312, %eq3A_2317 : vector<16xi32>
      %broadcast_in_dim3A_2319 = vector.shape_cast %and3A_2310 : vector<16xi32> to vector<16x1xi32>
      %gather3A_2320 = vector.shape_cast %broadcast_in_dim3A_2319 : vector<16x1xi32> to vector<16xi32>
      %gather3A_2321 = tpu.dynamic_gather %get3A_2211[%gather3A_2320] in [0] : vector<16xi32>, vector<16xi32> -> vector<16xi32>
      %select_n3A_2322 = arith.select %eq3A_2318, %gather3A_2321, %gather3A_2315 : vector<16xi1>, vector<16xi32>
      %eq3A_2323 = arith.constant 2 : i32
      %eq3A_2324 = vector.broadcast %eq3A_2323 : i32 to vector<16xi32>
      %eq3A_2325 = arith.cmpi eq, %shift_right_arithmetic3A_2312, %eq3A_2324 : vector<16xi32>
      %broadcast_in_dim3A_2326 = vector.shape_cast %and3A_2310 : vector<16xi32> to vector<16x1xi32>
      %gather3A_2327 = vector.shape_cast %broadcast_in_dim3A_2326 : vector<16x1xi32> to vector<16xi32>
      %gather3A_2328 = tpu.dynamic_gather %get3A_2214[%gather3A_2327] in [0] : vector<16xi32>, vector<16xi32> -> vector<16xi32>
      %select_n3A_2329 = arith.select %eq3A_2325, %gather3A_2328, %select_n3A_2322 : vector<16xi1>, vector<16xi32>
      %eq3A_2330 = arith.constant 3 : i32
      %eq3A_2331 = vector.broadcast %eq3A_2330 : i32 to vector<16xi32>
      %eq3A_2332 = arith.cmpi eq, %shift_right_arithmetic3A_2312, %eq3A_2331 : vector<16xi32>
      %broadcast_in_dim3A_2333 = vector.shape_cast %and3A_2310 : vector<16xi32> to vector<16x1xi32>
      %gather3A_2334 = vector.shape_cast %broadcast_in_dim3A_2333 : vector<16x1xi32> to vector<16xi32>
      %gather3A_2335 = tpu.dynamic_gather %get3A_2217[%gather3A_2334] in [0] : vector<16xi32>, vector<16xi32> -> vector<16xi32>
      %select_n3A_2336 = arith.select %eq3A_2332, %gather3A_2335, %select_n3A_2329 : vector<16xi1>, vector<16xi32>
      %eq3A_2337 = arith.constant 4 : i32
      %eq3A_2338 = vector.broadcast %eq3A_2337 : i32 to vector<16xi32>
      %eq3A_2339 = arith.cmpi eq, %shift_right_arithmetic3A_2312, %eq3A_2338 : vector<16xi32>
      %broadcast_in_dim3A_2340 = vector.shape_cast %and3A_2310 : vector<16xi32> to vector<16x1xi32>
      %gather3A_2341 = vector.shape_cast %broadcast_in_dim3A_2340 : vector<16x1xi32> to vector<16xi32>
      %gather3A_2342 = tpu.dynamic_gather %get3A_2220[%gather3A_2341] in [0] : vector<16xi32>, vector<16xi32> -> vector<16xi32>
      %select_n3A_2343 = arith.select %eq3A_2339, %gather3A_2342, %select_n3A_2336 : vector<16xi1>, vector<16xi32>
      %eq3A_2344 = arith.constant 5 : i32
      %eq3A_2345 = vector.broadcast %eq3A_2344 : i32 to vector<16xi32>
      %eq3A_2346 = arith.cmpi eq, %shift_right_arithmetic3A_2312, %eq3A_2345 : vector<16xi32>
      %broadcast_in_dim3A_2347 = vector.shape_cast %and3A_2310 : vector<16xi32> to vector<16x1xi32>
      %gather3A_2348 = vector.shape_cast %broadcast_in_dim3A_2347 : vector<16x1xi32> to vector<16xi32>
      %gather3A_2349 = tpu.dynamic_gather %get3A_2223[%gather3A_2348] in [0] : vector<16xi32>, vector<16xi32> -> vector<16xi32>
      %select_n3A_2350 = arith.select %eq3A_2346, %gather3A_2349, %select_n3A_2343 : vector<16xi1>, vector<16xi32>
      %eq3A_2351 = arith.constant 6 : i32
      %eq3A_2352 = vector.broadcast %eq3A_2351 : i32 to vector<16xi32>
      %eq3A_2353 = arith.cmpi eq, %shift_right_arithmetic3A_2312, %eq3A_2352 : vector<16xi32>
      %broadcast_in_dim3A_2354 = vector.shape_cast %and3A_2310 : vector<16xi32> to vector<16x1xi32>
      %gather3A_2355 = vector.shape_cast %broadcast_in_dim3A_2354 : vector<16x1xi32> to vector<16xi32>
      %gather3A_2356 = tpu.dynamic_gather %get3A_2226[%gather3A_2355] in [0] : vector<16xi32>, vector<16xi32> -> vector<16xi32>
      %select_n3A_2357 = arith.select %eq3A_2353, %gather3A_2356, %select_n3A_2350 : vector<16xi1>, vector<16xi32>
      %eq3A_2358 = arith.constant 7 : i32
      %eq3A_2359 = vector.broadcast %eq3A_2358 : i32 to vector<16xi32>
      %eq3A_2360 = arith.cmpi eq, %shift_right_arithmetic3A_2312, %eq3A_2359 : vector<16xi32>
      %broadcast_in_dim3A_2361 = vector.shape_cast %and3A_2310 : vector<16xi32> to vector<16x1xi32>
      %gather3A_2362 = vector.shape_cast %broadcast_in_dim3A_2361 : vector<16x1xi32> to vector<16xi32>
      %gather3A_2363 = tpu.dynamic_gather %get3A_2229[%gather3A_2362] in [0] : vector<16xi32>, vector<16xi32> -> vector<16xi32>
      %select_n3A_2364 = arith.select %eq3A_2360, %gather3A_2363, %select_n3A_2357 : vector<16xi1>, vector<16xi32>
      %swap3A_2365 = arith.index_cast %mul3A_2277 : i32 to index
      %swap3A_2366 = tpu.vector_load %arg18[%swap3A_2365] {strides = array<i32>} : memref<640xi32, #tpu.memory_space<vmem>>, vector<16xi32>,
      %swap3A_2367 = vector.shape_cast %swap3A_2366 : vector<16xi32> to vector<16xi32>
      %swap3A_2368 = vector.shape_cast %select_n3A_2301 : vector<16xi32> to vector<16xi32>
      tpu.vector_store %arg18[%swap3A_2365], %swap3A_2368 {strides = array<i32>} : memref<640xi32, #tpu.memory_space<vmem>>, vector<16xi32>,
      %gt3A_2369 = arith.constant 0 : i32
      %gt3A_2370 = vector.broadcast %gt3A_2369 : i32 to vector<16xi32>
      %gt3A_2371 = arith.cmpi sgt, %select_n3A_2301, %gt3A_2370 : vector<16xi32>
      %jit3A_2372 = arith.constant -1 : i32
      %broadcast_in_dim3A_2373 = vector.broadcast %jit3A_2372 : i32 to vector<16xi32>
      %select_n3A_2374 = arith.select %gt3A_2371, %select_n3A_2364, %broadcast_in_dim3A_2373 : vector<16xi1>, vector<16xi32>
      %swap3A_2375 = arith.index_cast %mul3A_2277 : i32 to index
      %swap3A_2376 = tpu.vector_load %arg19[%swap3A_2375] {strides = array<i32>} : memref<640xi32, #tpu.memory_space<vmem>>, vector<16xi32>,
      %swap3A_2377 = vector.shape_cast %swap3A_2376 : vector<16xi32> to vector<16xi32>
      %swap3A_2378 = vector.shape_cast %select_n3A_2374 : vector<16xi32> to vector<16xi32>
      tpu.vector_store %arg19[%swap3A_2375], %swap3A_2378 {strides = array<i32>} : memref<640xi32, #tpu.memory_space<vmem>>, vector<16xi32>,
      %add3A_2379 = arith.constant 1 : i32
      %add3A_2380 = arith.addi %mul3A_2253, %add3A_2379 : i32
      %mul3A_2381 = arith.constant 16 : i32
      %mul3A_2382 = arith.muli %add3A_2380, %mul3A_2381 : i32
      %get3A_2383 = arith.index_cast %mul3A_2382 : i32 to index
      %get3A_2384 = tpu.vector_load %arg13[%get3A_2383] {strides = array<i32>} : memref<640xf32, #tpu.memory_space<vmem>>, vector<16xf32>,
      %get3A_2385 = vector.shape_cast %get3A_2384 : vector<16xf32> to vector<16xf32>
      %get3A_2386 = arith.index_cast %mul3A_2382 : i32 to index
      %get3A_2387 = tpu.vector_load %arg14[%get3A_2386] {strides = array<i32>} : memref<640xi32, #tpu.memory_space<vmem>>, vector<16xi32>,
      %get3A_2388 = vector.shape_cast %get3A_2387 : vector<16xi32> to vector<16xi32>
      %gt3A_2389 = arith.constant 5.000000e-01 : f32
      %gt3A_2390 = vector.broadcast %gt3A_2389 : f32 to vector<16xf32>
      %gt3A_2391 = arith.cmpf ogt, %get3A_2385, %gt3A_2390 : vector<16xf32>
      %add3A_2392 = arith.constant 1 : i32
      %add3A_2393 = vector.broadcast %add3A_2392 : i32 to vector<16xi32>
      %add3A_2394 = arith.addi %get3A_2388, %add3A_2393 : vector<16xi32>
      %lt3A_2395 = arith.constant 4.000000e-01 : f32
      %lt3A_2396 = vector.broadcast %lt3A_2395 : f32 to vector<16xf32>
      %lt3A_2397 = arith.cmpf olt, %get3A_2385, %lt3A_2396 : vector<16xf32>
      %jit3A_2398 = arith.constant 0 : i32
      %jit3A_2399 = arith.constant -1 : i32
      %broadcast_in_dim3A_2400 = vector.broadcast %jit3A_2398 : i32 to vector<16xi32>
      %broadcast_in_dim3A_2401 = vector.broadcast %jit3A_2399 : i32 to vector<16xi32>
      %select_n3A_2402 = arith.select %lt3A_2397, %broadcast_in_dim3A_2400, %broadcast_in_dim3A_2401 : vector<16xi1>, vector<16xi32>
      %select_n3A_2403 = arith.select %gt3A_2391, %add3A_2394, %select_n3A_2402 : vector<16xi1>, vector<16xi32>
      %ge3A_2404 = arith.constant 0 : i32
      %ge3A_2405 = vector.broadcast %ge3A_2404 : i32 to vector<16xi32>
      %ge3A_2406 = arith.cmpi sge, %scan3A_2274#1, %ge3A_2405 : vector<16xi32>
      %add3A_2407 = arith.constant 1 : i32
      %add3A_2408 = vector.broadcast %add3A_2407 : i32 to vector<16xi32>
      %add3A_2409 = arith.addi %scan3A_2274#1, %add3A_2408 : vector<16xi32>
      %select_n3A_2410 = arith.select %ge3A_2406, %add3A_2409, %select_n3A_2403 : vector<16xi1>, vector<16xi32>
      %sub3A_2411 = arith.constant 1 : i32
      %sub3A_2412 = vector.broadcast %sub3A_2411 : i32 to vector<16xi32>
      %sub3A_2413 = arith.subi %select_n3A_2410, %sub3A_2412 : vector<16xi32>
      %jit3A_2414 = arith.constant 0 : i32
      %jit3A_2415 = arith.constant 127 : i32
      %max3A_2416 = vector.broadcast %jit3A_2414 : i32 to vector<16xi32>
      %max3A_2417 = arith.maxsi %max3A_2416, %sub3A_2413 : vector<16xi32>
      %min3A_2418 = vector.broadcast %jit3A_2415 : i32 to vector<16xi32>
      %min3A_2419 = arith.minsi %min3A_2418, %max3A_2417 : vector<16xi32>
      %and3A_2420 = arith.constant 15 : i32
      %and3A_2421 = vector.broadcast %and3A_2420 : i32 to vector<16xi32>
      %and3A_2422 = arith.andi %min3A_2419, %and3A_2421 : vector<16xi32>
      %shift_right_arithmetic3A_2423 = arith.constant 4 : i32
      %shift_right_arithmetic3A_2424 = vector.broadcast %shift_right_arithmetic3A_2423 : i32 to vector<16xi32>
      %shift_right_arithmetic3A_2425 = arith.shrsi %min3A_2419, %shift_right_arithmetic3A_2424 : vector<16xi32>
      %broadcast_in_dim3A_2426 = vector.shape_cast %and3A_2422 : vector<16xi32> to vector<16x1xi32>
      %gather3A_2427 = vector.shape_cast %broadcast_in_dim3A_2426 : vector<16x1xi32> to vector<16xi32>
      %gather3A_2428 = tpu.dynamic_gather %get3A_2208[%gather3A_2427] in [0] : vector<16xi32>, vector<16xi32> -> vector<16xi32>
      %eq3A_2429 = arith.constant 1 : i32
      %eq3A_2430 = vector.broadcast %eq3A_2429 : i32 to vector<16xi32>
      %eq3A_2431 = arith.cmpi eq, %shift_right_arithmetic3A_2425, %eq3A_2430 : vector<16xi32>
      %broadcast_in_dim3A_2432 = vector.shape_cast %and3A_2422 : vector<16xi32> to vector<16x1xi32>
      %gather3A_2433 = vector.shape_cast %broadcast_in_dim3A_2432 : vector<16x1xi32> to vector<16xi32>
      %gather3A_2434 = tpu.dynamic_gather %get3A_2211[%gather3A_2433] in [0] : vector<16xi32>, vector<16xi32> -> vector<16xi32>
      %select_n3A_2435 = arith.select %eq3A_2431, %gather3A_2434, %gather3A_2428 : vector<16xi1>, vector<16xi32>
      %eq3A_2436 = arith.constant 2 : i32
      %eq3A_2437 = vector.broadcast %eq3A_2436 : i32 to vector<16xi32>
      %eq3A_2438 = arith.cmpi eq, %shift_right_arithmetic3A_2425, %eq3A_2437 : vector<16xi32>
      %broadcast_in_dim3A_2439 = vector.shape_cast %and3A_2422 : vector<16xi32> to vector<16x1xi32>
      %gather3A_2440 = vector.shape_cast %broadcast_in_dim3A_2439 : vector<16x1xi32> to vector<16xi32>
      %gather3A_2441 = tpu.dynamic_gather %get3A_2214[%gather3A_2440] in [0] : vector<16xi32>, vector<16xi32> -> vector<16xi32>
      %select_n3A_2442 = arith.select %eq3A_2438, %gather3A_2441, %select_n3A_2435 : vector<16xi1>, vector<16xi32>
      %eq3A_2443 = arith.constant 3 : i32
      %eq3A_2444 = vector.broadcast %eq3A_2443 : i32 to vector<16xi32>
      %eq3A_2445 = arith.cmpi eq, %shift_right_arithmetic3A_2425, %eq3A_2444 : vector<16xi32>
      %broadcast_in_dim3A_2446 = vector.shape_cast %and3A_2422 : vector<16xi32> to vector<16x1xi32>
      %gather3A_2447 = vector.shape_cast %broadcast_in_dim3A_2446 : vector<16x1xi32> to vector<16xi32>
      %gather3A_2448 = tpu.dynamic_gather %get3A_2217[%gather3A_2447] in [0] : vector<16xi32>, vector<16xi32> -> vector<16xi32>
      %select_n3A_2449 = arith.select %eq3A_2445, %gather3A_2448, %select_n3A_2442 : vector<16xi1>, vector<16xi32>
      %eq3A_2450 = arith.constant 4 : i32
      %eq3A_2451 = vector.broadcast %eq3A_2450 : i32 to vector<16xi32>
      %eq3A_2452 = arith.cmpi eq, %shift_right_arithmetic3A_2425, %eq3A_2451 : vector<16xi32>
      %broadcast_in_dim3A_2453 = vector.shape_cast %and3A_2422 : vector<16xi32> to vector<16x1xi32>
      %gather3A_2454 = vector.shape_cast %broadcast_in_dim3A_2453 : vector<16x1xi32> to vector<16xi32>
      %gather3A_2455 = tpu.dynamic_gather %get3A_2220[%gather3A_2454] in [0] : vector<16xi32>, vector<16xi32> -> vector<16xi32>
      %select_n3A_2456 = arith.select %eq3A_2452, %gather3A_2455, %select_n3A_2449 : vector<16xi1>, vector<16xi32>
      %eq3A_2457 = arith.constant 5 : i32
      %eq3A_2458 = vector.broadcast %eq3A_2457 : i32 to vector<16xi32>
      %eq3A_2459 = arith.cmpi eq, %shift_right_arithmetic3A_2425, %eq3A_2458 : vector<16xi32>
      %broadcast_in_dim3A_2460 = vector.shape_cast %and3A_2422 : vector<16xi32> to vector<16x1xi32>
      %gather3A_2461 = vector.shape_cast %broadcast_in_dim3A_2460 : vector<16x1xi32> to vector<16xi32>
      %gather3A_2462 = tpu.dynamic_gather %get3A_2223[%gather3A_2461] in [0] : vector<16xi32>, vector<16xi32> -> vector<16xi32>
      %select_n3A_2463 = arith.select %eq3A_2459, %gather3A_2462, %select_n3A_2456 : vector<16xi1>, vector<16xi32>
      %eq3A_2464 = arith.constant 6 : i32
      %eq3A_2465 = vector.broadcast %eq3A_2464 : i32 to vector<16xi32>
      %eq3A_2466 = arith.cmpi eq, %shift_right_arithmetic3A_2425, %eq3A_2465 : vector<16xi32>
      %broadcast_in_dim3A_2467 = vector.shape_cast %and3A_2422 : vector<16xi32> to vector<16x1xi32>
      %gather3A_2468 = vector.shape_cast %broadcast_in_dim3A_2467 : vector<16x1xi32> to vector<16xi32>
      %gather3A_2469 = tpu.dynamic_gather %get3A_2226[%gather3A_2468] in [0] : vector<16xi32>, vector<16xi32> -> vector<16xi32>
      %select_n3A_2470 = arith.select %eq3A_2466, %gather3A_2469, %select_n3A_2463 : vector<16xi1>, vector<16xi32>
      %eq3A_2471 = arith.constant 7 : i32
      %eq3A_2472 = vector.broadcast %eq3A_2471 : i32 to vector<16xi32>
      %eq3A_2473 = arith.cmpi eq, %shift_right_arithmetic3A_2425, %eq3A_2472 : vector<16xi32>
      %broadcast_in_dim3A_2474 = vector.shape_cast %and3A_2422 : vector<16xi32> to vector<16x1xi32>
      %gather3A_2475 = vector.shape_cast %broadcast_in_dim3A_2474 : vector<16x1xi32> to vector<16xi32>
      %gather3A_2476 = tpu.dynamic_gather %get3A_2229[%gather3A_2475] in [0] : vector<16xi32>, vector<16xi32> -> vector<16xi32>
      %select_n3A_2477 = arith.select %eq3A_2473, %gather3A_2476, %select_n3A_2470 : vector<16xi1>, vector<16xi32>
      %swap3A_2478 = arith.index_cast %mul3A_2382 : i32 to index
      %swap3A_2479 = tpu.vector_load %arg18[%swap3A_2478] {strides = array<i32>} : memref<640xi32, #tpu.memory_space<vmem>>, vector<16xi32>,
      %swap3A_2480 = vector.shape_cast %swap3A_2479 : vector<16xi32> to vector<16xi32>
      %swap3A_2481 = vector.shape_cast %select_n3A_2410 : vector<16xi32> to vector<16xi32>
      tpu.vector_store %arg18[%swap3A_2478], %swap3A_2481 {strides = array<i32>} : memref<640xi32, #tpu.memory_space<vmem>>, vector<16xi32>,
      %gt3A_2482 = arith.constant 0 : i32
      %gt3A_2483 = vector.broadcast %gt3A_2482 : i32 to vector<16xi32>
      %gt3A_2484 = arith.cmpi sgt, %select_n3A_2410, %gt3A_2483 : vector<16xi32>
      %jit3A_2485 = arith.constant -1 : i32
      %broadcast_in_dim3A_2486 = vector.broadcast %jit3A_2485 : i32 to vector<16xi32>
      %select_n3A_2487 = arith.select %gt3A_2484, %select_n3A_2477, %broadcast_in_dim3A_2486 : vector<16xi1>, vector<16xi32>
      %swap3A_2488 = arith.index_cast %mul3A_2382 : i32 to index
      %swap3A_2489 = tpu.vector_load %arg19[%swap3A_2488] {strides = array<i32>} : memref<640xi32, #tpu.memory_space<vmem>>, vector<16xi32>,
      %swap3A_2490 = vector.shape_cast %swap3A_2489 : vector<16xi32> to vector<16xi32>
      %swap3A_2491 = vector.shape_cast %select_n3A_2487 : vector<16xi32> to vector<16xi32>
      tpu.vector_store %arg19[%swap3A_2488], %swap3A_2491 {strides = array<i32>} : memref<640xi32, #tpu.memory_space<vmem>>, vector<16xi32>,
      %lt3A_2492 = arith.constant 9 : i32
      %lt3A_2493 = arith.cmpi slt, %scan3A_2246, %lt3A_2492 : i32
      %convert_element_type3A_2494 = arith.extui %lt3A_2493 : i1 to i32
      %cond3A_2495 = arith.constant 0 : i32
      %cond3A_2496 = arith.cmpi ne, %convert_element_type3A_2494, %cond3A_2495 : i32
      scf.if %cond3A_2496 {
        %add3A_2755 = arith.constant 4 : i32
        %add3A_2756 = arith.addi %mul3A_2253, %add3A_2755 : i32
        %dma_start3A_2757 = arith.constant 0 : i32
        %dma_start3A_2758 = tpu.memref_slice %arg5[%add3A, %add3A_2756, %dma_start3A_2757] : memref<32x40x2048xf32, #tpu.memory_space<hbm>> -> memref<1x1x2048xf32, #tpu.memory_space<hbm>>
        %dma_start3A_2759 = tpu.memref_squeeze %dma_start3A_2758 : memref<1x1x2048xf32, #tpu.memory_space<hbm>> -> memref<2048xf32, #tpu.memory_space<hbm>>
        %dma_start3A_2760 = arith.constant 0 : i32
        %dma_start3A_2761 = tpu.memref_slice %arg5[%add3A, %add3A_2756, %dma_start3A_2760] : memref<32x40x2048xf32, #tpu.memory_space<hbm>> -> memref<1x1x2048xf32, #tpu.memory_space<hbm>>
        %dma_start3A_2762 = tpu.memref_squeeze %dma_start3A_2761 : memref<1x1x2048xf32, #tpu.memory_space<hbm>> -> memref<2048xf32, #tpu.memory_space<hbm>>
        tpu.enqueue_dma source(%dma_start3A_2762 : memref<2048xf32, #tpu.memory_space<hbm>>) target(%arg9 : memref<2048xf32, #tpu.memory_space<vmem>>) target_semaphore(%arg20 : memref<!tpu.dma_semaphore, #tpu.memory_space<semaphore_mem>>)
        %add3A_2763 = arith.constant 5 : i32
        %add3A_2764 = arith.addi %mul3A_2253, %add3A_2763 : i32
        %dma_start3A_2765 = arith.constant 0 : i32
        %dma_start3A_2766 = tpu.memref_slice %arg5[%add3A, %add3A_2764, %dma_start3A_2765] : memref<32x40x2048xf32, #tpu.memory_space<hbm>> -> memref<1x1x2048xf32, #tpu.memory_space<hbm>>
        %dma_start3A_2767 = tpu.memref_squeeze %dma_start3A_2766 : memref<1x1x2048xf32, #tpu.memory_space<hbm>> -> memref<2048xf32, #tpu.memory_space<hbm>>
        %dma_start3A_2768 = arith.constant 0 : i32
        %dma_start3A_2769 = tpu.memref_slice %arg5[%add3A, %add3A_2764, %dma_start3A_2768] : memref<32x40x2048xf32, #tpu.memory_space<hbm>> -> memref<1x1x2048xf32, #tpu.memory_space<hbm>>
        %dma_start3A_2770 = tpu.memref_squeeze %dma_start3A_2769 : memref<1x1x2048xf32, #tpu.memory_space<hbm>> -> memref<2048xf32, #tpu.memory_space<hbm>>
        tpu.enqueue_dma source(%dma_start3A_2770 : memref<2048xf32, #tpu.memory_space<hbm>>) target(%arg10 : memref<2048xf32, #tpu.memory_space<vmem>>) target_semaphore(%arg21 : memref<!tpu.dma_semaphore, #tpu.memory_space<semaphore_mem>>)
      } else {
      }
      %mul3A_2497 = arith.constant 2 : i32
      %mul3A_2498 = arith.muli %scan3A_2246, %mul3A_2497 : i32
      %add3A_2499 = arith.constant 1 : i32
      %add3A_2500 = arith.addi %mul3A_2498, %add3A_2499 : i32
      %mul3A_2501 = arith.constant 2 : i32
      %mul3A_2502 = arith.muli %add3A_2500, %mul3A_2501 : i32
      %dma_wait3A_2503 = arith.constant 0 : i32
      %dma_wait3A_2504 = tpu.memref_slice %arg5[%add3A, %mul3A_2502, %dma_wait3A_2503] : memref<32x40x2048xf32, #tpu.memory_space<hbm>> -> memref<1x1x2048xf32, #tpu.memory_space<hbm>>
      %dma_wait3A_2505 = tpu.memref_squeeze %dma_wait3A_2504 : memref<1x1x2048xf32, #tpu.memory_space<hbm>> -> memref<2048xf32, #tpu.memory_space<hbm>>
      %dma_wait3A_2506 = arith.constant 0 : i32
      %dma_wait3A_2507 = tpu.memref_slice %arg5[%add3A, %mul3A_2502, %dma_wait3A_2506] : memref<32x40x2048xf32, #tpu.memory_space<hbm>> -> memref<1x1x2048xf32, #tpu.memory_space<hbm>>
      %dma_wait3A_2508 = tpu.memref_squeeze %dma_wait3A_2507 : memref<1x1x2048xf32, #tpu.memory_space<hbm>> -> memref<2048xf32, #tpu.memory_space<hbm>>
      tpu.wait_dma2 semaphore(%arg22 : memref<!tpu.dma_semaphore, #tpu.memory_space<semaphore_mem>>) src(%dma_wait3A_2508 : memref<2048xf32, #tpu.memory_space<hbm>>) dst(%arg11 : memref<2048xf32, #tpu.memory_space<vmem>>)
      %add3A_2509 = arith.constant 1 : i32
      %add3A_2510 = arith.addi %mul3A_2502, %add3A_2509 : i32
      %dma_wait3A_2511 = arith.constant 0 : i32
      %dma_wait3A_2512 = tpu.memref_slice %arg5[%add3A, %add3A_2510, %dma_wait3A_2511] : memref<32x40x2048xf32, #tpu.memory_space<hbm>> -> memref<1x1x2048xf32, #tpu.memory_space<hbm>>
      %dma_wait3A_2513 = tpu.memref_squeeze %dma_wait3A_2512 : memref<1x1x2048xf32, #tpu.memory_space<hbm>> -> memref<2048xf32, #tpu.memory_space<hbm>>
      %dma_wait3A_2514 = arith.constant 0 : i32
      %dma_wait3A_2515 = tpu.memref_slice %arg5[%add3A, %add3A_2510, %dma_wait3A_2514] : memref<32x40x2048xf32, #tpu.memory_space<hbm>> -> memref<1x1x2048xf32, #tpu.memory_space<hbm>>
      %dma_wait3A_2516 = tpu.memref_squeeze %dma_wait3A_2515 : memref<1x1x2048xf32, #tpu.memory_space<hbm>> -> memref<2048xf32, #tpu.memory_space<hbm>>
      tpu.wait_dma2 semaphore(%arg23 : memref<!tpu.dma_semaphore, #tpu.memory_space<semaphore_mem>>) src(%dma_wait3A_2516 : memref<2048xf32, #tpu.memory_space<hbm>>) dst(%arg12 : memref<2048xf32, #tpu.memory_space<vmem>>)
      %broadcast_in_dim3A_2517 = arith.constant -1 : i32
      %broadcast_in_dim3A_2518 = vector.broadcast %broadcast_in_dim3A_2517 : i32 to vector<16xi32>
      %scan3A_2519 = arith.constant 0 : i32
      %scan3A_2520 = arith.constant 32 : i32
      %scan3A_2521 = arith.addi %scan3A_2519, %scan3A_2520 : i32
      %scan3A_2522 = arith.constant 1 : i32
      %scan3A_2523:2 = scf.for %scan3A_2755 = %scan3A_2519 to %scan3A_2521 step %scan3A_2522 iter_args(%scan3A_2756 = %broadcast_in_dim3A_2518, %scan3A_2757 = %broadcast_in_dim3A_2518) -> (vector<16xi32>, vector<16xi32>)  : i32 {
        %mul3A_2758 = arith.constant 4 : i32
        %mul3A_2759 = arith.muli %scan3A_2755, %mul3A_2758 : i32
        %broadcast_in_dim3A_2760 = arith.constant -1 : i32
        %broadcast_in_dim3A_2761 = vector.broadcast %broadcast_in_dim3A_2760 : i32 to vector<16xi32>
        %broadcast_in_dim3A_2762 = arith.constant -1 : i32
        %broadcast_in_dim3A_2763 = vector.broadcast %broadcast_in_dim3A_2762 : i32 to vector<16xi32>
        %add3A_2764 = arith.constant 0 : i32
        %add3A_2765 = arith.addi %mul3A_2759, %add3A_2764 : i32
        %mul3A_2766 = arith.constant 16 : i32
        %mul3A_2767 = arith.muli %add3A_2765, %mul3A_2766 : i32
        %get3A_2768 = arith.index_cast %mul3A_2767 : i32 to index
        %get3A_2769 = tpu.vector_load %arg16[%get3A_2768] {strides = array<i32>} : memref<2048xf32, #tpu.memory_space<vmem>>, vector<16xf32>,
        %get3A_2770 = vector.shape_cast %get3A_2769 : vector<16xf32> to vector<16xf32>
        %get3A_2771 = arith.index_cast %mul3A_2767 : i32 to index
        %get3A_2772 = tpu.vector_load %arg11[%get3A_2771] {strides = array<i32>} : memref<2048xf32, #tpu.memory_space<vmem>>, vector<16xf32>,
        %get3A_2773 = vector.shape_cast %get3A_2772 : vector<16xf32> to vector<16xf32>
        %eq3A_2774 = arith.cmpf oeq, %get3A_2773, %get3A_2770 : vector<16xf32>
        %broadcast_in_dim3A_2775 = vector.broadcast %add3A_2765 : i32 to vector<16xi32>
        %select_n3A_2776 = arith.select %eq3A_2774, %broadcast_in_dim3A_2775, %broadcast_in_dim3A_2761 : vector<16xi1>, vector<16xi32>
        %get3A_2777 = arith.index_cast %mul3A_2767 : i32 to index
        %get3A_2778 = tpu.vector_load %arg12[%get3A_2777] {strides = array<i32>} : memref<2048xf32, #tpu.memory_space<vmem>>, vector<16xf32>,
        %get3A_2779 = vector.shape_cast %get3A_2778 : vector<16xf32> to vector<16xf32>
        %eq3A_2780 = arith.cmpf oeq, %get3A_2779, %get3A_2770 : vector<16xf32>
        %broadcast_in_dim3A_2781 = vector.broadcast %add3A_2765 : i32 to vector<16xi32>
        %select_n3A_2782 = arith.select %eq3A_2780, %broadcast_in_dim3A_2781, %broadcast_in_dim3A_2763 : vector<16xi1>, vector<16xi32>
        %add3A_2783 = arith.constant 1 : i32
        %add3A_2784 = arith.addi %mul3A_2759, %add3A_2783 : i32
        %mul3A_2785 = arith.constant 16 : i32
        %mul3A_2786 = arith.muli %add3A_2784, %mul3A_2785 : i32
        %get3A_2787 = arith.index_cast %mul3A_2786 : i32 to index
        %get3A_2788 = tpu.vector_load %arg16[%get3A_2787] {strides = array<i32>} : memref<2048xf32, #tpu.memory_space<vmem>>, vector<16xf32>,
        %get3A_2789 = vector.shape_cast %get3A_2788 : vector<16xf32> to vector<16xf32>
        %get3A_2790 = arith.index_cast %mul3A_2786 : i32 to index
        %get3A_2791 = tpu.vector_load %arg11[%get3A_2790] {strides = array<i32>} : memref<2048xf32, #tpu.memory_space<vmem>>, vector<16xf32>,
        %get3A_2792 = vector.shape_cast %get3A_2791 : vector<16xf32> to vector<16xf32>
        %eq3A_2793 = arith.cmpf oeq, %get3A_2792, %get3A_2789 : vector<16xf32>
        %broadcast_in_dim3A_2794 = vector.broadcast %add3A_2784 : i32 to vector<16xi32>
        %select_n3A_2795 = arith.select %eq3A_2793, %broadcast_in_dim3A_2794, %select_n3A_2776 : vector<16xi1>, vector<16xi32>
        %get3A_2796 = arith.index_cast %mul3A_2786 : i32 to index
        %get3A_2797 = tpu.vector_load %arg12[%get3A_2796] {strides = array<i32>} : memref<2048xf32, #tpu.memory_space<vmem>>, vector<16xf32>,
        %get3A_2798 = vector.shape_cast %get3A_2797 : vector<16xf32> to vector<16xf32>
        %eq3A_2799 = arith.cmpf oeq, %get3A_2798, %get3A_2789 : vector<16xf32>
        %broadcast_in_dim3A_2800 = vector.broadcast %add3A_2784 : i32 to vector<16xi32>
        %select_n3A_2801 = arith.select %eq3A_2799, %broadcast_in_dim3A_2800, %select_n3A_2782 : vector<16xi1>, vector<16xi32>
        %add3A_2802 = arith.constant 2 : i32
        %add3A_2803 = arith.addi %mul3A_2759, %add3A_2802 : i32
        %mul3A_2804 = arith.constant 16 : i32
        %mul3A_2805 = arith.muli %add3A_2803, %mul3A_2804 : i32
        %get3A_2806 = arith.index_cast %mul3A_2805 : i32 to index
        %get3A_2807 = tpu.vector_load %arg16[%get3A_2806] {strides = array<i32>} : memref<2048xf32, #tpu.memory_space<vmem>>, vector<16xf32>,
        %get3A_2808 = vector.shape_cast %get3A_2807 : vector<16xf32> to vector<16xf32>
        %get3A_2809 = arith.index_cast %mul3A_2805 : i32 to index
        %get3A_2810 = tpu.vector_load %arg11[%get3A_2809] {strides = array<i32>} : memref<2048xf32, #tpu.memory_space<vmem>>, vector<16xf32>,
        %get3A_2811 = vector.shape_cast %get3A_2810 : vector<16xf32> to vector<16xf32>
        %eq3A_2812 = arith.cmpf oeq, %get3A_2811, %get3A_2808 : vector<16xf32>
        %broadcast_in_dim3A_2813 = vector.broadcast %add3A_2803 : i32 to vector<16xi32>
        %select_n3A_2814 = arith.select %eq3A_2812, %broadcast_in_dim3A_2813, %select_n3A_2795 : vector<16xi1>, vector<16xi32>
        %get3A_2815 = arith.index_cast %mul3A_2805 : i32 to index
        %get3A_2816 = tpu.vector_load %arg12[%get3A_2815] {strides = array<i32>} : memref<2048xf32, #tpu.memory_space<vmem>>, vector<16xf32>,
        %get3A_2817 = vector.shape_cast %get3A_2816 : vector<16xf32> to vector<16xf32>
        %eq3A_2818 = arith.cmpf oeq, %get3A_2817, %get3A_2808 : vector<16xf32>
        %broadcast_in_dim3A_2819 = vector.broadcast %add3A_2803 : i32 to vector<16xi32>
        %select_n3A_2820 = arith.select %eq3A_2818, %broadcast_in_dim3A_2819, %select_n3A_2801 : vector<16xi1>, vector<16xi32>
        %add3A_2821 = arith.constant 3 : i32
        %add3A_2822 = arith.addi %mul3A_2759, %add3A_2821 : i32
        %mul3A_2823 = arith.constant 16 : i32
        %mul3A_2824 = arith.muli %add3A_2822, %mul3A_2823 : i32
        %get3A_2825 = arith.index_cast %mul3A_2824 : i32 to index
        %get3A_2826 = tpu.vector_load %arg16[%get3A_2825] {strides = array<i32>} : memref<2048xf32, #tpu.memory_space<vmem>>, vector<16xf32>,
        %get3A_2827 = vector.shape_cast %get3A_2826 : vector<16xf32> to vector<16xf32>
        %get3A_2828 = arith.index_cast %mul3A_2824 : i32 to index
        %get3A_2829 = tpu.vector_load %arg11[%get3A_2828] {strides = array<i32>} : memref<2048xf32, #tpu.memory_space<vmem>>, vector<16xf32>,
        %get3A_2830 = vector.shape_cast %get3A_2829 : vector<16xf32> to vector<16xf32>
        %eq3A_2831 = arith.cmpf oeq, %get3A_2830, %get3A_2827 : vector<16xf32>
        %broadcast_in_dim3A_2832 = vector.broadcast %add3A_2822 : i32 to vector<16xi32>
        %select_n3A_2833 = arith.select %eq3A_2831, %broadcast_in_dim3A_2832, %select_n3A_2814 : vector<16xi1>, vector<16xi32>
        %get3A_2834 = arith.index_cast %mul3A_2824 : i32 to index
        %get3A_2835 = tpu.vector_load %arg12[%get3A_2834] {strides = array<i32>} : memref<2048xf32, #tpu.memory_space<vmem>>, vector<16xf32>,
        %get3A_2836 = vector.shape_cast %get3A_2835 : vector<16xf32> to vector<16xf32>
        %eq3A_2837 = arith.cmpf oeq, %get3A_2836, %get3A_2827 : vector<16xf32>
        %broadcast_in_dim3A_2838 = vector.broadcast %add3A_2822 : i32 to vector<16xi32>
        %select_n3A_2839 = arith.select %eq3A_2837, %broadcast_in_dim3A_2838, %select_n3A_2820 : vector<16xi1>, vector<16xi32>
        %ge3A_2840 = arith.constant 0 : i32
        %ge3A_2841 = vector.broadcast %ge3A_2840 : i32 to vector<16xi32>
        %ge3A_2842 = arith.cmpi sge, %select_n3A_2833, %ge3A_2841 : vector<16xi32>
        %select_n3A_2843 = arith.select %ge3A_2842, %select_n3A_2833, %scan3A_2756 : vector<16xi1>, vector<16xi32>
        %ge3A_2844 = arith.constant 0 : i32
        %ge3A_2845 = vector.broadcast %ge3A_2844 : i32 to vector<16xi32>
        %ge3A_2846 = arith.cmpi sge, %select_n3A_2839, %ge3A_2845 : vector<16xi32>
        %select_n3A_2847 = arith.select %ge3A_2846, %select_n3A_2839, %scan3A_2757 : vector<16xi1>, vector<16xi32>
        scf.yield %select_n3A_2843, %select_n3A_2847 : vector<16xi32>, vector<16xi32>
      }
      %scan3A_2524 = arith.constant 32 : i32
      %mul3A_2525 = arith.constant 16 : i32
      %mul3A_2526 = arith.muli %mul3A_2502, %mul3A_2525 : i32
      %get3A_2527 = arith.index_cast %mul3A_2526 : i32 to index
      %get3A_2528 = tpu.vector_load %arg13[%get3A_2527] {strides = array<i32>} : memref<640xf32, #tpu.memory_space<vmem>>, vector<16xf32>,
      %get3A_2529 = vector.shape_cast %get3A_2528 : vector<16xf32> to vector<16xf32>
      %get3A_2530 = arith.index_cast %mul3A_2526 : i32 to index
      %get3A_2531 = tpu.vector_load %arg14[%get3A_2530] {strides = array<i32>} : memref<640xi32, #tpu.memory_space<vmem>>, vector<16xi32>,
      %get3A_2532 = vector.shape_cast %get3A_2531 : vector<16xi32> to vector<16xi32>
      %gt3A_2533 = arith.constant 5.000000e-01 : f32
      %gt3A_2534 = vector.broadcast %gt3A_2533 : f32 to vector<16xf32>
      %gt3A_2535 = arith.cmpf ogt, %get3A_2529, %gt3A_2534 : vector<16xf32>
      %add3A_2536 = arith.constant 1 : i32
      %add3A_2537 = vector.broadcast %add3A_2536 : i32 to vector<16xi32>
      %add3A_2538 = arith.addi %get3A_2532, %add3A_2537 : vector<16xi32>
      %lt3A_2539 = arith.constant 4.000000e-01 : f32
      %lt3A_2540 = vector.broadcast %lt3A_2539 : f32 to vector<16xf32>
      %lt3A_2541 = arith.cmpf olt, %get3A_2529, %lt3A_2540 : vector<16xf32>
      %jit3A_2542 = arith.constant 0 : i32
      %jit3A_2543 = arith.constant -1 : i32
      %broadcast_in_dim3A_2544 = vector.broadcast %jit3A_2542 : i32 to vector<16xi32>
      %broadcast_in_dim3A_2545 = vector.broadcast %jit3A_2543 : i32 to vector<16xi32>
      %select_n3A_2546 = arith.select %lt3A_2541, %broadcast_in_dim3A_2544, %broadcast_in_dim3A_2545 : vector<16xi1>, vector<16xi32>
      %select_n3A_2547 = arith.select %gt3A_2535, %add3A_2538, %select_n3A_2546 : vector<16xi1>, vector<16xi32>
      %ge3A_2548 = arith.constant 0 : i32
      %ge3A_2549 = vector.broadcast %ge3A_2548 : i32 to vector<16xi32>
      %ge3A_2550 = arith.cmpi sge, %scan3A_2523#0, %ge3A_2549 : vector<16xi32>
      %add3A_2551 = arith.constant 1 : i32
      %add3A_2552 = vector.broadcast %add3A_2551 : i32 to vector<16xi32>
      %add3A_2553 = arith.addi %scan3A_2523#0, %add3A_2552 : vector<16xi32>
      %select_n3A_2554 = arith.select %ge3A_2550, %add3A_2553, %select_n3A_2547 : vector<16xi1>, vector<16xi32>
      %sub3A_2555 = arith.constant 1 : i32
      %sub3A_2556 = vector.broadcast %sub3A_2555 : i32 to vector<16xi32>
      %sub3A_2557 = arith.subi %select_n3A_2554, %sub3A_2556 : vector<16xi32>
      %jit3A_2558 = arith.constant 0 : i32
      %jit3A_2559 = arith.constant 127 : i32
      %max3A_2560 = vector.broadcast %jit3A_2558 : i32 to vector<16xi32>
      %max3A_2561 = arith.maxsi %max3A_2560, %sub3A_2557 : vector<16xi32>
      %min3A_2562 = vector.broadcast %jit3A_2559 : i32 to vector<16xi32>
      %min3A_2563 = arith.minsi %min3A_2562, %max3A_2561 : vector<16xi32>
      %and3A_2564 = arith.constant 15 : i32
      %and3A_2565 = vector.broadcast %and3A_2564 : i32 to vector<16xi32>
      %and3A_2566 = arith.andi %min3A_2563, %and3A_2565 : vector<16xi32>
      %shift_right_arithmetic3A_2567 = arith.constant 4 : i32
      %shift_right_arithmetic3A_2568 = vector.broadcast %shift_right_arithmetic3A_2567 : i32 to vector<16xi32>
      %shift_right_arithmetic3A_2569 = arith.shrsi %min3A_2563, %shift_right_arithmetic3A_2568 : vector<16xi32>
      %broadcast_in_dim3A_2570 = vector.shape_cast %and3A_2566 : vector<16xi32> to vector<16x1xi32>
      %gather3A_2571 = vector.shape_cast %broadcast_in_dim3A_2570 : vector<16x1xi32> to vector<16xi32>
      %gather3A_2572 = tpu.dynamic_gather %get3A_2208[%gather3A_2571] in [0] : vector<16xi32>, vector<16xi32> -> vector<16xi32>
      %eq3A_2573 = arith.constant 1 : i32
      %eq3A_2574 = vector.broadcast %eq3A_2573 : i32 to vector<16xi32>
      %eq3A_2575 = arith.cmpi eq, %shift_right_arithmetic3A_2569, %eq3A_2574 : vector<16xi32>
      %broadcast_in_dim3A_2576 = vector.shape_cast %and3A_2566 : vector<16xi32> to vector<16x1xi32>
      %gather3A_2577 = vector.shape_cast %broadcast_in_dim3A_2576 : vector<16x1xi32> to vector<16xi32>
      %gather3A_2578 = tpu.dynamic_gather %get3A_2211[%gather3A_2577] in [0] : vector<16xi32>, vector<16xi32> -> vector<16xi32>
      %select_n3A_2579 = arith.select %eq3A_2575, %gather3A_2578, %gather3A_2572 : vector<16xi1>, vector<16xi32>
      %eq3A_2580 = arith.constant 2 : i32
      %eq3A_2581 = vector.broadcast %eq3A_2580 : i32 to vector<16xi32>
      %eq3A_2582 = arith.cmpi eq, %shift_right_arithmetic3A_2569, %eq3A_2581 : vector<16xi32>
      %broadcast_in_dim3A_2583 = vector.shape_cast %and3A_2566 : vector<16xi32> to vector<16x1xi32>
      %gather3A_2584 = vector.shape_cast %broadcast_in_dim3A_2583 : vector<16x1xi32> to vector<16xi32>
      %gather3A_2585 = tpu.dynamic_gather %get3A_2214[%gather3A_2584] in [0] : vector<16xi32>, vector<16xi32> -> vector<16xi32>
      %select_n3A_2586 = arith.select %eq3A_2582, %gather3A_2585, %select_n3A_2579 : vector<16xi1>, vector<16xi32>
      %eq3A_2587 = arith.constant 3 : i32
      %eq3A_2588 = vector.broadcast %eq3A_2587 : i32 to vector<16xi32>
      %eq3A_2589 = arith.cmpi eq, %shift_right_arithmetic3A_2569, %eq3A_2588 : vector<16xi32>
      %broadcast_in_dim3A_2590 = vector.shape_cast %and3A_2566 : vector<16xi32> to vector<16x1xi32>
      %gather3A_2591 = vector.shape_cast %broadcast_in_dim3A_2590 : vector<16x1xi32> to vector<16xi32>
      %gather3A_2592 = tpu.dynamic_gather %get3A_2217[%gather3A_2591] in [0] : vector<16xi32>, vector<16xi32> -> vector<16xi32>
      %select_n3A_2593 = arith.select %eq3A_2589, %gather3A_2592, %select_n3A_2586 : vector<16xi1>, vector<16xi32>
      %eq3A_2594 = arith.constant 4 : i32
      %eq3A_2595 = vector.broadcast %eq3A_2594 : i32 to vector<16xi32>
      %eq3A_2596 = arith.cmpi eq, %shift_right_arithmetic3A_2569, %eq3A_2595 : vector<16xi32>
      %broadcast_in_dim3A_2597 = vector.shape_cast %and3A_2566 : vector<16xi32> to vector<16x1xi32>
      %gather3A_2598 = vector.shape_cast %broadcast_in_dim3A_2597 : vector<16x1xi32> to vector<16xi32>
      %gather3A_2599 = tpu.dynamic_gather %get3A_2220[%gather3A_2598] in [0] : vector<16xi32>, vector<16xi32> -> vector<16xi32>
      %select_n3A_2600 = arith.select %eq3A_2596, %gather3A_2599, %select_n3A_2593 : vector<16xi1>, vector<16xi32>
      %eq3A_2601 = arith.constant 5 : i32
      %eq3A_2602 = vector.broadcast %eq3A_2601 : i32 to vector<16xi32>
      %eq3A_2603 = arith.cmpi eq, %shift_right_arithmetic3A_2569, %eq3A_2602 : vector<16xi32>
      %broadcast_in_dim3A_2604 = vector.shape_cast %and3A_2566 : vector<16xi32> to vector<16x1xi32>
      %gather3A_2605 = vector.shape_cast %broadcast_in_dim3A_2604 : vector<16x1xi32> to vector<16xi32>
      %gather3A_2606 = tpu.dynamic_gather %get3A_2223[%gather3A_2605] in [0] : vector<16xi32>, vector<16xi32> -> vector<16xi32>
      %select_n3A_2607 = arith.select %eq3A_2603, %gather3A_2606, %select_n3A_2600 : vector<16xi1>, vector<16xi32>
      %eq3A_2608 = arith.constant 6 : i32
      %eq3A_2609 = vector.broadcast %eq3A_2608 : i32 to vector<16xi32>
      %eq3A_2610 = arith.cmpi eq, %shift_right_arithmetic3A_2569, %eq3A_2609 : vector<16xi32>
      %broadcast_in_dim3A_2611 = vector.shape_cast %and3A_2566 : vector<16xi32> to vector<16x1xi32>
      %gather3A_2612 = vector.shape_cast %broadcast_in_dim3A_2611 : vector<16x1xi32> to vector<16xi32>
      %gather3A_2613 = tpu.dynamic_gather %get3A_2226[%gather3A_2612] in [0] : vector<16xi32>, vector<16xi32> -> vector<16xi32>
      %select_n3A_2614 = arith.select %eq3A_2610, %gather3A_2613, %select_n3A_2607 : vector<16xi1>, vector<16xi32>
      %eq3A_2615 = arith.constant 7 : i32
      %eq3A_2616 = vector.broadcast %eq3A_2615 : i32 to vector<16xi32>
      %eq3A_2617 = arith.cmpi eq, %shift_right_arithmetic3A_2569, %eq3A_2616 : vector<16xi32>
      %broadcast_in_dim3A_2618 = vector.shape_cast %and3A_2566 : vector<16xi32> to vector<16x1xi32>
      %gather3A_2619 = vector.shape_cast %broadcast_in_dim3A_2618 : vector<16x1xi32> to vector<16xi32>
      %gather3A_2620 = tpu.dynamic_gather %get3A_2229[%gather3A_2619] in [0] : vector<16xi32>, vector<16xi32> -> vector<16xi32>
      %select_n3A_2621 = arith.select %eq3A_2617, %gather3A_2620, %select_n3A_2614 : vector<16xi1>, vector<16xi32>
      %swap3A_2622 = arith.index_cast %mul3A_2526 : i32 to index
      %swap3A_2623 = tpu.vector_load %arg18[%swap3A_2622] {strides = array<i32>} : memref<640xi32, #tpu.memory_space<vmem>>, vector<16xi32>,
      %swap3A_2624 = vector.shape_cast %swap3A_2623 : vector<16xi32> to vector<16xi32>
      %swap3A_2625 = vector.shape_cast %select_n3A_2554 : vector<16xi32> to vector<16xi32>
      tpu.vector_store %arg18[%swap3A_2622], %swap3A_2625 {strides = array<i32>} : memref<640xi32, #tpu.memory_space<vmem>>, vector<16xi32>,
      %gt3A_2626 = arith.constant 0 : i32
      %gt3A_2627 = vector.broadcast %gt3A_2626 : i32 to vector<16xi32>
      %gt3A_2628 = arith.cmpi sgt, %select_n3A_2554, %gt3A_2627 : vector<16xi32>
      %jit3A_2629 = arith.constant -1 : i32
      %broadcast_in_dim3A_2630 = vector.broadcast %jit3A_2629 : i32 to vector<16xi32>
      %select_n3A_2631 = arith.select %gt3A_2628, %select_n3A_2621, %broadcast_in_dim3A_2630 : vector<16xi1>, vector<16xi32>
      %swap3A_2632 = arith.index_cast %mul3A_2526 : i32 to index
      %swap3A_2633 = tpu.vector_load %arg19[%swap3A_2632] {strides = array<i32>} : memref<640xi32, #tpu.memory_space<vmem>>, vector<16xi32>,
      %swap3A_2634 = vector.shape_cast %swap3A_2633 : vector<16xi32> to vector<16xi32>
      %swap3A_2635 = vector.shape_cast %select_n3A_2631 : vector<16xi32> to vector<16xi32>
      tpu.vector_store %arg19[%swap3A_2632], %swap3A_2635 {strides = array<i32>} : memref<640xi32, #tpu.memory_space<vmem>>, vector<16xi32>,
      %add3A_2636 = arith.constant 1 : i32
      %add3A_2637 = arith.addi %mul3A_2502, %add3A_2636 : i32
      %mul3A_2638 = arith.constant 16 : i32
      %mul3A_2639 = arith.muli %add3A_2637, %mul3A_2638 : i32
      %get3A_2640 = arith.index_cast %mul3A_2639 : i32 to index
      %get3A_2641 = tpu.vector_load %arg13[%get3A_2640] {strides = array<i32>} : memref<640xf32, #tpu.memory_space<vmem>>, vector<16xf32>,
      %get3A_2642 = vector.shape_cast %get3A_2641 : vector<16xf32> to vector<16xf32>
      %get3A_2643 = arith.index_cast %mul3A_2639 : i32 to index
      %get3A_2644 = tpu.vector_load %arg14[%get3A_2643] {strides = array<i32>} : memref<640xi32, #tpu.memory_space<vmem>>, vector<16xi32>,
      %get3A_2645 = vector.shape_cast %get3A_2644 : vector<16xi32> to vector<16xi32>
      %gt3A_2646 = arith.constant 5.000000e-01 : f32
      %gt3A_2647 = vector.broadcast %gt3A_2646 : f32 to vector<16xf32>
      %gt3A_2648 = arith.cmpf ogt, %get3A_2642, %gt3A_2647 : vector<16xf32>
      %add3A_2649 = arith.constant 1 : i32
      %add3A_2650 = vector.broadcast %add3A_2649 : i32 to vector<16xi32>
      %add3A_2651 = arith.addi %get3A_2645, %add3A_2650 : vector<16xi32>
      %lt3A_2652 = arith.constant 4.000000e-01 : f32
      %lt3A_2653 = vector.broadcast %lt3A_2652 : f32 to vector<16xf32>
      %lt3A_2654 = arith.cmpf olt, %get3A_2642, %lt3A_2653 : vector<16xf32>
      %jit3A_2655 = arith.constant 0 : i32
      %jit3A_2656 = arith.constant -1 : i32
      %broadcast_in_dim3A_2657 = vector.broadcast %jit3A_2655 : i32 to vector<16xi32>
      %broadcast_in_dim3A_2658 = vector.broadcast %jit3A_2656 : i32 to vector<16xi32>
      %select_n3A_2659 = arith.select %lt3A_2654, %broadcast_in_dim3A_2657, %broadcast_in_dim3A_2658 : vector<16xi1>, vector<16xi32>
      %select_n3A_2660 = arith.select %gt3A_2648, %add3A_2651, %select_n3A_2659 : vector<16xi1>, vector<16xi32>
      %ge3A_2661 = arith.constant 0 : i32
      %ge3A_2662 = vector.broadcast %ge3A_2661 : i32 to vector<16xi32>
      %ge3A_2663 = arith.cmpi sge, %scan3A_2523#1, %ge3A_2662 : vector<16xi32>
      %add3A_2664 = arith.constant 1 : i32
      %add3A_2665 = vector.broadcast %add3A_2664 : i32 to vector<16xi32>
      %add3A_2666 = arith.addi %scan3A_2523#1, %add3A_2665 : vector<16xi32>
      %select_n3A_2667 = arith.select %ge3A_2663, %add3A_2666, %select_n3A_2660 : vector<16xi1>, vector<16xi32>
      %sub3A_2668 = arith.constant 1 : i32
      %sub3A_2669 = vector.broadcast %sub3A_2668 : i32 to vector<16xi32>
      %sub3A_2670 = arith.subi %select_n3A_2667, %sub3A_2669 : vector<16xi32>
      %jit3A_2671 = arith.constant 0 : i32
      %jit3A_2672 = arith.constant 127 : i32
      %max3A_2673 = vector.broadcast %jit3A_2671 : i32 to vector<16xi32>
      %max3A_2674 = arith.maxsi %max3A_2673, %sub3A_2670 : vector<16xi32>
      %min3A_2675 = vector.broadcast %jit3A_2672 : i32 to vector<16xi32>
      %min3A_2676 = arith.minsi %min3A_2675, %max3A_2674 : vector<16xi32>
      %and3A_2677 = arith.constant 15 : i32
      %and3A_2678 = vector.broadcast %and3A_2677 : i32 to vector<16xi32>
      %and3A_2679 = arith.andi %min3A_2676, %and3A_2678 : vector<16xi32>
      %shift_right_arithmetic3A_2680 = arith.constant 4 : i32
      %shift_right_arithmetic3A_2681 = vector.broadcast %shift_right_arithmetic3A_2680 : i32 to vector<16xi32>
      %shift_right_arithmetic3A_2682 = arith.shrsi %min3A_2676, %shift_right_arithmetic3A_2681 : vector<16xi32>
      %broadcast_in_dim3A_2683 = vector.shape_cast %and3A_2679 : vector<16xi32> to vector<16x1xi32>
      %gather3A_2684 = vector.shape_cast %broadcast_in_dim3A_2683 : vector<16x1xi32> to vector<16xi32>
      %gather3A_2685 = tpu.dynamic_gather %get3A_2208[%gather3A_2684] in [0] : vector<16xi32>, vector<16xi32> -> vector<16xi32>
      %eq3A_2686 = arith.constant 1 : i32
      %eq3A_2687 = vector.broadcast %eq3A_2686 : i32 to vector<16xi32>
      %eq3A_2688 = arith.cmpi eq, %shift_right_arithmetic3A_2682, %eq3A_2687 : vector<16xi32>
      %broadcast_in_dim3A_2689 = vector.shape_cast %and3A_2679 : vector<16xi32> to vector<16x1xi32>
      %gather3A_2690 = vector.shape_cast %broadcast_in_dim3A_2689 : vector<16x1xi32> to vector<16xi32>
      %gather3A_2691 = tpu.dynamic_gather %get3A_2211[%gather3A_2690] in [0] : vector<16xi32>, vector<16xi32> -> vector<16xi32>
      %select_n3A_2692 = arith.select %eq3A_2688, %gather3A_2691, %gather3A_2685 : vector<16xi1>, vector<16xi32>
      %eq3A_2693 = arith.constant 2 : i32
      %eq3A_2694 = vector.broadcast %eq3A_2693 : i32 to vector<16xi32>
      %eq3A_2695 = arith.cmpi eq, %shift_right_arithmetic3A_2682, %eq3A_2694 : vector<16xi32>
      %broadcast_in_dim3A_2696 = vector.shape_cast %and3A_2679 : vector<16xi32> to vector<16x1xi32>
      %gather3A_2697 = vector.shape_cast %broadcast_in_dim3A_2696 : vector<16x1xi32> to vector<16xi32>
      %gather3A_2698 = tpu.dynamic_gather %get3A_2214[%gather3A_2697] in [0] : vector<16xi32>, vector<16xi32> -> vector<16xi32>
      %select_n3A_2699 = arith.select %eq3A_2695, %gather3A_2698, %select_n3A_2692 : vector<16xi1>, vector<16xi32>
      %eq3A_2700 = arith.constant 3 : i32
      %eq3A_2701 = vector.broadcast %eq3A_2700 : i32 to vector<16xi32>
      %eq3A_2702 = arith.cmpi eq, %shift_right_arithmetic3A_2682, %eq3A_2701 : vector<16xi32>
      %broadcast_in_dim3A_2703 = vector.shape_cast %and3A_2679 : vector<16xi32> to vector<16x1xi32>
      %gather3A_2704 = vector.shape_cast %broadcast_in_dim3A_2703 : vector<16x1xi32> to vector<16xi32>
      %gather3A_2705 = tpu.dynamic_gather %get3A_2217[%gather3A_2704] in [0] : vector<16xi32>, vector<16xi32> -> vector<16xi32>
      %select_n3A_2706 = arith.select %eq3A_2702, %gather3A_2705, %select_n3A_2699 : vector<16xi1>, vector<16xi32>
      %eq3A_2707 = arith.constant 4 : i32
      %eq3A_2708 = vector.broadcast %eq3A_2707 : i32 to vector<16xi32>
      %eq3A_2709 = arith.cmpi eq, %shift_right_arithmetic3A_2682, %eq3A_2708 : vector<16xi32>
      %broadcast_in_dim3A_2710 = vector.shape_cast %and3A_2679 : vector<16xi32> to vector<16x1xi32>
      %gather3A_2711 = vector.shape_cast %broadcast_in_dim3A_2710 : vector<16x1xi32> to vector<16xi32>
      %gather3A_2712 = tpu.dynamic_gather %get3A_2220[%gather3A_2711] in [0] : vector<16xi32>, vector<16xi32> -> vector<16xi32>
      %select_n3A_2713 = arith.select %eq3A_2709, %gather3A_2712, %select_n3A_2706 : vector<16xi1>, vector<16xi32>
      %eq3A_2714 = arith.constant 5 : i32
      %eq3A_2715 = vector.broadcast %eq3A_2714 : i32 to vector<16xi32>
      %eq3A_2716 = arith.cmpi eq, %shift_right_arithmetic3A_2682, %eq3A_2715 : vector<16xi32>
      %broadcast_in_dim3A_2717 = vector.shape_cast %and3A_2679 : vector<16xi32> to vector<16x1xi32>
      %gather3A_2718 = vector.shape_cast %broadcast_in_dim3A_2717 : vector<16x1xi32> to vector<16xi32>
      %gather3A_2719 = tpu.dynamic_gather %get3A_2223[%gather3A_2718] in [0] : vector<16xi32>, vector<16xi32> -> vector<16xi32>
      %select_n3A_2720 = arith.select %eq3A_2716, %gather3A_2719, %select_n3A_2713 : vector<16xi1>, vector<16xi32>
      %eq3A_2721 = arith.constant 6 : i32
      %eq3A_2722 = vector.broadcast %eq3A_2721 : i32 to vector<16xi32>
      %eq3A_2723 = arith.cmpi eq, %shift_right_arithmetic3A_2682, %eq3A_2722 : vector<16xi32>
      %broadcast_in_dim3A_2724 = vector.shape_cast %and3A_2679 : vector<16xi32> to vector<16x1xi32>
      %gather3A_2725 = vector.shape_cast %broadcast_in_dim3A_2724 : vector<16x1xi32> to vector<16xi32>
      %gather3A_2726 = tpu.dynamic_gather %get3A_2226[%gather3A_2725] in [0] : vector<16xi32>, vector<16xi32> -> vector<16xi32>
      %select_n3A_2727 = arith.select %eq3A_2723, %gather3A_2726, %select_n3A_2720 : vector<16xi1>, vector<16xi32>
      %eq3A_2728 = arith.constant 7 : i32
      %eq3A_2729 = vector.broadcast %eq3A_2728 : i32 to vector<16xi32>
      %eq3A_2730 = arith.cmpi eq, %shift_right_arithmetic3A_2682, %eq3A_2729 : vector<16xi32>
      %broadcast_in_dim3A_2731 = vector.shape_cast %and3A_2679 : vector<16xi32> to vector<16x1xi32>
      %gather3A_2732 = vector.shape_cast %broadcast_in_dim3A_2731 : vector<16x1xi32> to vector<16xi32>
      %gather3A_2733 = tpu.dynamic_gather %get3A_2229[%gather3A_2732] in [0] : vector<16xi32>, vector<16xi32> -> vector<16xi32>
      %select_n3A_2734 = arith.select %eq3A_2730, %gather3A_2733, %select_n3A_2727 : vector<16xi1>, vector<16xi32>
      %swap3A_2735 = arith.index_cast %mul3A_2639 : i32 to index
      %swap3A_2736 = tpu.vector_load %arg18[%swap3A_2735] {strides = array<i32>} : memref<640xi32, #tpu.memory_space<vmem>>, vector<16xi32>,
      %swap3A_2737 = vector.shape_cast %swap3A_2736 : vector<16xi32> to vector<16xi32>
      %swap3A_2738 = vector.shape_cast %select_n3A_2667 : vector<16xi32> to vector<16xi32>
      tpu.vector_store %arg18[%swap3A_2735], %swap3A_2738 {strides = array<i32>} : memref<640xi32, #tpu.memory_space<vmem>>, vector<16xi32>,
      %gt3A_2739 = arith.constant 0 : i32
      %gt3A_2740 = vector.broadcast %gt3A_2739 : i32 to vector<16xi32>
      %gt3A_2741 = arith.cmpi sgt, %select_n3A_2667, %gt3A_2740 : vector<16xi32>
      %jit3A_2742 = arith.constant -1 : i32
      %broadcast_in_dim3A_2743 = vector.broadcast %jit3A_2742 : i32 to vector<16xi32>
      %select_n3A_2744 = arith.select %gt3A_2741, %select_n3A_2734, %broadcast_in_dim3A_2743 : vector<16xi1>, vector<16xi32>
      %swap3A_2745 = arith.index_cast %mul3A_2639 : i32 to index
      %swap3A_2746 = tpu.vector_load %arg19[%swap3A_2745] {strides = array<i32>} : memref<640xi32, #tpu.memory_space<vmem>>, vector<16xi32>,
      %swap3A_2747 = vector.shape_cast %swap3A_2746 : vector<16xi32> to vector<16xi32>
      %swap3A_2748 = vector.shape_cast %select_n3A_2744 : vector<16xi32> to vector<16xi32>
      tpu.vector_store %arg19[%swap3A_2745], %swap3A_2748 {strides = array<i32>} : memref<640xi32, #tpu.memory_space<vmem>>, vector<16xi32>,
      %lt3A_2749 = arith.constant 9 : i32
      %lt3A_2750 = arith.cmpi slt, %scan3A_2246, %lt3A_2749 : i32
      %convert_element_type3A_2751 = arith.extui %lt3A_2750 : i1 to i32
      %cond3A_2752 = arith.constant 0 : i32
      %cond3A_2753 = arith.cmpi ne, %convert_element_type3A_2751, %cond3A_2752 : i32
      scf.if %cond3A_2753 {
        %add3A_2755 = arith.constant 4 : i32
        %add3A_2756 = arith.addi %mul3A_2502, %add3A_2755 : i32
        %dma_start3A_2757 = arith.constant 0 : i32
        %dma_start3A_2758 = tpu.memref_slice %arg5[%add3A, %add3A_2756, %dma_start3A_2757] : memref<32x40x2048xf32, #tpu.memory_space<hbm>> -> memref<1x1x2048xf32, #tpu.memory_space<hbm>>
        %dma_start3A_2759 = tpu.memref_squeeze %dma_start3A_2758 : memref<1x1x2048xf32, #tpu.memory_space<hbm>> -> memref<2048xf32, #tpu.memory_space<hbm>>
        %dma_start3A_2760 = arith.constant 0 : i32
        %dma_start3A_2761 = tpu.memref_slice %arg5[%add3A, %add3A_2756, %dma_start3A_2760] : memref<32x40x2048xf32, #tpu.memory_space<hbm>> -> memref<1x1x2048xf32, #tpu.memory_space<hbm>>
        %dma_start3A_2762 = tpu.memref_squeeze %dma_start3A_2761 : memref<1x1x2048xf32, #tpu.memory_space<hbm>> -> memref<2048xf32, #tpu.memory_space<hbm>>
        tpu.enqueue_dma source(%dma_start3A_2762 : memref<2048xf32, #tpu.memory_space<hbm>>) target(%arg11 : memref<2048xf32, #tpu.memory_space<vmem>>) target_semaphore(%arg22 : memref<!tpu.dma_semaphore, #tpu.memory_space<semaphore_mem>>)
        %add3A_2763 = arith.constant 5 : i32
        %add3A_2764 = arith.addi %mul3A_2502, %add3A_2763 : i32
        %dma_start3A_2765 = arith.constant 0 : i32
        %dma_start3A_2766 = tpu.memref_slice %arg5[%add3A, %add3A_2764, %dma_start3A_2765] : memref<32x40x2048xf32, #tpu.memory_space<hbm>> -> memref<1x1x2048xf32, #tpu.memory_space<hbm>>
        %dma_start3A_2767 = tpu.memref_squeeze %dma_start3A_2766 : memref<1x1x2048xf32, #tpu.memory_space<hbm>> -> memref<2048xf32, #tpu.memory_space<hbm>>
        %dma_start3A_2768 = arith.constant 0 : i32
        %dma_start3A_2769 = tpu.memref_slice %arg5[%add3A, %add3A_2764, %dma_start3A_2768] : memref<32x40x2048xf32, #tpu.memory_space<hbm>> -> memref<1x1x2048xf32, #tpu.memory_space<hbm>>
        %dma_start3A_2770 = tpu.memref_squeeze %dma_start3A_2769 : memref<1x1x2048xf32, #tpu.memory_space<hbm>> -> memref<2048xf32, #tpu.memory_space<hbm>>
        tpu.enqueue_dma source(%dma_start3A_2770 : memref<2048xf32, #tpu.memory_space<hbm>>) target(%arg12 : memref<2048xf32, #tpu.memory_space<vmem>>) target_semaphore(%arg23 : memref<!tpu.dma_semaphore, #tpu.memory_space<semaphore_mem>>)
      } else {
      }
      %scan3A_2754 = arith.constant 0 : i32
      scf.yield %scan3A_2754 : i32
    }
    %scan3A_2235 = arith.constant 10 : i32
    %lt3A_2236 = arith.constant 31 : i32
    %lt3A_2237 = arith.cmpi slt, %add3A, %lt3A_2236 : i32
    %convert_element_type3A_2238 = arith.extui %lt3A_2237 : i1 to i32
    %cond3A_2239 = arith.constant 0 : i32
    %cond3A_2240 = arith.cmpi ne, %convert_element_type3A_2238, %cond3A_2239 : i32
    scf.if %cond3A_2240 {
      %dma_start3A_2246 = tpu.memref_slice %arg7[%mul3A_2] : memref<20000xi32, #tpu.memory_space<hbm>> -> memref<640xi32, #tpu.memory_space<hbm>>
      %dma_start3A_2247 = tpu.memref_slice %arg7[%mul3A_2] : memref<20000xi32, #tpu.memory_space<hbm>> -> memref<640xi32, #tpu.memory_space<hbm>>
      tpu.enqueue_dma source(%arg18 : memref<640xi32, #tpu.memory_space<vmem>>) target(%dma_start3A_2247 : memref<640xi32, #tpu.memory_space<hbm>>) target_semaphore(%arg24 : memref<!tpu.dma_semaphore, #tpu.memory_space<semaphore_mem>>)
      %dma_start3A_2248 = tpu.memref_slice %arg8[%mul3A_2] : memref<20000xi32, #tpu.memory_space<hbm>> -> memref<640xi32, #tpu.memory_space<hbm>>
      %dma_start3A_2249 = tpu.memref_slice %arg8[%mul3A_2] : memref<20000xi32, #tpu.memory_space<hbm>> -> memref<640xi32, #tpu.memory_space<hbm>>
      tpu.enqueue_dma source(%arg19 : memref<640xi32, #tpu.memory_space<vmem>>) target(%dma_start3A_2249 : memref<640xi32, #tpu.memory_space<hbm>>) target_semaphore(%arg24 : memref<!tpu.dma_semaphore, #tpu.memory_space<semaphore_mem>>)
      %dma_wait3A_2250 = tpu.memref_slice %arg7[%mul3A_2] : memref<20000xi32, #tpu.memory_space<hbm>> -> memref<640xi32, #tpu.memory_space<hbm>>
      %dma_wait3A_2251 = tpu.memref_slice %arg7[%mul3A_2] : memref<20000xi32, #tpu.memory_space<hbm>> -> memref<640xi32, #tpu.memory_space<hbm>>
      tpu.wait_dma2 semaphore(%arg24 : memref<!tpu.dma_semaphore, #tpu.memory_space<semaphore_mem>>) src(%arg18 : memref<640xi32, #tpu.memory_space<vmem>>) dst(%dma_wait3A_2251 : memref<640xi32, #tpu.memory_space<hbm>>)
      %dma_wait3A_2252 = tpu.memref_slice %arg8[%mul3A_2] : memref<20000xi32, #tpu.memory_space<hbm>> -> memref<640xi32, #tpu.memory_space<hbm>>
      %dma_wait3A_2253 = tpu.memref_slice %arg8[%mul3A_2] : memref<20000xi32, #tpu.memory_space<hbm>> -> memref<640xi32, #tpu.memory_space<hbm>>
      tpu.wait_dma2 semaphore(%arg24 : memref<!tpu.dma_semaphore, #tpu.memory_space<semaphore_mem>>) src(%arg19 : memref<640xi32, #tpu.memory_space<vmem>>) dst(%dma_wait3A_2253 : memref<640xi32, #tpu.memory_space<hbm>>)
    } else {
    }
    %eq3A_2241 = arith.constant 31 : i32
    %eq3A_2242 = arith.cmpi eq, %add3A, %eq3A_2241 : i32
    %convert_element_type3A_2243 = arith.extui %eq3A_2242 : i1 to i32
    %cond3A_2244 = arith.constant 0 : i32
    %cond3A_2245 = arith.cmpi ne, %convert_element_type3A_2243, %cond3A_2244 : i32
    scf.if %cond3A_2245 {
      %dma_start3A_2246 = arith.constant 0 : i32
      %dma_start3A_2247 = tpu.memref_slice %arg18[%dma_start3A_2246] : memref<640xi32, #tpu.memory_space<vmem>> -> memref<160xi32, #tpu.memory_space<vmem>>
      %dma_start3A_2248 = tpu.memref_slice %arg7[%mul3A_2] : memref<20000xi32, #tpu.memory_space<hbm>> -> memref<160xi32, #tpu.memory_space<hbm>>
      %dma_start3A_2249 = tpu.memref_slice %arg7[%mul3A_2] : memref<20000xi32, #tpu.memory_space<hbm>> -> memref<160xi32, #tpu.memory_space<hbm>>
      %dma_start3A_2250 = arith.constant 0 : i32
      %dma_start3A_2251 = tpu.memref_slice %arg18[%dma_start3A_2250] : memref<640xi32, #tpu.memory_space<vmem>> -> memref<160xi32, #tpu.memory_space<vmem>>
      tpu.enqueue_dma source(%dma_start3A_2251 : memref<160xi32, #tpu.memory_space<vmem>>) target(%dma_start3A_2249 : memref<160xi32, #tpu.memory_space<hbm>>) target_semaphore(%arg24 : memref<!tpu.dma_semaphore, #tpu.memory_space<semaphore_mem>>)
      %dma_start3A_2252 = arith.constant 0 : i32
      %dma_start3A_2253 = tpu.memref_slice %arg19[%dma_start3A_2252] : memref<640xi32, #tpu.memory_space<vmem>> -> memref<160xi32, #tpu.memory_space<vmem>>
      %dma_start3A_2254 = tpu.memref_slice %arg8[%mul3A_2] : memref<20000xi32, #tpu.memory_space<hbm>> -> memref<160xi32, #tpu.memory_space<hbm>>
      %dma_start3A_2255 = tpu.memref_slice %arg8[%mul3A_2] : memref<20000xi32, #tpu.memory_space<hbm>> -> memref<160xi32, #tpu.memory_space<hbm>>
      %dma_start3A_2256 = arith.constant 0 : i32
      %dma_start3A_2257 = tpu.memref_slice %arg19[%dma_start3A_2256] : memref<640xi32, #tpu.memory_space<vmem>> -> memref<160xi32, #tpu.memory_space<vmem>>
      tpu.enqueue_dma source(%dma_start3A_2257 : memref<160xi32, #tpu.memory_space<vmem>>) target(%dma_start3A_2255 : memref<160xi32, #tpu.memory_space<hbm>>) target_semaphore(%arg24 : memref<!tpu.dma_semaphore, #tpu.memory_space<semaphore_mem>>)
      %dma_wait3A_2258 = arith.constant 0 : i32
      %dma_wait3A_2259 = tpu.memref_slice %arg18[%dma_wait3A_2258] : memref<640xi32, #tpu.memory_space<vmem>> -> memref<160xi32, #tpu.memory_space<vmem>>
      %dma_wait3A_2260 = tpu.memref_slice %arg7[%mul3A_2] : memref<20000xi32, #tpu.memory_space<hbm>> -> memref<160xi32, #tpu.memory_space<hbm>>
      %dma_wait3A_2261 = tpu.memref_slice %arg7[%mul3A_2] : memref<20000xi32, #tpu.memory_space<hbm>> -> memref<160xi32, #tpu.memory_space<hbm>>
      %dma_wait3A_2262 = arith.constant 0 : i32
      %dma_wait3A_2263 = tpu.memref_slice %arg18[%dma_wait3A_2262] : memref<640xi32, #tpu.memory_space<vmem>> -> memref<160xi32, #tpu.memory_space<vmem>>
      tpu.wait_dma2 semaphore(%arg24 : memref<!tpu.dma_semaphore, #tpu.memory_space<semaphore_mem>>) src(%dma_wait3A_2263 : memref<160xi32, #tpu.memory_space<vmem>>) dst(%dma_wait3A_2261 : memref<160xi32, #tpu.memory_space<hbm>>)
      %dma_wait3A_2264 = arith.constant 0 : i32
      %dma_wait3A_2265 = tpu.memref_slice %arg19[%dma_wait3A_2264] : memref<640xi32, #tpu.memory_space<vmem>> -> memref<160xi32, #tpu.memory_space<vmem>>
      %dma_wait3A_2266 = tpu.memref_slice %arg8[%mul3A_2] : memref<20000xi32, #tpu.memory_space<hbm>> -> memref<160xi32, #tpu.memory_space<hbm>>
      %dma_wait3A_2267 = tpu.memref_slice %arg8[%mul3A_2] : memref<20000xi32, #tpu.memory_space<hbm>> -> memref<160xi32, #tpu.memory_space<hbm>>
      %dma_wait3A_2268 = arith.constant 0 : i32
      %dma_wait3A_2269 = tpu.memref_slice %arg19[%dma_wait3A_2268] : memref<640xi32, #tpu.memory_space<vmem>> -> memref<160xi32, #tpu.memory_space<vmem>>
      tpu.wait_dma2 semaphore(%arg24 : memref<!tpu.dma_semaphore, #tpu.memory_space<semaphore_mem>>) src(%dma_wait3A_2269 : memref<160xi32, #tpu.memory_space<vmem>>) dst(%dma_wait3A_2267 : memref<160xi32, #tpu.memory_space<hbm>>)
    } else {
    }
    return
  }
}

</mosaic_0001>

<sc_bundles>
// kernel: kernel.4.cloned.1.call-start
scs
__scs_entry_jumppad:
0x0: {  	(pc) =	sbr.rel $0x88, $3  }
0x1: {  	(tag) =	ssettag $0x0;
	lr =	simm.s32 $0x1  }
0x2: {  	[smem:$0x3F9F] =	sst lr;
	_ =	strace $0xD0000000  }
0x3: {  	_ = 	snop  }
0x4: {  	_ = 	snop  }
0x5: {  	_ = 	snop  }
0x6: {  	_ = 	snop  }
0x7: {  	_ = 	snop  }
__scs_overlays_trampoline_lowered:
0x8: {  	[smem:$0x3FAE] =	sst s0  }
0x9: {  	[smem:$0x3FAF] =	sst s1  }
0xa: {  	[smem:$0x3FB0] =	sst s2  }
0xb: {  	[smem:$0x3FB1] =	sst s3  }
0xc: {  	[smem:$0x3FB2] =	sst s4  }
0xd: {  	[smem:$0x3FB3] =	sst s5  }
0xe: {  	[smem:$0x3FB4] =	sst s6  }
0xf: {  	[smem:$0x3FB5] =	sst s7  }
0x10: {  	[smem:$0x3FB6] =	sst s8  }
0x11: {  	[smem:$0x3FB7] =	sst s9;
	s0 =	simm.s32 @!p0 $0x0  }
0x12: {  	s1 =	sld [smem:$0x3F9D];
	s0 =	simm.s32 @p0 $0x1  }
0x13: {  	[smem:$0x3FB8] =	sst s0;
	s0 =	simm.s32 @!p1 $0x0  }
0x14: {  	s2 =	sld [smem:$0x3F9C];
	s0 =	simm.s32 @p1 $0x1  }
0x15: {  	[smem:$0x3FB9] =	sst s0;
	s0 =	simm.s32 @!p2 $0x0  }
0x16: {  	s3 =	sld [smem:$0x3FDB];
	s0 =	simm.s32 @p2 $0x1  }
0x17: {  	s4 =	simm.s32 $0x1BF5;
	[smem:$0x3FBB] =	sst s0  }
0x18: {  	s0 =	sld [smem:$0x3F9E];
	_ =	swait.ge [sflag:s4], $0x0  }
0x19: {  	s7 =	sld [smem:$0x3F9F]  }
0x1a: {  	s8 =	sadd.s32 $0xFFFFE003, lr  }
0x1b: {  	s9 =	sadd.s32 $0xFFFFFEF7, lr;
	s5 =	simm.s32 $0xFFFFFFFF;
	p2 =	slt.u32 s8, $0xFFFFF086  }
0x1c: {  	p1 =	slt.u32 s9, $0xF7A;
	s5 =	simm.s32 @!p2 $0x0  }
0x1d: {  	s5 =	simm.s32 @p1 $0x1;
	p0 =	seq.s32 s7, s2  }
0x1e: {  	s7 =	smul.u32 @!p0 $0xF7A, s2;
	p2 =	seq.s32 @!p0 s5, $0x0  }
0x1f: {  	s9 =	smul.u32 $0xF7A, s1;
	s8 =	simm.s32 @!p0 $0x1BF5;
	p2 =	por !p2, p0  }
0x20: {  	[sflag:s8] =	ssyncset.s32 @!p0 $0xFFFFF086;
	s6 =	sadd.s32 @!p0 s3, s7;
	s7 =	simm.s32 @!p0 $0x108  }
0x21: {  	s3 =	sadd.s32 s3, s9;
	s6 =	sadd.s32 @!p0 $0x88, s6;
	s7 =	simm.s32 @p2 $0x1082  }
0x22: {  	[simem:s7], [sflag:s8] =	dma.local @!p0 [hbm:s6], $0xF7A  }
0x23: {  	s9 =	sor.u32 $0xD0000000, s2;
	s6 =	simm.s32 $0x108;
	_ =	swait.ge @!p0 [sflag:s8], $0x0  }
0x24: {  	s3 =	sadd.s32 $0x88, s3;
	s6 =	simm.s32 @!p1 $0x1082;
	[sflag:s4] =	ssyncset.s32 $0xFFFFF086  }
0x25: {  	[simem:s6], [sflag:s4] =	dma.local [hbm:s3], $0xF7A  }
0x26: {  	[smem:$0x3F9F] =	sst s1;
	(tag) =	ssettag s2;
	_ =	strace s9  }
0x27: {  	s1 =	sld [smem:$0x3FAF]  }
0x28: {  	s2 =	sld [smem:$0x3FB0]  }
0x29: {  	s4 =	sld [smem:$0x3FB2]  }
0x2a: {  	p0 =	seq.s32 s5, $0x0;
	s5 =	sld [smem:$0x3FB3]  }
0x2b: {  	s6 =	sld [smem:$0x3FB4]  }
0x2c: {  	s7 =	sld [smem:$0x3FB5]  }
0x2d: {  	s3 =	simm.s32 $0x108;
	s8 =	sld [smem:$0x3FB6]  }
0x2e: {  	s3 =	simm.s32 @!p0 $0x1082;
	s9 =	sld [smem:$0x3FB7]  }
0x2f: {  	lr =	sadd.s32 s0, s3;
	s0 =	sld [smem:$0x3FAE]  }
0x30: {  	s3 =	sld [smem:$0x3FB1]  }
0x31: {  	[smem:$0x3FBA] =	sst s10  }
0x32: {  	s10 =	sld [smem:$0x3FB8];
	_ =	sdelay $0x3  }
0x33: {  	p0 =	seq.s32 s10, $0x1;
	s10 =	sld [smem:$0x3FBA];
	_ =	sdelay $0x3  }
0x34: {  	[smem:$0x3FBA] =	sst s10  }
0x35: {  	s10 =	sld [smem:$0x3FB9];
	_ =	sdelay $0x3  }
0x36: {  	p1 =	seq.s32 s10, $0x1;
	s10 =	sld [smem:$0x3FBA];
	_ =	sdelay $0x3  }
0x37: {  	[smem:$0x3FBA] =	sst s10  }
0x38: {  	s10 =	sld [smem:$0x3FBB]  }
0x39: {  	_ = 	snop;
	(pc) =	sbr.ind lr, $3  }
0x3a: {  	_ = 	snop  }
0x3b: {  	_ = 	snop  }
0x3c: {  	p2 =	seq.s32 s10, $0x1;
	s10 =	sld [smem:$0x3FBA]  }
0x3d: {  	_ =	shalt  }
0x3e: {  	_ =	shalt  }
0x3f: {  	_ =	shalt  }
0x40: {  	_ =	shalt  }
0x41: {  	_ =	shalt  }
0x42: {  	_ =	shalt  }
0x43: {  	_ =	shalt  }
0x44: {  	_ =	shalt  }
0x45: {  	_ =	shalt  }
0x46: {  	_ =	shalt  }
0x47: {  	_ =	shalt  }
0x48: {  	_ =	shalt  }
0x49: {  	_ =	shalt  }
0x4a: {  	_ =	shalt  }
0x4b: {  	_ =	shalt  }
0x4c: {  	_ =	shalt  }
0x4d: {  	_ =	shalt  }
0x4e: {  	_ =	shalt  }
0x4f: {  	_ =	shalt  }
0x50: {  	_ =	shalt  }
0x51: {  	_ =	shalt  }
0x52: {  	_ =	shalt  }
0x53: {  	_ =	shalt  }
0x54: {  	_ =	shalt  }
0x55: {  	_ =	shalt  }
0x56: {  	_ =	shalt  }
0x57: {  	_ =	shalt  }
0x58: {  	_ =	shalt  }
0x59: {  	_ =	shalt  }
0x5a: {  	_ =	shalt  }
0x5b: {  	_ =	shalt  }
0x5c: {  	_ =	shalt  }
0x5d: {  	_ =	shalt  }
0x5e: {  	_ =	shalt  }
0x5f: {  	_ =	shalt  }
0x60: {  	_ =	shalt  }
0x61: {  	_ =	shalt  }
0x62: {  	_ =	shalt  }
0x63: {  	_ =	shalt  }
0x64: {  	_ =	shalt  }
0x65: {  	_ =	shalt  }
0x66: {  	_ =	shalt  }
0x67: {  	_ =	shalt  }
0x68: {  	_ =	shalt  }
0x69: {  	_ =	shalt  }
0x6a: {  	_ =	shalt  }
0x6b: {  	_ =	shalt  }
0x6c: {  	_ =	shalt  }
0x6d: {  	_ =	shalt  }
0x6e: {  	_ =	shalt  }
0x6f: {  	_ =	shalt  }
0x70: {  	_ =	shalt  }
0x71: {  	_ =	shalt  }
0x72: {  	_ =	shalt  }
0x73: {  	_ =	shalt  }
0x74: {  	_ =	shalt  }
0x75: {  	_ =	shalt  }
0x76: {  	_ =	shalt  }
0x77: {  	_ =	shalt  }
0x78: {  	_ =	shalt  }
0x79: {  	_ =	shalt  }
0x7a: {  	_ =	shalt  }
0x7b: {  	_ =	shalt  }
0x7c: {  	_ =	shalt  }
0x7d: {  	_ =	shalt  }
0x7e: {  	_ =	shalt  }
0x7f: {  	_ =	shalt  }
0x80: {  	_ =	shalt  }
0x81: {  	_ =	shalt  }
0x82: {  	_ =	shalt  }
0x83: {  	_ =	shalt  }
0x84: {  	_ =	shalt  }
0x85: {  	_ =	shalt  }
0x86: {  	_ =	shalt  }
0x87: {  	_ =	shalt  }
.Lfunc_end0:
.L_simem_size_0:
called_computation_lowered:
.L_overlay_start_0:
0x88: {  	s2 =	sld [smem:$0x3FD9]  }
0x89: {  	s3 =	sld [smem:$0x3FFE];
	_ =	sdelay $0x1  }
0x8a: {  	s1 =	srdreg.scid  }
0x8b: {  	s0 =	sand.u32 $0x1, s1  }
0x8c: {  	s14 =	sshll.u32 s0, $0xA;
	s2 =	sadd.s32 s3, s2  }
0x8d: {  	s2 =	sadd.s32 s2, s14  }
0x8e: {  	[smem:$0x3FC6] =	sst s2  }
0x8f: {  	_ = 	snop  }
0x90: {  	s2 =	sld [smem:$0x3FD0];
	_ =	sdelay $0x2  }
0x91: {  	s15 =	simm.s32 $0xA;
	s4 =	simm.s32 $0x10  }
0x92: {  	[smem:s4], [sflag:s15] =	dma.local [hbm:s2], $0x1  }
0x93: {  	_ =	swait.eq [sflag:s15], $0x1  }
0x94: {  	s16 =	sld [smem:$0x10];
	[sflag:s15] =	ssyncset.done $0x0  }
0x95: {  	s17 =	sld [smem:$0x11];
	[sflag:s15] =	ssyncadd.s32 $0xFFFFFFFF  }
0x96: {  	s18 =	sld [smem:$0x12];
	(tm) =	ssettm $0x1  }
0x97: {  	s5 =	sld [smem:$0x3FFB];
	_ =	sdelay $0x3  }
0x98: {  	_ =	strace s5  }
0x99: {  	s5 =	sld [smem:$0x3FFC];
	_ =	sdelay $0x3  }
0x9a: {  	_ =	strace s5  }
0x9b: {  	s5 =	sld [smem:$0x3FFD];
	_ =	sdelay $0x3  }
0x9c: {  	_ =	strace s5  }
0x9d: {  	_ =	strace $0x8FFFFFFF  }
0x9e: {  	s19 =	sld [smem:$0x3FDB];
	_ =	sdelay $0x1  }
0x9f: {  	s6 =	simm.s32 $_scs_section_size  }
0xa0: {  	s7 =	simm.s32 $_size__tile_overlayer_lowered;
	s8 =	simm.s32 $_tile_overlayer_lowered  }
0xa1: {  	s22 =	simm.s32 $0x1BFF;
	s21 =	sshll.u32 s8, $0x1;
	s5 =	sadd.s32 s6, s19  }
0xa2: {  	s9 =	simm.s32 $0x0;
	s20 =	sshll.u32 s7, $0x1;
	s7 =	sadd.s32 s21, s5  }
0xa3: {  	[timem:s9], [sflag:s22] =	dma.local [hbm:s7], s20  }
0xa4: {  	_ =	swait.ge [sflag:s22], s20  }
0xa5: {  	s6 =	ssub.s32 $0x0, s20;
	[sflag:s22] =	ssyncset.done $0x0  }
0xa6: {  	[sflag:s22] =	ssyncadd.s32 s6;
	_ =	sdelay $0x1  }
0xa7: {  	s23 =	simm.s32 $0x1B8B  }
0xa8: {  	_ =	swait.ge [sflag:s23], $0x1  }
0xa9: {  	[sflag:s23] =	ssyncset.done $0x0  }
0xaa: {  	s25 =	simm.s32 $0x1B8E;
	s24 =	sld [smem:$0x3FFE];
	[sflag:s23] =	ssyncadd.s32 $0xFFFFFFFF  }
0xab: {  	s26 =	simm.s32 $execute0_lowered;
	[smem:$0x3FD2] =	sst s25  }
0xac: {  	s7 =	sshll.u32 s26, $0x1;
	_ =	strace $0x80000046;
	[dreg:$0x1] =	wrdreg $0xFFFFFFFF  }
0xad: {  	s28 =	simm.s32 $_size_execute0_lowered;
	s5 =	sadd.s32 s5, s7;
	[dreg:$0x0] =	wrdreg $0x0  }
0xae: {  	s7 =	sshll.u32 s28, $0x1;
	[dreg:$0x2] =	wrdreg s5  }
0xaf: {  	[dreg:$0x3] =	wrdreg s7  }
0xb0: {  	[dreg:$0x4] =	wrdreg $0xC0  }
0xb1: {  	_ =	task [dreg:s9], $0x5FFFF  }
0xb2: {  	[dreg:$0x1] =	wrdreg $0xFFFFFFFF  }
0xb3: {  	[dreg:$0x0] =	wrdreg $0x60  }
0xb4: {  	[dreg:$0x2] =	wrdreg s24  }
0xb5: {  	[dreg:$0x3] =	wrdreg s16  }
0xb6: {  	[dreg:$0x4] =	wrdreg s18  }
0xb7: {  	[dreg:$0x5] =	wrdreg s17  }
0xb8: {  	[dreg:$0x6] =	wrdreg $0x9  }
0xb9: {  	_ =	task.clear_ibuf [dreg:s9], $0x7FFFF;
	_ =	strace $0x90000046  }
0xba: {  	s29 =	simm.s32 $0x9;
	_ =	strace $0x80000048  }
0xbb: {  	_ =	swait.ge [sflag:s29], $0x1  }
0xbc: {  	[sflag:s29] =	ssyncadd.s32 $0xFFFFFFFF  }
0xbd: {  	_ =	strace $0x90000048  }
0xbe: {  	_ =	sfence  }
0xbf: {  	s30 =	sld [smem:$0x0];
	_ =	sdelay $0x2  }
0xc0: {  	s31 =	sshll.u32 s1, $0xD;
	s1 =	sshrl.u32 s1, $0x2  }
0xc1: {  	s3 =	sand.u32 $0x4000, s31;
	s1 =	sadd.s32 s1, s30  }
0xc2: {  	s0 =	sor.u32 s3, s0;
	s1 =	sshll.u32 s1, $0x11  }
0xc3: {  	s0 =	sor.u32 s1, s0  }
0xc4: {  	s0 =	sadd.s32 $0x8F2B, s0  }
0xc5: {  	[sflag:s0] =	ssyncadd.remote.s32 $0x1  }
0xc6: {  	_ =	sfence.sel $0xFFFF  }
0xc7: {  	[dreg:$0x0] =	wrdreg $0xFFFFFFFF;
	(pc) =	sbr.abs _section_cstart, $3  }
0xc8: {  	[dreg:$0x1] =	wrdreg $0xFFFFFFFF  }
0xc9: {  	_ =	task.clear_ibuf [dreg:s9], $0x2FFFF;
	_ =	strace $0x9FFFFFFF  }
0xca: {  	(tm) =	ssettm $0x7FFFFFFF  }
0xcb: {  	_ =	shalt  }
tec
execute0_lowered:
.L_overlay_start_1:
0x0: {  	(tag) =	ssettag $0x1  }
0x1: {  	s0 =	rddreg [dreg:$0x0]  }
0x2: {  	s1 =	rddreg [dreg:$0x1]  }
0x3: {  	s6 =	rddreg [dreg:$0x2]  }
0x4: {  	s7 =	rddreg [dreg:$0x3]  }
0x5: {  	s3 =	srdreg.scid;
	s5 =	stileid.u32;
	s2 =	simm.s32 $0x0  }
0x6: {  	s28 =	simm.s32 $0x3680;
	s29 =	simm.s32 $0x3E80;
	s30 =	simm.s32 $0x4680  }
0x7: {  	s31 =	simm.s32 $0x4E80;
	s4 =	sand.u32 $0x1, s3;
	s18 =	sshll.u32 s5, $0x1  }
0x8: {  	[smem:$0x7FF] =	sst s2;
	s3 =	sadd.s32 $0x1400, s0;
	s24 =	sadd.s32 $0x13B0, s0  }
0x9: {  	v0 =	vimm.s32 $0xFEDCBA98;
	s25 =	sadd.s32 $0x9B0, s1;
	s26 =	sadd.s32 $0x9B0, s6;
	s15 =	sadd.s32 $0x9B0, s7  }
0xa: {  	v1 =	vimm.s32 $0x76543210;
	v5 =	vimm.s32 $0x32107654;
	s8 =	sor.u32 s4, s18;
	_ =	strace $0x80000047;
	[dreg:$0x9] =	wrdreg s24  }
0xb: {  	v6 =	vimm.s32 $0xDCFE98BA;
	v7 =	vimm.s32 $0x54761032;
	v0 =	vunpack.c.l.s4.s8 v0;
	s11 =	ssub.s32 $0x2, s4;
	s4 =	sadd.s32 $0x2200, s0;
	[dreg:$0xb] =	wrdreg s25  }
0xc: {  	v8 =	vimm.s32 $0xEFCDAB89;
	v9 =	vimm.s32 $0x67452301;
	v1 =	vunpack.c.l.s4.s8 v1;
	[dreg:$0xc] =	wrdreg s26;
	s24 =	simm.s32 $0x2;
	s25 =	simm.s32 $0x80  }
0xd: {  	v5 =	vunpack.c.l.s4.s8 v5;
	v6 =	vunpack.c.l.s4.s8 v6;
	s26 =	simm.s32 $0x400;
	s19 =	sshll.u32 s8, $0x4;
	s9 =	smul.u32 $0x50, s8;
	v2 =	vunpack.c.0.s8.s32 v0  }
0xe: {  	v7 =	vunpack.c.l.s4.s8 v7;
	v8 =	vunpack.c.l.s4.s8 v8;
	s12 =	sshrl.u32 s11, $0x1;
	v3 =	vunpack.c.0.s8.s32 v1;
	s13 =	smul.u32 $0x14000, s8;
	p0 =	seq.s32 s8, $0x1F  }
0xf: {  	v9 =	vunpack.c.l.s4.s8 v9;
	v0 =	vimm.f32 $0.0e+00;
	s10 =	sadd.s32 s19, s0;
	s11 =	ssub.s32 s11, s12;
	s20 =	sadd.s32 s0, s9;
	v4 =	vand.u32 $0xF, v2  }
0x10: {  	v1 =	vimm.s32 $0x0;
	s22 =	sadd.s32 s1, s9;
	s23 =	sadd.s32 s6, s9;
	s0 =	sadd.s32 $0x9B0, s0;
	v3 =	vcombine.low v4, v3;
	v4 =	vimm.s32 $0xBA98FEDC  }
0x11: {  	v5 =	vunpack.c.0.s8.s32 v5;
	v11 =	vunpack.c.0.s8.s32 v6;
	s14 =	sadd.s32 s7, s9;
	s17 =	sadd.s32 $0x2000, s10;
	[dreg:$0x7] =	wrdreg s22;
	v4 =	vunpack.c.l.s4.s8 v4  }
0x12: {  	v7 =	vunpack.c.0.s8.s32 v7;
	v12 =	vunpack.c.0.s8.s32 v8;
	v9 =	vunpack.c.0.s8.s32 v9;
	s19 =	smax.u32 s11, $0x1;
	s1 =	simm.s32 $0x4;
	[dreg:$0x8] =	wrdreg s23  }
0x13: {  	v6 =	vimm.s32 $0x3;
	v8 =	vimm.f32 $-1.000000000e+00;
	s6 =	simm.s32 $0x0;
	s21 =	sadd.s32 $0xA00, s20;
	[dreg:$0xa] =	wrdreg s0;
	v10 =	vunpack.c.0.s8.s32 v4  }
0x14: {  	v2 =	vimm.s32 $0x1;
	v7 =	vcombine.low v7, v11;
	v9 =	vcombine.low v9, v12;
	[dreg:$0x5] =	wrdreg s20;
	s16 =	sadd.s32 $0x1600, s20;
	s23 =	simm.s32 $0x1  }
0x15: {  	s0 =	simm.s32 $0x3;
	[dreg:$0x6] =	wrdreg s21;
	s21 =	simm.s32 $0x5;
	v4 =	vimm.s32 $0x2;
	v5 =	vcombine.low v5, v10;
	v10 =	vlaneseq.u32  }
.LBB2_1:
.Ltmp0:
0x16: {  	(pc) =	sbr.rel @!p0 .LBB2_2-.Ltmp0, $3  }
0x17: {  	_ =	sdelay $0x1  }
0x18: {  	s5 =	simm.s32 $0xA00  }
0x19: {  	[tilespmem:s5], [sflag:$0x2] =	stream.linear.gather [hbm4b:s3+s2], $0x400, $0x38;
	[tilespmem:$0x6400] =	vst v63  }
0x1a: {  	s7 =	simm.s32 $0x0;
	s5 =	rddreg [dreg:$0x9]  }
0x1b: {  	[tilespmem:s7], [sflag:$0x1] =	stream.linear.gather [hbm4b:s5+s7], $0xA0, $0x38;
	[tilespmem:$0x6400] =	vst v63  }
0x1c: {  	s11 =	rddreg [dreg:$0xa];
	s8 =	simm.s32 $0x280  }
0x1d: {  	[tilespmem:s8], [sflag:$0x1] =	stream.linear.gather [hbm4b:s11+s7], $0xA0, $0x38;
	[tilespmem:$0x6400] =	vst v63  }
0x1e: {  	s12 =	rddreg [dreg:$0xb];
	s18 =	simm.s32 $0x500  }
0x1f: {  	[tilespmem:s18], [sflag:$0x1] =	stream.linear.gather [hbm4b:s12+s7], $0xA0, $0x38;
	[tilespmem:$0x6400] =	vst v63  }
0x20: {  	s20 =	rddreg [dreg:$0xc];
	s22 =	simm.s32 $0x780  }
0x21: {  	[tilespmem:s22], [sflag:$0x1] =	stream.linear.gather [hbm4b:s20+s7], $0xA0, $0x38;
	[tilespmem:$0x6400] =	vst v63  }
0x22: {  	s8 =	simm.s32 $0x40;
	s7 =	simm.s32 $0x0  }
.LBB2_4:
0x23: {  	p1 =	sne.s32 s8, $0x740;
	[tilespmem:s7+$0x820] =	vst v0;
	s9 =	smov.u32 s8;
	s8 =	sadd.s32 $0x40, s8  }
.Ltmp1:
0x24: {  	[tilespmem:s7+$0x5A0] =	vst v0;
	(pc) =	sbr.rel @p1 .LBB2_4-.Ltmp1, $3  }
0x25: {  	[tilespmem:s7+$0xA0] =	vst v0  }
0x26: {  	[tilespmem:s7+$0x320] =	vst v0;
	_ =	sdelay $0x1  }
0x27: {  	s7 =	sshra.s32 s9, $0x2  }
0x28: {  	[tilespmem:s7+$0x820] =	vst v0  }
0x29: {  	[tilespmem:s7+$0x5A0] =	vst v0  }
0x2a: {  	[tilespmem:s7+$0xA0] =	vst v0  }
0x2b: {  	[tilespmem:s7+$0x320] =	vst v0  }
0x2c: {  	_ =	swait.ge [sflag:s23], $0xA0  }
0x2d: {  	[sflag:s23] =	ssyncset.done $0x0  }
0x2e: {  	[sflag:s23] =	ssyncadd.s32 $0xFFFFFF60  }
0x2f: {  	_ =	swait.ge [sflag:s23], $0xA0  }
0x30: {  	[sflag:s23] =	ssyncset.done $0x0  }
0x31: {  	[sflag:s23] =	ssyncadd.s32 $0xFFFFFF60  }
0x32: {  	_ =	swait.ge [sflag:s23], $0xA0  }
.Ltmp2:
0x33: {  	[sflag:s23] =	ssyncset.done $0x0;
	(pc) =	sbr.rel .LBB2_6-.Ltmp2, $4  }
0x34: {  	[sflag:s23] =	ssyncadd.s32 $0xFFFFFF60  }
0x35: {  	_ =	swait.ge [sflag:s23], $0xA0  }
0x36: {  	[sflag:s23] =	ssyncset.done $0x0  }
0x37: {  	[sflag:s23] =	ssyncadd.s32 $0xFFFFFF60  }
.LBB2_2:
0x38: {  	s5 =	rddreg [dreg:$0x6]  }
0x39: {  	[tilespmem:s2], [sflag:$0x1] =	stream.linear.gather [hbm4b:s5+s2], $0x280, $0x38;
	[tilespmem:$0x6400] =	vst v63  }
0x3a: {  	s11 =	rddreg [dreg:$0x5];
	s7 =	simm.s32 $0x280  }
0x3b: {  	[tilespmem:s7], [sflag:$0x1] =	stream.linear.gather [hbm4b:s11+s2], $0x280, $0x38;
	[tilespmem:$0x6400] =	vst v63  }
0x3c: {  	s12 =	rddreg [dreg:$0x7];
	s18 =	simm.s32 $0x500  }
0x3d: {  	[tilespmem:s18], [sflag:$0x1] =	stream.linear.gather [hbm4b:s12+s2], $0x280, $0x38;
	[tilespmem:$0x6400] =	vst v63  }
0x3e: {  	s20 =	rddreg [dreg:$0x8];
	s22 =	simm.s32 $0x780  }
0x3f: {  	[tilespmem:s22], [sflag:$0x1] =	stream.linear.gather [hbm4b:s20+s2], $0x280, $0x38;
	[tilespmem:$0x6400] =	vst v63  }
0x40: {  	_ =	swait.ge [sflag:s23], $0x280  }
0x41: {  	[sflag:s23] =	ssyncset.done $0x0  }
0x42: {  	[sflag:s23] =	ssyncadd.s32 $0xFFFFFD80  }
0x43: {  	_ =	swait.ge [sflag:s23], $0x280  }
0x44: {  	[sflag:s23] =	ssyncset.done $0x0  }
0x45: {  	[sflag:s23] =	ssyncadd.s32 $0xFFFFFD80  }
0x46: {  	_ =	swait.ge [sflag:s23], $0x280  }
0x47: {  	[sflag:s23] =	ssyncset.done $0x0  }
0x48: {  	[sflag:s23] =	ssyncadd.s32 $0xFFFFFD80  }
0x49: {  	_ =	swait.ge [sflag:s23], $0x280  }
0x4a: {  	[sflag:s23] =	ssyncset.done $0x0  }
0x4b: {  	[sflag:s23] =	ssyncadd.s32 $0xFFFFFD80  }
.LBB2_6:
0x4c: {  	_ =	swait.ge [sflag:s24], $0x400  }
0x4d: {  	[sflag:s24] =	ssyncset.done $0x0  }
0x4e: {  	s9 =	simm.s32 $0xA00;
	[sflag:s24] =	ssyncadd.s32 $0xFFFFFC00  }
0x4f: {  	s8 =	simm.s32 $0x0;
	v11 =	vld [tilespmem:s9+$0x0]  }
0x50: {  	s7 =	simm.s32 $0x0;
	s10 =	simm.s32 $0x40;
	[tilespmem:s8+$0x5680] =	vst v8  }
.LBB2_7:
0x51: {  	p1 =	sne.s32 s10, $0x1FC0;
	_ =	sdelay $0x2  }
0x52: {  	v12 =	vperm.xlane v11, v1;
	v13 =	vperm.xlane v11, v2  }
0x53: {  	v14 =	vperm.xlane v11, v4;
	v11 =	vperm.xlane v11, v6  }
0x54: {  	[tilespmem:s8+$0xE80] =	vst v12  }
0x55: {  	v12 =	vsub.f32 v14, v12;
	[tilespmem:s8+$0x1680] =	vst v13;
	v13 =	vsub.f32 v11, v13  }
0x56: {  	[tilespmem:s8+$0x1E80] =	vst v14  }
.Ltmp3:
0x57: {  	[tilespmem:s8+$0x2680] =	vst v11;
	v11 =	vmul.f32 v13, v12;
	(pc) =	sbr.rel @p1 .LBB2_7-.Ltmp3, $4  }
0x58: {  	_ = 	snop  }
0x59: {  	s9 =	sadd.s32 $0x8, s9;
	[tilespmem:s8+$0x2E80] =	vst v11;
	s8 =	sshra.s32 s10, $0x2  }
0x5a: {  	v11 =	vld [tilespmem:s9+$0x0];
	[tilespmem:s8+$0x5680] =	vst v8  }
0x5b: {  	s10 =	sadd.s32 $0x40, s10  }
0x5c: {  	_ =	sdelay $0x2  }
0x5d: {  	v12 =	vperm.xlane v11, v1;
	v13 =	vperm.xlane v11, v2  }
0x5e: {  	v14 =	vperm.xlane v11, v4;
	v11 =	vperm.xlane v11, v6;
	_ =	sdelay $0x1  }
0x5f: {  	[tilespmem:s8+$0xE80] =	vst v12;
	v12 =	vsub.f32 v14, v12;
	v15 =	vsub.f32 v11, v13  }
0x60: {  	[tilespmem:s8+$0x1680] =	vst v13  }
0x61: {  	[tilespmem:s8+$0x1E80] =	vst v14;
	v12 =	vmul.f32 v15, v12  }
0x62: {  	[tilespmem:s8+$0x2680] =	vst v11  }
0x63: {  	[tilespmem:s8+$0x2E80] =	vst v12  }
.LBB2_9:
0x64: {  	p1 =	seq.s32 s7, $0x0  }
0x65: {  	s8 =	simm.s32 @!p1 $0x1  }
0x66: {  	_ =	swait.ge @!p1 [sflag:s8], $0x800  }
0x67: {  	[sflag:s8] =	ssyncset.done @!p1 $0x0  }
0x68: {  	[sflag:s8] =	ssyncadd.s32 @!p1 $0xFFFFF800;
	s8 =	simm.s32 @!p1 $0x2  }
0x69: {  	_ =	swait.ge @!p1 [sflag:s8], $0x800  }
0x6a: {  	[sflag:s8] =	ssyncset.done @!p1 $0x0  }
0x6b: {  	[sflag:s8] =	ssyncadd.s32 @!p1 $0xFFFFF800;
	s8 =	sshll.u32 s7, $0x6  }
0x6c: {  	v12 =	vld [tilespmem:s8+$0x0]  }
0x6d: {  	v13 =	vld [tilespmem:s8+$0x280]  }
0x6e: {  	v14 =	vld [tilespmem:s8+$0x500]  }
0x6f: {  	v15 =	vld [tilespmem:s8+$0x780]  }
0x70: {  	v16 =	vld [tilespmem:s8+$0x10]  }
0x71: {  	v17 =	vld [tilespmem:s8+$0x290]  }
0x72: {  	v18 =	vld [tilespmem:s8+$0x510]  }
0x73: {  	s22 =	simm.s32 $0x0;
	v19 =	vld [tilespmem:s8+$0x790]  }
0x74: {  	v23 =	vld [tilespmem:s22+$0xE80]  }
0x75: {  	v24 =	vld [tilespmem:s22+$0x1680]  }
0x76: {  	v25 =	vld [tilespmem:s22+$0x1E80]  }
0x77: {  	v26 =	vld [tilespmem:s22+$0x2680]  }
0x78: {  	v29 =	vld [tilespmem:s22+$0xE90]  }
0x79: {  	v30 =	vld [tilespmem:s22+$0x1690]  }
0x7a: {  	v31 =	vld [tilespmem:s22+$0x2690];
	v11 =	vsub.f32 v14, v12  }
0x7b: {  	v21 =	vsub.f32 v15, v13;
	v27 =	vsub.f32 v18, v16  }
0x7c: {  	v28 =	vsub.f32 v19, v17;
	v33 =	vmax.f32 v12, v23;
	v34 =	vmax.f32 v13, v24  }
0x7d: {  	v35 =	vmin.f32 v14, v25;
	v36 =	vmin.f32 v15, v26;
	v23 =	vmax.f32 v16, v23  }
0x7e: {  	v24 =	vmax.f32 v17, v24;
	v25 =	vmin.f32 v18, v25;
	v26 =	vmin.f32 v19, v26  }
0x7f: {  	v20 =	vld [tilespmem:s22+$0x2E80];
	v37 =	vmax.f32 v12, v29;
	v38 =	vmax.f32 v13, v30;
	v40 =	vmin.f32 v15, v31  }
0x80: {  	v29 =	vmax.f32 v16, v29;
	v21 =	vmul.f32 v21, v11;
	v11 =	vmul.f32 v28, v27;
	v27 =	vld [tilespmem:s22+$0x1E90]  }
0x81: {  	v30 =	vmax.f32 v17, v30;
	v33 =	vsub.f32 v35, v33;
	v34 =	vsub.f32 v36, v34  }
0x82: {  	v22 =	vld [tilespmem:s22+$0x2E90];
	v23 =	vsub.f32 v25, v23;
	v24 =	vsub.f32 v26, v24;
	v25 =	vmin.f32 v19, v31  }
0x83: {  	v31 =	vsub.f32 v40, v38;
	v25 =	vsub.f32 v25, v30;
	v30 =	vmax.f32 v34, $0.0e+00  }
0x84: {  	v23 =	vmax.f32 v23, $0.0e+00;
	v24 =	vmax.f32 v24, $0.0e+00;
	v28 =	vadd.f32 v20, v21  }
0x85: {  	v20 =	vadd.f32 v20, v11;
	v39 =	vmin.f32 v14, v27;
	v27 =	vmin.f32 v18, v27  }
0x86: {  	s9 =	simm.s32 $0x20;
	v26 =	vsub.f32 v39, v37;
	v27 =	vsub.f32 v27, v29;
	v29 =	vmax.f32 v33, $0.0e+00  }
0x87: {  	v61 =	vld [tilespmem:s9+$0xE80];
	v32 =	vadd.f32 v22, v21;
	v24 =	vmul.f32 v24, v23;
	v34 =	vmul.f32 v30, v29  }
0x88: {  	v62 =	vld [tilespmem:s9+$0xE90];
	v23 =	vmax.f32 v31, $0.0e+00;
	v29 =	vmax.f32 v26, $0.0e+00;
	v27 =	vmax.f32 v27, $0.0e+00  }
0x89: {  	v63 =	vld [tilespmem:s9+$0x1690];
	v28 =	vsub.f32 v28, v34;
	v29 =	vmul.f32 v23, v29;
	v23 =	vmax.f32 v25, $0.0e+00  }
0x8a: {  	v52 =	vld [tilespmem:s9+$0x1E90];
	v22 =	vadd.f32 v22, v11;
	v20 =	vsub.f32 v20, v24;
	v30 =	vmul.f32 v23, v27  }
0x8b: {  	v53 =	vld [tilespmem:s9+$0x2690];
	v23 =	vsub.f32 v32, v29;
	(erf) = vrcp.f32 v28  }
0x8c: {  	v60 =	vld [tilespmem:s9+$0x2E80];
	v31 =	vsub.f32 v22, v30;
	(erf) = vrcp.f32 v20  }
0x8d: {  	v26 =	vld [tilespmem:s9+$0x2E90];
	(erf) = vrcp.f32 v23  }
0x8e: {  	v43 =	vmax.f32 v16, v61;
	v25 =	vld [tilespmem:s9+$0x1680];
	(erf) = vrcp.f32 v31  }
0x8f: {  	v41 =	vmax.f32 v12, v62;
	v44 =	vmax.f32 v13, v63;
	v48 =	vmin.f32 v14, v52;
	v27 =	vld [tilespmem:s9+$0x1E80]  }
0x90: {  	v49 =	vmin.f32 v15, v53;
	v50 =	vmax.f32 v16, v62;
	v51 =	vmax.f32 v17, v63;
	v28 =	vld [tilespmem:s9+$0x2680]  }
0x91: {  	v52 =	vmin.f32 v18, v52;
	v54 =	vmin.f32 v19, v53;
	v40 =	vmax.f32 v12, v61  }
0x92: {  	s10 =	simm.s32 $0x0;
	v33 =	vadd.f32 v60, v11;
	v32 =	vadd.f32 v60, v21;
	v22 =	vimm.f32 $-1.000000000e+00  }
0x93: {  	v20 =	vimm.s32 $0x0;
	v23 =	vmov s10;
	v31 =	vadd.f32 v26, v21  }
0x94: {  	v38 =	vmax.f32 v13, v25;
	v39 =	vmax.f32 v17, v25;
	v45 =	vmin.f32 v14, v27;
	v25 =	vpop (erf)  }
0x95: {  	v36 =	vld [tilespmem:s22+$0x5680];
	v47 =	vmin.f32 v18, v27;
	v42 =	vmin.f32 v15, v28;
	v46 =	vmin.f32 v19, v28;
	v27 =	vpop (erf)  }
0x96: {  	v37 =	vld [tilespmem:s22+$0x5690];
	v28 =	vimm.f32 $-1.000000000e+00;
	v35 =	vmul.f32 v25, v34;
	v25 =	vimm.s32 $0x0;
	v53 =	vpop (erf)  }
0x97: {  	s12 =	sshll.u32 s7, $0x9;
	s18 =	simm.s32 $0x100;
	s11 =	sor.u32 $0x10, s8;
	v34 =	vmul.f32 v27, v24;
	v24 =	vimm.f32 $-1.000000000e+00;
	v27 =	vimm.f32 $-1.000000000e+00;
	v55 =	vpop (erf)  }
.LBB2_10:
0x98: {  	p2 =	sne.s32 s18, $0x1F80;
	v40 =	vsub.f32 v45, v40;
	v45 =	vmul.f32 v53, v29;
	v53 =	vmul.f32 v55, v30  }
0x99: {  	v29 =	vsub.f32 v42, v38;
	v30 =	vsub.f32 v47, v43;
	[tilespmem:s22+$0x3680] =	vst v35;
	v38 =	vmax.f32 v35, v34  }
0x9a: {  	v39 =	vsub.f32 v46, v39;
	[tilespmem:s22+$0x3E80] =	vst v34;
	v36 =	vmax.f32 v36, v38;
	v38 =	vmax.f32 v45, v53  }
0x9b: {  	v41 =	vsub.f32 v48, v41;
	v42 =	vsub.f32 v49, v44;
	[tilespmem:s22+$0x5680] =	vst v36;
	v36 =	vmax.f32 v37, v38  }
0x9c: {  	v37 =	vsub.f32 v52, v50;
	v38 =	vsub.f32 v54, v51;
	[tilespmem:s22+$0x5690] =	vst v36;
	v36 =	vmax.f32 v35, v45  }
0x9d: {  	s20 =	sshra.s32 s18, $0x2;
	v40 =	vmax.f32 v40, $0.0e+00;
	v29 =	vmax.f32 v29, $0.0e+00;
	v30 =	vmax.f32 v30, $0.0e+00;
	[tilespmem:s22+$0x3690] =	vst v45  }
0x9e: {  	v55 =	vmul.f32 v29, v40;
	v29 =	vmax.f32 v39, $0.0e+00;
	v39 =	vmax.f32 v41, $0.0e+00;
	v43 =	vld [tilespmem:s20+$0x2E80];
	[tilespmem:s22+$0x3E90] =	vst v53;
	s22 =	smov.u32 s9;
	s9 =	smov.u32 s20  }
0x9f: {  	v56 =	vmul.f32 v29, v30;
	v29 =	vmax.f32 v42, $0.0e+00;
	v30 =	vmax.f32 v37, $0.0e+00;
	v40 =	vld [tilespmem:s9+$0x2E90]  }
0xa0: {  	v32 =	vsub.f32 v32, v55;
	v29 =	vmul.f32 v29, v39;
	v38 =	vmax.f32 v38, $0.0e+00;
	v37 =	vld [tilespmem:s9+$0xE80]  }
0xa1: {  	v42 =	vadd.f32 v26, v11;
	v33 =	vsub.f32 v33, v56;
	v30 =	vmul.f32 v38, v30;
	v39 =	vld [tilespmem:s9+$0x1680]  }
0xa2: {  	v31 =	vsub.f32 v31, v29;
	v41 =	vld [tilespmem:s9+$0x1E80];
	(erf) = vrcp.f32 v32;
	v32 =	vmax.f32 v34, v53  }
0xa3: {  	vm0 =	vgt.f32 v45, v35;
	v38 =	vsub.f32 v42, v30;
	v44 =	vld [tilespmem:s9+$0x2680];
	(erf) = vrcp.f32 v33  }
0xa4: {  	vm1 =	vgt.f32 v53, v34;
	v22 =	vmax.f32 v22, v36;
	s20 =	sadd.s32 $0x1, s10;
	v35 =	vld [tilespmem:s9+$0xE90];
	(erf) = vrcp.f32 v31;
	v26 =	vmovc v40  }
0xa5: {  	v24 =	vmax.f32 v24, v32;
	v31 =	vsel vm0, s20, v23;
	v34 =	vld [tilespmem:s9+$0x1690];
	(erf) = vrcp.f32 v38  }
0xa6: {  	vm0 =	vgt.f32 v36, v28;
	v23 =	vsel vm1, s20, v23;
	vm1 =	vgt.f32 v32, v27;
	v28 =	vmovc v22;
	v27 =	vmovc v24;
	v52 =	vld [tilespmem:s9+$0x1E90]  }
0xa7: {  	s10 =	sadd.s32 $0x2, s10;
	v32 =	vadd.f32 v43, v21;
	v20 =	vsel vm0, v31, v20;
	v25 =	vsel vm1, v23, v25;
	v54 =	vld [tilespmem:s9+$0x2690]  }
0xa8: {  	v33 =	vadd.f32 v43, v11;
	v31 =	vadd.f32 v26, v21;
	v23 =	vmov s10  }
0xa9: {  	v40 =	vmax.f32 v12, v37;
	v38 =	vmax.f32 v13, v39;
	v45 =	vmin.f32 v14, v41  }
.Ltmp4:
0xaa: {  	v43 =	vmax.f32 v16, v37;
	v39 =	vmax.f32 v17, v39;
	v42 =	vmin.f32 v15, v44;
	(pc) =	sbr.rel @p2 .LBB2_10-.Ltmp4, $4  }
0xab: {  	v47 =	vmin.f32 v18, v41;
	v46 =	vmin.f32 v19, v44;
	v41 =	vmax.f32 v12, v35;
	v57 =	vpop (erf)  }
0xac: {  	v44 =	vmax.f32 v13, v34;
	v48 =	vmin.f32 v14, v52;
	v49 =	vmin.f32 v15, v54;
	v36 =	vld [tilespmem:s22+$0x5680];
	v58 =	vpop (erf)  }
0xad: {  	v50 =	vmax.f32 v16, v35;
	v51 =	vmax.f32 v17, v34;
	v52 =	vmin.f32 v18, v52;
	v37 =	vld [tilespmem:s22+$0x5690];
	v53 =	vpop (erf)  }
0xae: {  	s18 =	sadd.s32 $0x80, s18;
	v54 =	vmin.f32 v19, v54;
	v35 =	vmul.f32 v57, v55;
	v34 =	vmul.f32 v58, v56;
	v55 =	vpop (erf)  }
0xaf: {  	v12 =	vsub.f32 v45, v40;
	v13 =	vsub.f32 v42, v38  }
0xb0: {  	v14 =	vsub.f32 v47, v43;
	v15 =	vsub.f32 v46, v39  }
0xb1: {  	v16 =	vsub.f32 v48, v41;
	v17 =	vsub.f32 v49, v44  }
0xb2: {  	v18 =	vsub.f32 v52, v50;
	v19 =	vsub.f32 v54, v51  }
0xb3: {  	v12 =	vmax.f32 v12, $0.0e+00;
	v13 =	vmax.f32 v13, $0.0e+00;
	v14 =	vmax.f32 v14, $0.0e+00  }
0xb4: {  	v12 =	vmul.f32 v13, v12;
	v13 =	vmax.f32 v15, $0.0e+00;
	v15 =	vmax.f32 v16, $0.0e+00  }
0xb5: {  	v16 =	vmax.f32 v18, $0.0e+00;
	v13 =	vmul.f32 v13, v14;
	v14 =	vmax.f32 v17, $0.0e+00  }
0xb6: {  	v17 =	vsub.f32 v32, v12;
	v14 =	vmul.f32 v14, v15;
	v15 =	vmax.f32 v19, $0.0e+00  }
0xb7: {  	v11 =	vadd.f32 v26, v11;
	v18 =	vsub.f32 v33, v13;
	v15 =	vmul.f32 v15, v16  }
0xb8: {  	v16 =	vsub.f32 v31, v14;
	(erf) = vrcp.f32 v17  }
0xb9: {  	v11 =	vsub.f32 v11, v15;
	(erf) = vrcp.f32 v18  }
0xba: {  	v17 =	vmul.f32 v53, v29;
	(erf) = vrcp.f32 v16  }
0xbb: {  	v16 =	vmul.f32 v55, v30;
	(erf) = vrcp.f32 v11  }
0xbc: {  	[tilespmem:s22+$0x3680] =	vst v35;
	v11 =	vmax.f32 v35, v34  }
0xbd: {  	[tilespmem:s22+$0x3E80] =	vst v34;
	v11 =	vmax.f32 v36, v11;
	v18 =	vmax.f32 v17, v16  }
0xbe: {  	[tilespmem:s22+$0x5680] =	vst v11;
	v11 =	vmax.f32 v37, v18  }
0xbf: {  	[tilespmem:s22+$0x3690] =	vst v17  }
0xc0: {  	[tilespmem:s22+$0x3E90] =	vst v16  }
0xc1: {  	[tilespmem:s22+$0x5690] =	vst v11;
	v11 =	vpop (erf)  }
0xc2: {  	v21 =	vmax.f32 v35, v17;
	vm0 =	vgt.f32 v17, v35;
	v18 =	vld [tilespmem:s9+$0x5680];
	v19 =	vpop (erf)  }
0xc3: {  	vm10 =	vgt.f32 v21, v28;
	v26 =	vmax.f32 v34, v16;
	v29 =	vld [tilespmem:s9+$0x5690];
	v11 =	vmul.f32 v11, v12;
	v30 =	vpop (erf)  }
0xc4: {  	s18 =	sadd.s32 $0x1, s10;
	vm1 =	vgt.f32 v16, v34;
	vm11 =	vgt.f32 v26, v27;
	v12 =	vmul.f32 v19, v13;
	v13 =	vpop (erf)  }
0xc5: {  	v19 =	vsel vm1, s18, v23;
	v14 =	vmul.f32 v30, v14;
	[tilespmem:s9+$0x3680] =	vst v11;
	v13 =	vmul.f32 v13, v15  }
0xc6: {  	v17 =	vmax.f32 v22, v21;
	v19 =	vsel vm11, v19, v25;
	v16 =	vmax.f32 v11, v12;
	[tilespmem:s9+$0x3E80] =	vst v12  }
0xc7: {  	v15 =	vsel vm0, s18, v23;
	v16 =	vmax.f32 v18, v16;
	[tilespmem:s9+$0x3690] =	vst v14;
	v18 =	vmax.f32 v14, v13  }
0xc8: {  	s20 =	sadd.s32 $0x2, s10;
	v15 =	vsel vm10, v15, v20;
	v20 =	vmax.f32 v11, v14;
	[tilespmem:s9+$0x5680] =	vst v16;
	v16 =	vmax.f32 v29, v18  }
0xc9: {  	s10 =	sadd.s32 $0x1, s20;
	s22 =	sshll.u32 s7, $0xD;
	vm12 =	vgt.f32 v14, v11;
	v11 =	vmax.f32 v17, v20;
	[tilespmem:s9+$0x5690] =	vst v16;
	v16 =	vmov s20  }
0xca: {  	s5 =	sand.u32 $0x1C000, s22;
	[tilespmem:s9+$0x3E90] =	vst v13;
	vm13 =	vgt.f32 v20, v17;
	v17 =	vmax.f32 v12, v13;
	v14 =	vsel vm12, s10, v16  }
0xcb: {  	s12 =	sand.u32 $0x200, s12;
	s22 =	sadd.s32 s13, s5;
	vm14 =	vgt.f32 v13, v12;
	v18 =	vmax.f32 v24, v26;
	[tilespmem:s8+$0x5E80] =	vst v11;
	v12 =	vsel vm13, v14, v15  }
0xcc: {  	s18 =	sor.u32 s12, s22;
	vm15 =	vgt.f32 v17, v18;
	v11 =	vmax.f32 v18, v17;
	v13 =	vsel vm14, s10, v16;
	[tilespmem:s8+$0x6100] =	vst v12  }
0xcd: {  	v12 =	vsel vm15, v13, v19;
	s8 =	sshrl.u32 s18, $0x3;
	[tilespmem:s11+$0x5E80] =	vst v11  }
0xce: {  	[tilespmem:s11+$0x6100] =	vst v12;
	s8 =	sadd.s32 s4, s8  }
0xcf: {  	[hbm4b:s8+s25] =	stream.strided.scatter [tilespmem:s28], [sflag:$0x1], $0x800, s26, s25, $0x38;
	[tilespmem:$0x6400] =	vst v63  }
0xd0: {  	s8 =	sadd.s32 $0x10, s8  }
0xd1: {  	[hbm4b:s8+s25] =	stream.strided.scatter [tilespmem:s29], [sflag:$0x2], $0x800, s26, s25, $0x38;
	[tilespmem:$0x6400] =	vst v63  }
0xd2: {  	s8 =	simm.s32 @!p1 $0x3  }
0xd3: {  	_ =	swait.ge @!p1 [sflag:s8], $0x800  }
0xd4: {  	[sflag:s8] =	ssyncset.done @!p1 $0x0  }
0xd5: {  	[sflag:s8] =	ssyncadd.s32 @!p1 $0xFFFFF800;
	s8 =	simm.s32 @!p1 $0x4  }
0xd6: {  	_ =	swait.ge @!p1 [sflag:s8], $0x800  }
0xd7: {  	s20 =	sshllo.u32 s7, $0x1;
	[sflag:s8] =	ssyncset.done @!p1 $0x0  }
0xd8: {  	[sflag:s8] =	ssyncadd.s32 @!p1 $0xFFFFF800;
	s8 =	sshll.u32 s20, $0x5  }
0xd9: {  	v12 =	vld [tilespmem:s8+$0x0]  }
0xda: {  	v13 =	vld [tilespmem:s8+$0x280]  }
0xdb: {  	v14 =	vld [tilespmem:s8+$0x500]  }
0xdc: {  	v15 =	vld [tilespmem:s8+$0x780]  }
0xdd: {  	v16 =	vld [tilespmem:s8+$0x10]  }
0xde: {  	v17 =	vld [tilespmem:s8+$0x290]  }
0xdf: {  	v18 =	vld [tilespmem:s8+$0x510]  }
0xe0: {  	s9 =	simm.s32 $0x0;
	v19 =	vld [tilespmem:s8+$0x790]  }
0xe1: {  	v23 =	vld [tilespmem:s9+$0xE80]  }
0xe2: {  	v24 =	vld [tilespmem:s9+$0x1680]  }
0xe3: {  	v25 =	vld [tilespmem:s9+$0x1E80]  }
0xe4: {  	v26 =	vld [tilespmem:s9+$0x2680]  }
0xe5: {  	v29 =	vld [tilespmem:s9+$0xE90]  }
0xe6: {  	v30 =	vld [tilespmem:s9+$0x1690]  }
0xe7: {  	v31 =	vld [tilespmem:s9+$0x2690];
	v11 =	vsub.f32 v14, v12  }
0xe8: {  	v21 =	vsub.f32 v15, v13;
	v27 =	vsub.f32 v18, v16  }
0xe9: {  	v28 =	vsub.f32 v19, v17;
	v50 =	vmax.f32 v12, v23;
	v51 =	vmax.f32 v13, v24  }
0xea: {  	v52 =	vmin.f32 v14, v25;
	v53 =	vmin.f32 v15, v26;
	v23 =	vmax.f32 v16, v23  }
0xeb: {  	v24 =	vmax.f32 v17, v24;
	v25 =	vmin.f32 v18, v25;
	v26 =	vmin.f32 v19, v26  }
0xec: {  	v20 =	vld [tilespmem:s9+$0x2E80];
	v54 =	vmax.f32 v12, v29;
	v55 =	vmax.f32 v13, v30;
	v57 =	vmin.f32 v15, v31  }
0xed: {  	v29 =	vmax.f32 v16, v29;
	v21 =	vmul.f32 v21, v11;
	v11 =	vmul.f32 v28, v27;
	v27 =	vld [tilespmem:s9+$0x1E90]  }
0xee: {  	v30 =	vmax.f32 v17, v30;
	v33 =	vsub.f32 v52, v50;
	v34 =	vsub.f32 v53, v51  }
0xef: {  	v22 =	vld [tilespmem:s9+$0x2E90];
	v23 =	vsub.f32 v25, v23;
	v24 =	vsub.f32 v26, v24;
	v25 =	vmin.f32 v19, v31  }
0xf0: {  	v31 =	vsub.f32 v57, v55;
	v25 =	vsub.f32 v25, v30;
	v30 =	vmax.f32 v34, $0.0e+00  }
0xf1: {  	v23 =	vmax.f32 v23, $0.0e+00;
	v24 =	vmax.f32 v24, $0.0e+00;
	v28 =	vadd.f32 v20, v21  }
0xf2: {  	v20 =	vadd.f32 v20, v11;
	v56 =	vmin.f32 v14, v27;
	v27 =	vmin.f32 v18, v27  }
0xf3: {  	s10 =	simm.s32 $0x20;
	v26 =	vsub.f32 v56, v54;
	v27 =	vsub.f32 v27, v29;
	v29 =	vmax.f32 v33, $0.0e+00  }
0xf4: {  	v58 =	vld [tilespmem:s10+$0x2E80];
	v49 =	vadd.f32 v22, v21;
	v24 =	vmul.f32 v24, v23;
	v34 =	vmul.f32 v30, v29  }
0xf5: {  	v59 =	vld [tilespmem:s10+$0xE80];
	v23 =	vmax.f32 v31, $0.0e+00;
	v29 =	vmax.f32 v26, $0.0e+00;
	v27 =	vmax.f32 v27, $0.0e+00  }
0xf6: {  	v60 =	vld [tilespmem:s10+$0xE90];
	v28 =	vsub.f32 v28, v34;
	v29 =	vmul.f32 v23, v29;
	v23 =	vmax.f32 v25, $0.0e+00  }
0xf7: {  	v61 =	vld [tilespmem:s10+$0x1690];
	v22 =	vadd.f32 v22, v11;
	v20 =	vsub.f32 v20, v24;
	v30 =	vmul.f32 v23, v27  }
0xf8: {  	v62 =	vld [tilespmem:s10+$0x1E90];
	v23 =	vsub.f32 v49, v29;
	(erf) = vrcp.f32 v28  }
0xf9: {  	v63 =	vld [tilespmem:s10+$0x2690];
	v31 =	vsub.f32 v22, v30;
	(erf) = vrcp.f32 v20  }
0xfa: {  	v26 =	vld [tilespmem:s10+$0x2E90];
	(erf) = vrcp.f32 v23  }
0xfb: {  	v40 =	vmax.f32 v12, v59;
	v25 =	vld [tilespmem:s10+$0x1680];
	(erf) = vrcp.f32 v31  }
0xfc: {  	v43 =	vmax.f32 v16, v59;
	v41 =	vmax.f32 v12, v60;
	v44 =	vmax.f32 v13, v61;
	v27 =	vld [tilespmem:s10+$0x1E80]  }
0xfd: {  	v48 =	vmin.f32 v14, v62;
	v50 =	vmax.f32 v16, v60;
	v51 =	vmax.f32 v17, v61;
	v28 =	vld [tilespmem:s10+$0x2680]  }
0xfe: {  	v52 =	vmin.f32 v18, v62;
	v32 =	vadd.f32 v58, v21;
	v33 =	vadd.f32 v58, v11  }
0xff: {  	s11 =	simm.s32 $0x0;
	v54 =	vmin.f32 v19, v63;
	v49 =	vmin.f32 v15, v63;
	v22 =	vimm.f32 $-1.000000000e+00  }
0x100: {  	v20 =	vimm.s32 $0x0;
	v23 =	vmov s11;
	v31 =	vadd.f32 v26, v21  }
0x101: {  	v38 =	vmax.f32 v13, v25;
	v39 =	vmax.f32 v17, v25;
	v45 =	vmin.f32 v14, v27;
	v25 =	vpop (erf)  }
0x102: {  	v36 =	vld [tilespmem:s9+$0x5680];
	v47 =	vmin.f32 v18, v27;
	v42 =	vmin.f32 v15, v28;
	v46 =	vmin.f32 v19, v28;
	v27 =	vpop (erf)  }
0x103: {  	v37 =	vld [tilespmem:s9+$0x5690];
	v28 =	vimm.f32 $-1.000000000e+00;
	v35 =	vmul.f32 v25, v34;
	v25 =	vimm.s32 $0x0;
	v53 =	vpop (erf)  }
0x104: {  	s18 =	sshll.u32 s20, $0x8;
	s20 =	simm.s32 $0x100;
	s12 =	sor.u32 $0x10, s8;
	v34 =	vmul.f32 v27, v24;
	v24 =	vimm.f32 $-1.000000000e+00;
	v27 =	vimm.f32 $-1.000000000e+00;
	v55 =	vpop (erf)  }
.LBB2_12:
0x105: {  	p1 =	sne.s32 s20, $0x1F80;
	v40 =	vsub.f32 v45, v40;
	v45 =	vmul.f32 v53, v29;
	v53 =	vmul.f32 v55, v30  }
0x106: {  	v29 =	vsub.f32 v42, v38;
	v30 =	vsub.f32 v47, v43;
	[tilespmem:s9+$0x4680] =	vst v35;
	v38 =	vmax.f32 v35, v34  }
0x107: {  	v39 =	vsub.f32 v46, v39;
	[tilespmem:s9+$0x4E80] =	vst v34;
	v36 =	vmax.f32 v36, v38;
	v38 =	vmax.f32 v45, v53  }
0x108: {  	v41 =	vsub.f32 v48, v41;
	v42 =	vsub.f32 v49, v44;
	[tilespmem:s9+$0x5680] =	vst v36;
	v36 =	vmax.f32 v37, v38  }
0x109: {  	v37 =	vsub.f32 v52, v50;
	v38 =	vsub.f32 v54, v51;
	[tilespmem:s9+$0x5690] =	vst v36;
	v36 =	vmax.f32 v35, v45  }
0x10a: {  	s5 =	sshra.s32 s20, $0x2;
	v40 =	vmax.f32 v40, $0.0e+00;
	v29 =	vmax.f32 v29, $0.0e+00;
	v30 =	vmax.f32 v30, $0.0e+00;
	[tilespmem:s9+$0x4690] =	vst v45  }
0x10b: {  	v55 =	vmul.f32 v29, v40;
	v29 =	vmax.f32 v39, $0.0e+00;
	v39 =	vmax.f32 v41, $0.0e+00;
	v43 =	vld [tilespmem:s5+$0x2E80];
	[tilespmem:s9+$0x4E90] =	vst v53;
	s9 =	smov.u32 s10;
	s10 =	smov.u32 s5  }
0x10c: {  	v56 =	vmul.f32 v29, v30;
	v29 =	vmax.f32 v42, $0.0e+00;
	v30 =	vmax.f32 v37, $0.0e+00;
	v40 =	vld [tilespmem:s10+$0x2E90]  }
0x10d: {  	v32 =	vsub.f32 v32, v55;
	v29 =	vmul.f32 v29, v39;
	v38 =	vmax.f32 v38, $0.0e+00;
	v37 =	vld [tilespmem:s10+$0xE80]  }
0x10e: {  	v42 =	vadd.f32 v26, v11;
	v33 =	vsub.f32 v33, v56;
	v30 =	vmul.f32 v38, v30;
	v39 =	vld [tilespmem:s10+$0x1680]  }
0x10f: {  	v31 =	vsub.f32 v31, v29;
	v41 =	vld [tilespmem:s10+$0x1E80];
	(erf) = vrcp.f32 v32;
	v32 =	vmax.f32 v34, v53  }
0x110: {  	vm0 =	vgt.f32 v45, v35;
	v38 =	vsub.f32 v42, v30;
	v44 =	vld [tilespmem:s10+$0x2680];
	(erf) = vrcp.f32 v33  }
0x111: {  	vm1 =	vgt.f32 v53, v34;
	v22 =	vmax.f32 v22, v36;
	s5 =	sadd.s32 $0x1, s11;
	v35 =	vld [tilespmem:s10+$0xE90];
	(erf) = vrcp.f32 v31;
	v26 =	vmovc v40  }
0x112: {  	v24 =	vmax.f32 v24, v32;
	v31 =	vsel vm0, s5, v23;
	v34 =	vld [tilespmem:s10+$0x1690];
	(erf) = vrcp.f32 v38  }
0x113: {  	vm0 =	vgt.f32 v36, v28;
	v23 =	vsel vm1, s5, v23;
	vm1 =	vgt.f32 v32, v27;
	v28 =	vmovc v22;
	v27 =	vmovc v24;
	v52 =	vld [tilespmem:s10+$0x1E90]  }
0x114: {  	s11 =	sadd.s32 $0x2, s11;
	v32 =	vadd.f32 v43, v21;
	v20 =	vsel vm0, v31, v20;
	v25 =	vsel vm1, v23, v25;
	v54 =	vld [tilespmem:s10+$0x2690]  }
0x115: {  	v33 =	vadd.f32 v43, v11;
	v31 =	vadd.f32 v26, v21;
	v23 =	vmov s11  }
0x116: {  	v40 =	vmax.f32 v12, v37;
	v38 =	vmax.f32 v13, v39;
	v45 =	vmin.f32 v14, v41  }
.Ltmp5:
0x117: {  	v43 =	vmax.f32 v16, v37;
	v39 =	vmax.f32 v17, v39;
	v42 =	vmin.f32 v15, v44;
	(pc) =	sbr.rel @p1 .LBB2_12-.Ltmp5, $4  }
0x118: {  	v47 =	vmin.f32 v18, v41;
	v46 =	vmin.f32 v19, v44;
	v41 =	vmax.f32 v12, v35;
	v57 =	vpop (erf)  }
0x119: {  	v44 =	vmax.f32 v13, v34;
	v48 =	vmin.f32 v14, v52;
	v49 =	vmin.f32 v15, v54;
	v36 =	vld [tilespmem:s9+$0x5680];
	v58 =	vpop (erf)  }
0x11a: {  	v50 =	vmax.f32 v16, v35;
	v51 =	vmax.f32 v17, v34;
	v52 =	vmin.f32 v18, v52;
	v37 =	vld [tilespmem:s9+$0x5690];
	v53 =	vpop (erf)  }
0x11b: {  	s20 =	sadd.s32 $0x80, s20;
	v54 =	vmin.f32 v19, v54;
	v35 =	vmul.f32 v57, v55;
	v34 =	vmul.f32 v58, v56;
	v55 =	vpop (erf)  }
0x11c: {  	v12 =	vsub.f32 v45, v40;
	v13 =	vsub.f32 v42, v38  }
0x11d: {  	v14 =	vsub.f32 v47, v43;
	v15 =	vsub.f32 v46, v39  }
0x11e: {  	v16 =	vsub.f32 v48, v41;
	v17 =	vsub.f32 v49, v44  }
0x11f: {  	v18 =	vsub.f32 v52, v50;
	v19 =	vsub.f32 v54, v51  }
0x120: {  	v12 =	vmax.f32 v12, $0.0e+00;
	v13 =	vmax.f32 v13, $0.0e+00;
	v14 =	vmax.f32 v14, $0.0e+00  }
0x121: {  	v61 =	vmax.f32 v15, $0.0e+00;
	v62 =	vmax.f32 v16, $0.0e+00;
	v12 =	vmul.f32 v13, v12  }
0x122: {  	v63 =	vmax.f32 v17, $0.0e+00;
	v21 =	vmax.f32 v18, $0.0e+00;
	v13 =	vmul.f32 v61, v14  }
0x123: {  	v39 =	vmax.f32 v19, $0.0e+00;
	v14 =	vmul.f32 v63, v62;
	v38 =	vsub.f32 v32, v12  }
0x124: {  	v11 =	vadd.f32 v26, v11;
	v15 =	vmul.f32 v39, v21;
	v40 =	vsub.f32 v33, v13  }
0x125: {  	v41 =	vsub.f32 v31, v14;
	(erf) = vrcp.f32 v38  }
0x126: {  	v11 =	vsub.f32 v11, v15;
	(erf) = vrcp.f32 v40  }
0x127: {  	v42 =	vmul.f32 v53, v29;
	(erf) = vrcp.f32 v41  }
0x128: {  	v43 =	vmul.f32 v55, v30;
	[tilespmem:s9+$0x4680] =	vst v35;
	(erf) = vrcp.f32 v11  }
0x129: {  	[tilespmem:s9+$0x4E80] =	vst v34;
	v11 =	vmax.f32 v35, v34  }
0x12a: {  	v44 =	vmax.f32 v42, v43;
	[tilespmem:s9+$0x4690] =	vst v42;
	v11 =	vmax.f32 v36, v11  }
0x12b: {  	[tilespmem:s9+$0x5680] =	vst v11;
	v11 =	vmax.f32 v37, v44  }
0x12c: {  	[tilespmem:s9+$0x4E90] =	vst v43  }
0x12d: {  	s5 =	sadd.s32 $0x1, s11;
	s11 =	sadd.s32 $0x2, s11;
	[tilespmem:s9+$0x5690] =	vst v11  }
0x12e: {  	v59 =	vmov s11;
	v47 =	vmax.f32 v34, v43;
	v45 =	vld [tilespmem:s10+$0x5680];
	v11 =	vpop (erf)  }
0x12f: {  	vm0 =	vgt.f32 v42, v35;
	vm1 =	vgt.f32 v43, v34;
	v46 =	vpop (erf);
	v11 =	vmul.f32 v11, v12  }
0x130: {  	v21 =	vmax.f32 v35, v42;
	v53 =	vsel vm0, s5, v23;
	v48 =	vld [tilespmem:s10+$0x5690];
	v49 =	vpop (erf);
	v50 =	vmul.f32 v46, v13  }
0x131: {  	v56 =	vsel vm1, s5, v23;
	vm11 =	vgt.f32 v47, v27;
	v51 =	vpop (erf);
	v14 =	vmul.f32 v49, v14;
	[tilespmem:s10+$0x4680] =	vst v11  }
0x132: {  	v58 =	vmax.f32 v24, v47;
	v13 =	vmul.f32 v51, v15;
	v54 =	vmax.f32 v11, v50;
	[tilespmem:s10+$0x4E80] =	vst v50  }
0x133: {  	v52 =	vmax.f32 v22, v21;
	vm10 =	vgt.f32 v21, v28;
	v16 =	vmax.f32 v45, v54;
	[tilespmem:s10+$0x4690] =	vst v14  }
0x134: {  	v19 =	vsel vm11, v56, v25;
	v15 =	vsel vm10, v53, v20;
	v55 =	vmax.f32 v14, v13;
	[tilespmem:s10+$0x5680] =	vst v16  }
0x135: {  	s5 =	sadd.s32 $0x1, s11;
	v60 =	vmax.f32 v11, v14;
	vm12 =	vgt.f32 v14, v11;
	[tilespmem:s10+$0x4E90] =	vst v13;
	v57 =	vmax.f32 v48, v55  }
0x136: {  	v11 =	vmax.f32 v52, v60;
	v14 =	vsel vm12, s5, v59;
	vm13 =	vgt.f32 v60, v52;
	[tilespmem:s10+$0x5690] =	vst v57  }
0x137: {  	s20 =	sand.u32 $0x300, s18;
	s7 =	sadd.s32 $0x1, s7;
	v61 =	vmax.f32 v50, v13;
	vm14 =	vgt.f32 v13, v50;
	v62 =	vsel vm13, v14, v15;
	[tilespmem:s8+$0x5E80] =	vst v11  }
0x138: {  	s22 =	sor.u32 s22, s20;
	p1 =	sne.s32 s7, $0xA;
	v13 =	vsel vm14, s5, v59;
	vm15 =	vgt.f32 v61, v58;
	v11 =	vmax.f32 v58, v61;
	[tilespmem:s8+$0x6100] =	vst v62  }
.Ltmp6:
0x139: {  	s5 =	sshrl.u32 s22, $0x3;
	v63 =	vsel vm15, v13, v19;
	[tilespmem:s12+$0x5E80] =	vst v11;
	(pc) =	sbr.rel @p1 .LBB2_9-.Ltmp6, $4  }
0x13a: {  	s5 =	sadd.s32 s4, s5;
	[tilespmem:s12+$0x6100] =	vst v63  }
0x13b: {  	[hbm4b:s5+s25] =	stream.strided.scatter [tilespmem:s30], [sflag:$0x3], $0x800, s26, s25, $0x38;
	[tilespmem:$0x6400] =	vst v63  }
0x13c: {  	s5 =	sadd.s32 $0x10, s5  }
0x13d: {  	[hbm4b:s5+s25] =	stream.strided.scatter [tilespmem:s31], [sflag:$0x4], $0x800, s26, s25, $0x38;
	[tilespmem:$0x6400] =	vst v63  }
0x13e: {  	_ =	swait.ge [sflag:s23], $0x800  }
0x13f: {  	[sflag:s23] =	ssyncset.done $0x0  }
0x140: {  	[sflag:s23] =	ssyncadd.s32 $0xFFFFF800  }
0x141: {  	_ =	swait.ge [sflag:s24], $0x800  }
0x142: {  	[sflag:s24] =	ssyncset.done $0x0  }
0x143: {  	[sflag:s24] =	ssyncadd.s32 $0xFFFFF800  }
0x144: {  	_ =	swait.ge [sflag:s0], $0x800  }
0x145: {  	[sflag:s0] =	ssyncset.done $0x0  }
0x146: {  	[sflag:s0] =	ssyncadd.s32 $0xFFFFF800  }
0x147: {  	_ =	swait.ge [sflag:s1], $0x800  }
0x148: {  	[sflag:s1] =	ssyncset.done $0x0  }
0x149: {  	s5 =	simm.s32 @p0 $0x0;
	s7 =	simm.s32 @p0 $0x5E80;
	[sflag:s1] =	ssyncadd.s32 $0xFFFFF800  }
0x14a: {  	[hbm4b:s15+s5] =	stream.linear.scatter @p0 [tilespmem:s7], [sflag:$0x1], $0xA0, $0x38;
	[tilespmem:$0x6400] =	vst v63  }
0x14b: {  	s5 =	simm.s32 @!p0 $0x0;
	s7 =	simm.s32 @!p0 $0x5E80  }
0x14c: {  	[hbm4b:s14+s5] =	stream.linear.scatter @!p0 [tilespmem:s7], [sflag:$0x1], $0x280, $0x38;
	[tilespmem:$0x6400] =	vst v63  }
0x14d: {  	s22 =	simm.s32 $0x6100;
	s8 =	simm.s32 $0x0;
	s7 =	simm.s32 $0x0  }
0x14e: {  	[hbm4b:s16+s7] =	stream.linear.scatter [tilespmem:s22], [sflag:$0x2], $0x280, $0x38;
	[tilespmem:$0x6400] =	vst v63  }
.LBB2_15:
0x14f: {  	s5 =	sshll.u32 s8, $0x8  }
0x150: {  	s5 =	sand.u32 $0x3FFFFF00, s5  }
0x151: {  	s11 =	sand.u32 $0x80, s7;
	s9 =	sadd.s32 $0x5680, s5  }
0x152: {  	s10 =	sand.u32 $0x70, s7;
	s5 =	sadd.s32 s11, s9  }
0x153: {  	s5 =	sadd.s32 s10, s5  }
0x154: {  	v11 =	vld [tilespmem:s5+$0x0];
	_ =	sdelay $0x1  }
0x155: {  	s12 =	simm.s32 $0x10  }
0x156: {  	s18 =	sand.u32 $0x80, s12  }
0x157: {  	s10 =	sadd.s32 s18, s9;
	s5 =	sand.u32 $0x70, s12  }
0x158: {  	s5 =	sadd.s32 s5, s10;
	v12 =	vperm.xlane v11, v3  }
0x159: {  	v13 =	vld [tilespmem:s5+$0x0]  }
0x15a: {  	v11 =	vmax.f32 v11, v12  }
0x15b: {  	v12 =	vperm.xlane v11, v5  }
0x15c: {  	s20 =	simm.s32 $0x20  }
0x15d: {  	s22 =	sand.u32 $0x80, s20;
	v11 =	vmax.f32 v11, v12  }
0x15e: {  	s12 =	sadd.s32 s22, s9;
	s5 =	sand.u32 $0x70, s20;
	v12 =	vperm.xlane v13, v3;
	v15 =	vperm.xlane v11, v7  }
0x15f: {  	s5 =	sadd.s32 s5, s12  }
0x160: {  	s11 =	simm.s32 $0x1;
	s18 =	simm.s32 $0x3;
	v14 =	vmax.f32 v13, v12;
	v12 =	vld [tilespmem:s5+$0x0];
	v13 =	vmax.f32 v11, v15  }
0x161: {  	s10 =	simm.s32 $0x2;
	s20 =	simm.s32 $0x30;
	s12 =	simm.s32 $0x0;
	v11 =	vimm.f32 $-1.000000000e+00;
	v16 =	vperm.xlane v14, v5;
	v15 =	vperm.xlane v13, v9  }
.LBB2_16:
0x162: {  	s5 =	sand.u32 $0x80, s20;
	p1 =	sne.s32 s18, $0xF;
	v17 =	vmov s12;
	s12 =	smov.u32 s11  }
0x163: {  	s11 =	smov.u32 s10;
	s10 =	smov.u32 s18;
	s18 =	sadd.s32 $0x1, s18  }
.Ltmp7:
0x164: {  	s22 =	sand.u32 $0x70, s20;
	s5 =	sadd.s32 s5, s9;
	v16 =	vmax.f32 v14, v16;
	v18 =	vmax.f32 v13, v15;
	vm0 =	veq.s32 v17, v10;
	(pc) =	sbr.rel @p1 .LBB2_16-.Ltmp7, $4  }
0x165: {  	s5 =	sadd.s32 s22, s5;
	v14 =	vperm.xlane v12, v3;
	v15 =	vperm.xlane v16, v7;
	v11 =	vsel vm0, v18, v11;
	v13 =	vmovc v12  }
0x166: {  	v12 =	vld [tilespmem:s5+$0x0]  }
0x167: {  	v14 =	vmax.f32 v13, v14;
	v13 =	vmax.f32 v16, v15  }
0x168: {  	s20 =	sadd.s32 $0x10, s20;
	v16 =	vperm.xlane v14, v5;
	v15 =	vperm.xlane v13, v9  }
0x169: {  	_ =	sdelay $0x1  }
0x16a: {  	v17 =	vperm.xlane v12, v3;
	_ =	sdelay $0x1  }
0x16b: {  	v12 =	vmax.f32 v12, v17  }
0x16c: {  	v17 =	vperm.xlane v12, v5  }
0x16d: {  	v14 =	vmax.f32 v14, v16  }
0x16e: {  	v16 =	vperm.xlane v14, v7;
	v12 =	vmax.f32 v12, v17  }
0x16f: {  	v17 =	vperm.xlane v12, v7  }
0x170: {  	v59 =	vmov s12;
	v61 =	vmov s11;
	s5 =	sshll.u32 s8, $0x4;
	s8 =	sadd.s32 $0x1, s8;
	v14 =	vmax.f32 v14, v16  }
0x171: {  	v63 =	vmov s10;
	p1 =	sne.s32 s8, $0x8;
	v60 =	vperm.xlane v14, v9;
	v12 =	vmax.f32 v12, v17  }
.Ltmp8:
0x172: {  	v13 =	vmax.f32 v13, v15;
	vm0 =	veq.s32 v59, v10;
	v62 =	vperm.xlane v12, v9;
	(pc) =	sbr.rel @p1 .LBB2_15-.Ltmp8, $4  }
0x173: {  	vm14 =	veq.s32 v61, v10;
	v11 =	vsel vm0, v13, v11;
	v14 =	vmax.f32 v14, v60  }
0x174: {  	vm15 =	veq.s32 v63, v10;
	v11 =	vsel vm14, v14, v11;
	v12 =	vmax.f32 v12, v62  }
0x175: {  	s5 =	sand.u32 $0x3FFFFFF0, s5;
	v11 =	vsel vm15, v12, v11  }
0x176: {  	[tilespmem:s5+$0x6380] =	vst v11  }
0x177: {  	s5 =	simm.s32 $0x6380  }
0x178: {  	[hbm4b:s17+s2] =	stream.linear.scatter [tilespmem:s5], [sflag:$0x5], $0x80, $0x38;
	[tilespmem:$0x6400] =	vst v63  }
0x179: {  	_ =	swait.ge [sflag:s21], $0x80  }
0x17a: {  	[sflag:s21] =	ssyncset.done $0x0  }
0x17b: {  	s5 =	simm.s32 @p0 $0x1;
	[sflag:s21] =	ssyncadd.s32 $0xFFFFFF80  }
0x17c: {  	_ =	swait.ge @p0 [sflag:s5], $0xA0  }
0x17d: {  	[sflag:s5] =	ssyncset.done @p0 $0x0  }
0x17e: {  	s6 =	sadd.s32 $0x1, s6;
	[sflag:s5] =	ssyncadd.s32 @p0 $0xFFFFFF60;
	s5 =	simm.s32 @!p0 $0x1  }
0x17f: {  	p1 =	sne.s32 s6, s19;
	_ =	swait.ge @!p0 [sflag:s5], $0x280  }
.Ltmp9:
0x180: {  	[sflag:s5] =	ssyncset.done @!p0 $0x0;
	(pc) =	sbr.rel @p1 .LBB2_1-.Ltmp9, $4  }
0x181: {  	[sflag:s5] =	ssyncadd.s32 @!p0 $0xFFFFFD80  }
0x182: {  	_ =	swait.ge [sflag:s24], $0x280  }
0x183: {  	[sflag:s24] =	ssyncset.done $0x0  }
0x184: {  	[sflag:s24] =	ssyncadd.s32 $0xFFFFFD80  }
0x185: {  	_ =	sfence.sel $0x180000  }
0x186: {  	[bflag:$0x0] =	sbarrier.arrive $0xFFFF  }
0x187: {  	_ =	strace $0x90000047  }
0x188: {  	s0 =	stileid.u32;
	[bflag:$0x2] =	sbarrier.arrive $0xFFFF  }
0x189: {  	p0 =	sne.s32 s0, $0x0;
	s0 =	rddreg [dreg:$0x4]  }
0x18a: {  	s0 =	sadd.s32 @!p0 $0x100000, s0  }
0x18b: {  	[sflag:s0] =	ssyncadd.tile.s32 @!p0 $0x1;
	_ =	shalt  }
.Lfunc_end2:
_tile_overlayer_lowered:
.L_overlay_start_2:
0x18c: {  	(tag) =	ssettag $0x2  }
0x18d: {  	s0 =	rddreg [dreg:$0x0];
	s2 =	stileid.u32  }
0x18e: {  	s1 =	rddreg [dreg:$0x1];
	p0 =	sne.s32 s2, $0x0  }
0x18f: {  	s3 =	rddreg [dreg:$0x2];
	[bflag:$0x3] =	sbarrier.arrive $0xFFFF;
	s2 =	simm.s32 @!p0 $0x1C05  }
0x190: {  	[timem:s3], [sflag:s2] =	dma.local @!p0 [hbm:s0], s1  }
0x191: {  	s0 =	simm.s32 @!p0 $0x5  }
0x192: {  	_ =	swait.ge @!p0 [sflag:s0], s1  }
0x193: {  	s1 =	ssub.s32 @!p0 $0x0, s1;
	[sflag:s0] =	ssyncset.done @!p0 $0x0  }
0x194: {  	[sflag:s0] =	ssyncadd.s32 @!p0 s1  }
0x195: {  	[bflag:$0x3] =	sbarrier.arrive $0xFFFF  }
0x196: {  	_ =	shalt  }

// kernel: kernel.7.cloned.1.call-start
scs
__scs_entry_jumppad:
0x0: {  	(pc) =	sbr.rel $0x88, $3  }
0x1: {  	(tag) =	ssettag $0x0;
	lr =	simm.s32 $0x1  }
0x2: {  	[smem:$0x3F9F] =	sst lr;
	_ =	strace $0xD0000000  }
0x3: {  	_ = 	snop  }
0x4: {  	_ = 	snop  }
0x5: {  	_ = 	snop  }
0x6: {  	_ = 	snop  }
0x7: {  	_ = 	snop  }
__scs_overlays_trampoline_lowered:
0x8: {  	[smem:$0x3FAE] =	sst s0  }
0x9: {  	[smem:$0x3FAF] =	sst s1  }
0xa: {  	[smem:$0x3FB0] =	sst s2  }
0xb: {  	[smem:$0x3FB1] =	sst s3  }
0xc: {  	[smem:$0x3FB2] =	sst s4  }
0xd: {  	[smem:$0x3FB3] =	sst s5  }
0xe: {  	[smem:$0x3FB4] =	sst s6  }
0xf: {  	[smem:$0x3FB5] =	sst s7  }
0x10: {  	[smem:$0x3FB6] =	sst s8  }
0x11: {  	[smem:$0x3FB7] =	sst s9;
	s0 =	simm.s32 @!p0 $0x0  }
0x12: {  	s1 =	sld [smem:$0x3F9D];
	s0 =	simm.s32 @p0 $0x1  }
0x13: {  	[smem:$0x3FB8] =	sst s0;
	s0 =	simm.s32 @!p1 $0x0  }
0x14: {  	s2 =	sld [smem:$0x3F9C];
	s0 =	simm.s32 @p1 $0x1  }
0x15: {  	[smem:$0x3FB9] =	sst s0;
	s0 =	simm.s32 @!p2 $0x0  }
0x16: {  	s3 =	sld [smem:$0x3FDB];
	s0 =	simm.s32 @p2 $0x1  }
0x17: {  	s4 =	simm.s32 $0x1BF5;
	[smem:$0x3FBB] =	sst s0  }
0x18: {  	s0 =	sld [smem:$0x3F9E];
	_ =	swait.ge [sflag:s4], $0x0  }
0x19: {  	s7 =	sld [smem:$0x3F9F]  }
0x1a: {  	s8 =	sadd.s32 $0xFFFFE003, lr  }
0x1b: {  	s9 =	sadd.s32 $0xFFFFFEF7, lr;
	s5 =	simm.s32 $0xFFFFFFFF;
	p2 =	slt.u32 s8, $0xFFFFF086  }
0x1c: {  	p1 =	slt.u32 s9, $0xF7A;
	s5 =	simm.s32 @!p2 $0x0  }
0x1d: {  	s5 =	simm.s32 @p1 $0x1;
	p0 =	seq.s32 s7, s2  }
0x1e: {  	s7 =	smul.u32 @!p0 $0xF7A, s2;
	p2 =	seq.s32 @!p0 s5, $0x0  }
0x1f: {  	s9 =	smul.u32 $0xF7A, s1;
	s8 =	simm.s32 @!p0 $0x1BF5;
	p2 =	por !p2, p0  }
0x20: {  	[sflag:s8] =	ssyncset.s32 @!p0 $0xFFFFF086;
	s6 =	sadd.s32 @!p0 s3, s7;
	s7 =	simm.s32 @!p0 $0x108  }
0x21: {  	s3 =	sadd.s32 s3, s9;
	s6 =	sadd.s32 @!p0 $0x88, s6;
	s7 =	simm.s32 @p2 $0x1082  }
0x22: {  	[simem:s7], [sflag:s8] =	dma.local @!p0 [hbm:s6], $0xF7A  }
0x23: {  	s9 =	sor.u32 $0xD0000000, s2;
	s6 =	simm.s32 $0x108;
	_ =	swait.ge @!p0 [sflag:s8], $0x0  }
0x24: {  	s3 =	sadd.s32 $0x88, s3;
	s6 =	simm.s32 @!p1 $0x1082;
	[sflag:s4] =	ssyncset.s32 $0xFFFFF086  }
0x25: {  	[simem:s6], [sflag:s4] =	dma.local [hbm:s3], $0xF7A  }
0x26: {  	[smem:$0x3F9F] =	sst s1;
	(tag) =	ssettag s2;
	_ =	strace s9  }
0x27: {  	s1 =	sld [smem:$0x3FAF]  }
0x28: {  	s2 =	sld [smem:$0x3FB0]  }
0x29: {  	s4 =	sld [smem:$0x3FB2]  }
0x2a: {  	p0 =	seq.s32 s5, $0x0;
	s5 =	sld [smem:$0x3FB3]  }
0x2b: {  	s6 =	sld [smem:$0x3FB4]  }
0x2c: {  	s7 =	sld [smem:$0x3FB5]  }
0x2d: {  	s3 =	simm.s32 $0x108;
	s8 =	sld [smem:$0x3FB6]  }
0x2e: {  	s3 =	simm.s32 @!p0 $0x1082;
	s9 =	sld [smem:$0x3FB7]  }
0x2f: {  	lr =	sadd.s32 s0, s3;
	s0 =	sld [smem:$0x3FAE]  }
0x30: {  	s3 =	sld [smem:$0x3FB1]  }
0x31: {  	[smem:$0x3FBA] =	sst s10  }
0x32: {  	s10 =	sld [smem:$0x3FB8];
	_ =	sdelay $0x3  }
0x33: {  	p0 =	seq.s32 s10, $0x1;
	s10 =	sld [smem:$0x3FBA];
	_ =	sdelay $0x3  }
0x34: {  	[smem:$0x3FBA] =	sst s10  }
0x35: {  	s10 =	sld [smem:$0x3FB9];
	_ =	sdelay $0x3  }
0x36: {  	p1 =	seq.s32 s10, $0x1;
	s10 =	sld [smem:$0x3FBA];
	_ =	sdelay $0x3  }
0x37: {  	[smem:$0x3FBA] =	sst s10  }
0x38: {  	s10 =	sld [smem:$0x3FBB]  }
0x39: {  	_ = 	snop;
	(pc) =	sbr.ind lr, $3  }
0x3a: {  	_ = 	snop  }
0x3b: {  	_ = 	snop  }
0x3c: {  	p2 =	seq.s32 s10, $0x1;
	s10 =	sld [smem:$0x3FBA]  }
0x3d: {  	_ =	shalt  }
0x3e: {  	_ =	shalt  }
0x3f: {  	_ =	shalt  }
0x40: {  	_ =	shalt  }
0x41: {  	_ =	shalt  }
0x42: {  	_ =	shalt  }
0x43: {  	_ =	shalt  }
0x44: {  	_ =	shalt  }
0x45: {  	_ =	shalt  }
0x46: {  	_ =	shalt  }
0x47: {  	_ =	shalt  }
0x48: {  	_ =	shalt  }
0x49: {  	_ =	shalt  }
0x4a: {  	_ =	shalt  }
0x4b: {  	_ =	shalt  }
0x4c: {  	_ =	shalt  }
0x4d: {  	_ =	shalt  }
0x4e: {  	_ =	shalt  }
0x4f: {  	_ =	shalt  }
0x50: {  	_ =	shalt  }
0x51: {  	_ =	shalt  }
0x52: {  	_ =	shalt  }
0x53: {  	_ =	shalt  }
0x54: {  	_ =	shalt  }
0x55: {  	_ =	shalt  }
0x56: {  	_ =	shalt  }
0x57: {  	_ =	shalt  }
0x58: {  	_ =	shalt  }
0x59: {  	_ =	shalt  }
0x5a: {  	_ =	shalt  }
0x5b: {  	_ =	shalt  }
0x5c: {  	_ =	shalt  }
0x5d: {  	_ =	shalt  }
0x5e: {  	_ =	shalt  }
0x5f: {  	_ =	shalt  }
0x60: {  	_ =	shalt  }
0x61: {  	_ =	shalt  }
0x62: {  	_ =	shalt  }
0x63: {  	_ =	shalt  }
0x64: {  	_ =	shalt  }
0x65: {  	_ =	shalt  }
0x66: {  	_ =	shalt  }
0x67: {  	_ =	shalt  }
0x68: {  	_ =	shalt  }
0x69: {  	_ =	shalt  }
0x6a: {  	_ =	shalt  }
0x6b: {  	_ =	shalt  }
0x6c: {  	_ =	shalt  }
0x6d: {  	_ =	shalt  }
0x6e: {  	_ =	shalt  }
0x6f: {  	_ =	shalt  }
0x70: {  	_ =	shalt  }
0x71: {  	_ =	shalt  }
0x72: {  	_ =	shalt  }
0x73: {  	_ =	shalt  }
0x74: {  	_ =	shalt  }
0x75: {  	_ =	shalt  }
0x76: {  	_ =	shalt  }
0x77: {  	_ =	shalt  }
0x78: {  	_ =	shalt  }
0x79: {  	_ =	shalt  }
0x7a: {  	_ =	shalt  }
0x7b: {  	_ =	shalt  }
0x7c: {  	_ =	shalt  }
0x7d: {  	_ =	shalt  }
0x7e: {  	_ =	shalt  }
0x7f: {  	_ =	shalt  }
0x80: {  	_ =	shalt  }
0x81: {  	_ =	shalt  }
0x82: {  	_ =	shalt  }
0x83: {  	_ =	shalt  }
0x84: {  	_ =	shalt  }
0x85: {  	_ =	shalt  }
0x86: {  	_ =	shalt  }
0x87: {  	_ =	shalt  }
.Lfunc_end0:
.L_simem_size_0:
called_computation.1_lowered:
.L_overlay_start_0:
0x88: {  	s2 =	sld [smem:$0x3FD9]  }
0x89: {  	s3 =	sld [smem:$0x3FFE];
	_ =	sdelay $0x1  }
0x8a: {  	s1 =	srdreg.scid  }
0x8b: {  	s0 =	sand.u32 $0x1, s1  }
0x8c: {  	s14 =	sshll.u32 s0, $0xA;
	s2 =	sadd.s32 s3, s2  }
0x8d: {  	s2 =	sadd.s32 s2, s14  }
0x8e: {  	[smem:$0x3FC6] =	sst s2  }
0x8f: {  	_ = 	snop  }
0x90: {  	s2 =	sld [smem:$0x3FD0];
	_ =	sdelay $0x2  }
0x91: {  	s15 =	simm.s32 $0xA;
	s4 =	simm.s32 $0x10  }
0x92: {  	[smem:s4], [sflag:s15] =	dma.local [hbm:s2], $0x1  }
0x93: {  	_ =	swait.eq [sflag:s15], $0x1  }
0x94: {  	s16 =	sld [smem:$0x10];
	[sflag:s15] =	ssyncset.done $0x0  }
0x95: {  	s17 =	sld [smem:$0x11];
	[sflag:s15] =	ssyncadd.s32 $0xFFFFFFFF  }
0x96: {  	s18 =	sld [smem:$0x12];
	(tm) =	ssettm $0x1  }
0x97: {  	s5 =	sld [smem:$0x3FFB];
	_ =	sdelay $0x3  }
0x98: {  	_ =	strace s5  }
0x99: {  	s5 =	sld [smem:$0x3FFC];
	_ =	sdelay $0x3  }
0x9a: {  	_ =	strace s5  }
0x9b: {  	s5 =	sld [smem:$0x3FFD];
	_ =	sdelay $0x3  }
0x9c: {  	_ =	strace s5  }
0x9d: {  	_ =	strace $0x8FFFFFFF  }
0x9e: {  	s19 =	sld [smem:$0x3FDB];
	_ =	sdelay $0x1  }
0x9f: {  	s6 =	simm.s32 $_scs_section_size  }
0xa0: {  	s7 =	simm.s32 $_size__tile_overlayer_lowered;
	s8 =	simm.s32 $_tile_overlayer_lowered  }
0xa1: {  	s22 =	simm.s32 $0x1BFF;
	s21 =	sshll.u32 s8, $0x1;
	s5 =	sadd.s32 s6, s19  }
0xa2: {  	s9 =	simm.s32 $0x0;
	s20 =	sshll.u32 s7, $0x1;
	s7 =	sadd.s32 s21, s5  }
0xa3: {  	[timem:s9], [sflag:s22] =	dma.local [hbm:s7], s20  }
0xa4: {  	_ =	swait.ge [sflag:s22], s20  }
0xa5: {  	s6 =	ssub.s32 $0x0, s20;
	[sflag:s22] =	ssyncset.done $0x0  }
0xa6: {  	[sflag:s22] =	ssyncadd.s32 s6;
	_ =	sdelay $0x1  }
0xa7: {  	s23 =	simm.s32 $0x1B8B  }
0xa8: {  	_ =	swait.ge [sflag:s23], $0x1  }
0xa9: {  	[sflag:s23] =	ssyncset.done $0x0  }
0xaa: {  	s25 =	simm.s32 $0x1B8E;
	s24 =	sld [smem:$0x3FFE];
	[sflag:s23] =	ssyncadd.s32 $0xFFFFFFFF  }
0xab: {  	s26 =	simm.s32 $execute0_lowered;
	[smem:$0x3FD2] =	sst s25  }
0xac: {  	s7 =	sshll.u32 s26, $0x1;
	_ =	strace $0x80000049;
	[dreg:$0x1] =	wrdreg $0xFFFFFFFF  }
0xad: {  	s28 =	simm.s32 $_size_execute0_lowered;
	s5 =	sadd.s32 s5, s7;
	[dreg:$0x0] =	wrdreg $0x0  }
0xae: {  	s7 =	sshll.u32 s28, $0x1;
	[dreg:$0x2] =	wrdreg s5  }
0xaf: {  	[dreg:$0x3] =	wrdreg s7  }
0xb0: {  	[dreg:$0x4] =	wrdreg $0xC0  }
0xb1: {  	_ =	task [dreg:s9], $0x5FFFF  }
0xb2: {  	[dreg:$0x1] =	wrdreg $0xFFFFFFFF  }
0xb3: {  	[dreg:$0x0] =	wrdreg $0x60  }
0xb4: {  	[dreg:$0x2] =	wrdreg s17  }
0xb5: {  	[dreg:$0x3] =	wrdreg s24  }
0xb6: {  	[dreg:$0x4] =	wrdreg s16  }
0xb7: {  	[dreg:$0x5] =	wrdreg s18  }
0xb8: {  	[dreg:$0x6] =	wrdreg $0x9  }
0xb9: {  	_ =	task.clear_ibuf [dreg:s9], $0x7FFFF;
	_ =	strace $0x90000049  }
0xba: {  	s29 =	simm.s32 $0x9;
	_ =	strace $0x8000004B  }
0xbb: {  	_ =	swait.ge [sflag:s29], $0x1  }
0xbc: {  	[sflag:s29] =	ssyncadd.s32 $0xFFFFFFFF  }
0xbd: {  	_ =	strace $0x9000004B  }
0xbe: {  	_ =	sfence  }
0xbf: {  	s30 =	sld [smem:$0x0];
	_ =	sdelay $0x2  }
0xc0: {  	s31 =	sshll.u32 s1, $0xD;
	s1 =	sshrl.u32 s1, $0x2  }
0xc1: {  	s3 =	sand.u32 $0x4000, s31;
	s1 =	sadd.s32 s1, s30  }
0xc2: {  	s0 =	sor.u32 s3, s0;
	s1 =	sshll.u32 s1, $0x11  }
0xc3: {  	s0 =	sor.u32 s1, s0  }
0xc4: {  	s0 =	sadd.s32 $0x8F2B, s0  }
0xc5: {  	[sflag:s0] =	ssyncadd.remote.s32 $0x1  }
0xc6: {  	_ =	sfence.sel $0xFFFF  }
0xc7: {  	[dreg:$0x0] =	wrdreg $0xFFFFFFFF;
	(pc) =	sbr.abs _section_cstart, $3  }
0xc8: {  	[dreg:$0x1] =	wrdreg $0xFFFFFFFF  }
0xc9: {  	_ =	task.clear_ibuf [dreg:s9], $0x2FFFF;
	_ =	strace $0x9FFFFFFF  }
0xca: {  	(tm) =	ssettm $0x7FFFFFFF  }
0xcb: {  	_ =	shalt  }
tec
execute0_lowered:
.L_overlay_start_1:
0x0: {  	(tag) =	ssettag $0x1  }
0x1: {  	s0 =	rddreg [dreg:$0x0]  }
0x2: {  	s1 =	rddreg [dreg:$0x1]  }
0x3: {  	s2 =	srdreg.scid;
	s4 =	rddreg [dreg:$0x2]  }
0x4: {  	s3 =	stileid.u32;
	s17 =	rddreg [dreg:$0x3];
	s20 =	simm.s32 $0x400  }
0x5: {  	s22 =	simm.s32 $0x1000;
	s23 =	simm.s32 $0x1800;
	s28 =	simm.s32 $0x5  }
0x6: {  	s29 =	simm.s32 $0x1;
	s30 =	simm.s32 $0x2;
	s31 =	simm.s32 $0x3  }
0x7: {  	s6 =	sand.u32 $0x1, s2;
	s24 =	sshll.u32 s3, $0x1;
	s2 =	simm.s32 $0x0  }
0x8: {  	s5 =	sadd.s32 $0x2000, s1;
	s13 =	sadd.s32 $0x9B0, s0;
	s19 =	sor.u32 s6, s24  }
0x9: {  	s16 =	sadd.s32 $0x9B0, s4;
	[smem:$0x7FF] =	sst s2;
	s15 =	smul.u32 $0x50, s19  }
0xa: {  	s6 =	ssub.s32 $0x2, s6;
	s3 =	smul.u32 $0x14000, s19;
	_ =	strace $0x8000004A  }
0xb: {  	[dreg:$0x5] =	wrdreg s5;
	s5 =	sadd.s32 $0x2200, s1;
	s25 =	sshrl.u32 s6, $0x1  }
0xc: {  	p0 =	seq.s32 s19, $0x1F;
	s19 =	simm.s32 $0x80;
	s11 =	sadd.s32 s15, s1  }
0xd: {  	s7 =	sshrl.u32 s3, $0x3;
	s1 =	sadd.s32 $0x52200, s1;
	s12 =	sadd.s32 s0, s15  }
.Ltmp0:
0xe: {  	s14 =	sadd.s32 s4, s15;
	s15 =	sadd.s32 s17, s15;
	(pc) =	sbr.rel .LBB2_1-.Ltmp0, $4  }
0xf: {  	s17 =	sadd.s32 $0x9B0, s17;
	s0 =	simm.s32 $0x0;
	[dreg:$0x6] =	wrdreg s1  }
0x10: {  	s7 =	sadd.s32 s5, s7;
	s1 =	ssub.s32 s6, s25;
	s11 =	sadd.s32 $0x1600, s11  }
0x11: {  	s26 =	sadd.s32 $0x10, s7;
	s9 =	sadd.s32 $0x20, s7;
	s10 =	sadd.s32 $0x30, s7  }
0x12: {  	v0 =	vimm.s32 $0x0;
	s18 =	smax.u32 s1, $0x1;
	s1 =	simm.s32 $0x4;
	[dreg:$0x7] =	wrdreg s26  }
.LBB2_8:
0x13: {  	s4 =	simm.s32 @p0 $0x0;
	s6 =	simm.s32 @p0 $0x3D80  }
0x14: {  	[hbm4b:s16+s4] =	stream.linear.scatter @p0 [tilespmem:s6], [sflag:$0x5], $0xA0, $0x38;
	[tilespmem:$0x4280] =	vst v63  }
0x15: {  	s6 =	simm.s32 @p0 $0x4000  }
0x16: {  	[hbm4b:s17+s4] =	stream.linear.scatter @p0 [tilespmem:s6], [sflag:$0x5], $0xA0, $0x38;
	[tilespmem:$0x4280] =	vst v63  }
0x17: {  	s4 =	simm.s32 @p0 $0x5  }
0x18: {  	_ =	swait.ge @p0 [sflag:s4], $0xA0  }
0x19: {  	[sflag:s4] =	ssyncset.done @p0 $0x0  }
0x1a: {  	[sflag:s4] =	ssyncadd.s32 @p0 $0xFFFFFF60  }
0x1b: {  	_ =	swait.ge @p0 [sflag:s4], $0xA0  }
0x1c: {  	[sflag:s4] =	ssyncset.done @p0 $0x0  }
0x1d: {  	s6 =	simm.s32 @!p0 $0x3D80;
	[sflag:s4] =	ssyncadd.s32 @p0 $0xFFFFFF60;
	s4 =	simm.s32 @!p0 $0x0  }
0x1e: {  	[hbm4b:s14+s4] =	stream.linear.scatter @!p0 [tilespmem:s6], [sflag:$0x5], $0x280, $0x38;
	[tilespmem:$0x4280] =	vst v63  }
0x1f: {  	s6 =	simm.s32 @!p0 $0x4000  }
0x20: {  	[hbm4b:s15+s4] =	stream.linear.scatter @!p0 [tilespmem:s6], [sflag:$0x5], $0x280, $0x38;
	[tilespmem:$0x4280] =	vst v63  }
0x21: {  	s0 =	sadd.s32 $0x1, s0;
	s4 =	simm.s32 @!p0 $0x5  }
0x22: {  	p1 =	sne.s32 s0, s18;
	_ =	swait.ge @!p0 [sflag:s4], $0x280  }
.Ltmp1:
0x23: {  	[sflag:s4] =	ssyncset.done @!p0 $0x0;
	(pc) =	sbr.rel @!p1 .LBB2_9-.Ltmp1, $4  }
0x24: {  	[sflag:s4] =	ssyncadd.s32 @!p0 $0xFFFFFD80  }
0x25: {  	_ =	swait.ge @!p0 [sflag:s4], $0x280  }
0x26: {  	[sflag:s4] =	ssyncset.done @!p0 $0x0  }
0x27: {  	[sflag:s4] =	ssyncadd.s32 @!p0 $0xFFFFFD80  }
.LBB2_1:
0x28: {  	[tilespmem:s2], [sflag:$0x1] =	stream.strided.gather [hbm4b:s7+s19], $0x800, s20, s19, $0x38;
	[tilespmem:$0x4280] =	vst v63  }
0x29: {  	s4 =	rddreg [dreg:$0x7];
	s6 =	simm.s32 $0x800  }
0x2a: {  	[tilespmem:s6], [sflag:$0x2] =	stream.strided.gather [hbm4b:s4+s19], $0x800, s20, s19, $0x38;
	[tilespmem:$0x4280] =	vst v63  }
0x2b: {  	_ = 	snop  }
0x2c: {  	[tilespmem:s22], [sflag:$0x3] =	stream.strided.gather [hbm4b:s9+s19], $0x800, s20, s19, $0x38;
	[tilespmem:$0x4280] =	vst v63  }
0x2d: {  	_ = 	snop  }
0x2e: {  	[tilespmem:s23], [sflag:$0x4] =	stream.strided.gather [hbm4b:s10+s19], $0x800, s20, s19, $0x38;
	[tilespmem:$0x4280] =	vst v63  }
0x2f: {  	s8 =	simm.s32 $0x2280  }
0x30: {  	[tilespmem:s8], [sflag:$0x5] =	stream.linear.gather [hbm4b:s11+s2], $0x280, $0x38;
	[tilespmem:$0x4280] =	vst v63  }
0x31: {  	s21 =	rddreg [dreg:$0x5];
	s24 =	simm.s32 $0x2500  }
0x32: {  	[tilespmem:s24], [sflag:$0x5] =	stream.linear.gather [hbm4b:s21+s2], $0x1000, $0x38;
	[tilespmem:$0x4280] =	vst v63  }
0x33: {  	s25 =	rddreg [dreg:$0x6];
	s26 =	simm.s32 $0x3D00  }
0x34: {  	[tilespmem:s26], [sflag:$0x5] =	stream.linear.gather [hbm4b:s25+s2], $0x80, $0x38;
	[tilespmem:$0x4280] =	vst v63  }
0x35: {  	s4 =	simm.s32 @p0 $0x0;
	s6 =	simm.s32 @p0 $0x2000  }
0x36: {  	[tilespmem:s6], [sflag:$0x5] =	stream.linear.gather @p0 [hbm4b:s13+s4], $0xA0, $0x38;
	[tilespmem:$0x4280] =	vst v63  }
0x37: {  	s4 =	simm.s32 @p0 $0x5  }
0x38: {  	_ =	swait.ge @p0 [sflag:s4], $0xA0  }
0x39: {  	[sflag:s4] =	ssyncset.done @p0 $0x0  }
0x3a: {  	s6 =	simm.s32 @!p0 $0x2000;
	[sflag:s4] =	ssyncadd.s32 @p0 $0xFFFFFF60;
	s4 =	simm.s32 @!p0 $0x0  }
0x3b: {  	[tilespmem:s6], [sflag:$0x5] =	stream.linear.gather @!p0 [hbm4b:s12+s4], $0x280, $0x38;
	[tilespmem:$0x4280] =	vst v63  }
0x3c: {  	s4 =	simm.s32 @!p0 $0x5  }
0x3d: {  	_ =	swait.ge @!p0 [sflag:s4], $0x280  }
0x3e: {  	[sflag:s4] =	ssyncset.done @!p0 $0x0  }
0x3f: {  	[sflag:s4] =	ssyncadd.s32 @!p0 $0xFFFFFD80  }
0x40: {  	_ =	swait.ge [sflag:s28], $0x280  }
0x41: {  	[sflag:s28] =	ssyncset.done $0x0  }
0x42: {  	[sflag:s28] =	ssyncadd.s32 $0xFFFFFD80  }
0x43: {  	_ =	swait.ge [sflag:s28], $0x1000  }
0x44: {  	[sflag:s28] =	ssyncset.done $0x0  }
0x45: {  	[sflag:s28] =	ssyncadd.s32 $0xFFFFF000  }
0x46: {  	_ =	swait.ge [sflag:s28], $0x80  }
0x47: {  	[sflag:s28] =	ssyncset.done $0x0  }
0x48: {  	[sflag:s28] =	ssyncadd.s32 $0xFFFFFF80  }
0x49: {  	v2 =	vld [tilespmem:$0x2500]  }
0x4a: {  	v1 =	vld [tilespmem:$0x2580]  }
0x4b: {  	v3 =	vld [tilespmem:$0x2600]  }
0x4c: {  	v6 =	vld [tilespmem:$0x2680]  }
0x4d: {  	v7 =	vld [tilespmem:$0x2700]  }
0x4e: {  	v9 =	vld [tilespmem:$0x2780]  }
0x4f: {  	v10 =	vld [tilespmem:$0x2800]  }
0x50: {  	v12 =	vld [tilespmem:$0x2880]  }
0x51: {  	v13 =	vld [tilespmem:$0x2900]  }
0x52: {  	v15 =	vld [tilespmem:$0x2980]  }
0x53: {  	v16 =	vld [tilespmem:$0x2A00]  }
0x54: {  	v18 =	vld [tilespmem:$0x2A80]  }
0x55: {  	v19 =	vld [tilespmem:$0x2B00]  }
0x56: {  	v21 =	vld [tilespmem:$0x2B80]  }
0x57: {  	v23 =	vld [tilespmem:$0x2C00]  }
0x58: {  	v24 =	vld [tilespmem:$0x2C80]  }
0x59: {  	v25 =	vld [tilespmem:$0x2D00]  }
0x5a: {  	v27 =	vld [tilespmem:$0x2D80]  }
0x5b: {  	v31 =	vld [tilespmem:$0x2E00]  }
0x5c: {  	v33 =	vld [tilespmem:$0x2E80]  }
0x5d: {  	v36 =	vld [tilespmem:$0x2F00]  }
0x5e: {  	v38 =	vld [tilespmem:$0x2F80]  }
0x5f: {  	v41 =	vld [tilespmem:$0x3000]  }
0x60: {  	v43 =	vld [tilespmem:$0x3080]  }
0x61: {  	v47 =	vld [tilespmem:$0x3100]  }
0x62: {  	v49 =	vld [tilespmem:$0x3180]  }
0x63: {  	v51 =	vld [tilespmem:$0x3200]  }
0x64: {  	v53 =	vld [tilespmem:$0x3280]  }
0x65: {  	v55 =	vld [tilespmem:$0x3300]  }
0x66: {  	v57 =	vld [tilespmem:$0x3380]  }
0x67: {  	v59 =	vld [tilespmem:$0x3400]  }
0x68: {  	v61 =	vld [tilespmem:$0x3480]  }
0x69: {  	v5 =	vld [tilespmem:$0x2510]  }
0x6a: {  	v4 =	vld [tilespmem:$0x2590]  }
0x6b: {  	v8 =	vld [tilespmem:$0x2610]  }
0x6c: {  	v11 =	vld [tilespmem:$0x2690]  }
0x6d: {  	v14 =	vld [tilespmem:$0x2710]  }
0x6e: {  	v17 =	vld [tilespmem:$0x2790]  }
0x6f: {  	v20 =	vld [tilespmem:$0x2810]  }
0x70: {  	v22 =	vld [tilespmem:$0x2890]  }
0x71: {  	v26 =	vld [tilespmem:$0x2910]  }
0x72: {  	v29 =	vld [tilespmem:$0x2990]  }
0x73: {  	v32 =	vld [tilespmem:$0x2A10]  }
0x74: {  	v35 =	vld [tilespmem:$0x2A90]  }
0x75: {  	v37 =	vld [tilespmem:$0x2B10]  }
0x76: {  	v39 =	vld [tilespmem:$0x2B90]  }
0x77: {  	v42 =	vld [tilespmem:$0x2C10]  }
0x78: {  	v45 =	vld [tilespmem:$0x2C90]  }
0x79: {  	v28 =	vld [tilespmem:$0x2F90]  }
0x7a: {  	v50 =	vld [tilespmem:$0x3010]  }
0x7b: {  	v54 =	vld [tilespmem:$0x3090]  }
0x7c: {  	v58 =	vld [tilespmem:$0x3110]  }
0x7d: {  	v62 =	vld [tilespmem:$0x3190]  }
0x7e: {  	v63 =	vld [tilespmem:$0x3210];
	[tilespmem:$0x1FA70] =	vst v28  }
0x7f: {  	v34 =	vld [tilespmem:$0x3290];
	[tilespmem:$0x1FA80] =	vst v50  }
0x80: {  	v40 =	vld [tilespmem:$0x3310];
	[tilespmem:$0x1FA90] =	vst v54  }
0x81: {  	v44 =	vld [tilespmem:$0x3390];
	[tilespmem:$0x1FAA0] =	vst v58  }
0x82: {  	v46 =	vld [tilespmem:$0x2D10];
	[tilespmem:$0x1FAB0] =	vst v62  }
0x83: {  	v48 =	vld [tilespmem:$0x2D90];
	[tilespmem:$0x1FAD0] =	vst v63  }
0x84: {  	v52 =	vld [tilespmem:$0x2E10];
	[tilespmem:$0x1FAF0] =	vst v34  }
0x85: {  	v56 =	vld [tilespmem:$0x2E90];
	[tilespmem:$0x1FB10] =	vst v40  }
0x86: {  	v60 =	vld [tilespmem:$0x2F10];
	[tilespmem:$0x1FB30] =	vst v44  }
0x87: {  	v63 =	vld [tilespmem:$0x29A0];
	_ =	sdelay $0x4  }
0x88: {  	[tilespmem:$0x1FAC0] =	vst v63;
	v63 =	vld [tilespmem:$0x2A20];
	_ =	sdelay $0x4  }
0x89: {  	[tilespmem:$0x1FAE0] =	vst v63;
	v63 =	vld [tilespmem:$0x2AA0];
	_ =	sdelay $0x4  }
0x8a: {  	[tilespmem:$0x1FB00] =	vst v63;
	v63 =	vld [tilespmem:$0x2B20];
	_ =	sdelay $0x4  }
0x8b: {  	[tilespmem:$0x1FB20] =	vst v63;
	v63 =	vld [tilespmem:$0x2BA0];
	_ =	sdelay $0x4  }
0x8c: {  	[tilespmem:$0x1FB40] =	vst v63;
	v63 =	vld [tilespmem:$0x2C20];
	_ =	sdelay $0x4  }
0x8d: {  	[tilespmem:$0x1FB60] =	vst v63;
	v63 =	vld [tilespmem:$0x2CA0];
	_ =	sdelay $0x4  }
0x8e: {  	[tilespmem:$0x1FB80] =	vst v63;
	v63 =	vld [tilespmem:$0x2D20];
	_ =	sdelay $0x4  }
0x8f: {  	[tilespmem:$0x1FB90] =	vst v63;
	v63 =	vld [tilespmem:$0x2DA0];
	_ =	sdelay $0x4  }
0x90: {  	[tilespmem:$0x1FBA0] =	vst v63;
	v63 =	vld [tilespmem:$0x2E20];
	_ =	sdelay $0x4  }
0x91: {  	[tilespmem:$0x1FBD0] =	vst v63;
	v63 =	vld [tilespmem:$0x2EA0];
	_ =	sdelay $0x4  }
0x92: {  	[tilespmem:$0x1FBF0] =	vst v63;
	v63 =	vld [tilespmem:$0x2F20];
	_ =	sdelay $0x3  }
0x93: {  	v1 =	vmax.f32 v2, v1;
	v2 =	vld [tilespmem:$0x3030]  }
0x94: {  	[tilespmem:$0x1FC10] =	vst v63;
	v63 =	vld [tilespmem:$0x2FA0];
	_ =	sdelay $0x3  }
0x95: {  	[tilespmem:$0x1FE50] =	vst v2;
	v2 =	vld [tilespmem:$0x30B0]  }
0x96: {  	[tilespmem:$0x1FC30] =	vst v63;
	v63 =	vld [tilespmem:$0x3020];
	_ =	sdelay $0x3  }
0x97: {  	[tilespmem:$0x1FE70] =	vst v2;
	v2 =	vld [tilespmem:$0x3130]  }
0x98: {  	[tilespmem:$0x1FC50] =	vst v63;
	v63 =	vld [tilespmem:$0x30A0];
	_ =	sdelay $0x3  }
0x99: {  	[tilespmem:$0x1FE80] =	vst v2;
	v2 =	vld [tilespmem:$0x31B0]  }
0x9a: {  	[tilespmem:$0x1FC70] =	vst v63;
	v63 =	vld [tilespmem:$0x3120];
	_ =	sdelay $0x3  }
0x9b: {  	[tilespmem:$0x1FEA0] =	vst v2;
	v2 =	vld [tilespmem:$0x3230]  }
0x9c: {  	[tilespmem:$0x1FC90] =	vst v63;
	v63 =	vld [tilespmem:$0x31A0];
	_ =	sdelay $0x3  }
0x9d: {  	[tilespmem:$0x1FEC0] =	vst v2;
	v2 =	vld [tilespmem:$0x32B0]  }
0x9e: {  	[tilespmem:$0x1FCB0] =	vst v63;
	v63 =	vld [tilespmem:$0x3220]  }
0x9f: {  	v28 =	vld [tilespmem:$0x3410]  }
0xa0: {  	v50 =	vld [tilespmem:$0x3490]  }
0xa1: {  	v30 =	vld [tilespmem:$0x2520]  }
0xa2: {  	[tilespmem:$0x1FEE0] =	vst v2;
	v2 =	vld [tilespmem:$0x3330]  }
0xa3: {  	[tilespmem:$0x1FCD0] =	vst v63;
	v63 =	vld [tilespmem:$0x32A0]  }
0xa4: {  	v34 =	vld [tilespmem:$0x2620]  }
0xa5: {  	v40 =	vld [tilespmem:$0x26A0]  }
0xa6: {  	v1 =	vmax.f32 v1, v3;
	v3 =	vld [tilespmem:$0x2840]  }
0xa7: {  	[tilespmem:$0x1FEF0] =	vst v2;
	v2 =	vld [tilespmem:$0x33B0]  }
0xa8: {  	[tilespmem:$0x1FCF0] =	vst v63;
	v63 =	vld [tilespmem:$0x3320]  }
0xa9: {  	v44 =	vld [tilespmem:$0x2720]  }
0xaa: {  	v54 =	vld [tilespmem:$0x2820]  }
0xab: {  	[tilespmem:$0x1FE60] =	vst v3;
	v3 =	vld [tilespmem:$0x2940]  }
0xac: {  	[tilespmem:$0x1FF10] =	vst v2;
	v2 =	vld [tilespmem:$0x3430]  }
0xad: {  	[tilespmem:$0x1FD10] =	vst v63;
	v63 =	vld [tilespmem:$0x33A0]  }
0xae: {  	v58 =	vld [tilespmem:$0x28A0]  }
0xaf: {  	v62 =	vld [tilespmem:$0x2920]  }
0xb0: {  	v1 =	vmax.f32 v1, v6;
	[tilespmem:$0x1FE90] =	vst v3;
	v3 =	vld [tilespmem:$0x29C0]  }
0xb1: {  	v1 =	vmax.f32 v1, v7;
	[tilespmem:$0x1FF30] =	vst v2;
	v2 =	vld [tilespmem:$0x34B0]  }
0xb2: {  	v1 =	vmax.f32 v1, v9;
	[tilespmem:$0x1FD30] =	vst v63;
	v63 =	vld [tilespmem:$0x3420]  }
0xb3: {  	v1 =	vmax.f32 v1, v10;
	v10 =	vld [tilespmem:$0x1FA70]  }
0xb4: {  	[tilespmem:$0x1FB50] =	vst v28;
	v28 =	vld [tilespmem:$0x25A0]  }
0xb5: {  	[tilespmem:$0x1FEB0] =	vst v3;
	v3 =	vld [tilespmem:$0x2A40]  }
0xb6: {  	[tilespmem:$0x1FF40] =	vst v2;
	v2 =	vld [tilespmem:$0x2540]  }
0xb7: {  	[tilespmem:$0x1FD50] =	vst v63;
	v63 =	vld [tilespmem:$0x34A0]  }
0xb8: {  	[tilespmem:$0x1FB70] =	vst v50;
	v50 =	vld [tilespmem:$0x27A0]  }
0xb9: {  	v1 =	vmax.f32 v1, v12;
	v12 =	vld [tilespmem:$0x3240]  }
0xba: {  	[tilespmem:$0x1FED0] =	vst v3;
	v3 =	vld [tilespmem:$0x2B40]  }
0xbb: {  	[tilespmem:$0x1FDB0] =	vst v2;
	v2 =	vld [tilespmem:$0x25C0]  }
0xbc: {  	[tilespmem:$0x1FD70] =	vst v63;
	v63 =	vld [tilespmem:$0x2530]  }
0xbd: {  	v1 =	vmax.f32 v1, v13;
	v13 =	vld [tilespmem:$0x1FA80]  }
0xbe: {  	v1 =	vmax.f32 v1, v15;
	v15 =	vld [tilespmem:$0x2650]  }
0xbf: {  	[tilespmem:$0x1FF00] =	vst v3;
	v3 =	vld [tilespmem:$0x2BC0]  }
0xc0: {  	v1 =	vmax.f32 v1, v16;
	[tilespmem:$0x1FDC0] =	vst v2;
	v2 =	vld [tilespmem:$0x2640]  }
0xc1: {  	v1 =	vmax.f32 v1, v18;
	[tilespmem:$0x1FBB0] =	vst v63;
	v63 =	vld [tilespmem:$0x25B0]  }
0xc2: {  	v1 =	vmax.f32 v1, v19;
	v19 =	vld [tilespmem:$0x26D0]  }
0xc3: {  	v1 =	vmax.f32 v1, v21;
	v21 =	vld [tilespmem:$0x2750]  }
0xc4: {  	[tilespmem:$0x1FF20] =	vst v3;
	v3 =	vld [tilespmem:$0x2CC0]  }
0xc5: {  	[tilespmem:$0x1FDE0] =	vst v2;
	v2 =	vld [tilespmem:$0x26C0]  }
0xc6: {  	v1 =	vmax.f32 v1, v23;
	[tilespmem:$0x1FBC0] =	vst v63;
	v63 =	vld [tilespmem:$0x2630]  }
0xc7: {  	v1 =	vmax.f32 v1, v24;
	v24 =	vld [tilespmem:$0x32C0]  }
0xc8: {  	v1 =	vmax.f32 v1, v25;
	v25 =	vld [tilespmem:$0x1FA90]  }
0xc9: {  	[tilespmem:$0x1FF50] =	vst v3;
	v3 =	vld [tilespmem:$0x2D40]  }
0xca: {  	[tilespmem:$0x1FE00] =	vst v2;
	v2 =	vld [tilespmem:$0x2740]  }
0xcb: {  	[tilespmem:$0x1FBE0] =	vst v63;
	v63 =	vld [tilespmem:$0x26B0]  }
0xcc: {  	v1 =	vmax.f32 v1, v27;
	v27 =	vld [tilespmem:$0x1FAA0]  }
0xcd: {  	v1 =	vmax.f32 v1, v31;
	v31 =	vld [tilespmem:$0x28C0]  }
0xce: {  	v1 =	vmax.f32 v1, v33;
	[tilespmem:$0x1FF60] =	vst v3;
	v3 =	vld [tilespmem:$0x2DC0]  }
0xcf: {  	v1 =	vmax.f32 v1, v36;
	[tilespmem:$0x1FE20] =	vst v2;
	v2 =	vld [tilespmem:$0x27C0]  }
0xd0: {  	v1 =	vmax.f32 v1, v38;
	[tilespmem:$0x1FC00] =	vst v63;
	v63 =	vld [tilespmem:$0x2730]  }
0xd1: {  	v33 =	vld [tilespmem:$0x3440];
	v1 =	vmax.f32 v1, v41  }
0xd2: {  	v38 =	vld [tilespmem:$0x2AC0];
	v1 =	vmax.f32 v1, v43  }
0xd3: {  	v1 =	vmax.f32 v1, v47;
	[tilespmem:$0x1FF70] =	vst v3;
	v3 =	vld [tilespmem:$0x2E40]  }
0xd4: {  	v41 =	vld [tilespmem:$0x2C40];
	v1 =	vmax.f32 v1, v49;
	[tilespmem:$0x1FE40] =	vst v2;
	v2 =	vmax.f32 v5, v4  }
0xd5: {  	v1 =	vmax.f32 v1, v51;
	v2 =	vmax.f32 v2, v8;
	[tilespmem:$0x1FC20] =	vst v63;
	v63 =	vld [tilespmem:$0x27B0]  }
0xd6: {  	v51 =	vld [tilespmem:$0x2FC0];
	v1 =	vmax.f32 v1, v53;
	v2 =	vmax.f32 v2, v11  }
0xd7: {  	v53 =	vmax.f32 v30, v28;
	v30 =	vld [tilespmem:$0x1FAC0];
	v1 =	vmax.f32 v1, v55;
	v2 =	vmax.f32 v2, v14  }
0xd8: {  	v1 =	vmax.f32 v1, v57;
	[tilespmem:$0x1FF80] =	vst v3;
	v3 =	vld [tilespmem:$0x2EC0];
	v2 =	vmax.f32 v2, v17  }
0xd9: {  	v1 =	vmax.f32 v1, v59;
	v59 =	vld [tilespmem:$0x3040];
	v2 =	vmax.f32 v2, v20  }
0xda: {  	v2 =	vmax.f32 v2, v22;
	[tilespmem:$0x1FC40] =	vst v63;
	v63 =	vld [tilespmem:$0x2830]  }
0xdb: {  	[tilespmem:$0x1FFD0] =	vst v24;
	v24 =	vld [tilespmem:$0x1FB60];
	v2 =	vmax.f32 v2, v26  }
0xdc: {  	[tilespmem:$0x1FFE0] =	vst v33;
	v33 =	vld [tilespmem:$0x1FBD0];
	v2 =	vmax.f32 v2, v29  }
0xdd: {  	v49 =	vimm.s32 $0x7;
	[tilespmem:$0x1FF90] =	vst v3;
	v3 =	vmax.f32 v1, v61;
	v61 =	vld [tilespmem:$0x30C0];
	v2 =	vmax.f32 v2, v32  }
0xde: {  	v26 =	vperm.xlane v3, v49;
	v29 =	vld [tilespmem:$0x1FAB0];
	v2 =	vmax.f32 v2, v35  }
0xdf: {  	v2 =	vmax.f32 v2, v37;
	[tilespmem:$0x1FC60] =	vst v63;
	v63 =	vld [tilespmem:$0x28B0]  }
0xe0: {  	[tilespmem:$0x3570] =	vst v26;
	v26 =	vld [tilespmem:$0x1FB70];
	v2 =	vmax.f32 v2, v39  }
0xe1: {  	v35 =	vld [tilespmem:$0x1FAE0];
	v2 =	vmax.f32 v2, v42  }
0xe2: {  	v43 =	vimm.s32 $0x1;
	v1 =	vmax.f32 v2, v45;
	v2 =	vld [tilespmem:$0x2F40]  }
0xe3: {  	v47 =	vimm.s32 $0x5;
	[tilespmem:$0x1FFB0] =	vst v51;
	v55 =	vperm.xlane v3, v43;
	v37 =	vld [tilespmem:$0x34C0];
	v1 =	vmax.f32 v1, v46  }
0xe4: {  	v11 =	vperm.xlane v3, v47;
	v1 =	vmax.f32 v1, v48;
	[tilespmem:$0x1FC80] =	vst v63;
	v63 =	vld [tilespmem:$0x2930]  }
0xe5: {  	[tilespmem:$0x3510] =	vst v55;
	v39 =	vld [tilespmem:$0x1FAF0];
	v48 =	vimm.s32 $0x6;
	v1 =	vmax.f32 v1, v52  }
0xe6: {  	[tilespmem:$0x3550] =	vst v11;
	v14 =	vperm.xlane v3, v48;
	v1 =	vmax.f32 v1, v56;
	v56 =	vld [tilespmem:$0x1FB10]  }
0xe7: {  	v52 =	vimm.s32 $0xA;
	[tilespmem:$0x1FFA0] =	vst v2;
	v1 =	vmax.f32 v1, v60;
	v60 =	vld [tilespmem:$0x31C0]  }
0xe8: {  	v36 =	vperm.xlane v3, v52;
	[tilespmem:$0x3560] =	vst v14;
	v14 =	vld [tilespmem:$0x1FB50]  }
0xe9: {  	v51 =	vimm.s32 $0x9;
	v55 =	vimm.s32 $0xD;
	v2 =	vperm.xlane v3, v0;
	[tilespmem:$0x1FCA0] =	vst v63;
	v63 =	vld [tilespmem:$0x29B0]  }
0xea: {  	v11 =	vperm.xlane v3, v55;
	v32 =	vperm.xlane v3, v51;
	v1 =	vmax.f32 v1, v10;
	[tilespmem:$0x35A0] =	vst v36;
	v10 =	vld [tilespmem:$0x1FB40]  }
0xeb: {  	v45 =	vimm.s32 $0x2;
	v46 =	vimm.s32 $0x3;
	v36 =	vld [tilespmem:$0x1FBF0];
	[tilespmem:$0x3500] =	vst v2;
	v2 =	vmax.f32 v53, v34  }
0xec: {  	v57 =	vperm.xlane v3, v45;
	v8 =	vperm.xlane v3, v46;
	v34 =	vld [tilespmem:$0x1FAD0];
	v2 =	vmax.f32 v2, v40  }
0xed: {  	v1 =	vmax.f32 v1, v13;
	v13 =	vld [tilespmem:$0x2550];
	v2 =	vmax.f32 v2, v44;
	v44 =	vimm.s32 $0x4  }
0xee: {  	v53 =	vimm.s32 $0xB;
	v1 =	vmax.f32 v1, v25;
	v9 =	vperm.xlane v3, v44;
	[tilespmem:$0x1FCC0] =	vst v63;
	v63 =	vld [tilespmem:$0x2A30]  }
0xef: {  	v40 =	vld [tilespmem:$0x1FB00];
	v42 =	vperm.xlane v3, v53;
	v1 =	vmax.f32 v1, v27;
	v2 =	vmax.f32 v2, v50  }
0xf0: {  	v50 =	vimm.s32 $0x8;
	v1 =	vmax.f32 v1, v29;
	v2 =	vmax.f32 v2, v54;
	[tilespmem:$0x3540] =	vst v9;
	v9 =	vld [tilespmem:$0x1FB30]  }
0xf1: {  	v27 =	vld [tilespmem:$0x1FB80];
	v54 =	vimm.s32 $0xC;
	v2 =	vmax.f32 v2, v58;
	v1 =	vmax.f32 v1, v34  }
0xf2: {  	[tilespmem:$0x3520] =	vst v57;
	v29 =	vld [tilespmem:$0x1FBA0];
	v57 =	vperm.xlane v3, v54;
	v2 =	vmax.f32 v2, v62;
	v1 =	vmax.f32 v1, v39  }
0xf3: {  	v28 =	vperm.xlane v3, v50;
	v2 =	vmax.f32 v2, v30;
	v4 =	vmax.f32 v1, v56;
	[tilespmem:$0x1FCE0] =	vst v63;
	v63 =	vld [tilespmem:$0x2AB0]  }
0xf4: {  	v1 =	vld [tilespmem:$0x1FB20];
	[tilespmem:$0x35C0] =	vst v57;
	v56 =	vimm.s32 $0xE;
	v57 =	vimm.s32 $0xF;
	v2 =	vmax.f32 v2, v35  }
0xf5: {  	[tilespmem:$0x3580] =	vst v28;
	v25 =	vperm.xlane v3, v56;
	v28 =	vperm.xlane v3, v57;
	v3 =	vld [tilespmem:$0x1FB90];
	v4 =	vmax.f32 v4, v9  }
0xf6: {  	v2 =	vmax.f32 v2, v40;
	v40 =	vld [tilespmem:$0x1FC10];
	v4 =	vmax.f32 v4, v14  }
0xf7: {  	v14 =	vld [tilespmem:$0x1FC30];
	v16 =	vmax.f32 v4, v26  }
0xf8: {  	v35 =	vperm.xlane v16, v45;
	[tilespmem:$0x1FD00] =	vst v63;
	v63 =	vld [tilespmem:$0x2B30]  }
0xf9: {  	v26 =	vld [tilespmem:$0x1FC50];
	v17 =	vperm.xlane v16, v50  }
0xfa: {  	v18 =	vperm.xlane v16, v51;
	[tilespmem:$0x3620] =	vst v35;
	v35 =	vld [tilespmem:$0x1FCB0]  }
0xfb: {  	v2 =	vmax.f32 v2, v1;
	[tilespmem:$0x3680] =	vst v17;
	v17 =	vld [tilespmem:$0x1FCD0]  }
0xfc: {  	v2 =	vmax.f32 v2, v10;
	v20 =	vperm.xlane v16, v52;
	[tilespmem:$0x3690] =	vst v18;
	v18 =	vld [tilespmem:$0x1FCF0]  }
0xfd: {  	v22 =	vperm.xlane v16, v53;
	v2 =	vmax.f32 v2, v24;
	[tilespmem:$0x1FD20] =	vst v63;
	v63 =	vld [tilespmem:$0x2BB0]  }
0xfe: {  	v2 =	vmax.f32 v2, v27;
	[tilespmem:$0x36A0] =	vst v20;
	v20 =	vld [tilespmem:$0x1FD10]  }
0xff: {  	v5 =	vperm.xlane v16, v0;
	[tilespmem:$0x36B0] =	vst v22;
	v22 =	vld [tilespmem:$0x1FD30];
	v2 =	vmax.f32 v2, v3  }
0x100: {  	v4 =	vmax.f32 v2, v29;
	v29 =	vld [tilespmem:$0x1FC70]  }
0x101: {  	[tilespmem:$0x3600] =	vst v5;
	v5 =	vmax.f32 v4, v33;
	v33 =	vld [tilespmem:$0x1FC90]  }
0x102: {  	[tilespmem:$0x1FD40] =	vst v63;
	v63 =	vld [tilespmem:$0x2C30]  }
0x103: {  	v2 =	vld [tilespmem:$0x1FBB0]  }
0x104: {  	v30 =	vld [tilespmem:$0x1FBC0]  }
0x105: {  	v34 =	vld [tilespmem:$0x1FBE0]  }
0x106: {  	[tilespmem:$0x1FFF0] =	vst v37;
	v37 =	vld [tilespmem:$0x1FC00]  }
0x107: {  	[tilespmem:$0x1FD60] =	vst v63;
	v63 =	vld [tilespmem:$0x2CB0]  }
0x108: {  	[tilespmem:$0x35B0] =	vst v42;
	v7 =	vmax.f32 v5, v36;
	v42 =	vld [tilespmem:$0x1FC20]  }
0x109: {  	v7 =	vmax.f32 v7, v40;
	v24 =	vld [tilespmem:$0x1FC40]  }
0x10a: {  	v9 =	vmax.f32 v7, v14;
	v27 =	vld [tilespmem:$0x1FC60]  }
0x10b: {  	[tilespmem:$0x35D0] =	vst v11;
	v9 =	vmax.f32 v9, v26;
	v6 =	vmax.f32 v2, v30;
	v30 =	vld [tilespmem:$0x1FC80]  }
0x10c: {  	v11 =	vmax.f32 v9, v29;
	[tilespmem:$0x1FD80] =	vst v63;
	v63 =	vld [tilespmem:$0x2D30]  }
0x10d: {  	v11 =	vmax.f32 v11, v33;
	v6 =	vmax.f32 v6, v34;
	v34 =	vld [tilespmem:$0x1FCA0]  }
0x10e: {  	v14 =	vmax.f32 v11, v35;
	v6 =	vmax.f32 v6, v37;
	v36 =	vld [tilespmem:$0x1FCC0]  }
0x10f: {  	[tilespmem:$0x3530] =	vst v8;
	v14 =	vmax.f32 v14, v17;
	v8 =	vmax.f32 v6, v42;
	v17 =	vld [tilespmem:$0x1FCE0]  }
0x110: {  	[tilespmem:$0x1FFC0] =	vst v12;
	v8 =	vmax.f32 v8, v24;
	v37 =	vld [tilespmem:$0x1FD00]  }
0x111: {  	v12 =	vperm.xlane v16, v44;
	v18 =	vmax.f32 v14, v18;
	v10 =	vmax.f32 v8, v27;
	[tilespmem:$0x1FD90] =	vst v63;
	v63 =	vld [tilespmem:$0x2DB0]  }
0x112: {  	v18 =	vmax.f32 v18, v20;
	v10 =	vmax.f32 v10, v30;
	v20 =	vld [tilespmem:$0x1FD20]  }
0x113: {  	[tilespmem:$0x3640] =	vst v12;
	v18 =	vmax.f32 v18, v22;
	v12 =	vmax.f32 v10, v34;
	v22 =	vld [tilespmem:$0x1FD40]  }
0x114: {  	[tilespmem:$0x3590] =	vst v32;
	v58 =	vld [tilespmem:$0x3340];
	v12 =	vmax.f32 v12, v36  }
0x115: {  	v62 =	vld [tilespmem:$0x33C0];
	[tilespmem:$0x35F0] =	vst v28;
	v32 =	vperm.xlane v16, v43;
	v17 =	vmax.f32 v12, v17  }
0x116: {  	v28 =	vperm.xlane v16, v48;
	v17 =	vmax.f32 v17, v37;
	[tilespmem:$0x1FDA0] =	vst v63;
	v63 =	vld [tilespmem:$0x2E30]  }
0x117: {  	v1 =	vld [tilespmem:$0x25D0];
	[tilespmem:$0x3610] =	vst v32;
	v17 =	vmax.f32 v17, v20;
	v20 =	vperm.xlane v16, v54  }
0x118: {  	[tilespmem:$0x3660] =	vst v28;
	v28 =	vld [tilespmem:$0x1FE20];
	v17 =	vmax.f32 v17, v22;
	v22 =	vperm.xlane v16, v55  }
0x119: {  	[tilespmem:$0x36C0] =	vst v20;
	v20 =	vld [tilespmem:$0x1FD50]  }
0x11a: {  	[tilespmem:$0x36D0] =	vst v22;
	v22 =	vld [tilespmem:$0x1FD70]  }
0x11b: {  	v32 =	vperm.xlane v16, v49;
	[tilespmem:$0x1FDD0] =	vst v63;
	v63 =	vld [tilespmem:$0x2EB0]  }
0x11c: {  	v3 =	vld [tilespmem:$0x27D0]  }
0x11d: {  	[tilespmem:$0x3670] =	vst v32;
	v32 =	vld [tilespmem:$0x2E50]  }
0x11e: {  	v18 =	vmax.f32 v18, v20;
	v20 =	vld [tilespmem:$0x1FD60]  }
0x11f: {  	v30 =	vmax.f32 v18, v22;
	v18 =	vld [tilespmem:$0x1FD80]  }
0x120: {  	[tilespmem:$0x1FDF0] =	vst v63;
	v63 =	vld [tilespmem:$0x2F30]  }
0x121: {  	v1 =	vmax.f32 v13, v1;
	v13 =	vld [tilespmem:$0x2860]  }
0x122: {  	v4 =	vld [tilespmem:$0x28D0]  }
0x123: {  	v1 =	vmax.f32 v1, v15;
	v15 =	vld [tilespmem:$0x28E0]  }
0x124: {  	[tilespmem:$0x35E0] =	vst v25;
	v17 =	vmax.f32 v17, v20;
	v20 =	vperm.xlane v16, v56;
	v22 =	vld [tilespmem:$0x1FDC0]  }
0x125: {  	v39 =	vperm.xlane v16, v46;
	v17 =	vmax.f32 v17, v18;
	v18 =	vperm.xlane v16, v57;
	[tilespmem:$0x1FE10] =	vst v63;
	v63 =	vld [tilespmem:$0x2FB0]  }
0x126: {  	v25 =	vperm.xlane v16, v47;
	[tilespmem:$0x36E0] =	vst v20;
	v20 =	vperm.xlane v30, v0;
	v16 =	vld [tilespmem:$0x1FD90]  }
0x127: {  	v23 =	vperm.xlane v30, v43;
	[tilespmem:$0x36F0] =	vst v18;
	v18 =	vld [tilespmem:$0x1FDA0]  }
0x128: {  	[tilespmem:$0x3700] =	vst v20;
	v20 =	vld [tilespmem:$0x1FDD0]  }
0x129: {  	[tilespmem:$0x3710] =	vst v23;
	v23 =	vld [tilespmem:$0x1FDF0]  }
0x12a: {  	v42 =	vld [tilespmem:$0x1FE10];
	[tilespmem:$0x1FE30] =	vst v63  }
0x12b: {  	v17 =	vmax.f32 v17, v16;
	v36 =	vld [tilespmem:$0x1FE30]  }
0x12c: {  	v18 =	vmax.f32 v17, v18;
	v17 =	vld [tilespmem:$0x1FDB0]  }
0x12d: {  	[tilespmem:$0x3630] =	vst v39;
	v39 =	vperm.xlane v30, v45;
	v20 =	vmax.f32 v18, v20;
	v18 =	vld [tilespmem:$0x1FDE0]  }
0x12e: {  	v23 =	vmax.f32 v20, v23;
	v20 =	vld [tilespmem:$0x1FE00]  }
0x12f: {  	v40 =	vperm.xlane v30, v46;
	[tilespmem:$0x3720] =	vst v39;
	v39 =	vld [tilespmem:$0x1FE50];
	v23 =	vmax.f32 v23, v42  }
0x130: {  	[tilespmem:$0x3650] =	vst v25;
	v25 =	vmax.f32 v23, v36;
	v23 =	vld [tilespmem:$0x1FE40]  }
0x131: {  	v34 =	vperm.xlane v30, v44;
	[tilespmem:$0x3730] =	vst v40;
	v40 =	vld [tilespmem:$0x1FE60];
	v22 =	vmax.f32 v17, v22  }
0x132: {  	v5 =	vld [tilespmem:$0x2950];
	v37 =	vperm.xlane v30, v47;
	v22 =	vmax.f32 v22, v18  }
0x133: {  	[tilespmem:$0x3740] =	vst v34;
	v34 =	vld [tilespmem:$0x1FE70];
	v22 =	vmax.f32 v22, v20  }
0x134: {  	[tilespmem:$0x3750] =	vst v37;
	v37 =	vld [tilespmem:$0x1FE80];
	v24 =	vmax.f32 v22, v28  }
0x135: {  	v25 =	vmax.f32 v25, v39;
	v39 =	vld [tilespmem:$0x1FE90];
	v24 =	vmax.f32 v24, v23  }
0x136: {  	v26 =	vmax.f32 v24, v40;
	v40 =	vld [tilespmem:$0x1FEA0]  }
0x137: {  	v1 =	vmax.f32 v1, v19;
	v19 =	vld [tilespmem:$0x2960]  }
0x138: {  	v1 =	vmax.f32 v1, v21;
	v21 =	vld [tilespmem:$0x29E0];
	v42 =	vperm.xlane v30, v48;
	v27 =	vmax.f32 v25, v34  }
0x139: {  	v27 =	vmax.f32 v27, v37;
	v37 =	vld [tilespmem:$0x1FEB0];
	v26 =	vmax.f32 v26, v31  }
0x13a: {  	[tilespmem:$0x3760] =	vst v42;
	v42 =	vperm.xlane v30, v51;
	v28 =	vmax.f32 v26, v39;
	v39 =	vld [tilespmem:$0x1FEC0]  }
0x13b: {  	v31 =	vmax.f32 v27, v40;
	v40 =	vld [tilespmem:$0x1FED0]  }
0x13c: {  	[tilespmem:$0x3790] =	vst v42;
	v42 =	vld [tilespmem:$0x1FEE0]  }
0x13d: {  	v7 =	vld [tilespmem:$0x2A50]  }
0x13e: {  	v1 =	vmax.f32 v1, v3;
	v3 =	vld [tilespmem:$0x2A60]  }
0x13f: {  	v9 =	vld [tilespmem:$0x2B50];
	v28 =	vmax.f32 v28, v37  }
0x140: {  	v31 =	vmax.f32 v31, v39;
	v37 =	vmax.f32 v28, v40;
	v40 =	vld [tilespmem:$0x1FEF0]  }
0x141: {  	v31 =	vmax.f32 v31, v42;
	v42 =	vld [tilespmem:$0x1FF00]  }
0x142: {  	v29 =	vld [tilespmem:$0x2DD0]  }
0x143: {  	v33 =	vld [tilespmem:$0x2ED0]  }
0x144: {  	v2 =	vld [tilespmem:$0x2850]  }
0x145: {  	v37 =	vmax.f32 v37, v38;
	v31 =	vmax.f32 v31, v40;
	v40 =	vld [tilespmem:$0x1FF10]  }
0x146: {  	v37 =	vmax.f32 v37, v42;
	v42 =	vld [tilespmem:$0x1FF30]  }
0x147: {  	v11 =	vld [tilespmem:$0x2C50]  }
0x148: {  	v35 =	vld [tilespmem:$0x2F50]  }
0x149: {  	v14 =	vld [tilespmem:$0x2D50]  }
0x14a: {  	v1 =	vmax.f32 v1, v2;
	v2 =	vld [tilespmem:$0x2AE0];
	v31 =	vmax.f32 v31, v40  }
0x14b: {  	v31 =	vmax.f32 v31, v42;
	v42 =	vld [tilespmem:$0x1FF40]  }
0x14c: {  	v6 =	vld [tilespmem:$0x29D0]  }
0x14d: {  	v1 =	vmax.f32 v1, v4;
	v4 =	vld [tilespmem:$0x2B60]  }
0x14e: {  	v34 =	vperm.xlane v30, v50;
	v40 =	vld [tilespmem:$0x1FF20]  }
0x14f: {  	v1 =	vmax.f32 v1, v5;
	v5 =	vld [tilespmem:$0x2BE0];
	v36 =	vperm.xlane v30, v49  }
0x150: {  	[tilespmem:$0x3780] =	vst v34;
	v34 =	vperm.xlane v30, v52;
	v31 =	vmax.f32 v31, v42;
	v42 =	vld [tilespmem:$0x1FF50]  }
0x151: {  	v1 =	vmax.f32 v1, v6;
	v6 =	vld [tilespmem:$0x2C60];
	[tilespmem:$0x3770] =	vst v36;
	v36 =	vperm.xlane v30, v53  }
0x152: {  	v8 =	vld [tilespmem:$0x2AD0];
	[tilespmem:$0x37A0] =	vst v34;
	v34 =	vperm.xlane v30, v54  }
0x153: {  	v1 =	vmax.f32 v1, v7;
	v7 =	vld [tilespmem:$0x2CE0];
	[tilespmem:$0x37B0] =	vst v36;
	v36 =	vperm.xlane v30, v55;
	v37 =	vmax.f32 v37, v40  }
0x154: {  	v10 =	vld [tilespmem:$0x2BD0];
	[tilespmem:$0x37C0] =	vst v34;
	v34 =	vperm.xlane v30, v56;
	v30 =	vperm.xlane v30, v57;
	v37 =	vmax.f32 v37, v41  }
0x155: {  	[tilespmem:$0x37D0] =	vst v36;
	v36 =	vmax.f32 v37, v42;
	v42 =	vld [tilespmem:$0x1FF60]  }
0x156: {  	[tilespmem:$0x37F0] =	vst v30;
	v30 =	vld [tilespmem:$0x1FF70]  }
0x157: {  	v1 =	vmax.f32 v1, v8;
	v8 =	vld [tilespmem:$0x2D60]  }
0x158: {  	v12 =	vld [tilespmem:$0x2CD0]  }
0x159: {  	v1 =	vmax.f32 v1, v9;
	v9 =	vld [tilespmem:$0x2DE0]  }
0x15a: {  	v16 =	vld [tilespmem:$0x2FD0];
	[tilespmem:$0x37E0] =	vst v34;
	v34 =	vperm.xlane v31, v0;
	v36 =	vmax.f32 v36, v42  }
0x15b: {  	v1 =	vmax.f32 v1, v10;
	v17 =	vld [tilespmem:$0x3050];
	v30 =	vmax.f32 v36, v30;
	v36 =	vperm.xlane v31, v43  }
0x15c: {  	v1 =	vmax.f32 v1, v11;
	[tilespmem:$0x3800] =	vst v34;
	v34 =	vld [tilespmem:$0x1FF80]  }
0x15d: {  	v1 =	vmax.f32 v1, v12;
	[tilespmem:$0x3810] =	vst v36;
	v36 =	vld [tilespmem:$0x1FF90]  }
0x15e: {  	v1 =	vmax.f32 v1, v14;
	v18 =	vld [tilespmem:$0x30D0]  }
0x15f: {  	v1 =	vmax.f32 v1, v29;
	v20 =	vld [tilespmem:$0x3150]  }
0x160: {  	v1 =	vmax.f32 v1, v32;
	v22 =	vld [tilespmem:$0x31D0]  }
0x161: {  	v1 =	vmax.f32 v1, v33;
	v23 =	vld [tilespmem:$0x3250];
	v30 =	vmax.f32 v30, v34;
	v34 =	vperm.xlane v31, v45  }
0x162: {  	v1 =	vmax.f32 v1, v35;
	v24 =	vld [tilespmem:$0x32D0];
	v30 =	vmax.f32 v30, v36;
	v36 =	vperm.xlane v31, v46  }
0x163: {  	v1 =	vmax.f32 v1, v16;
	[tilespmem:$0x3820] =	vst v34;
	v34 =	vld [tilespmem:$0x1FFA0]  }
0x164: {  	v1 =	vmax.f32 v1, v17;
	[tilespmem:$0x3830] =	vst v36;
	v36 =	vld [tilespmem:$0x1FFB0]  }
0x165: {  	v1 =	vmax.f32 v1, v18;
	v25 =	vld [tilespmem:$0x3350]  }
0x166: {  	v1 =	vmax.f32 v1, v20;
	v26 =	vld [tilespmem:$0x33D0]  }
0x167: {  	v1 =	vmax.f32 v1, v22;
	v27 =	vld [tilespmem:$0x3450]  }
0x168: {  	v1 =	vmax.f32 v1, v23;
	v28 =	vld [tilespmem:$0x34D0];
	v30 =	vmax.f32 v30, v34  }
0x169: {  	v10 =	vld [tilespmem:$0x2E60];
	v1 =	vmax.f32 v1, v24;
	v30 =	vmax.f32 v30, v36  }
0x16a: {  	v11 =	vld [tilespmem:$0x2EE0];
	v1 =	vmax.f32 v1, v25;
	v30 =	vmax.f32 v30, v59;
	v59 =	vperm.xlane v31, v48  }
0x16b: {  	v63 =	vld [tilespmem:$0x3140];
	v1 =	vmax.f32 v1, v26;
	v30 =	vmax.f32 v30, v61;
	v61 =	vperm.xlane v31, v49  }
0x16c: {  	v12 =	vld [tilespmem:$0x2F60];
	v1 =	vmax.f32 v1, v27;
	[tilespmem:$0x3860] =	vst v59;
	v59 =	vperm.xlane v31, v50  }
0x16d: {  	v1 =	vmax.f32 v1, v28;
	[tilespmem:$0x3870] =	vst v61;
	v61 =	vld [tilespmem:$0x1FFC0]  }
0x16e: {  	v24 =	vperm.xlane v1, v45;
	[tilespmem:$0x3880] =	vst v59;
	v59 =	vld [tilespmem:$0x1FFD0]  }
0x16f: {  	v14 =	vld [tilespmem:$0x2FE0];
	v26 =	vperm.xlane v1, v46  }
0x170: {  	v39 =	vld [tilespmem:$0x25E0];
	v28 =	vperm.xlane v1, v44;
	[tilespmem:$0x3A20] =	vst v24;
	v30 =	vmax.f32 v30, v63  }
0x171: {  	v38 =	vld [tilespmem:$0x2560];
	[tilespmem:$0x3A30] =	vst v26;
	v30 =	vmax.f32 v30, v60;
	v60 =	vperm.xlane v31, v51  }
0x172: {  	v32 =	vperm.xlane v1, v47;
	[tilespmem:$0x3A40] =	vst v28;
	v40 =	vld [tilespmem:$0x2660];
	v30 =	vmax.f32 v30, v61  }
0x173: {  	v41 =	vld [tilespmem:$0x26E0];
	[tilespmem:$0x3890] =	vst v60;
	v60 =	vperm.xlane v31, v53;
	v30 =	vmax.f32 v30, v59  }
0x174: {  	[tilespmem:$0x3A50] =	vst v32;
	v63 =	vperm.xlane v31, v52;
	v30 =	vmax.f32 v30, v58;
	v58 =	vld [tilespmem:$0x1FFE0]  }
0x175: {  	v34 =	vperm.xlane v31, v44;
	v36 =	vperm.xlane v31, v47;
	[tilespmem:$0x38B0] =	vst v60;
	v60 =	vld [tilespmem:$0x1FFF0]  }
0x176: {  	v37 =	vld [tilespmem:$0x2760];
	[tilespmem:$0x38A0] =	vst v63;
	v63 =	vperm.xlane v31, v55;
	v61 =	vperm.xlane v31, v54  }
0x177: {  	v42 =	vld [tilespmem:$0x27E0];
	[tilespmem:$0x3840] =	vst v34;
	v59 =	vperm.xlane v31, v56;
	v31 =	vperm.xlane v31, v57  }
0x178: {  	v29 =	vld [tilespmem:$0x32E0];
	[tilespmem:$0x38D0] =	vst v63;
	v63 =	vmax.f32 v38, v39;
	v30 =	vmax.f32 v30, v62  }
0x179: {  	v33 =	vld [tilespmem:$0x3160];
	[tilespmem:$0x38F0] =	vst v31;
	v31 =	vmax.f32 v63, v40;
	v30 =	vmax.f32 v30, v58  }
0x17a: {  	v35 =	vld [tilespmem:$0x31E0];
	[tilespmem:$0x3850] =	vst v36;
	v31 =	vmax.f32 v31, v41;
	v30 =	vmax.f32 v30, v60  }
0x17b: {  	v18 =	vld [tilespmem:$0x33E0];
	[tilespmem:$0x38C0] =	vst v61;
	v31 =	vmax.f32 v31, v37;
	v61 =	vperm.xlane v30, v0  }
0x17c: {  	v25 =	vld [tilespmem:$0x28F0];
	[tilespmem:$0x38E0] =	vst v59;
	v41 =	vmax.f32 v31, v42;
	v62 =	vperm.xlane v30, v43  }
0x17d: {  	v27 =	vld [tilespmem:$0x2970];
	v13 =	vmax.f32 v41, v13;
	v38 =	vperm.xlane v30, v45;
	[tilespmem:$0x3900] =	vst v61  }
0x17e: {  	v34 =	vld [tilespmem:$0x30E0];
	v13 =	vmax.f32 v13, v15;
	v39 =	vperm.xlane v30, v46;
	[tilespmem:$0x3910] =	vst v62  }
0x17f: {  	v36 =	vld [tilespmem:$0x3060];
	v40 =	vperm.xlane v30, v44;
	v13 =	vmax.f32 v13, v19;
	[tilespmem:$0x3920] =	vst v38  }
0x180: {  	v59 =	vld [tilespmem:$0x26F0];
	v16 =	vperm.xlane v30, v47;
	v13 =	vmax.f32 v13, v21;
	[tilespmem:$0x3930] =	vst v39  }
0x181: {  	v63 =	vld [tilespmem:$0x2870];
	v17 =	vperm.xlane v30, v48;
	[tilespmem:$0x3940] =	vst v40;
	v3 =	vmax.f32 v13, v3  }
0x182: {  	v42 =	vld [tilespmem:$0x25F0];
	[tilespmem:$0x3950] =	vst v16;
	v16 =	vperm.xlane v30, v49;
	v2 =	vmax.f32 v3, v2  }
0x183: {  	[tilespmem:$0x3960] =	vst v17;
	v17 =	vperm.xlane v30, v50;
	v3 =	vld [tilespmem:$0x2570];
	v2 =	vmax.f32 v2, v4  }
0x184: {  	v58 =	vld [tilespmem:$0x2670];
	v62 =	vperm.xlane v1, v43;
	[tilespmem:$0x3970] =	vst v16;
	v2 =	vmax.f32 v2, v5  }
0x185: {  	v37 =	vld [tilespmem:$0x2A70];
	v16 =	vperm.xlane v30, v51;
	[tilespmem:$0x3980] =	vst v17;
	v2 =	vmax.f32 v2, v6  }
0x186: {  	v60 =	vld [tilespmem:$0x2770];
	v38 =	vperm.xlane v1, v48;
	v17 =	vperm.xlane v30, v52;
	[tilespmem:$0x3A10] =	vst v62;
	v2 =	vmax.f32 v2, v7  }
0x187: {  	v61 =	vld [tilespmem:$0x27F0];
	v40 =	vperm.xlane v1, v49;
	[tilespmem:$0x3990] =	vst v16;
	v16 =	vperm.xlane v30, v53;
	v2 =	vmax.f32 v2, v8  }
0x188: {  	v31 =	vld [tilespmem:$0x3260];
	[tilespmem:$0x39A0] =	vst v17;
	v17 =	vperm.xlane v30, v54;
	v3 =	vmax.f32 v3, v42;
	v2 =	vmax.f32 v2, v9  }
0x189: {  	v41 =	vld [tilespmem:$0x2B70];
	[tilespmem:$0x39B0] =	vst v16;
	v16 =	vperm.xlane v30, v55;
	v3 =	vmax.f32 v3, v58;
	v2 =	vmax.f32 v2, v10  }
0x18a: {  	v15 =	vld [tilespmem:$0x3360];
	[tilespmem:$0x39C0] =	vst v17;
	v17 =	vperm.xlane v30, v56;
	v3 =	vmax.f32 v3, v59;
	v2 =	vmax.f32 v2, v11  }
0x18b: {  	[tilespmem:$0x39D0] =	vst v16;
	v16 =	vperm.xlane v30, v57;
	v30 =	vld [tilespmem:$0x29F0];
	v3 =	vmax.f32 v3, v60;
	v2 =	vmax.f32 v2, v12  }
0x18c: {  	v19 =	vld [tilespmem:$0x3460];
	[tilespmem:$0x3A60] =	vst v38;
	v3 =	vmax.f32 v3, v61;
	v2 =	vmax.f32 v2, v14  }
0x18d: {  	v39 =	vld [tilespmem:$0x2AF0];
	[tilespmem:$0x3A70] =	vst v40;
	v42 =	vperm.xlane v1, v50;
	v3 =	vmax.f32 v3, v63;
	v2 =	vmax.f32 v2, v36  }
0x18e: {  	v13 =	vld [tilespmem:$0x34E0];
	[tilespmem:$0x39E0] =	vst v17;
	v3 =	vmax.f32 v3, v25;
	v2 =	vmax.f32 v2, v34  }
0x18f: {  	v58 =	vld [tilespmem:$0x2BF0];
	v17 =	vperm.xlane v1, v0;
	[tilespmem:$0x3A80] =	vst v42;
	v3 =	vmax.f32 v3, v27;
	v2 =	vmax.f32 v2, v33  }
0x190: {  	v59 =	vperm.xlane v1, v51;
	v60 =	vld [tilespmem:$0x2C70];
	[tilespmem:$0x39F0] =	vst v16;
	v3 =	vmax.f32 v3, v30;
	v2 =	vmax.f32 v2, v35  }
0x191: {  	v62 =	vld [tilespmem:$0x2CF0];
	[tilespmem:$0x3A00] =	vst v17;
	v61 =	vperm.xlane v1, v52;
	v3 =	vmax.f32 v3, v37;
	v2 =	vmax.f32 v2, v31  }
0x192: {  	[tilespmem:$0x3A90] =	vst v59;
	v12 =	vld [tilespmem:$0x2D70];
	v63 =	vperm.xlane v1, v53;
	v3 =	vmax.f32 v3, v39;
	v2 =	vmax.f32 v2, v29  }
0x193: {  	v24 =	vld [tilespmem:$0x2DF0];
	v14 =	vperm.xlane v1, v54;
	[tilespmem:$0x3AA0] =	vst v61;
	v3 =	vmax.f32 v3, v41;
	v2 =	vmax.f32 v2, v15  }
0x194: {  	v26 =	vld [tilespmem:$0x2E70];
	v25 =	vperm.xlane v1, v55;
	[tilespmem:$0x3AB0] =	vst v63;
	v3 =	vmax.f32 v3, v58;
	v2 =	vmax.f32 v2, v18  }
0x195: {  	v28 =	vld [tilespmem:$0x2EF0];
	[tilespmem:$0x3AC0] =	vst v14;
	v27 =	vperm.xlane v1, v56;
	v3 =	vmax.f32 v3, v60;
	v2 =	vmax.f32 v2, v19  }
0x196: {  	v1 =	vperm.xlane v1, v57;
	[tilespmem:$0x3AD0] =	vst v25;
	v29 =	vld [tilespmem:$0x2F70];
	v3 =	vmax.f32 v3, v62;
	v2 =	vmax.f32 v2, v13  }
0x197: {  	[tilespmem:$0x3AE0] =	vst v27;
	v31 =	vld [tilespmem:$0x2FF0];
	v3 =	vmax.f32 v3, v12;
	v30 =	vperm.xlane v2, v0  }
0x198: {  	v32 =	vld [tilespmem:$0x3070];
	[tilespmem:$0x3AF0] =	vst v1;
	v1 =	vperm.xlane v2, v43;
	v3 =	vmax.f32 v3, v24  }
0x199: {  	v34 =	vld [tilespmem:$0x30F0];
	v33 =	vperm.xlane v2, v45;
	v3 =	vmax.f32 v3, v26;
	[tilespmem:$0x3B00] =	vst v30  }
0x19a: {  	v35 =	vld [tilespmem:$0x3170];
	[tilespmem:$0x3B10] =	vst v1;
	v1 =	vperm.xlane v2, v46;
	v3 =	vmax.f32 v3, v28  }
0x19b: {  	v37 =	vld [tilespmem:$0x31F0];
	v36 =	vperm.xlane v2, v44;
	[tilespmem:$0x3B20] =	vst v33;
	v3 =	vmax.f32 v3, v29  }
0x19c: {  	v38 =	vld [tilespmem:$0x3270];
	[tilespmem:$0x3B30] =	vst v1;
	v1 =	vperm.xlane v2, v47;
	v3 =	vmax.f32 v3, v31  }
0x19d: {  	v40 =	vld [tilespmem:$0x32F0];
	v39 =	vperm.xlane v2, v48;
	[tilespmem:$0x3B40] =	vst v36;
	v3 =	vmax.f32 v3, v32  }
0x19e: {  	v41 =	vld [tilespmem:$0x3370];
	[tilespmem:$0x3B50] =	vst v1;
	v1 =	vperm.xlane v2, v49;
	v3 =	vmax.f32 v3, v34  }
0x19f: {  	v58 =	vld [tilespmem:$0x33F0];
	v42 =	vperm.xlane v2, v50;
	[tilespmem:$0x3B60] =	vst v39;
	v3 =	vmax.f32 v3, v35  }
0x1a0: {  	v59 =	vld [tilespmem:$0x3470];
	[tilespmem:$0x3B70] =	vst v1;
	v1 =	vperm.xlane v2, v51;
	v3 =	vmax.f32 v3, v37  }
0x1a1: {  	v61 =	vld [tilespmem:$0x34F0];
	v60 =	vperm.xlane v2, v52;
	[tilespmem:$0x3B80] =	vst v42;
	v3 =	vmax.f32 v3, v38  }
0x1a2: {  	v62 =	vperm.xlane v2, v54;
	[tilespmem:$0x3B90] =	vst v1;
	v1 =	vmax.f32 v3, v40  }
0x1a3: {  	[tilespmem:$0x3BA0] =	vst v60;
	v3 =	vperm.xlane v2, v53;
	v1 =	vmax.f32 v1, v41  }
0x1a4: {  	v63 =	vperm.xlane v2, v56;
	[tilespmem:$0x3BC0] =	vst v62;
	v1 =	vmax.f32 v1, v58  }
0x1a5: {  	[tilespmem:$0x3BB0] =	vst v3;
	v3 =	vperm.xlane v2, v55;
	v1 =	vmax.f32 v1, v59  }
0x1a6: {  	[tilespmem:$0x3BE0] =	vst v63;
	v2 =	vperm.xlane v2, v57;
	v1 =	vmax.f32 v1, v61  }
0x1a7: {  	[tilespmem:$0x3BD0] =	vst v3;
	v3 =	vperm.xlane v1, v0  }
0x1a8: {  	[tilespmem:$0x3BF0] =	vst v2;
	v2 =	vperm.xlane v1, v43  }
0x1a9: {  	[tilespmem:$0x3C00] =	vst v3;
	v3 =	vperm.xlane v1, v45  }
0x1aa: {  	[tilespmem:$0x3C10] =	vst v2;
	v2 =	vperm.xlane v1, v46  }
0x1ab: {  	[tilespmem:$0x3C20] =	vst v3;
	v3 =	vperm.xlane v1, v44  }
0x1ac: {  	[tilespmem:$0x3C30] =	vst v2;
	v2 =	vperm.xlane v1, v47  }
0x1ad: {  	[tilespmem:$0x3C40] =	vst v3;
	v3 =	vperm.xlane v1, v48  }
0x1ae: {  	[tilespmem:$0x3C50] =	vst v2;
	v2 =	vperm.xlane v1, v49  }
0x1af: {  	[tilespmem:$0x3C60] =	vst v3;
	v3 =	vperm.xlane v1, v50  }
0x1b0: {  	[tilespmem:$0x3C70] =	vst v2;
	v2 =	vperm.xlane v1, v51  }
0x1b1: {  	v20 =	vld [tilespmem:$0x3D40];
	[tilespmem:$0x3C80] =	vst v3;
	v3 =	vperm.xlane v1, v52  }
0x1b2: {  	v22 =	vld [tilespmem:$0x3D60];
	[tilespmem:$0x3C90] =	vst v2;
	v2 =	vperm.xlane v1, v53  }
0x1b3: {  	v23 =	vld [tilespmem:$0x3D70];
	[tilespmem:$0x3CA0] =	vst v3;
	v3 =	vperm.xlane v1, v54  }
0x1b4: {  	v21 =	vld [tilespmem:$0x3D50];
	[tilespmem:$0x3CB0] =	vst v2;
	v2 =	vperm.xlane v1, v55  }
0x1b5: {  	v16 =	vld [tilespmem:$0x3D00];
	[tilespmem:$0x3CC0] =	vst v3;
	v3 =	vperm.xlane v1, v56  }
0x1b6: {  	v17 =	vld [tilespmem:$0x3D10];
	[tilespmem:$0x3CD0] =	vst v2;
	v1 =	vperm.xlane v1, v57  }
0x1b7: {  	v18 =	vld [tilespmem:$0x3D20];
	[tilespmem:$0x3CE0] =	vst v3  }
0x1b8: {  	s21 =	simm.s32 $0x0;
	v19 =	vld [tilespmem:$0x3D30];
	[tilespmem:$0x3CF0] =	vst v1  }
.LBB2_2:
0x1b9: {  	_ =	swait.ge [sflag:s29], $0x800  }
0x1ba: {  	[sflag:s29] =	ssyncset.done $0x0  }
0x1bb: {  	[sflag:s29] =	ssyncadd.s32 $0xFFFFF800  }
0x1bc: {  	_ =	swait.ge [sflag:s30], $0x800  }
0x1bd: {  	[sflag:s30] =	ssyncset.done $0x0  }
0x1be: {  	s4 =	simm.s32 $0x20;
	[sflag:s30] =	ssyncadd.s32 $0xFFFFF800  }
0x1bf: {  	v6 =	vld [tilespmem:s4+$0x10]  }
0x1c0: {  	v7 =	vld [tilespmem:s4+$0x0]  }
0x1c1: {  	v8 =	vld [tilespmem:s4+$0xFFFFFFF0]  }
0x1c2: {  	s24 =	simm.s32 $0x3520;
	v10 =	vld [tilespmem:s4+$0xFFFFFFE0]  }
0x1c3: {  	v2 =	vld [tilespmem:s24+$0x10]  }
0x1c4: {  	v3 =	vld [tilespmem:s24+$0x0]  }
0x1c5: {  	v5 =	vld [tilespmem:s24+$0xFFFFFFF0]  }
0x1c6: {  	s25 =	simm.s32 $0x820;
	v9 =	vld [tilespmem:s24+$0xFFFFFFE0]  }
0x1c7: {  	v4 =	vimm.s32 $0xFFFFFFFF;
	s26 =	simm.s32 $0x0;
	s6 =	simm.s32 $0x4;
	v1 =	vimm.s32 $0xFFFFFFFF;
	v11 =	vld [tilespmem:s25+$0xFFFFFFE0]  }
.LBB2_3:
0x1c8: {  	p1 =	sne.s32 s6, $0x7C;
	v12 =	vld [tilespmem:s25+$0xFFFFFFF0];
	vm0 =	veq.f32 v6, v2  }
0x1c9: {  	vm1 =	veq.f32 v7, v3;
	v13 =	vld [tilespmem:s25+$0x0]  }
0x1ca: {  	s4 =	sadd.s32 $0x40, s4;
	vm2 =	veq.f32 v8, v5;
	v14 =	vld [tilespmem:s25+$0x10]  }
0x1cb: {  	v6 =	vld [tilespmem:s4+$0x10];
	vm3 =	veq.f32 v10, v9  }
0x1cc: {  	v10 =	vmov s26;
	v7 =	vld [tilespmem:s4+$0x0];
	vm4 =	veq.f32 v11, v9  }
0x1cd: {  	s8 =	sadd.s32 $0x1, s26;
	v9 =	vnsel vm3, $0xFFFFFFFF, v10;
	v8 =	vld [tilespmem:s4+$0xFFFFFFF0];
	v11 =	vnsel vm4, $0xFFFFFFFF, v10;
	vm3 =	veq.f32 v12, v5  }
0x1ce: {  	s24 =	sadd.s32 $0x40, s24;
	v5 =	vsel vm2, s8, v9;
	v10 =	vld [tilespmem:s4+$0xFFFFFFE0];
	v9 =	vsel vm3, s8, v11;
	s8 =	sadd.s32 $0x2, s26;
	vm2 =	veq.f32 v13, v3  }
.Ltmp2:
0x1cf: {  	v5 =	vsel vm1, s8, v5;
	v9 =	vsel vm2, s8, v9;
	s8 =	sadd.s32 $0x3, s26;
	vm1 =	veq.f32 v14, v2;
	v2 =	vld [tilespmem:s24+$0x10];
	s26 =	smov.u32 s6;
	(pc) =	sbr.rel @p1 .LBB2_3-.Ltmp2, $4  }
0x1d0: {  	v3 =	vld [tilespmem:s24+$0x0];
	v11 =	vsel vm0, s8, v5;
	v12 =	vsel vm1, s8, v9  }
0x1d1: {  	v5 =	vld [tilespmem:s24+$0xFFFFFFF0];
	vm0 =	vlt.s32 v11, $0x0;
	vm1 =	vlt.s32 v12, $0x0  }
0x1d2: {  	s25 =	sadd.s32 $0x40, s25;
	v9 =	vld [tilespmem:s24+$0xFFFFFFE0];
	v4 =	vsel vm0, v4, v11;
	v1 =	vsel vm1, v1, v12  }
0x1d3: {  	s6 =	sadd.s32 $0x4, s6;
	v11 =	vld [tilespmem:s25+$0xFFFFFFE0]  }
0x1d4: {  	_ =	sdelay $0x1  }
0x1d5: {  	s24 =	sshll.u32 s21, $0x6  }
0x1d6: {  	v12 =	vld [tilespmem:s24+$0x2000];
	vm0 =	veq.f32 v10, v9;
	v10 =	vmov s26  }
0x1d7: {  	s4 =	sadd.s32 $0x1, s26;
	vm1 =	veq.f32 v8, v5;
	v8 =	vnsel vm0, $0xFFFFFFFF, v10  }
0x1d8: {  	vm7 =	veq.f32 v7, v3;
	v7 =	vsel vm1, s4, v8;
	v8 =	vld [tilespmem:s24+$0x2280]  }
0x1d9: {  	s6 =	sadd.s32 $0x2, s26  }
0x1da: {  	vm8 =	veq.f32 v6, v2;
	s8 =	sadd.s32 $0x3, s26;
	v6 =	vsel vm7, s6, v7  }
0x1db: {  	v7 =	vld [tilespmem:s25+$0xFFFFFFF0];
	vm10 =	vlt.f32 v12, $4.000000060e-01;
	v6 =	vsel vm8, s8, v6  }
0x1dc: {  	v13 =	vld [tilespmem:s25+$0x0];
	vm12 =	vgt.f32 v12, $5.000000000e-01;
	vm11 =	vmneg vm10;
	vm9 =	vlt.s32 v6, $0x0  }
0x1dd: {  	v63 =	vsel vm11, $0xFFFFFFFF, v0;
	v4 =	vsel vm9, v4, v6;
	v6 =	vld [tilespmem:s25+$0x10];
	v8 =	vadd.s32 $0x1, v8  }
0x1de: {  	vm13 =	vlt.s32 v4, $0x0;
	v4 =	vadd.s32 $0x1, v4;
	v8 =	vsel vm12, v8, v63  }
0x1df: {  	vm14 =	veq.f32 v11, v9;
	v4 =	vsel vm13, v8, v4  }
0x1e0: {  	vm15 =	veq.f32 v7, v5;
	v8 =	vnsel vm14, $0xFFFFFFFF, v10;
	v5 =	vadd.s32 $0xFFFFFFFF, v4  }
0x1e1: {  	vm4 =	veq.f32 v13, v3;
	v7 =	vsel vm15, s4, v8;
	vm5 =	vgt.s32 v5, $0x0  }
0x1e2: {  	v3 =	vsel vm4, s6, v7;
	vm6 =	veq.f32 v6, v2;
	v2 =	vnsel vm5, $0x0, v5  }
0x1e3: {  	v3 =	vsel vm6, s8, v3;
	v5 =	vld [tilespmem:s24+$0x2010];
	v2 =	vmin.u32 v2, $0x7F  }
0x1e4: {  	vm0 =	vlt.s32 v3, $0x0;
	v6 =	vand.u32 $0xF, v2  }
0x1e5: {  	v9 =	vld [tilespmem:s24+$0x2290];
	v2 =	vshrl.u32 v2, $0x4;
	v1 =	vsel vm0, v1, v3;
	v7 =	vperm.xlane v16, v6  }
0x1e6: {  	v8 =	vperm.xlane v17, v6;
	vm7 =	veq.s32 v2, $0x1;
	v3 =	vperm.xlane v18, v6  }
0x1e7: {  	vm8 =	veq.s32 v2, $0x2;
	vm9 =	veq.s32 v2, $0x3;
	vm13 =	vlt.s32 v1, $0x0  }
0x1e8: {  	v7 =	vsel vm7, v8, v7;
	v8 =	vperm.xlane v19, v6;
	vm10 =	vlt.f32 v5, $4.000000060e-01  }
0x1e9: {  	vm12 =	vgt.f32 v5, $5.000000000e-01;
	v3 =	vsel vm8, v3, v7;
	vm11 =	vmneg vm10  }
0x1ea: {  	v5 =	vadd.s32 $0x1, v9;
	v3 =	vsel vm9, v8, v3;
	v8 =	vsel vm11, $0xFFFFFFFF, v0  }
0x1eb: {  	v7 =	vperm.xlane v20, v6;
	v5 =	vsel vm12, v5, v8;
	v8 =	vadd.s32 $0x1, v1  }
0x1ec: {  	vm14 =	veq.s32 v2, $0x4;
	v1 =	vperm.xlane v21, v6;
	v5 =	vsel vm13, v5, v8  }
0x1ed: {  	vm15 =	veq.s32 v2, $0x5;
	v3 =	vsel vm14, v7, v3;
	v7 =	vadd.s32 $0xFFFFFFFF, v5  }
0x1ee: {  	v1 =	vsel vm15, v1, v3;
	v3 =	vperm.xlane v22, v6;
	vm4 =	vgt.s32 v7, $0x0  }
0x1ef: {  	vm5 =	veq.s32 v2, $0x6;
	v6 =	vperm.xlane v23, v6;
	v7 =	vnsel vm4, $0x0, v7  }
0x1f0: {  	vm6 =	veq.s32 v2, $0x7;
	v1 =	vsel vm5, v3, v1;
	v2 =	vmin.u32 v7, $0x7F  }
0x1f1: {  	v1 =	vsel vm6, v6, v1;
	v3 =	vand.u32 $0xF, v2  }
0x1f2: {  	v2 =	vshrl.u32 v2, $0x4;
	v6 =	vperm.xlane v16, v3;
	v7 =	vperm.xlane v17, v3  }
0x1f3: {  	vm7 =	vgt.s32 v4, $0x0;
	vm8 =	veq.s32 v2, $0x1;
	v8 =	vperm.xlane v18, v3  }
0x1f4: {  	p1 =	seq.s32 s21, $0x9;
	vm9 =	veq.s32 v2, $0x2;
	v6 =	vsel vm8, v7, v6;
	v7 =	vperm.xlane v19, v3  }
0x1f5: {  	s4 =	sshll.u32 @!p1 s21, $0x2;
	vm10 =	veq.s32 v2, $0x3;
	v6 =	vsel vm9, v8, v6;
	v8 =	vperm.xlane v20, v3  }
0x1f6: {  	s6 =	sadd.s32 @!p1 $0x4, s4;
	vm11 =	veq.s32 v2, $0x4;
	v6 =	vsel vm10, v7, v6;
	v7 =	vperm.xlane v21, v3  }
0x1f7: {  	s8 =	sshll.u32 @!p1 s6, $0xB;
	vm12 =	veq.s32 v2, $0x5;
	v6 =	vsel vm11, v8, v6;
	v8 =	vperm.xlane v22, v3  }
0x1f8: {  	s6 =	sshll.u32 @!p1 s6, $0x7;
	s8 =	sand.u32 @!p1 $0x3C000, s8;
	vm13 =	veq.s32 v2, $0x6;
	v3 =	vperm.xlane v23, v3;
	v6 =	vsel vm12, v7, v6  }
0x1f9: {  	[tilespmem:s24+$0x3D80] =	vst v4;
	s6 =	sand.u32 @!p1 $0x200, s6;
	s8 =	sadd.s32 @!p1 s3, s8;
	v1 =	vnsel vm7, $0xFFFFFFFF, v1;
	vm14 =	veq.s32 v2, $0x7;
	v4 =	vsel vm13, v8, v6  }
0x1fa: {  	s6 =	sor.u32 @!p1 s6, s8;
	vm15 =	vgt.s32 v5, $0x0;
	[tilespmem:s24+$0x4000] =	vst v1;
	v1 =	vsel vm14, v3, v4  }
0x1fb: {  	s25 =	simm.s32 @!p1 $0x0;
	s4 =	sadd.s32 @!p1 $0x5, s4;
	s6 =	sshrl.u32 @!p1 s6, $0x3;
	[tilespmem:s24+$0x3D90] =	vst v5;
	v1 =	vnsel vm15, $0xFFFFFFFF, v1  }
0x1fc: {  	s8 =	simm.s32 @!p1 $0x80;
	s6 =	sadd.s32 @!p1 s5, s6;
	[tilespmem:s24+$0x4010] =	vst v1;
	s24 =	simm.s32 @!p1 $0x400  }
0x1fd: {  	[tilespmem:s25], [sflag:$0x1] =	stream.strided.gather @!p1 [hbm4b:s6+s8], $0x800, s24, s8, $0x38;
	[tilespmem:$0x4280] =	vst v63  }
0x1fe: {  	s6 =	sshll.u32 @!p1 s4, $0xB  }
0x1ff: {  	s4 =	sshll.u32 @!p1 s4, $0x7;
	s6 =	sand.u32 @!p1 $0x3C000, s6  }
0x200: {  	s4 =	sand.u32 @!p1 $0x280, s4;
	s6 =	sadd.s32 @!p1 s3, s6  }
0x201: {  	s4 =	sor.u32 @!p1 s4, s6  }
0x202: {  	s4 =	sshrl.u32 @!p1 s4, $0x3  }
0x203: {  	s6 =	simm.s32 @!p1 $0x800;
	s4 =	sadd.s32 @!p1 s5, s4  }
0x204: {  	[tilespmem:s6], [sflag:$0x2] =	stream.strided.gather @!p1 [hbm4b:s4+s8], $0x800, s24, s8, $0x38;
	[tilespmem:$0x4280] =	vst v63  }
0x205: {  	_ =	swait.ge [sflag:s31], $0x800  }
0x206: {  	[sflag:s31] =	ssyncset.done $0x0  }
0x207: {  	[sflag:s31] =	ssyncadd.s32 $0xFFFFF800  }
0x208: {  	_ =	swait.ge [sflag:s1], $0x800  }
0x209: {  	[sflag:s1] =	ssyncset.done $0x0  }
0x20a: {  	s24 =	simm.s32 $0x1020;
	[sflag:s1] =	ssyncadd.s32 $0xFFFFF800  }
0x20b: {  	v6 =	vld [tilespmem:s24+$0x10]  }
0x20c: {  	v7 =	vld [tilespmem:s24+$0x0]  }
0x20d: {  	v8 =	vld [tilespmem:s24+$0xFFFFFFF0]  }
0x20e: {  	s25 =	simm.s32 $0x3520;
	v10 =	vld [tilespmem:s24+$0xFFFFFFE0]  }
0x20f: {  	v2 =	vld [tilespmem:s25+$0x10]  }
0x210: {  	v3 =	vld [tilespmem:s25+$0x0]  }
0x211: {  	v5 =	vld [tilespmem:s25+$0xFFFFFFF0]  }
0x212: {  	s26 =	simm.s32 $0x1820;
	v9 =	vld [tilespmem:s25+$0xFFFFFFE0]  }
0x213: {  	v4 =	vimm.s32 $0xFFFFFFFF;
	v1 =	vimm.s32 $0xFFFFFFFF;
	s4 =	simm.s32 $0x0;
	s6 =	simm.s32 $0x4;
	v11 =	vld [tilespmem:s26+$0xFFFFFFE0]  }
.LBB2_5:
0x214: {  	p2 =	sne.s32 s6, $0x7C;
	v12 =	vld [tilespmem:s26+$0xFFFFFFF0];
	vm0 =	veq.f32 v6, v2  }
0x215: {  	vm1 =	veq.f32 v7, v3;
	v13 =	vld [tilespmem:s26+$0x0]  }
0x216: {  	s24 =	sadd.s32 $0x40, s24;
	vm2 =	veq.f32 v8, v5;
	v14 =	vld [tilespmem:s26+$0x10]  }
0x217: {  	v6 =	vld [tilespmem:s24+$0x10];
	vm3 =	veq.f32 v10, v9  }
0x218: {  	v10 =	vmov s4;
	v7 =	vld [tilespmem:s24+$0x0];
	vm4 =	veq.f32 v11, v9  }
0x219: {  	s8 =	sadd.s32 $0x1, s4;
	v9 =	vnsel vm3, $0xFFFFFFFF, v10;
	v8 =	vld [tilespmem:s24+$0xFFFFFFF0];
	v11 =	vnsel vm4, $0xFFFFFFFF, v10;
	vm3 =	veq.f32 v12, v5  }
0x21a: {  	s25 =	sadd.s32 $0x40, s25;
	v5 =	vsel vm2, s8, v9;
	v10 =	vld [tilespmem:s24+$0xFFFFFFE0];
	v9 =	vsel vm3, s8, v11;
	s8 =	sadd.s32 $0x2, s4;
	vm2 =	veq.f32 v13, v3  }
.Ltmp3:
0x21b: {  	v5 =	vsel vm1, s8, v5;
	v9 =	vsel vm2, s8, v9;
	s8 =	sadd.s32 $0x3, s4;
	vm1 =	veq.f32 v14, v2;
	v2 =	vld [tilespmem:s25+$0x10];
	s4 =	smov.u32 s6;
	(pc) =	sbr.rel @p2 .LBB2_5-.Ltmp3, $4  }
0x21c: {  	v3 =	vld [tilespmem:s25+$0x0];
	v11 =	vsel vm0, s8, v5;
	v12 =	vsel vm1, s8, v9  }
0x21d: {  	v5 =	vld [tilespmem:s25+$0xFFFFFFF0];
	vm0 =	vlt.s32 v11, $0x0;
	vm1 =	vlt.s32 v12, $0x0  }
0x21e: {  	s26 =	sadd.s32 $0x40, s26;
	v9 =	vld [tilespmem:s25+$0xFFFFFFE0];
	v4 =	vsel vm0, v4, v11;
	v1 =	vsel vm1, v1, v12  }
0x21f: {  	s6 =	sadd.s32 $0x4, s6;
	v11 =	vld [tilespmem:s26+$0xFFFFFFE0]  }
0x220: {  	v40 =	vld [tilespmem:s26+$0xFFFFFFF0]  }
0x221: {  	s24 =	sshllo.u32 s21, $0x1;
	v13 =	vld [tilespmem:s26+$0x0]  }
0x222: {  	v41 =	vld [tilespmem:s26+$0x10];
	s25 =	sshll.u32 s24, $0x5  }
0x223: {  	v12 =	vld [tilespmem:s25+$0x2000]  }
0x224: {  	v35 =	vmov s4;
	v38 =	vld [tilespmem:s25+$0x2280];
	vm0 =	veq.f32 v10, v9  }
0x225: {  	s6 =	sadd.s32 $0x1, s4;
	vm8 =	veq.f32 v6, v2;
	vm1 =	veq.f32 v8, v5;
	v49 =	vld [tilespmem:s25+$0x2290];
	v36 =	vnsel vm0, $0xFFFFFFFF, v35  }
0x226: {  	vm7 =	veq.f32 v7, v3;
	vm14 =	veq.f32 v11, v9;
	v37 =	vsel vm1, s6, v36  }
0x227: {  	s8 =	sadd.s32 $0x2, s4;
	v45 =	vld [tilespmem:s25+$0x2010];
	v43 =	vnsel vm14, $0xFFFFFFFF, v35;
	vm15 =	veq.f32 v40, v5;
	vm4 =	veq.f32 v13, v3  }
0x228: {  	s4 =	sadd.s32 $0x3, s4;
	vm6 =	veq.f32 v41, v2;
	v39 =	vsel vm7, s8, v37;
	v7 =	vsel vm15, s6, v43  }
0x229: {  	v6 =	vsel vm8, s4, v39;
	vm10 =	vlt.f32 v12, $4.000000060e-01;
	vm12 =	vgt.f32 v12, $5.000000000e-01  }
0x22a: {  	v8 =	vadd.s32 $0x1, v38;
	v3 =	vsel vm4, s8, v7;
	v52 =	vadd.s32 $0x1, v49  }
0x22b: {  	vm9 =	vlt.s32 v6, $0x0;
	vm11 =	vmneg vm10;
	v3 =	vsel vm6, s4, v3  }
0x22c: {  	vm10 =	vlt.f32 v45, $4.000000060e-01;
	v4 =	vsel vm9, v4, v6;
	v42 =	vsel vm11, $0xFFFFFFFF, v0  }
0x22d: {  	v8 =	vsel vm12, v8, v42;
	vm13 =	vlt.s32 v4, $0x0;
	v4 =	vadd.s32 $0x1, v4  }
0x22e: {  	vm0 =	vlt.s32 v3, $0x0;
	vm11 =	vmneg vm10;
	v4 =	vsel vm13, v8, v4  }
0x22f: {  	vm12 =	vgt.f32 v45, $5.000000000e-01;
	v53 =	vsel vm11, $0xFFFFFFFF, v0;
	v44 =	vadd.s32 $0xFFFFFFFF, v4  }
0x230: {  	v1 =	vsel vm0, v1, v3;
	v5 =	vsel vm12, v52, v53;
	vm5 =	vgt.s32 v44, $0x0  }
0x231: {  	v54 =	vadd.s32 $0x1, v1;
	vm13 =	vlt.s32 v1, $0x0;
	v2 =	vnsel vm5, $0x0, v44  }
0x232: {  	v5 =	vsel vm13, v5, v54;
	v2 =	vmin.u32 v2, $0x7F  }
0x233: {  	v55 =	vadd.s32 $0xFFFFFFFF, v5;
	v46 =	vand.u32 $0xF, v2  }
0x234: {  	v2 =	vshrl.u32 v2, $0x4;
	v47 =	vperm.xlane v16, v46;
	v48 =	vperm.xlane v17, v46  }
0x235: {  	vm4 =	vgt.s32 v55, $0x0;
	vm7 =	veq.s32 v2, $0x1;
	v3 =	vperm.xlane v18, v46  }
0x236: {  	vm8 =	veq.s32 v2, $0x2;
	v50 =	vperm.xlane v19, v46;
	v7 =	vsel vm7, v48, v47  }
0x237: {  	vm9 =	veq.s32 v2, $0x3;
	v51 =	vperm.xlane v20, v46;
	v3 =	vsel vm8, v3, v7  }
0x238: {  	vm14 =	veq.s32 v2, $0x4;
	v1 =	vperm.xlane v21, v46;
	v3 =	vsel vm9, v50, v3  }
0x239: {  	vm15 =	veq.s32 v2, $0x5;
	vm5 =	veq.s32 v2, $0x6;
	v3 =	vsel vm14, v51, v3  }
0x23a: {  	v7 =	vnsel vm4, $0x0, v55;
	v1 =	vsel vm15, v1, v3;
	v3 =	vperm.xlane v22, v46  }
0x23b: {  	v6 =	vperm.xlane v23, v46;
	vm6 =	veq.s32 v2, $0x7;
	v2 =	vmin.u32 v7, $0x7F  }
0x23c: {  	vm7 =	vgt.s32 v4, $0x0;
	v1 =	vsel vm5, v3, v1;
	v3 =	vand.u32 $0xF, v2  }
0x23d: {  	v2 =	vshrl.u32 v2, $0x4;
	v56 =	vperm.xlane v16, v3;
	v57 =	vperm.xlane v17, v3  }
0x23e: {  	v1 =	vsel vm6, v6, v1;
	vm8 =	veq.s32 v2, $0x1;
	v58 =	vperm.xlane v18, v3  }
0x23f: {  	vm9 =	veq.s32 v2, $0x2;
	v59 =	vperm.xlane v19, v3;
	v6 =	vsel vm8, v57, v56  }
0x240: {  	vm10 =	veq.s32 v2, $0x3;
	v60 =	vperm.xlane v20, v3;
	v6 =	vsel vm9, v58, v6  }
0x241: {  	vm11 =	veq.s32 v2, $0x4;
	v61 =	vperm.xlane v21, v3;
	v6 =	vsel vm10, v59, v6  }
0x242: {  	vm12 =	veq.s32 v2, $0x5;
	v62 =	vperm.xlane v22, v3;
	v6 =	vsel vm11, v60, v6  }
.Ltmp4:
0x243: {  	vm13 =	veq.s32 v2, $0x6;
	v3 =	vperm.xlane v23, v3;
	v6 =	vsel vm12, v61, v6;
	(pc) =	sbr.rel @p1 .LBB2_8-.Ltmp4, $4  }
0x244: {  	[tilespmem:s25+$0x3D80] =	vst v4;
	vm14 =	veq.s32 v2, $0x7;
	v1 =	vnsel vm7, $0xFFFFFFFF, v1;
	v63 =	vsel vm13, v62, v6  }
0x245: {  	vm15 =	vgt.s32 v5, $0x0;
	[tilespmem:s25+$0x4000] =	vst v1;
	v1 =	vsel vm14, v3, v63  }
0x246: {  	[tilespmem:s25+$0x3D90] =	vst v5;
	v1 =	vnsel vm15, $0xFFFFFFFF, v1  }
0x247: {  	[tilespmem:s25+$0x4010] =	vst v1  }
0x248: {  	s4 =	sshll.u32 s24, $0x1  }
0x249: {  	s6 =	sadd.s32 $0x4, s4  }
0x24a: {  	s8 =	sshll.u32 s6, $0xB  }
0x24b: {  	s6 =	sshll.u32 s6, $0x7;
	s8 =	sand.u32 $0x7FFFC000, s8  }
0x24c: {  	s6 =	sand.u32 $0x300, s6;
	s8 =	sadd.s32 s3, s8  }
0x24d: {  	s6 =	sor.u32 s6, s8  }
0x24e: {  	s4 =	sadd.s32 $0x5, s4;
	s6 =	sshrl.u32 s6, $0x3  }
0x24f: {  	s26 =	sshll.u32 s4, $0xB;
	s6 =	sadd.s32 s5, s6  }
0x250: {  	[tilespmem:s22], [sflag:$0x3] =	stream.strided.gather [hbm4b:s6+s19], $0x800, s20, s19, $0x38;
	[tilespmem:$0x4280] =	vst v63  }
0x251: {  	s4 =	sshll.u32 s4, $0x7;
	s6 =	sand.u32 $0x7FFFC000, s26  }
.Ltmp5:
0x252: {  	s4 =	sand.u32 $0x380, s4;
	s6 =	sadd.s32 s3, s6;
	(pc) =	sbr.rel .LBB2_2-.Ltmp5, $4  }
0x253: {  	s4 =	sor.u32 s4, s6  }
0x254: {  	s4 =	sshrl.u32 s4, $0x3  }
0x255: {  	s21 =	sadd.s32 $0x1, s21;
	s4 =	sadd.s32 s5, s4  }
0x256: {  	[tilespmem:s23], [sflag:$0x4] =	stream.strided.gather [hbm4b:s4+s19], $0x800, s20, s19, $0x38;
	[tilespmem:$0x4280] =	vst v63  }
.LBB2_9:
0x257: {  	_ =	sfence.sel $0x180000  }
0x258: {  	[bflag:$0x0] =	sbarrier.arrive $0xFFFF  }
0x259: {  	_ =	strace $0x9000004A  }
0x25a: {  	s0 =	stileid.u32;
	[bflag:$0x2] =	sbarrier.arrive $0xFFFF  }
0x25b: {  	p0 =	sne.s32 s0, $0x0;
	s0 =	rddreg [dreg:$0x4]  }
0x25c: {  	s0 =	sadd.s32 @!p0 $0x100000, s0  }
0x25d: {  	[sflag:s0] =	ssyncadd.tile.s32 @!p0 $0x1;
	_ =	shalt  }
.Lfunc_end2:
_tile_overlayer_lowered:
.L_overlay_start_2:
0x25e: {  	(tag) =	ssettag $0x2  }
0x25f: {  	s0 =	rddreg [dreg:$0x0];
	s2 =	stileid.u32  }
0x260: {  	s1 =	rddreg [dreg:$0x1];
	p0 =	sne.s32 s2, $0x0  }
0x261: {  	s3 =	rddreg [dreg:$0x2];
	[bflag:$0x3] =	sbarrier.arrive $0xFFFF;
	s2 =	simm.s32 @!p0 $0x1C06  }
0x262: {  	[timem:s3], [sflag:s2] =	dma.local @!p0 [hbm:s0], s1  }
0x263: {  	s0 =	simm.s32 @!p0 $0x6  }
0x264: {  	_ =	swait.ge @!p0 [sflag:s0], s1  }
0x265: {  	s1 =	ssub.s32 @!p0 $0x0, s1;
	[sflag:s0] =	ssyncset.done @!p0 $0x0  }
0x266: {  	[sflag:s0] =	ssyncadd.s32 @!p0 s1  }
0x267: {  	[bflag:$0x3] =	sbarrier.arrive $0xFFFF  }
0x268: {  	_ =	shalt  }

</sc_bundles>
